<compile_context>
chip_gen: v7x
topology: tpu7x:2x2x1
jax: 0.10.2.dev20260603
libtpu: 0.0.44.dev20260713+nightly
codegen_flags: <defaults>
</compile_context>

<pallas_src>
import jax
import jax.numpy as jnp
from jax import lax
from jax.experimental import pallas as pl
from jax.experimental.pallas import tpu as pltpu, tpu_sc as plsc

B, T, D = 4, 8192, 1024
NW = 32
T_PER_W = T // NW
CHUNK_T = 8
N_CHUNK = T_PER_W // CHUNK_T
N_STEP = N_CHUNK * B


def _sc_body(x_hbm, emb_hbm, out_hbm, ebuf0, ebuf1,
             ibuf0, ibuf1, ibuf2, ibuf3,
             obuf0, obuf1, obuf2, obuf3, obuf4, obuf5, obuf6, obuf7,
             lsem0, lsem1, lsem2, lsem3,
             ssem0, ssem1, ssem2, ssem3, ssem4, ssem5, ssem6, ssem7,
             esem0, esem1):
    cid = lax.axis_index("c")
    sid = lax.axis_index("s")
    wid = sid * 2 + cid
    t_base = wid * T_PER_W

    ebufs = [ebuf0, ebuf1]
    esems = [esem0, esem1]
    ibufs = [ibuf0, ibuf1, ibuf2, ibuf3]
    lsems = [lsem0, lsem1, lsem2, lsem3]
    obufs = [obuf0, obuf1, obuf2, obuf3, obuf4, obuf5, obuf6, obuf7]
    ssems = [ssem0, ssem1, ssem2, ssem3, ssem4, ssem5, ssem6, ssem7]

    def c_t0(chunk):
        return t_base + chunk * CHUNK_T

    def start_load(chunk, b, islot):
        pltpu.async_copy(x_hbm.at[b, pl.ds(c_t0(chunk), CHUNK_T)],
                         ibufs[islot], lsems[islot])

    def start_emb(chunk, eslot):
        pltpu.async_copy(emb_hbm.at[pl.ds(c_t0(chunk), CHUNK_T)],
                         ebufs[eslot], esems[eslot])

    start_emb(0, 0)
    start_emb(1, 1)
    for s in range(4):
        start_load(0, s, s)

    def group_body(p, _):
        for s in range(8):
            chunk = p * 2 + s // 4
            b = s % 4
            ib = ibufs[b]
            ob = obufs[s]
            eb = ebufs[s // 4]

            pltpu.make_async_copy(
                x_hbm.at[b, pl.ds(c_t0(chunk), CHUNK_T)], ib,
                lsems[b]).wait()

            if b == 0:
                pltpu.make_async_copy(
                    emb_hbm.at[pl.ds(c_t0(chunk), CHUNK_T)], eb,
                    esems[s // 4]).wait()

            @pl.when(chunk >= 2)
            def _():
                pltpu.make_async_copy(
                    ob, out_hbm.at[b, pl.ds(c_t0(chunk - 2), CHUNK_T)],
                    ssems[s]).wait()

            for r in range(CHUNK_T):
                @plsc.parallel_loop(0, D, 16, unroll=8)
                def _add(o):
                    ob[r, pl.ds(o, 16)] = (ib[r, pl.ds(o, 16)] +
                                           eb[r, pl.ds(o, 16)])

            pltpu.async_copy(ob, out_hbm.at[b, pl.ds(c_t0(chunk), CHUNK_T)],
                             ssems[s])

            @pl.when(chunk + 1 < N_CHUNK)
            def _():
                start_load(chunk + 1, b, b)

            if b == B - 1:
                @pl.when(chunk + 2 < N_CHUNK)
                def _():
                    start_emb(chunk + 2, s // 4)

        return 0

    lax.fori_loop(0, N_CHUNK // 2, group_body, 0)

    for s in range(8):
        chunk = N_CHUNK - 2 + s // 4
        b = s % 4
        pltpu.make_async_copy(obufs[s],
                              out_hbm.at[b, pl.ds(c_t0(chunk), CHUNK_T)],
                              ssems[s]).wait()


def kernel(x, emb_table):
    assert x.shape == (B, T, D) and emb_table.shape == (T, D)
    mesh = plsc.VectorSubcoreMesh(core_axis_name="c", subcore_axis_name="s")
    vm = lambda: pltpu.VMEM((CHUNK_T, D), jnp.float32)
    sem = lambda: pltpu.SemaphoreType.DMA
    return pl.kernel(
        _sc_body,
        mesh=mesh,
        out_type=jax.ShapeDtypeStruct((B, T, D), jnp.float32),
        scratch_types=[vm(), vm(),
                       vm(), vm(), vm(), vm(), vm(), vm(), vm(), vm(),
                       vm(), vm(), vm(), vm(),
                       sem(), sem(), sem(), sem(), sem(), sem(), sem(),
                       sem(), sem(), sem(), sem(), sem(), sem(), sem()],
    )(x, emb_table)

# --- scband reference (transcript-rebuilt; emitter-appended) ---
"""Pipeline reference for scband-learned-positional-embeddings-47210280517692 (READ-ONLY COPY).

The authoritative reference and input builder live on the scoring server;
editing this copy changes nothing except your own understanding.
"""

import jax, jax.numpy as jnp
import numpy as np

MAX_SEQ = 8192
D_MODEL = 1024

def setup_inputs(seed: int = 0) -> dict:
    key = jax.random.key(seed)
    k1, k2 = jax.random.split(key)
    x = jax.random.normal(k1, (4, 8192, 1024), dtype=jnp.float32)
    emb_table = jax.random.normal(k2, (MAX_SEQ, D_MODEL), dtype=jnp.float32)
    return {"x": x, "emb_table": emb_table}

def reference(x, emb_table):
    T = x.shape[1]
    idx = jnp.arange(T)
    pos_embeddings = jnp.take(emb_table, idx, axis=0)
    return x + pos_embeddings[None, :, :]

if __name__ == "__main__":
    import jax
    _d = setup_inputs()
    print(jax.jit(kernel)(*tuple(_d.values())))

</pallas_src>

<mosaic_0001>
#map = affine_map<(d0, d1) -> (0, 0, 0)>
#map1 = affine_map<(d0, d1) -> (0, 0)>
module attributes {stable_mosaic.version = 14 : i64} {
  func.func @_sc_body(%arg0: i32, %arg1: i32, %arg2: memref<4x8192x1024xf32, #tpu.memory_space<hbm>>, %arg3: memref<8192x1024xf32, #tpu.memory_space<hbm>>, %arg4: memref<4x8192x1024xf32, #tpu.memory_space<hbm>>, %arg5: memref<8x1024xf32, #tpu.memory_space<vmem>>, %arg6: memref<8x1024xf32, #tpu.memory_space<vmem>>, %arg7: memref<8x1024xf32, #tpu.memory_space<vmem>>, %arg8: memref<8x1024xf32, #tpu.memory_space<vmem>>, %arg9: memref<8x1024xf32, #tpu.memory_space<vmem>>, %arg10: memref<8x1024xf32, #tpu.memory_space<vmem>>, %arg11: memref<8x1024xf32, #tpu.memory_space<vmem>>, %arg12: memref<8x1024xf32, #tpu.memory_space<vmem>>, %arg13: memref<8x1024xf32, #tpu.memory_space<vmem>>, %arg14: memref<8x1024xf32, #tpu.memory_space<vmem>>, %arg15: memref<8x1024xf32, #tpu.memory_space<vmem>>, %arg16: memref<8x1024xf32, #tpu.memory_space<vmem>>, %arg17: memref<8x1024xf32, #tpu.memory_space<vmem>>, %arg18: memref<8x1024xf32, #tpu.memory_space<vmem>>, %arg19: memref<!tpu.dma_semaphore, #tpu.memory_space<semaphore_mem>>, %arg20: memref<!tpu.dma_semaphore, #tpu.memory_space<semaphore_mem>>, %arg21: memref<!tpu.dma_semaphore, #tpu.memory_space<semaphore_mem>>, %arg22: memref<!tpu.dma_semaphore, #tpu.memory_space<semaphore_mem>>, %arg23: memref<!tpu.dma_semaphore, #tpu.memory_space<semaphore_mem>>, %arg24: memref<!tpu.dma_semaphore, #tpu.memory_space<semaphore_mem>>, %arg25: memref<!tpu.dma_semaphore, #tpu.memory_space<semaphore_mem>>, %arg26: memref<!tpu.dma_semaphore, #tpu.memory_space<semaphore_mem>>, %arg27: memref<!tpu.dma_semaphore, #tpu.memory_space<semaphore_mem>>, %arg28: memref<!tpu.dma_semaphore, #tpu.memory_space<semaphore_mem>>, %arg29: memref<!tpu.dma_semaphore, #tpu.memory_space<semaphore_mem>>, %arg30: memref<!tpu.dma_semaphore, #tpu.memory_space<semaphore_mem>>, %arg31: memref<!tpu.dma_semaphore, #tpu.memory_space<semaphore_mem>>, %arg32: memref<!tpu.dma_semaphore, #tpu.memory_space<semaphore_mem>>) attributes {dimension_semantics = [#tpu.dimension_semantics<core_parallel>, #tpu.dimension_semantics<subcore_parallel>], iteration_bounds = array<i64: 2, 16>, scalar_prefetch = 0 : i64, scratch_operands = 28 : i64, tpu.core_type = #tpu.core_type<sc_vector_subcore>, window_params = [{transform_indices = #map}, {transform_indices = #map1}, {transform_indices = #map}]} {
    %mul3A = arith.constant 2 : i32
    %mul3A_0 = arith.muli %arg1, %mul3A : i32
    %add3A = arith.addi %mul3A_0, %arg0 : i32
    %mul3A_1 = arith.constant 256 : i32
    %mul3A_2 = arith.muli %add3A, %mul3A_1 : i32
    %add3A_3 = arith.constant 0 : i32
    %add3A_4 = arith.addi %mul3A_2, %add3A_3 : i32
    %dma_start3A = arith.constant 0 : i32
    %dma_start3A_5 = tpu.memref_slice %arg3[%add3A_4, %dma_start3A] : memref<8192x1024xf32, #tpu.memory_space<hbm>> -> memref<8x1024xf32, #tpu.memory_space<hbm>>
    %dma_start3A_6 = arith.constant 0 : i32
    %dma_start3A_7 = tpu.memref_slice %arg3[%add3A_4, %dma_start3A_6] : memref<8192x1024xf32, #tpu.memory_space<hbm>> -> memref<8x1024xf32, #tpu.memory_space<hbm>>
    tpu.enqueue_dma source(%dma_start3A_7 : memref<8x1024xf32, #tpu.memory_space<hbm>>) target(%arg5 : memref<8x1024xf32, #tpu.memory_space<vmem>>) target_semaphore(%arg31 : memref<!tpu.dma_semaphore, #tpu.memory_space<semaphore_mem>>)
    %add3A_8 = arith.constant 8 : i32
    %add3A_9 = arith.addi %mul3A_2, %add3A_8 : i32
    %dma_start3A_10 = arith.constant 0 : i32
    %dma_start3A_11 = tpu.memref_slice %arg3[%add3A_9, %dma_start3A_10] : memref<8192x1024xf32, #tpu.memory_space<hbm>> -> memref<8x1024xf32, #tpu.memory_space<hbm>>
    %dma_start3A_12 = arith.constant 0 : i32
    %dma_start3A_13 = tpu.memref_slice %arg3[%add3A_9, %dma_start3A_12] : memref<8192x1024xf32, #tpu.memory_space<hbm>> -> memref<8x1024xf32, #tpu.memory_space<hbm>>
    tpu.enqueue_dma source(%dma_start3A_13 : memref<8x1024xf32, #tpu.memory_space<hbm>>) target(%arg6 : memref<8x1024xf32, #tpu.memory_space<vmem>>) target_semaphore(%arg32 : memref<!tpu.dma_semaphore, #tpu.memory_space<semaphore_mem>>)
    %add3A_14 = arith.constant 0 : i32
    %add3A_15 = arith.addi %mul3A_2, %add3A_14 : i32
    %dma_start3A_16 = arith.constant 0 : i32
    %dma_start3A_17 = arith.constant 0 : i32
    %dma_start3A_18 = tpu.memref_slice %arg2[%dma_start3A_16, %add3A_15, %dma_start3A_17] : memref<4x8192x1024xf32, #tpu.memory_space<hbm>> -> memref<1x8x1024xf32, #tpu.memory_space<hbm>>
    %dma_start3A_19 = tpu.memref_squeeze %dma_start3A_18 : memref<1x8x1024xf32, #tpu.memory_space<hbm>> -> memref<8x1024xf32, #tpu.memory_space<hbm>>
    %dma_start3A_20 = arith.constant 0 : i32
    %dma_start3A_21 = tpu.memref_slice %arg2[%dma_start3A_16, %add3A_15, %dma_start3A_20] : memref<4x8192x1024xf32, #tpu.memory_space<hbm>> -> memref<1x8x1024xf32, #tpu.memory_space<hbm>>
    %dma_start3A_22 = tpu.memref_squeeze %dma_start3A_21 : memref<1x8x1024xf32, #tpu.memory_space<hbm>> -> memref<8x1024xf32, #tpu.memory_space<hbm>>
    tpu.enqueue_dma source(%dma_start3A_22 : memref<8x1024xf32, #tpu.memory_space<hbm>>) target(%arg7 : memref<8x1024xf32, #tpu.memory_space<vmem>>) target_semaphore(%arg19 : memref<!tpu.dma_semaphore, #tpu.memory_space<semaphore_mem>>)
    %add3A_23 = arith.constant 0 : i32
    %add3A_24 = arith.addi %mul3A_2, %add3A_23 : i32
    %dma_start3A_25 = arith.constant 1 : i32
    %dma_start3A_26 = arith.constant 0 : i32
    %dma_start3A_27 = tpu.memref_slice %arg2[%dma_start3A_25, %add3A_24, %dma_start3A_26] : memref<4x8192x1024xf32, #tpu.memory_space<hbm>> -> memref<1x8x1024xf32, #tpu.memory_space<hbm>>
    %dma_start3A_28 = tpu.memref_squeeze %dma_start3A_27 : memref<1x8x1024xf32, #tpu.memory_space<hbm>> -> memref<8x1024xf32, #tpu.memory_space<hbm>>
    %dma_start3A_29 = arith.constant 0 : i32
    %dma_start3A_30 = tpu.memref_slice %arg2[%dma_start3A_25, %add3A_24, %dma_start3A_29] : memref<4x8192x1024xf32, #tpu.memory_space<hbm>> -> memref<1x8x1024xf32, #tpu.memory_space<hbm>>
    %dma_start3A_31 = tpu.memref_squeeze %dma_start3A_30 : memref<1x8x1024xf32, #tpu.memory_space<hbm>> -> memref<8x1024xf32, #tpu.memory_space<hbm>>
    tpu.enqueue_dma source(%dma_start3A_31 : memref<8x1024xf32, #tpu.memory_space<hbm>>) target(%arg8 : memref<8x1024xf32, #tpu.memory_space<vmem>>) target_semaphore(%arg20 : memref<!tpu.dma_semaphore, #tpu.memory_space<semaphore_mem>>)
    %add3A_32 = arith.constant 0 : i32
    %add3A_33 = arith.addi %mul3A_2, %add3A_32 : i32
    %dma_start3A_34 = arith.constant 2 : i32
    %dma_start3A_35 = arith.constant 0 : i32
    %dma_start3A_36 = tpu.memref_slice %arg2[%dma_start3A_34, %add3A_33, %dma_start3A_35] : memref<4x8192x1024xf32, #tpu.memory_space<hbm>> -> memref<1x8x1024xf32, #tpu.memory_space<hbm>>
    %dma_start3A_37 = tpu.memref_squeeze %dma_start3A_36 : memref<1x8x1024xf32, #tpu.memory_space<hbm>> -> memref<8x1024xf32, #tpu.memory_space<hbm>>
    %dma_start3A_38 = arith.constant 0 : i32
    %dma_start3A_39 = tpu.memref_slice %arg2[%dma_start3A_34, %add3A_33, %dma_start3A_38] : memref<4x8192x1024xf32, #tpu.memory_space<hbm>> -> memref<1x8x1024xf32, #tpu.memory_space<hbm>>
    %dma_start3A_40 = tpu.memref_squeeze %dma_start3A_39 : memref<1x8x1024xf32, #tpu.memory_space<hbm>> -> memref<8x1024xf32, #tpu.memory_space<hbm>>
    tpu.enqueue_dma source(%dma_start3A_40 : memref<8x1024xf32, #tpu.memory_space<hbm>>) target(%arg9 : memref<8x1024xf32, #tpu.memory_space<vmem>>) target_semaphore(%arg21 : memref<!tpu.dma_semaphore, #tpu.memory_space<semaphore_mem>>)
    %add3A_41 = arith.constant 0 : i32
    %add3A_42 = arith.addi %mul3A_2, %add3A_41 : i32
    %dma_start3A_43 = arith.constant 3 : i32
    %dma_start3A_44 = arith.constant 0 : i32
    %dma_start3A_45 = tpu.memref_slice %arg2[%dma_start3A_43, %add3A_42, %dma_start3A_44] : memref<4x8192x1024xf32, #tpu.memory_space<hbm>> -> memref<1x8x1024xf32, #tpu.memory_space<hbm>>
    %dma_start3A_46 = tpu.memref_squeeze %dma_start3A_45 : memref<1x8x1024xf32, #tpu.memory_space<hbm>> -> memref<8x1024xf32, #tpu.memory_space<hbm>>
    %dma_start3A_47 = arith.constant 0 : i32
    %dma_start3A_48 = tpu.memref_slice %arg2[%dma_start3A_43, %add3A_42, %dma_start3A_47] : memref<4x8192x1024xf32, #tpu.memory_space<hbm>> -> memref<1x8x1024xf32, #tpu.memory_space<hbm>>
    %dma_start3A_49 = tpu.memref_squeeze %dma_start3A_48 : memref<1x8x1024xf32, #tpu.memory_space<hbm>> -> memref<8x1024xf32, #tpu.memory_space<hbm>>
    tpu.enqueue_dma source(%dma_start3A_49 : memref<8x1024xf32, #tpu.memory_space<hbm>>) target(%arg10 : memref<8x1024xf32, #tpu.memory_space<vmem>>) target_semaphore(%arg22 : memref<!tpu.dma_semaphore, #tpu.memory_space<semaphore_mem>>)
    %scan3A = arith.constant 0 : i32
    %scan3A_50 = arith.constant 0 : i32
    %scan3A_51 = arith.constant 16 : i32
    %scan3A_52 = arith.addi %scan3A_50, %scan3A_51 : i32
    %scan3A_53 = arith.constant 1 : i32
    %scan3A_54 = scf.for %scan3A_127 = %scan3A_50 to %scan3A_52 step %scan3A_53 iter_args(%scan3A_128 = %scan3A) -> (i32)  : i32 {
      %mul3A_129 = arith.constant 2 : i32
      %mul3A_130 = arith.muli %scan3A_127, %mul3A_129 : i32
      %add3A_131 = arith.constant 0 : i32
      %add3A_132 = arith.addi %mul3A_130, %add3A_131 : i32
      %mul3A_133 = arith.constant 8 : i32
      %mul3A_134 = arith.muli %add3A_132, %mul3A_133 : i32
      %add3A_135 = arith.addi %mul3A_2, %mul3A_134 : i32
      %dma_wait3A_136 = arith.constant 0 : i32
      %dma_wait3A_137 = arith.constant 0 : i32
      %dma_wait3A_138 = tpu.memref_slice %arg2[%dma_wait3A_136, %add3A_135, %dma_wait3A_137] : memref<4x8192x1024xf32, #tpu.memory_space<hbm>> -> memref<1x8x1024xf32, #tpu.memory_space<hbm>>
      %dma_wait3A_139 = tpu.memref_squeeze %dma_wait3A_138 : memref<1x8x1024xf32, #tpu.memory_space<hbm>> -> memref<8x1024xf32, #tpu.memory_space<hbm>>
      %dma_wait3A_140 = arith.constant 0 : i32
      %dma_wait3A_141 = tpu.memref_slice %arg2[%dma_wait3A_136, %add3A_135, %dma_wait3A_140] : memref<4x8192x1024xf32, #tpu.memory_space<hbm>> -> memref<1x8x1024xf32, #tpu.memory_space<hbm>>
      %dma_wait3A_142 = tpu.memref_squeeze %dma_wait3A_141 : memref<1x8x1024xf32, #tpu.memory_space<hbm>> -> memref<8x1024xf32, #tpu.memory_space<hbm>>
      tpu.wait_dma2 semaphore(%arg19 : memref<!tpu.dma_semaphore, #tpu.memory_space<semaphore_mem>>) src(%dma_wait3A_142 : memref<8x1024xf32, #tpu.memory_space<hbm>>) dst(%arg7 : memref<8x1024xf32, #tpu.memory_space<vmem>>)
      %mul3A_143 = arith.constant 8 : i32
      %mul3A_144 = arith.muli %add3A_132, %mul3A_143 : i32
      %add3A_145 = arith.addi %mul3A_2, %mul3A_144 : i32
      %dma_wait3A_146 = arith.constant 0 : i32
      %dma_wait3A_147 = tpu.memref_slice %arg3[%add3A_145, %dma_wait3A_146] : memref<8192x1024xf32, #tpu.memory_space<hbm>> -> memref<8x1024xf32, #tpu.memory_space<hbm>>
      %dma_wait3A_148 = arith.constant 0 : i32
      %dma_wait3A_149 = tpu.memref_slice %arg3[%add3A_145, %dma_wait3A_148] : memref<8192x1024xf32, #tpu.memory_space<hbm>> -> memref<8x1024xf32, #tpu.memory_space<hbm>>
      tpu.wait_dma2 semaphore(%arg31 : memref<!tpu.dma_semaphore, #tpu.memory_space<semaphore_mem>>) src(%dma_wait3A_149 : memref<8x1024xf32, #tpu.memory_space<hbm>>) dst(%arg5 : memref<8x1024xf32, #tpu.memory_space<vmem>>)
      %ge3A = arith.constant 2 : i32
      %ge3A_150 = arith.cmpi sge, %add3A_132, %ge3A : i32
      %convert_element_type3A = arith.extui %ge3A_150 : i1 to i32
      %cond3A = arith.constant 0 : i32
      %cond3A_151 = arith.cmpi ne, %convert_element_type3A, %cond3A : i32
      scf.if %cond3A_151 {
        %sub3A = arith.constant 2 : i32
        %sub3A_633 = arith.subi %add3A_132, %sub3A : i32
        %mul3A_634 = arith.constant 8 : i32
        %mul3A_635 = arith.muli %sub3A_633, %mul3A_634 : i32
        %add3A_636 = arith.addi %mul3A_2, %mul3A_635 : i32
        %dma_wait3A_637 = arith.constant 0 : i32
        %dma_wait3A_638 = arith.constant 0 : i32
        %dma_wait3A_639 = tpu.memref_slice %arg4[%dma_wait3A_637, %add3A_636, %dma_wait3A_638] : memref<4x8192x1024xf32, #tpu.memory_space<hbm>> -> memref<1x8x1024xf32, #tpu.memory_space<hbm>>
        %dma_wait3A_640 = tpu.memref_squeeze %dma_wait3A_639 : memref<1x8x1024xf32, #tpu.memory_space<hbm>> -> memref<8x1024xf32, #tpu.memory_space<hbm>>
        %dma_wait3A_641 = arith.constant 0 : i32
        %dma_wait3A_642 = tpu.memref_slice %arg4[%dma_wait3A_637, %add3A_636, %dma_wait3A_641] : memref<4x8192x1024xf32, #tpu.memory_space<hbm>> -> memref<1x8x1024xf32, #tpu.memory_space<hbm>>
        %dma_wait3A_643 = tpu.memref_squeeze %dma_wait3A_642 : memref<1x8x1024xf32, #tpu.memory_space<hbm>> -> memref<8x1024xf32, #tpu.memory_space<hbm>>
        tpu.wait_dma2 semaphore(%arg23 : memref<!tpu.dma_semaphore, #tpu.memory_space<semaphore_mem>>) src(%arg11 : memref<8x1024xf32, #tpu.memory_space<vmem>>) dst(%dma_wait3A_643 : memref<8x1024xf32, #tpu.memory_space<hbm>>)
      } else {
      }
      %parallel_loop3A = arith.constant 0 : i32
      %parallel_loop3A_152 = arith.constant 1024 : i32
      %parallel_loop3A_153 = arith.constant 16 : i32
      scf.for %parallel_loop3A_633 = %parallel_loop3A to %parallel_loop3A_152 step %parallel_loop3A_153  : i32 {
        %parallel_loop3A_634 = arith.constant 0 : i32
        %parallel_loop3A_635 = arith.index_cast %parallel_loop3A_634 : i32 to index
        %parallel_loop3A_636 = arith.index_cast %parallel_loop3A_633 : i32 to index
        %parallel_loop3A_637 = tpu.vector_load %arg7[%parallel_loop3A_635, %parallel_loop3A_636] {strides = array<i32>} : memref<8x1024xf32, #tpu.memory_space<vmem>>, vector<1x16xf32>,
        %parallel_loop3A_638 = vector.shape_cast %parallel_loop3A_637 : vector<1x16xf32> to vector<16xf32>
        %parallel_loop3A_639 = arith.constant 0 : i32
        %parallel_loop3A_640 = arith.index_cast %parallel_loop3A_639 : i32 to index
        %parallel_loop3A_641 = arith.index_cast %parallel_loop3A_633 : i32 to index
        %parallel_loop3A_642 = tpu.vector_load %arg5[%parallel_loop3A_640, %parallel_loop3A_641] {strides = array<i32>} : memref<8x1024xf32, #tpu.memory_space<vmem>>, vector<1x16xf32>,
        %parallel_loop3A_643 = vector.shape_cast %parallel_loop3A_642 : vector<1x16xf32> to vector<16xf32>
        %parallel_loop3A_644 = arith.addf %parallel_loop3A_638, %parallel_loop3A_643 : vector<16xf32>
        %parallel_loop3A_645 = arith.constant 0 : i32
        %parallel_loop3A_646 = arith.index_cast %parallel_loop3A_645 : i32 to index
        %parallel_loop3A_647 = arith.index_cast %parallel_loop3A_633 : i32 to index
        %parallel_loop3A_648 = tpu.vector_load %arg11[%parallel_loop3A_646, %parallel_loop3A_647] {strides = array<i32>} : memref<8x1024xf32, #tpu.memory_space<vmem>>, vector<1x16xf32>,
        %parallel_loop3A_649 = vector.shape_cast %parallel_loop3A_648 : vector<1x16xf32> to vector<16xf32>
        %parallel_loop3A_650 = vector.shape_cast %parallel_loop3A_644 : vector<16xf32> to vector<1x16xf32>
        tpu.vector_store %arg11[%parallel_loop3A_646, %parallel_loop3A_647], %parallel_loop3A_650 {strides = array<i32>} : memref<8x1024xf32, #tpu.memory_space<vmem>>, vector<1x16xf32>,
      } {sc.loop_unroll_factor = 8 : i64, sc.parallel_access}
      %parallel_loop3A_154 = arith.constant 0 : i32
      %parallel_loop3A_155 = arith.constant 1024 : i32
      %parallel_loop3A_156 = arith.constant 16 : i32
      scf.for %parallel_loop3A_633 = %parallel_loop3A_154 to %parallel_loop3A_155 step %parallel_loop3A_156  : i32 {
        %parallel_loop3A_634 = arith.constant 1 : i32
        %parallel_loop3A_635 = arith.index_cast %parallel_loop3A_634 : i32 to index
        %parallel_loop3A_636 = arith.index_cast %parallel_loop3A_633 : i32 to index
        %parallel_loop3A_637 = tpu.vector_load %arg7[%parallel_loop3A_635, %parallel_loop3A_636] {strides = array<i32>} : memref<8x1024xf32, #tpu.memory_space<vmem>>, vector<1x16xf32>,
        %parallel_loop3A_638 = vector.shape_cast %parallel_loop3A_637 : vector<1x16xf32> to vector<16xf32>
        %parallel_loop3A_639 = arith.constant 1 : i32
        %parallel_loop3A_640 = arith.index_cast %parallel_loop3A_639 : i32 to index
        %parallel_loop3A_641 = arith.index_cast %parallel_loop3A_633 : i32 to index
        %parallel_loop3A_642 = tpu.vector_load %arg5[%parallel_loop3A_640, %parallel_loop3A_641] {strides = array<i32>} : memref<8x1024xf32, #tpu.memory_space<vmem>>, vector<1x16xf32>,
        %parallel_loop3A_643 = vector.shape_cast %parallel_loop3A_642 : vector<1x16xf32> to vector<16xf32>
        %parallel_loop3A_644 = arith.addf %parallel_loop3A_638, %parallel_loop3A_643 : vector<16xf32>
        %parallel_loop3A_645 = arith.constant 1 : i32
        %parallel_loop3A_646 = arith.index_cast %parallel_loop3A_645 : i32 to index
        %parallel_loop3A_647 = arith.index_cast %parallel_loop3A_633 : i32 to index
        %parallel_loop3A_648 = tpu.vector_load %arg11[%parallel_loop3A_646, %parallel_loop3A_647] {strides = array<i32>} : memref<8x1024xf32, #tpu.memory_space<vmem>>, vector<1x16xf32>,
        %parallel_loop3A_649 = vector.shape_cast %parallel_loop3A_648 : vector<1x16xf32> to vector<16xf32>
        %parallel_loop3A_650 = vector.shape_cast %parallel_loop3A_644 : vector<16xf32> to vector<1x16xf32>
        tpu.vector_store %arg11[%parallel_loop3A_646, %parallel_loop3A_647], %parallel_loop3A_650 {strides = array<i32>} : memref<8x1024xf32, #tpu.memory_space<vmem>>, vector<1x16xf32>,
      } {sc.loop_unroll_factor = 8 : i64, sc.parallel_access}
      %parallel_loop3A_157 = arith.constant 0 : i32
      %parallel_loop3A_158 = arith.constant 1024 : i32
      %parallel_loop3A_159 = arith.constant 16 : i32
      scf.for %parallel_loop3A_633 = %parallel_loop3A_157 to %parallel_loop3A_158 step %parallel_loop3A_159  : i32 {
        %parallel_loop3A_634 = arith.constant 2 : i32
        %parallel_loop3A_635 = arith.index_cast %parallel_loop3A_634 : i32 to index
        %parallel_loop3A_636 = arith.index_cast %parallel_loop3A_633 : i32 to index
        %parallel_loop3A_637 = tpu.vector_load %arg7[%parallel_loop3A_635, %parallel_loop3A_636] {strides = array<i32>} : memref<8x1024xf32, #tpu.memory_space<vmem>>, vector<1x16xf32>,
        %parallel_loop3A_638 = vector.shape_cast %parallel_loop3A_637 : vector<1x16xf32> to vector<16xf32>
        %parallel_loop3A_639 = arith.constant 2 : i32
        %parallel_loop3A_640 = arith.index_cast %parallel_loop3A_639 : i32 to index
        %parallel_loop3A_641 = arith.index_cast %parallel_loop3A_633 : i32 to index
        %parallel_loop3A_642 = tpu.vector_load %arg5[%parallel_loop3A_640, %parallel_loop3A_641] {strides = array<i32>} : memref<8x1024xf32, #tpu.memory_space<vmem>>, vector<1x16xf32>,
        %parallel_loop3A_643 = vector.shape_cast %parallel_loop3A_642 : vector<1x16xf32> to vector<16xf32>
        %parallel_loop3A_644 = arith.addf %parallel_loop3A_638, %parallel_loop3A_643 : vector<16xf32>
        %parallel_loop3A_645 = arith.constant 2 : i32
        %parallel_loop3A_646 = arith.index_cast %parallel_loop3A_645 : i32 to index
        %parallel_loop3A_647 = arith.index_cast %parallel_loop3A_633 : i32 to index
        %parallel_loop3A_648 = tpu.vector_load %arg11[%parallel_loop3A_646, %parallel_loop3A_647] {strides = array<i32>} : memref<8x1024xf32, #tpu.memory_space<vmem>>, vector<1x16xf32>,
        %parallel_loop3A_649 = vector.shape_cast %parallel_loop3A_648 : vector<1x16xf32> to vector<16xf32>
        %parallel_loop3A_650 = vector.shape_cast %parallel_loop3A_644 : vector<16xf32> to vector<1x16xf32>
        tpu.vector_store %arg11[%parallel_loop3A_646, %parallel_loop3A_647], %parallel_loop3A_650 {strides = array<i32>} : memref<8x1024xf32, #tpu.memory_space<vmem>>, vector<1x16xf32>,
      } {sc.loop_unroll_factor = 8 : i64, sc.parallel_access}
      %parallel_loop3A_160 = arith.constant 0 : i32
      %parallel_loop3A_161 = arith.constant 1024 : i32
      %parallel_loop3A_162 = arith.constant 16 : i32
      scf.for %parallel_loop3A_633 = %parallel_loop3A_160 to %parallel_loop3A_161 step %parallel_loop3A_162  : i32 {
        %parallel_loop3A_634 = arith.constant 3 : i32
        %parallel_loop3A_635 = arith.index_cast %parallel_loop3A_634 : i32 to index
        %parallel_loop3A_636 = arith.index_cast %parallel_loop3A_633 : i32 to index
        %parallel_loop3A_637 = tpu.vector_load %arg7[%parallel_loop3A_635, %parallel_loop3A_636] {strides = array<i32>} : memref<8x1024xf32, #tpu.memory_space<vmem>>, vector<1x16xf32>,
        %parallel_loop3A_638 = vector.shape_cast %parallel_loop3A_637 : vector<1x16xf32> to vector<16xf32>
        %parallel_loop3A_639 = arith.constant 3 : i32
        %parallel_loop3A_640 = arith.index_cast %parallel_loop3A_639 : i32 to index
        %parallel_loop3A_641 = arith.index_cast %parallel_loop3A_633 : i32 to index
        %parallel_loop3A_642 = tpu.vector_load %arg5[%parallel_loop3A_640, %parallel_loop3A_641] {strides = array<i32>} : memref<8x1024xf32, #tpu.memory_space<vmem>>, vector<1x16xf32>,
        %parallel_loop3A_643 = vector.shape_cast %parallel_loop3A_642 : vector<1x16xf32> to vector<16xf32>
        %parallel_loop3A_644 = arith.addf %parallel_loop3A_638, %parallel_loop3A_643 : vector<16xf32>
        %parallel_loop3A_645 = arith.constant 3 : i32
        %parallel_loop3A_646 = arith.index_cast %parallel_loop3A_645 : i32 to index
        %parallel_loop3A_647 = arith.index_cast %parallel_loop3A_633 : i32 to index
        %parallel_loop3A_648 = tpu.vector_load %arg11[%parallel_loop3A_646, %parallel_loop3A_647] {strides = array<i32>} : memref<8x1024xf32, #tpu.memory_space<vmem>>, vector<1x16xf32>,
        %parallel_loop3A_649 = vector.shape_cast %parallel_loop3A_648 : vector<1x16xf32> to vector<16xf32>
        %parallel_loop3A_650 = vector.shape_cast %parallel_loop3A_644 : vector<16xf32> to vector<1x16xf32>
        tpu.vector_store %arg11[%parallel_loop3A_646, %parallel_loop3A_647], %parallel_loop3A_650 {strides = array<i32>} : memref<8x1024xf32, #tpu.memory_space<vmem>>, vector<1x16xf32>,
      } {sc.loop_unroll_factor = 8 : i64, sc.parallel_access}
      %parallel_loop3A_163 = arith.constant 0 : i32
      %parallel_loop3A_164 = arith.constant 1024 : i32
      %parallel_loop3A_165 = arith.constant 16 : i32
      scf.for %parallel_loop3A_633 = %parallel_loop3A_163 to %parallel_loop3A_164 step %parallel_loop3A_165  : i32 {
        %parallel_loop3A_634 = arith.constant 4 : i32
        %parallel_loop3A_635 = arith.index_cast %parallel_loop3A_634 : i32 to index
        %parallel_loop3A_636 = arith.index_cast %parallel_loop3A_633 : i32 to index
        %parallel_loop3A_637 = tpu.vector_load %arg7[%parallel_loop3A_635, %parallel_loop3A_636] {strides = array<i32>} : memref<8x1024xf32, #tpu.memory_space<vmem>>, vector<1x16xf32>,
        %parallel_loop3A_638 = vector.shape_cast %parallel_loop3A_637 : vector<1x16xf32> to vector<16xf32>
        %parallel_loop3A_639 = arith.constant 4 : i32
        %parallel_loop3A_640 = arith.index_cast %parallel_loop3A_639 : i32 to index
        %parallel_loop3A_641 = arith.index_cast %parallel_loop3A_633 : i32 to index
        %parallel_loop3A_642 = tpu.vector_load %arg5[%parallel_loop3A_640, %parallel_loop3A_641] {strides = array<i32>} : memref<8x1024xf32, #tpu.memory_space<vmem>>, vector<1x16xf32>,
        %parallel_loop3A_643 = vector.shape_cast %parallel_loop3A_642 : vector<1x16xf32> to vector<16xf32>
        %parallel_loop3A_644 = arith.addf %parallel_loop3A_638, %parallel_loop3A_643 : vector<16xf32>
        %parallel_loop3A_645 = arith.constant 4 : i32
        %parallel_loop3A_646 = arith.index_cast %parallel_loop3A_645 : i32 to index
        %parallel_loop3A_647 = arith.index_cast %parallel_loop3A_633 : i32 to index
        %parallel_loop3A_648 = tpu.vector_load %arg11[%parallel_loop3A_646, %parallel_loop3A_647] {strides = array<i32>} : memref<8x1024xf32, #tpu.memory_space<vmem>>, vector<1x16xf32>,
        %parallel_loop3A_649 = vector.shape_cast %parallel_loop3A_648 : vector<1x16xf32> to vector<16xf32>
        %parallel_loop3A_650 = vector.shape_cast %parallel_loop3A_644 : vector<16xf32> to vector<1x16xf32>
        tpu.vector_store %arg11[%parallel_loop3A_646, %parallel_loop3A_647], %parallel_loop3A_650 {strides = array<i32>} : memref<8x1024xf32, #tpu.memory_space<vmem>>, vector<1x16xf32>,
      } {sc.loop_unroll_factor = 8 : i64, sc.parallel_access}
      %parallel_loop3A_166 = arith.constant 0 : i32
      %parallel_loop3A_167 = arith.constant 1024 : i32
      %parallel_loop3A_168 = arith.constant 16 : i32
      scf.for %parallel_loop3A_633 = %parallel_loop3A_166 to %parallel_loop3A_167 step %parallel_loop3A_168  : i32 {
        %parallel_loop3A_634 = arith.constant 5 : i32
        %parallel_loop3A_635 = arith.index_cast %parallel_loop3A_634 : i32 to index
        %parallel_loop3A_636 = arith.index_cast %parallel_loop3A_633 : i32 to index
        %parallel_loop3A_637 = tpu.vector_load %arg7[%parallel_loop3A_635, %parallel_loop3A_636] {strides = array<i32>} : memref<8x1024xf32, #tpu.memory_space<vmem>>, vector<1x16xf32>,
        %parallel_loop3A_638 = vector.shape_cast %parallel_loop3A_637 : vector<1x16xf32> to vector<16xf32>
        %parallel_loop3A_639 = arith.constant 5 : i32
        %parallel_loop3A_640 = arith.index_cast %parallel_loop3A_639 : i32 to index
        %parallel_loop3A_641 = arith.index_cast %parallel_loop3A_633 : i32 to index
        %parallel_loop3A_642 = tpu.vector_load %arg5[%parallel_loop3A_640, %parallel_loop3A_641] {strides = array<i32>} : memref<8x1024xf32, #tpu.memory_space<vmem>>, vector<1x16xf32>,
        %parallel_loop3A_643 = vector.shape_cast %parallel_loop3A_642 : vector<1x16xf32> to vector<16xf32>
        %parallel_loop3A_644 = arith.addf %parallel_loop3A_638, %parallel_loop3A_643 : vector<16xf32>
        %parallel_loop3A_645 = arith.constant 5 : i32
        %parallel_loop3A_646 = arith.index_cast %parallel_loop3A_645 : i32 to index
        %parallel_loop3A_647 = arith.index_cast %parallel_loop3A_633 : i32 to index
        %parallel_loop3A_648 = tpu.vector_load %arg11[%parallel_loop3A_646, %parallel_loop3A_647] {strides = array<i32>} : memref<8x1024xf32, #tpu.memory_space<vmem>>, vector<1x16xf32>,
        %parallel_loop3A_649 = vector.shape_cast %parallel_loop3A_648 : vector<1x16xf32> to vector<16xf32>
        %parallel_loop3A_650 = vector.shape_cast %parallel_loop3A_644 : vector<16xf32> to vector<1x16xf32>
        tpu.vector_store %arg11[%parallel_loop3A_646, %parallel_loop3A_647], %parallel_loop3A_650 {strides = array<i32>} : memref<8x1024xf32, #tpu.memory_space<vmem>>, vector<1x16xf32>,
      } {sc.loop_unroll_factor = 8 : i64, sc.parallel_access}
      %parallel_loop3A_169 = arith.constant 0 : i32
      %parallel_loop3A_170 = arith.constant 1024 : i32
      %parallel_loop3A_171 = arith.constant 16 : i32
      scf.for %parallel_loop3A_633 = %parallel_loop3A_169 to %parallel_loop3A_170 step %parallel_loop3A_171  : i32 {
        %parallel_loop3A_634 = arith.constant 6 : i32
        %parallel_loop3A_635 = arith.index_cast %parallel_loop3A_634 : i32 to index
        %parallel_loop3A_636 = arith.index_cast %parallel_loop3A_633 : i32 to index
        %parallel_loop3A_637 = tpu.vector_load %arg7[%parallel_loop3A_635, %parallel_loop3A_636] {strides = array<i32>} : memref<8x1024xf32, #tpu.memory_space<vmem>>, vector<1x16xf32>,
        %parallel_loop3A_638 = vector.shape_cast %parallel_loop3A_637 : vector<1x16xf32> to vector<16xf32>
        %parallel_loop3A_639 = arith.constant 6 : i32
        %parallel_loop3A_640 = arith.index_cast %parallel_loop3A_639 : i32 to index
        %parallel_loop3A_641 = arith.index_cast %parallel_loop3A_633 : i32 to index
        %parallel_loop3A_642 = tpu.vector_load %arg5[%parallel_loop3A_640, %parallel_loop3A_641] {strides = array<i32>} : memref<8x1024xf32, #tpu.memory_space<vmem>>, vector<1x16xf32>,
        %parallel_loop3A_643 = vector.shape_cast %parallel_loop3A_642 : vector<1x16xf32> to vector<16xf32>
        %parallel_loop3A_644 = arith.addf %parallel_loop3A_638, %parallel_loop3A_643 : vector<16xf32>
        %parallel_loop3A_645 = arith.constant 6 : i32
        %parallel_loop3A_646 = arith.index_cast %parallel_loop3A_645 : i32 to index
        %parallel_loop3A_647 = arith.index_cast %parallel_loop3A_633 : i32 to index
        %parallel_loop3A_648 = tpu.vector_load %arg11[%parallel_loop3A_646, %parallel_loop3A_647] {strides = array<i32>} : memref<8x1024xf32, #tpu.memory_space<vmem>>, vector<1x16xf32>,
        %parallel_loop3A_649 = vector.shape_cast %parallel_loop3A_648 : vector<1x16xf32> to vector<16xf32>
        %parallel_loop3A_650 = vector.shape_cast %parallel_loop3A_644 : vector<16xf32> to vector<1x16xf32>
        tpu.vector_store %arg11[%parallel_loop3A_646, %parallel_loop3A_647], %parallel_loop3A_650 {strides = array<i32>} : memref<8x1024xf32, #tpu.memory_space<vmem>>, vector<1x16xf32>,
      } {sc.loop_unroll_factor = 8 : i64, sc.parallel_access}
      %parallel_loop3A_172 = arith.constant 0 : i32
      %parallel_loop3A_173 = arith.constant 1024 : i32
      %parallel_loop3A_174 = arith.constant 16 : i32
      scf.for %parallel_loop3A_633 = %parallel_loop3A_172 to %parallel_loop3A_173 step %parallel_loop3A_174  : i32 {
        %parallel_loop3A_634 = arith.constant 7 : i32
        %parallel_loop3A_635 = arith.index_cast %parallel_loop3A_634 : i32 to index
        %parallel_loop3A_636 = arith.index_cast %parallel_loop3A_633 : i32 to index
        %parallel_loop3A_637 = tpu.vector_load %arg7[%parallel_loop3A_635, %parallel_loop3A_636] {strides = array<i32>} : memref<8x1024xf32, #tpu.memory_space<vmem>>, vector<1x16xf32>,
        %parallel_loop3A_638 = vector.shape_cast %parallel_loop3A_637 : vector<1x16xf32> to vector<16xf32>
        %parallel_loop3A_639 = arith.constant 7 : i32
        %parallel_loop3A_640 = arith.index_cast %parallel_loop3A_639 : i32 to index
        %parallel_loop3A_641 = arith.index_cast %parallel_loop3A_633 : i32 to index
        %parallel_loop3A_642 = tpu.vector_load %arg5[%parallel_loop3A_640, %parallel_loop3A_641] {strides = array<i32>} : memref<8x1024xf32, #tpu.memory_space<vmem>>, vector<1x16xf32>,
        %parallel_loop3A_643 = vector.shape_cast %parallel_loop3A_642 : vector<1x16xf32> to vector<16xf32>
        %parallel_loop3A_644 = arith.addf %parallel_loop3A_638, %parallel_loop3A_643 : vector<16xf32>
        %parallel_loop3A_645 = arith.constant 7 : i32
        %parallel_loop3A_646 = arith.index_cast %parallel_loop3A_645 : i32 to index
        %parallel_loop3A_647 = arith.index_cast %parallel_loop3A_633 : i32 to index
        %parallel_loop3A_648 = tpu.vector_load %arg11[%parallel_loop3A_646, %parallel_loop3A_647] {strides = array<i32>} : memref<8x1024xf32, #tpu.memory_space<vmem>>, vector<1x16xf32>,
        %parallel_loop3A_649 = vector.shape_cast %parallel_loop3A_648 : vector<1x16xf32> to vector<16xf32>
        %parallel_loop3A_650 = vector.shape_cast %parallel_loop3A_644 : vector<16xf32> to vector<1x16xf32>
        tpu.vector_store %arg11[%parallel_loop3A_646, %parallel_loop3A_647], %parallel_loop3A_650 {strides = array<i32>} : memref<8x1024xf32, #tpu.memory_space<vmem>>, vector<1x16xf32>,
      } {sc.loop_unroll_factor = 8 : i64, sc.parallel_access}
      %mul3A_175 = arith.constant 8 : i32
      %mul3A_176 = arith.muli %add3A_132, %mul3A_175 : i32
      %add3A_177 = arith.addi %mul3A_2, %mul3A_176 : i32
      %dma_start3A_178 = arith.constant 0 : i32
      %dma_start3A_179 = arith.constant 0 : i32
      %dma_start3A_180 = tpu.memref_slice %arg4[%dma_start3A_178, %add3A_177, %dma_start3A_179] : memref<4x8192x1024xf32, #tpu.memory_space<hbm>> -> memref<1x8x1024xf32, #tpu.memory_space<hbm>>
      %dma_start3A_181 = tpu.memref_squeeze %dma_start3A_180 : memref<1x8x1024xf32, #tpu.memory_space<hbm>> -> memref<8x1024xf32, #tpu.memory_space<hbm>>
      %dma_start3A_182 = arith.constant 0 : i32
      %dma_start3A_183 = tpu.memref_slice %arg4[%dma_start3A_178, %add3A_177, %dma_start3A_182] : memref<4x8192x1024xf32, #tpu.memory_space<hbm>> -> memref<1x8x1024xf32, #tpu.memory_space<hbm>>
      %dma_start3A_184 = tpu.memref_squeeze %dma_start3A_183 : memref<1x8x1024xf32, #tpu.memory_space<hbm>> -> memref<8x1024xf32, #tpu.memory_space<hbm>>
      tpu.enqueue_dma source(%arg11 : memref<8x1024xf32, #tpu.memory_space<vmem>>) target(%dma_start3A_184 : memref<8x1024xf32, #tpu.memory_space<hbm>>) target_semaphore(%arg23 : memref<!tpu.dma_semaphore, #tpu.memory_space<semaphore_mem>>)
      %add3A_185 = arith.constant 1 : i32
      %add3A_186 = arith.addi %add3A_132, %add3A_185 : i32
      %lt3A = arith.constant 32 : i32
      %lt3A_187 = arith.cmpi slt, %add3A_186, %lt3A : i32
      %convert_element_type3A_188 = arith.extui %lt3A_187 : i1 to i32
      %cond3A_189 = arith.constant 0 : i32
      %cond3A_190 = arith.cmpi ne, %convert_element_type3A_188, %cond3A_189 : i32
      scf.if %cond3A_190 {
        %add3A_633 = arith.constant 1 : i32
        %add3A_634 = arith.addi %add3A_132, %add3A_633 : i32
        %mul3A_635 = arith.constant 8 : i32
        %mul3A_636 = arith.muli %add3A_634, %mul3A_635 : i32
        %add3A_637 = arith.addi %mul3A_2, %mul3A_636 : i32
        %dma_start3A_638 = arith.constant 0 : i32
        %dma_start3A_639 = arith.constant 0 : i32
        %dma_start3A_640 = tpu.memref_slice %arg2[%dma_start3A_638, %add3A_637, %dma_start3A_639] : memref<4x8192x1024xf32, #tpu.memory_space<hbm>> -> memref<1x8x1024xf32, #tpu.memory_space<hbm>>
        %dma_start3A_641 = tpu.memref_squeeze %dma_start3A_640 : memref<1x8x1024xf32, #tpu.memory_space<hbm>> -> memref<8x1024xf32, #tpu.memory_space<hbm>>
        %dma_start3A_642 = arith.constant 0 : i32
        %dma_start3A_643 = tpu.memref_slice %arg2[%dma_start3A_638, %add3A_637, %dma_start3A_642] : memref<4x8192x1024xf32, #tpu.memory_space<hbm>> -> memref<1x8x1024xf32, #tpu.memory_space<hbm>>
        %dma_start3A_644 = tpu.memref_squeeze %dma_start3A_643 : memref<1x8x1024xf32, #tpu.memory_space<hbm>> -> memref<8x1024xf32, #tpu.memory_space<hbm>>
        tpu.enqueue_dma source(%dma_start3A_644 : memref<8x1024xf32, #tpu.memory_space<hbm>>) target(%arg7 : memref<8x1024xf32, #tpu.memory_space<vmem>>) target_semaphore(%arg19 : memref<!tpu.dma_semaphore, #tpu.memory_space<semaphore_mem>>)
      } else {
      }
      %mul3A_191 = arith.constant 2 : i32
      %mul3A_192 = arith.muli %scan3A_127, %mul3A_191 : i32
      %add3A_193 = arith.constant 0 : i32
      %add3A_194 = arith.addi %mul3A_192, %add3A_193 : i32
      %mul3A_195 = arith.constant 8 : i32
      %mul3A_196 = arith.muli %add3A_194, %mul3A_195 : i32
      %add3A_197 = arith.addi %mul3A_2, %mul3A_196 : i32
      %dma_wait3A_198 = arith.constant 1 : i32
      %dma_wait3A_199 = arith.constant 0 : i32
      %dma_wait3A_200 = tpu.memref_slice %arg2[%dma_wait3A_198, %add3A_197, %dma_wait3A_199] : memref<4x8192x1024xf32, #tpu.memory_space<hbm>> -> memref<1x8x1024xf32, #tpu.memory_space<hbm>>
      %dma_wait3A_201 = tpu.memref_squeeze %dma_wait3A_200 : memref<1x8x1024xf32, #tpu.memory_space<hbm>> -> memref<8x1024xf32, #tpu.memory_space<hbm>>
      %dma_wait3A_202 = arith.constant 0 : i32
      %dma_wait3A_203 = tpu.memref_slice %arg2[%dma_wait3A_198, %add3A_197, %dma_wait3A_202] : memref<4x8192x1024xf32, #tpu.memory_space<hbm>> -> memref<1x8x1024xf32, #tpu.memory_space<hbm>>
      %dma_wait3A_204 = tpu.memref_squeeze %dma_wait3A_203 : memref<1x8x1024xf32, #tpu.memory_space<hbm>> -> memref<8x1024xf32, #tpu.memory_space<hbm>>
      tpu.wait_dma2 semaphore(%arg20 : memref<!tpu.dma_semaphore, #tpu.memory_space<semaphore_mem>>) src(%dma_wait3A_204 : memref<8x1024xf32, #tpu.memory_space<hbm>>) dst(%arg8 : memref<8x1024xf32, #tpu.memory_space<vmem>>)
      %ge3A_205 = arith.constant 2 : i32
      %ge3A_206 = arith.cmpi sge, %add3A_194, %ge3A_205 : i32
      %convert_element_type3A_207 = arith.extui %ge3A_206 : i1 to i32
      %cond3A_208 = arith.constant 0 : i32
      %cond3A_209 = arith.cmpi ne, %convert_element_type3A_207, %cond3A_208 : i32
      scf.if %cond3A_209 {
        %sub3A = arith.constant 2 : i32
        %sub3A_633 = arith.subi %add3A_194, %sub3A : i32
        %mul3A_634 = arith.constant 8 : i32
        %mul3A_635 = arith.muli %sub3A_633, %mul3A_634 : i32
        %add3A_636 = arith.addi %mul3A_2, %mul3A_635 : i32
        %dma_wait3A_637 = arith.constant 1 : i32
        %dma_wait3A_638 = arith.constant 0 : i32
        %dma_wait3A_639 = tpu.memref_slice %arg4[%dma_wait3A_637, %add3A_636, %dma_wait3A_638] : memref<4x8192x1024xf32, #tpu.memory_space<hbm>> -> memref<1x8x1024xf32, #tpu.memory_space<hbm>>
        %dma_wait3A_640 = tpu.memref_squeeze %dma_wait3A_639 : memref<1x8x1024xf32, #tpu.memory_space<hbm>> -> memref<8x1024xf32, #tpu.memory_space<hbm>>
        %dma_wait3A_641 = arith.constant 0 : i32
        %dma_wait3A_642 = tpu.memref_slice %arg4[%dma_wait3A_637, %add3A_636, %dma_wait3A_641] : memref<4x8192x1024xf32, #tpu.memory_space<hbm>> -> memref<1x8x1024xf32, #tpu.memory_space<hbm>>
        %dma_wait3A_643 = tpu.memref_squeeze %dma_wait3A_642 : memref<1x8x1024xf32, #tpu.memory_space<hbm>> -> memref<8x1024xf32, #tpu.memory_space<hbm>>
        tpu.wait_dma2 semaphore(%arg24 : memref<!tpu.dma_semaphore, #tpu.memory_space<semaphore_mem>>) src(%arg12 : memref<8x1024xf32, #tpu.memory_space<vmem>>) dst(%dma_wait3A_643 : memref<8x1024xf32, #tpu.memory_space<hbm>>)
      } else {
      }
      %parallel_loop3A_210 = arith.constant 0 : i32
      %parallel_loop3A_211 = arith.constant 1024 : i32
      %parallel_loop3A_212 = arith.constant 16 : i32
      scf.for %parallel_loop3A_633 = %parallel_loop3A_210 to %parallel_loop3A_211 step %parallel_loop3A_212  : i32 {
        %parallel_loop3A_634 = arith.constant 0 : i32
        %parallel_loop3A_635 = arith.index_cast %parallel_loop3A_634 : i32 to index
        %parallel_loop3A_636 = arith.index_cast %parallel_loop3A_633 : i32 to index
        %parallel_loop3A_637 = tpu.vector_load %arg8[%parallel_loop3A_635, %parallel_loop3A_636] {strides = array<i32>} : memref<8x1024xf32, #tpu.memory_space<vmem>>, vector<1x16xf32>,
        %parallel_loop3A_638 = vector.shape_cast %parallel_loop3A_637 : vector<1x16xf32> to vector<16xf32>
        %parallel_loop3A_639 = arith.constant 0 : i32
        %parallel_loop3A_640 = arith.index_cast %parallel_loop3A_639 : i32 to index
        %parallel_loop3A_641 = arith.index_cast %parallel_loop3A_633 : i32 to index
        %parallel_loop3A_642 = tpu.vector_load %arg5[%parallel_loop3A_640, %parallel_loop3A_641] {strides = array<i32>} : memref<8x1024xf32, #tpu.memory_space<vmem>>, vector<1x16xf32>,
        %parallel_loop3A_643 = vector.shape_cast %parallel_loop3A_642 : vector<1x16xf32> to vector<16xf32>
        %parallel_loop3A_644 = arith.addf %parallel_loop3A_638, %parallel_loop3A_643 : vector<16xf32>
        %parallel_loop3A_645 = arith.constant 0 : i32
        %parallel_loop3A_646 = arith.index_cast %parallel_loop3A_645 : i32 to index
        %parallel_loop3A_647 = arith.index_cast %parallel_loop3A_633 : i32 to index
        %parallel_loop3A_648 = tpu.vector_load %arg12[%parallel_loop3A_646, %parallel_loop3A_647] {strides = array<i32>} : memref<8x1024xf32, #tpu.memory_space<vmem>>, vector<1x16xf32>,
        %parallel_loop3A_649 = vector.shape_cast %parallel_loop3A_648 : vector<1x16xf32> to vector<16xf32>
        %parallel_loop3A_650 = vector.shape_cast %parallel_loop3A_644 : vector<16xf32> to vector<1x16xf32>
        tpu.vector_store %arg12[%parallel_loop3A_646, %parallel_loop3A_647], %parallel_loop3A_650 {strides = array<i32>} : memref<8x1024xf32, #tpu.memory_space<vmem>>, vector<1x16xf32>,
      } {sc.loop_unroll_factor = 8 : i64, sc.parallel_access}
      %parallel_loop3A_213 = arith.constant 0 : i32
      %parallel_loop3A_214 = arith.constant 1024 : i32
      %parallel_loop3A_215 = arith.constant 16 : i32
      scf.for %parallel_loop3A_633 = %parallel_loop3A_213 to %parallel_loop3A_214 step %parallel_loop3A_215  : i32 {
        %parallel_loop3A_634 = arith.constant 1 : i32
        %parallel_loop3A_635 = arith.index_cast %parallel_loop3A_634 : i32 to index
        %parallel_loop3A_636 = arith.index_cast %parallel_loop3A_633 : i32 to index
        %parallel_loop3A_637 = tpu.vector_load %arg8[%parallel_loop3A_635, %parallel_loop3A_636] {strides = array<i32>} : memref<8x1024xf32, #tpu.memory_space<vmem>>, vector<1x16xf32>,
        %parallel_loop3A_638 = vector.shape_cast %parallel_loop3A_637 : vector<1x16xf32> to vector<16xf32>
        %parallel_loop3A_639 = arith.constant 1 : i32
        %parallel_loop3A_640 = arith.index_cast %parallel_loop3A_639 : i32 to index
        %parallel_loop3A_641 = arith.index_cast %parallel_loop3A_633 : i32 to index
        %parallel_loop3A_642 = tpu.vector_load %arg5[%parallel_loop3A_640, %parallel_loop3A_641] {strides = array<i32>} : memref<8x1024xf32, #tpu.memory_space<vmem>>, vector<1x16xf32>,
        %parallel_loop3A_643 = vector.shape_cast %parallel_loop3A_642 : vector<1x16xf32> to vector<16xf32>
        %parallel_loop3A_644 = arith.addf %parallel_loop3A_638, %parallel_loop3A_643 : vector<16xf32>
        %parallel_loop3A_645 = arith.constant 1 : i32
        %parallel_loop3A_646 = arith.index_cast %parallel_loop3A_645 : i32 to index
        %parallel_loop3A_647 = arith.index_cast %parallel_loop3A_633 : i32 to index
        %parallel_loop3A_648 = tpu.vector_load %arg12[%parallel_loop3A_646, %parallel_loop3A_647] {strides = array<i32>} : memref<8x1024xf32, #tpu.memory_space<vmem>>, vector<1x16xf32>,
        %parallel_loop3A_649 = vector.shape_cast %parallel_loop3A_648 : vector<1x16xf32> to vector<16xf32>
        %parallel_loop3A_650 = vector.shape_cast %parallel_loop3A_644 : vector<16xf32> to vector<1x16xf32>
        tpu.vector_store %arg12[%parallel_loop3A_646, %parallel_loop3A_647], %parallel_loop3A_650 {strides = array<i32>} : memref<8x1024xf32, #tpu.memory_space<vmem>>, vector<1x16xf32>,
      } {sc.loop_unroll_factor = 8 : i64, sc.parallel_access}
      %parallel_loop3A_216 = arith.constant 0 : i32
      %parallel_loop3A_217 = arith.constant 1024 : i32
      %parallel_loop3A_218 = arith.constant 16 : i32
      scf.for %parallel_loop3A_633 = %parallel_loop3A_216 to %parallel_loop3A_217 step %parallel_loop3A_218  : i32 {
        %parallel_loop3A_634 = arith.constant 2 : i32
        %parallel_loop3A_635 = arith.index_cast %parallel_loop3A_634 : i32 to index
        %parallel_loop3A_636 = arith.index_cast %parallel_loop3A_633 : i32 to index
        %parallel_loop3A_637 = tpu.vector_load %arg8[%parallel_loop3A_635, %parallel_loop3A_636] {strides = array<i32>} : memref<8x1024xf32, #tpu.memory_space<vmem>>, vector<1x16xf32>,
        %parallel_loop3A_638 = vector.shape_cast %parallel_loop3A_637 : vector<1x16xf32> to vector<16xf32>
        %parallel_loop3A_639 = arith.constant 2 : i32
        %parallel_loop3A_640 = arith.index_cast %parallel_loop3A_639 : i32 to index
        %parallel_loop3A_641 = arith.index_cast %parallel_loop3A_633 : i32 to index
        %parallel_loop3A_642 = tpu.vector_load %arg5[%parallel_loop3A_640, %parallel_loop3A_641] {strides = array<i32>} : memref<8x1024xf32, #tpu.memory_space<vmem>>, vector<1x16xf32>,
        %parallel_loop3A_643 = vector.shape_cast %parallel_loop3A_642 : vector<1x16xf32> to vector<16xf32>
        %parallel_loop3A_644 = arith.addf %parallel_loop3A_638, %parallel_loop3A_643 : vector<16xf32>
        %parallel_loop3A_645 = arith.constant 2 : i32
        %parallel_loop3A_646 = arith.index_cast %parallel_loop3A_645 : i32 to index
        %parallel_loop3A_647 = arith.index_cast %parallel_loop3A_633 : i32 to index
        %parallel_loop3A_648 = tpu.vector_load %arg12[%parallel_loop3A_646, %parallel_loop3A_647] {strides = array<i32>} : memref<8x1024xf32, #tpu.memory_space<vmem>>, vector<1x16xf32>,
        %parallel_loop3A_649 = vector.shape_cast %parallel_loop3A_648 : vector<1x16xf32> to vector<16xf32>
        %parallel_loop3A_650 = vector.shape_cast %parallel_loop3A_644 : vector<16xf32> to vector<1x16xf32>
        tpu.vector_store %arg12[%parallel_loop3A_646, %parallel_loop3A_647], %parallel_loop3A_650 {strides = array<i32>} : memref<8x1024xf32, #tpu.memory_space<vmem>>, vector<1x16xf32>,
      } {sc.loop_unroll_factor = 8 : i64, sc.parallel_access}
      %parallel_loop3A_219 = arith.constant 0 : i32
      %parallel_loop3A_220 = arith.constant 1024 : i32
      %parallel_loop3A_221 = arith.constant 16 : i32
      scf.for %parallel_loop3A_633 = %parallel_loop3A_219 to %parallel_loop3A_220 step %parallel_loop3A_221  : i32 {
        %parallel_loop3A_634 = arith.constant 3 : i32
        %parallel_loop3A_635 = arith.index_cast %parallel_loop3A_634 : i32 to index
        %parallel_loop3A_636 = arith.index_cast %parallel_loop3A_633 : i32 to index
        %parallel_loop3A_637 = tpu.vector_load %arg8[%parallel_loop3A_635, %parallel_loop3A_636] {strides = array<i32>} : memref<8x1024xf32, #tpu.memory_space<vmem>>, vector<1x16xf32>,
        %parallel_loop3A_638 = vector.shape_cast %parallel_loop3A_637 : vector<1x16xf32> to vector<16xf32>
        %parallel_loop3A_639 = arith.constant 3 : i32
        %parallel_loop3A_640 = arith.index_cast %parallel_loop3A_639 : i32 to index
        %parallel_loop3A_641 = arith.index_cast %parallel_loop3A_633 : i32 to index
        %parallel_loop3A_642 = tpu.vector_load %arg5[%parallel_loop3A_640, %parallel_loop3A_641] {strides = array<i32>} : memref<8x1024xf32, #tpu.memory_space<vmem>>, vector<1x16xf32>,
        %parallel_loop3A_643 = vector.shape_cast %parallel_loop3A_642 : vector<1x16xf32> to vector<16xf32>
        %parallel_loop3A_644 = arith.addf %parallel_loop3A_638, %parallel_loop3A_643 : vector<16xf32>
        %parallel_loop3A_645 = arith.constant 3 : i32
        %parallel_loop3A_646 = arith.index_cast %parallel_loop3A_645 : i32 to index
        %parallel_loop3A_647 = arith.index_cast %parallel_loop3A_633 : i32 to index
        %parallel_loop3A_648 = tpu.vector_load %arg12[%parallel_loop3A_646, %parallel_loop3A_647] {strides = array<i32>} : memref<8x1024xf32, #tpu.memory_space<vmem>>, vector<1x16xf32>,
        %parallel_loop3A_649 = vector.shape_cast %parallel_loop3A_648 : vector<1x16xf32> to vector<16xf32>
        %parallel_loop3A_650 = vector.shape_cast %parallel_loop3A_644 : vector<16xf32> to vector<1x16xf32>
        tpu.vector_store %arg12[%parallel_loop3A_646, %parallel_loop3A_647], %parallel_loop3A_650 {strides = array<i32>} : memref<8x1024xf32, #tpu.memory_space<vmem>>, vector<1x16xf32>,
      } {sc.loop_unroll_factor = 8 : i64, sc.parallel_access}
      %parallel_loop3A_222 = arith.constant 0 : i32
      %parallel_loop3A_223 = arith.constant 1024 : i32
      %parallel_loop3A_224 = arith.constant 16 : i32
      scf.for %parallel_loop3A_633 = %parallel_loop3A_222 to %parallel_loop3A_223 step %parallel_loop3A_224  : i32 {
        %parallel_loop3A_634 = arith.constant 4 : i32
        %parallel_loop3A_635 = arith.index_cast %parallel_loop3A_634 : i32 to index
        %parallel_loop3A_636 = arith.index_cast %parallel_loop3A_633 : i32 to index
        %parallel_loop3A_637 = tpu.vector_load %arg8[%parallel_loop3A_635, %parallel_loop3A_636] {strides = array<i32>} : memref<8x1024xf32, #tpu.memory_space<vmem>>, vector<1x16xf32>,
        %parallel_loop3A_638 = vector.shape_cast %parallel_loop3A_637 : vector<1x16xf32> to vector<16xf32>
        %parallel_loop3A_639 = arith.constant 4 : i32
        %parallel_loop3A_640 = arith.index_cast %parallel_loop3A_639 : i32 to index
        %parallel_loop3A_641 = arith.index_cast %parallel_loop3A_633 : i32 to index
        %parallel_loop3A_642 = tpu.vector_load %arg5[%parallel_loop3A_640, %parallel_loop3A_641] {strides = array<i32>} : memref<8x1024xf32, #tpu.memory_space<vmem>>, vector<1x16xf32>,
        %parallel_loop3A_643 = vector.shape_cast %parallel_loop3A_642 : vector<1x16xf32> to vector<16xf32>
        %parallel_loop3A_644 = arith.addf %parallel_loop3A_638, %parallel_loop3A_643 : vector<16xf32>
        %parallel_loop3A_645 = arith.constant 4 : i32
        %parallel_loop3A_646 = arith.index_cast %parallel_loop3A_645 : i32 to index
        %parallel_loop3A_647 = arith.index_cast %parallel_loop3A_633 : i32 to index
        %parallel_loop3A_648 = tpu.vector_load %arg12[%parallel_loop3A_646, %parallel_loop3A_647] {strides = array<i32>} : memref<8x1024xf32, #tpu.memory_space<vmem>>, vector<1x16xf32>,
        %parallel_loop3A_649 = vector.shape_cast %parallel_loop3A_648 : vector<1x16xf32> to vector<16xf32>
        %parallel_loop3A_650 = vector.shape_cast %parallel_loop3A_644 : vector<16xf32> to vector<1x16xf32>
        tpu.vector_store %arg12[%parallel_loop3A_646, %parallel_loop3A_647], %parallel_loop3A_650 {strides = array<i32>} : memref<8x1024xf32, #tpu.memory_space<vmem>>, vector<1x16xf32>,
      } {sc.loop_unroll_factor = 8 : i64, sc.parallel_access}
      %parallel_loop3A_225 = arith.constant 0 : i32
      %parallel_loop3A_226 = arith.constant 1024 : i32
      %parallel_loop3A_227 = arith.constant 16 : i32
      scf.for %parallel_loop3A_633 = %parallel_loop3A_225 to %parallel_loop3A_226 step %parallel_loop3A_227  : i32 {
        %parallel_loop3A_634 = arith.constant 5 : i32
        %parallel_loop3A_635 = arith.index_cast %parallel_loop3A_634 : i32 to index
        %parallel_loop3A_636 = arith.index_cast %parallel_loop3A_633 : i32 to index
        %parallel_loop3A_637 = tpu.vector_load %arg8[%parallel_loop3A_635, %parallel_loop3A_636] {strides = array<i32>} : memref<8x1024xf32, #tpu.memory_space<vmem>>, vector<1x16xf32>,
        %parallel_loop3A_638 = vector.shape_cast %parallel_loop3A_637 : vector<1x16xf32> to vector<16xf32>
        %parallel_loop3A_639 = arith.constant 5 : i32
        %parallel_loop3A_640 = arith.index_cast %parallel_loop3A_639 : i32 to index
        %parallel_loop3A_641 = arith.index_cast %parallel_loop3A_633 : i32 to index
        %parallel_loop3A_642 = tpu.vector_load %arg5[%parallel_loop3A_640, %parallel_loop3A_641] {strides = array<i32>} : memref<8x1024xf32, #tpu.memory_space<vmem>>, vector<1x16xf32>,
        %parallel_loop3A_643 = vector.shape_cast %parallel_loop3A_642 : vector<1x16xf32> to vector<16xf32>
        %parallel_loop3A_644 = arith.addf %parallel_loop3A_638, %parallel_loop3A_643 : vector<16xf32>
        %parallel_loop3A_645 = arith.constant 5 : i32
        %parallel_loop3A_646 = arith.index_cast %parallel_loop3A_645 : i32 to index
        %parallel_loop3A_647 = arith.index_cast %parallel_loop3A_633 : i32 to index
        %parallel_loop3A_648 = tpu.vector_load %arg12[%parallel_loop3A_646, %parallel_loop3A_647] {strides = array<i32>} : memref<8x1024xf32, #tpu.memory_space<vmem>>, vector<1x16xf32>,
        %parallel_loop3A_649 = vector.shape_cast %parallel_loop3A_648 : vector<1x16xf32> to vector<16xf32>
        %parallel_loop3A_650 = vector.shape_cast %parallel_loop3A_644 : vector<16xf32> to vector<1x16xf32>
        tpu.vector_store %arg12[%parallel_loop3A_646, %parallel_loop3A_647], %parallel_loop3A_650 {strides = array<i32>} : memref<8x1024xf32, #tpu.memory_space<vmem>>, vector<1x16xf32>,
      } {sc.loop_unroll_factor = 8 : i64, sc.parallel_access}
      %parallel_loop3A_228 = arith.constant 0 : i32
      %parallel_loop3A_229 = arith.constant 1024 : i32
      %parallel_loop3A_230 = arith.constant 16 : i32
      scf.for %parallel_loop3A_633 = %parallel_loop3A_228 to %parallel_loop3A_229 step %parallel_loop3A_230  : i32 {
        %parallel_loop3A_634 = arith.constant 6 : i32
        %parallel_loop3A_635 = arith.index_cast %parallel_loop3A_634 : i32 to index
        %parallel_loop3A_636 = arith.index_cast %parallel_loop3A_633 : i32 to index
        %parallel_loop3A_637 = tpu.vector_load %arg8[%parallel_loop3A_635, %parallel_loop3A_636] {strides = array<i32>} : memref<8x1024xf32, #tpu.memory_space<vmem>>, vector<1x16xf32>,
        %parallel_loop3A_638 = vector.shape_cast %parallel_loop3A_637 : vector<1x16xf32> to vector<16xf32>
        %parallel_loop3A_639 = arith.constant 6 : i32
        %parallel_loop3A_640 = arith.index_cast %parallel_loop3A_639 : i32 to index
        %parallel_loop3A_641 = arith.index_cast %parallel_loop3A_633 : i32 to index
        %parallel_loop3A_642 = tpu.vector_load %arg5[%parallel_loop3A_640, %parallel_loop3A_641] {strides = array<i32>} : memref<8x1024xf32, #tpu.memory_space<vmem>>, vector<1x16xf32>,
        %parallel_loop3A_643 = vector.shape_cast %parallel_loop3A_642 : vector<1x16xf32> to vector<16xf32>
        %parallel_loop3A_644 = arith.addf %parallel_loop3A_638, %parallel_loop3A_643 : vector<16xf32>
        %parallel_loop3A_645 = arith.constant 6 : i32
        %parallel_loop3A_646 = arith.index_cast %parallel_loop3A_645 : i32 to index
        %parallel_loop3A_647 = arith.index_cast %parallel_loop3A_633 : i32 to index
        %parallel_loop3A_648 = tpu.vector_load %arg12[%parallel_loop3A_646, %parallel_loop3A_647] {strides = array<i32>} : memref<8x1024xf32, #tpu.memory_space<vmem>>, vector<1x16xf32>,
        %parallel_loop3A_649 = vector.shape_cast %parallel_loop3A_648 : vector<1x16xf32> to vector<16xf32>
        %parallel_loop3A_650 = vector.shape_cast %parallel_loop3A_644 : vector<16xf32> to vector<1x16xf32>
        tpu.vector_store %arg12[%parallel_loop3A_646, %parallel_loop3A_647], %parallel_loop3A_650 {strides = array<i32>} : memref<8x1024xf32, #tpu.memory_space<vmem>>, vector<1x16xf32>,
      } {sc.loop_unroll_factor = 8 : i64, sc.parallel_access}
      %parallel_loop3A_231 = arith.constant 0 : i32
      %parallel_loop3A_232 = arith.constant 1024 : i32
      %parallel_loop3A_233 = arith.constant 16 : i32
      scf.for %parallel_loop3A_633 = %parallel_loop3A_231 to %parallel_loop3A_232 step %parallel_loop3A_233  : i32 {
        %parallel_loop3A_634 = arith.constant 7 : i32
        %parallel_loop3A_635 = arith.index_cast %parallel_loop3A_634 : i32 to index
        %parallel_loop3A_636 = arith.index_cast %parallel_loop3A_633 : i32 to index
        %parallel_loop3A_637 = tpu.vector_load %arg8[%parallel_loop3A_635, %parallel_loop3A_636] {strides = array<i32>} : memref<8x1024xf32, #tpu.memory_space<vmem>>, vector<1x16xf32>,
        %parallel_loop3A_638 = vector.shape_cast %parallel_loop3A_637 : vector<1x16xf32> to vector<16xf32>
        %parallel_loop3A_639 = arith.constant 7 : i32
        %parallel_loop3A_640 = arith.index_cast %parallel_loop3A_639 : i32 to index
        %parallel_loop3A_641 = arith.index_cast %parallel_loop3A_633 : i32 to index
        %parallel_loop3A_642 = tpu.vector_load %arg5[%parallel_loop3A_640, %parallel_loop3A_641] {strides = array<i32>} : memref<8x1024xf32, #tpu.memory_space<vmem>>, vector<1x16xf32>,
        %parallel_loop3A_643 = vector.shape_cast %parallel_loop3A_642 : vector<1x16xf32> to vector<16xf32>
        %parallel_loop3A_644 = arith.addf %parallel_loop3A_638, %parallel_loop3A_643 : vector<16xf32>
        %parallel_loop3A_645 = arith.constant 7 : i32
        %parallel_loop3A_646 = arith.index_cast %parallel_loop3A_645 : i32 to index
        %parallel_loop3A_647 = arith.index_cast %parallel_loop3A_633 : i32 to index
        %parallel_loop3A_648 = tpu.vector_load %arg12[%parallel_loop3A_646, %parallel_loop3A_647] {strides = array<i32>} : memref<8x1024xf32, #tpu.memory_space<vmem>>, vector<1x16xf32>,
        %parallel_loop3A_649 = vector.shape_cast %parallel_loop3A_648 : vector<1x16xf32> to vector<16xf32>
        %parallel_loop3A_650 = vector.shape_cast %parallel_loop3A_644 : vector<16xf32> to vector<1x16xf32>
        tpu.vector_store %arg12[%parallel_loop3A_646, %parallel_loop3A_647], %parallel_loop3A_650 {strides = array<i32>} : memref<8x1024xf32, #tpu.memory_space<vmem>>, vector<1x16xf32>,
      } {sc.loop_unroll_factor = 8 : i64, sc.parallel_access}
      %mul3A_234 = arith.constant 8 : i32
      %mul3A_235 = arith.muli %add3A_194, %mul3A_234 : i32
      %add3A_236 = arith.addi %mul3A_2, %mul3A_235 : i32
      %dma_start3A_237 = arith.constant 1 : i32
      %dma_start3A_238 = arith.constant 0 : i32
      %dma_start3A_239 = tpu.memref_slice %arg4[%dma_start3A_237, %add3A_236, %dma_start3A_238] : memref<4x8192x1024xf32, #tpu.memory_space<hbm>> -> memref<1x8x1024xf32, #tpu.memory_space<hbm>>
      %dma_start3A_240 = tpu.memref_squeeze %dma_start3A_239 : memref<1x8x1024xf32, #tpu.memory_space<hbm>> -> memref<8x1024xf32, #tpu.memory_space<hbm>>
      %dma_start3A_241 = arith.constant 0 : i32
      %dma_start3A_242 = tpu.memref_slice %arg4[%dma_start3A_237, %add3A_236, %dma_start3A_241] : memref<4x8192x1024xf32, #tpu.memory_space<hbm>> -> memref<1x8x1024xf32, #tpu.memory_space<hbm>>
      %dma_start3A_243 = tpu.memref_squeeze %dma_start3A_242 : memref<1x8x1024xf32, #tpu.memory_space<hbm>> -> memref<8x1024xf32, #tpu.memory_space<hbm>>
      tpu.enqueue_dma source(%arg12 : memref<8x1024xf32, #tpu.memory_space<vmem>>) target(%dma_start3A_243 : memref<8x1024xf32, #tpu.memory_space<hbm>>) target_semaphore(%arg24 : memref<!tpu.dma_semaphore, #tpu.memory_space<semaphore_mem>>)
      %add3A_244 = arith.constant 1 : i32
      %add3A_245 = arith.addi %add3A_194, %add3A_244 : i32
      %lt3A_246 = arith.constant 32 : i32
      %lt3A_247 = arith.cmpi slt, %add3A_245, %lt3A_246 : i32
      %convert_element_type3A_248 = arith.extui %lt3A_247 : i1 to i32
      %cond3A_249 = arith.constant 0 : i32
      %cond3A_250 = arith.cmpi ne, %convert_element_type3A_248, %cond3A_249 : i32
      scf.if %cond3A_250 {
        %add3A_633 = arith.constant 1 : i32
        %add3A_634 = arith.addi %add3A_194, %add3A_633 : i32
        %mul3A_635 = arith.constant 8 : i32
        %mul3A_636 = arith.muli %add3A_634, %mul3A_635 : i32
        %add3A_637 = arith.addi %mul3A_2, %mul3A_636 : i32
        %dma_start3A_638 = arith.constant 1 : i32
        %dma_start3A_639 = arith.constant 0 : i32
        %dma_start3A_640 = tpu.memref_slice %arg2[%dma_start3A_638, %add3A_637, %dma_start3A_639] : memref<4x8192x1024xf32, #tpu.memory_space<hbm>> -> memref<1x8x1024xf32, #tpu.memory_space<hbm>>
        %dma_start3A_641 = tpu.memref_squeeze %dma_start3A_640 : memref<1x8x1024xf32, #tpu.memory_space<hbm>> -> memref<8x1024xf32, #tpu.memory_space<hbm>>
        %dma_start3A_642 = arith.constant 0 : i32
        %dma_start3A_643 = tpu.memref_slice %arg2[%dma_start3A_638, %add3A_637, %dma_start3A_642] : memref<4x8192x1024xf32, #tpu.memory_space<hbm>> -> memref<1x8x1024xf32, #tpu.memory_space<hbm>>
        %dma_start3A_644 = tpu.memref_squeeze %dma_start3A_643 : memref<1x8x1024xf32, #tpu.memory_space<hbm>> -> memref<8x1024xf32, #tpu.memory_space<hbm>>
        tpu.enqueue_dma source(%dma_start3A_644 : memref<8x1024xf32, #tpu.memory_space<hbm>>) target(%arg8 : memref<8x1024xf32, #tpu.memory_space<vmem>>) target_semaphore(%arg20 : memref<!tpu.dma_semaphore, #tpu.memory_space<semaphore_mem>>)
      } else {
      }
      %mul3A_251 = arith.constant 2 : i32
      %mul3A_252 = arith.muli %scan3A_127, %mul3A_251 : i32
      %add3A_253 = arith.constant 0 : i32
      %add3A_254 = arith.addi %mul3A_252, %add3A_253 : i32
      %mul3A_255 = arith.constant 8 : i32
      %mul3A_256 = arith.muli %add3A_254, %mul3A_255 : i32
      %add3A_257 = arith.addi %mul3A_2, %mul3A_256 : i32
      %dma_wait3A_258 = arith.constant 2 : i32
      %dma_wait3A_259 = arith.constant 0 : i32
      %dma_wait3A_260 = tpu.memref_slice %arg2[%dma_wait3A_258, %add3A_257, %dma_wait3A_259] : memref<4x8192x1024xf32, #tpu.memory_space<hbm>> -> memref<1x8x1024xf32, #tpu.memory_space<hbm>>
      %dma_wait3A_261 = tpu.memref_squeeze %dma_wait3A_260 : memref<1x8x1024xf32, #tpu.memory_space<hbm>> -> memref<8x1024xf32, #tpu.memory_space<hbm>>
      %dma_wait3A_262 = arith.constant 0 : i32
      %dma_wait3A_263 = tpu.memref_slice %arg2[%dma_wait3A_258, %add3A_257, %dma_wait3A_262] : memref<4x8192x1024xf32, #tpu.memory_space<hbm>> -> memref<1x8x1024xf32, #tpu.memory_space<hbm>>
      %dma_wait3A_264 = tpu.memref_squeeze %dma_wait3A_263 : memref<1x8x1024xf32, #tpu.memory_space<hbm>> -> memref<8x1024xf32, #tpu.memory_space<hbm>>
      tpu.wait_dma2 semaphore(%arg21 : memref<!tpu.dma_semaphore, #tpu.memory_space<semaphore_mem>>) src(%dma_wait3A_264 : memref<8x1024xf32, #tpu.memory_space<hbm>>) dst(%arg9 : memref<8x1024xf32, #tpu.memory_space<vmem>>)
      %ge3A_265 = arith.constant 2 : i32
      %ge3A_266 = arith.cmpi sge, %add3A_254, %ge3A_265 : i32
      %convert_element_type3A_267 = arith.extui %ge3A_266 : i1 to i32
      %cond3A_268 = arith.constant 0 : i32
      %cond3A_269 = arith.cmpi ne, %convert_element_type3A_267, %cond3A_268 : i32
      scf.if %cond3A_269 {
        %sub3A = arith.constant 2 : i32
        %sub3A_633 = arith.subi %add3A_254, %sub3A : i32
        %mul3A_634 = arith.constant 8 : i32
        %mul3A_635 = arith.muli %sub3A_633, %mul3A_634 : i32
        %add3A_636 = arith.addi %mul3A_2, %mul3A_635 : i32
        %dma_wait3A_637 = arith.constant 2 : i32
        %dma_wait3A_638 = arith.constant 0 : i32
        %dma_wait3A_639 = tpu.memref_slice %arg4[%dma_wait3A_637, %add3A_636, %dma_wait3A_638] : memref<4x8192x1024xf32, #tpu.memory_space<hbm>> -> memref<1x8x1024xf32, #tpu.memory_space<hbm>>
        %dma_wait3A_640 = tpu.memref_squeeze %dma_wait3A_639 : memref<1x8x1024xf32, #tpu.memory_space<hbm>> -> memref<8x1024xf32, #tpu.memory_space<hbm>>
        %dma_wait3A_641 = arith.constant 0 : i32
        %dma_wait3A_642 = tpu.memref_slice %arg4[%dma_wait3A_637, %add3A_636, %dma_wait3A_641] : memref<4x8192x1024xf32, #tpu.memory_space<hbm>> -> memref<1x8x1024xf32, #tpu.memory_space<hbm>>
        %dma_wait3A_643 = tpu.memref_squeeze %dma_wait3A_642 : memref<1x8x1024xf32, #tpu.memory_space<hbm>> -> memref<8x1024xf32, #tpu.memory_space<hbm>>
        tpu.wait_dma2 semaphore(%arg25 : memref<!tpu.dma_semaphore, #tpu.memory_space<semaphore_mem>>) src(%arg13 : memref<8x1024xf32, #tpu.memory_space<vmem>>) dst(%dma_wait3A_643 : memref<8x1024xf32, #tpu.memory_space<hbm>>)
      } else {
      }
      %parallel_loop3A_270 = arith.constant 0 : i32
      %parallel_loop3A_271 = arith.constant 1024 : i32
      %parallel_loop3A_272 = arith.constant 16 : i32
      scf.for %parallel_loop3A_633 = %parallel_loop3A_270 to %parallel_loop3A_271 step %parallel_loop3A_272  : i32 {
        %parallel_loop3A_634 = arith.constant 0 : i32
        %parallel_loop3A_635 = arith.index_cast %parallel_loop3A_634 : i32 to index
        %parallel_loop3A_636 = arith.index_cast %parallel_loop3A_633 : i32 to index
        %parallel_loop3A_637 = tpu.vector_load %arg9[%parallel_loop3A_635, %parallel_loop3A_636] {strides = array<i32>} : memref<8x1024xf32, #tpu.memory_space<vmem>>, vector<1x16xf32>,
        %parallel_loop3A_638 = vector.shape_cast %parallel_loop3A_637 : vector<1x16xf32> to vector<16xf32>
        %parallel_loop3A_639 = arith.constant 0 : i32
        %parallel_loop3A_640 = arith.index_cast %parallel_loop3A_639 : i32 to index
        %parallel_loop3A_641 = arith.index_cast %parallel_loop3A_633 : i32 to index
        %parallel_loop3A_642 = tpu.vector_load %arg5[%parallel_loop3A_640, %parallel_loop3A_641] {strides = array<i32>} : memref<8x1024xf32, #tpu.memory_space<vmem>>, vector<1x16xf32>,
        %parallel_loop3A_643 = vector.shape_cast %parallel_loop3A_642 : vector<1x16xf32> to vector<16xf32>
        %parallel_loop3A_644 = arith.addf %parallel_loop3A_638, %parallel_loop3A_643 : vector<16xf32>
        %parallel_loop3A_645 = arith.constant 0 : i32
        %parallel_loop3A_646 = arith.index_cast %parallel_loop3A_645 : i32 to index
        %parallel_loop3A_647 = arith.index_cast %parallel_loop3A_633 : i32 to index
        %parallel_loop3A_648 = tpu.vector_load %arg13[%parallel_loop3A_646, %parallel_loop3A_647] {strides = array<i32>} : memref<8x1024xf32, #tpu.memory_space<vmem>>, vector<1x16xf32>,
        %parallel_loop3A_649 = vector.shape_cast %parallel_loop3A_648 : vector<1x16xf32> to vector<16xf32>
        %parallel_loop3A_650 = vector.shape_cast %parallel_loop3A_644 : vector<16xf32> to vector<1x16xf32>
        tpu.vector_store %arg13[%parallel_loop3A_646, %parallel_loop3A_647], %parallel_loop3A_650 {strides = array<i32>} : memref<8x1024xf32, #tpu.memory_space<vmem>>, vector<1x16xf32>,
      } {sc.loop_unroll_factor = 8 : i64, sc.parallel_access}
      %parallel_loop3A_273 = arith.constant 0 : i32
      %parallel_loop3A_274 = arith.constant 1024 : i32
      %parallel_loop3A_275 = arith.constant 16 : i32
      scf.for %parallel_loop3A_633 = %parallel_loop3A_273 to %parallel_loop3A_274 step %parallel_loop3A_275  : i32 {
        %parallel_loop3A_634 = arith.constant 1 : i32
        %parallel_loop3A_635 = arith.index_cast %parallel_loop3A_634 : i32 to index
        %parallel_loop3A_636 = arith.index_cast %parallel_loop3A_633 : i32 to index
        %parallel_loop3A_637 = tpu.vector_load %arg9[%parallel_loop3A_635, %parallel_loop3A_636] {strides = array<i32>} : memref<8x1024xf32, #tpu.memory_space<vmem>>, vector<1x16xf32>,
        %parallel_loop3A_638 = vector.shape_cast %parallel_loop3A_637 : vector<1x16xf32> to vector<16xf32>
        %parallel_loop3A_639 = arith.constant 1 : i32
        %parallel_loop3A_640 = arith.index_cast %parallel_loop3A_639 : i32 to index
        %parallel_loop3A_641 = arith.index_cast %parallel_loop3A_633 : i32 to index
        %parallel_loop3A_642 = tpu.vector_load %arg5[%parallel_loop3A_640, %parallel_loop3A_641] {strides = array<i32>} : memref<8x1024xf32, #tpu.memory_space<vmem>>, vector<1x16xf32>,
        %parallel_loop3A_643 = vector.shape_cast %parallel_loop3A_642 : vector<1x16xf32> to vector<16xf32>
        %parallel_loop3A_644 = arith.addf %parallel_loop3A_638, %parallel_loop3A_643 : vector<16xf32>
        %parallel_loop3A_645 = arith.constant 1 : i32
        %parallel_loop3A_646 = arith.index_cast %parallel_loop3A_645 : i32 to index
        %parallel_loop3A_647 = arith.index_cast %parallel_loop3A_633 : i32 to index
        %parallel_loop3A_648 = tpu.vector_load %arg13[%parallel_loop3A_646, %parallel_loop3A_647] {strides = array<i32>} : memref<8x1024xf32, #tpu.memory_space<vmem>>, vector<1x16xf32>,
        %parallel_loop3A_649 = vector.shape_cast %parallel_loop3A_648 : vector<1x16xf32> to vector<16xf32>
        %parallel_loop3A_650 = vector.shape_cast %parallel_loop3A_644 : vector<16xf32> to vector<1x16xf32>
        tpu.vector_store %arg13[%parallel_loop3A_646, %parallel_loop3A_647], %parallel_loop3A_650 {strides = array<i32>} : memref<8x1024xf32, #tpu.memory_space<vmem>>, vector<1x16xf32>,
      } {sc.loop_unroll_factor = 8 : i64, sc.parallel_access}
      %parallel_loop3A_276 = arith.constant 0 : i32
      %parallel_loop3A_277 = arith.constant 1024 : i32
      %parallel_loop3A_278 = arith.constant 16 : i32
      scf.for %parallel_loop3A_633 = %parallel_loop3A_276 to %parallel_loop3A_277 step %parallel_loop3A_278  : i32 {
        %parallel_loop3A_634 = arith.constant 2 : i32
        %parallel_loop3A_635 = arith.index_cast %parallel_loop3A_634 : i32 to index
        %parallel_loop3A_636 = arith.index_cast %parallel_loop3A_633 : i32 to index
        %parallel_loop3A_637 = tpu.vector_load %arg9[%parallel_loop3A_635, %parallel_loop3A_636] {strides = array<i32>} : memref<8x1024xf32, #tpu.memory_space<vmem>>, vector<1x16xf32>,
        %parallel_loop3A_638 = vector.shape_cast %parallel_loop3A_637 : vector<1x16xf32> to vector<16xf32>
        %parallel_loop3A_639 = arith.constant 2 : i32
        %parallel_loop3A_640 = arith.index_cast %parallel_loop3A_639 : i32 to index
        %parallel_loop3A_641 = arith.index_cast %parallel_loop3A_633 : i32 to index
        %parallel_loop3A_642 = tpu.vector_load %arg5[%parallel_loop3A_640, %parallel_loop3A_641] {strides = array<i32>} : memref<8x1024xf32, #tpu.memory_space<vmem>>, vector<1x16xf32>,
        %parallel_loop3A_643 = vector.shape_cast %parallel_loop3A_642 : vector<1x16xf32> to vector<16xf32>
        %parallel_loop3A_644 = arith.addf %parallel_loop3A_638, %parallel_loop3A_643 : vector<16xf32>
        %parallel_loop3A_645 = arith.constant 2 : i32
        %parallel_loop3A_646 = arith.index_cast %parallel_loop3A_645 : i32 to index
        %parallel_loop3A_647 = arith.index_cast %parallel_loop3A_633 : i32 to index
        %parallel_loop3A_648 = tpu.vector_load %arg13[%parallel_loop3A_646, %parallel_loop3A_647] {strides = array<i32>} : memref<8x1024xf32, #tpu.memory_space<vmem>>, vector<1x16xf32>,
        %parallel_loop3A_649 = vector.shape_cast %parallel_loop3A_648 : vector<1x16xf32> to vector<16xf32>
        %parallel_loop3A_650 = vector.shape_cast %parallel_loop3A_644 : vector<16xf32> to vector<1x16xf32>
        tpu.vector_store %arg13[%parallel_loop3A_646, %parallel_loop3A_647], %parallel_loop3A_650 {strides = array<i32>} : memref<8x1024xf32, #tpu.memory_space<vmem>>, vector<1x16xf32>,
      } {sc.loop_unroll_factor = 8 : i64, sc.parallel_access}
      %parallel_loop3A_279 = arith.constant 0 : i32
      %parallel_loop3A_280 = arith.constant 1024 : i32
      %parallel_loop3A_281 = arith.constant 16 : i32
      scf.for %parallel_loop3A_633 = %parallel_loop3A_279 to %parallel_loop3A_280 step %parallel_loop3A_281  : i32 {
        %parallel_loop3A_634 = arith.constant 3 : i32
        %parallel_loop3A_635 = arith.index_cast %parallel_loop3A_634 : i32 to index
        %parallel_loop3A_636 = arith.index_cast %parallel_loop3A_633 : i32 to index
        %parallel_loop3A_637 = tpu.vector_load %arg9[%parallel_loop3A_635, %parallel_loop3A_636] {strides = array<i32>} : memref<8x1024xf32, #tpu.memory_space<vmem>>, vector<1x16xf32>,
        %parallel_loop3A_638 = vector.shape_cast %parallel_loop3A_637 : vector<1x16xf32> to vector<16xf32>
        %parallel_loop3A_639 = arith.constant 3 : i32
        %parallel_loop3A_640 = arith.index_cast %parallel_loop3A_639 : i32 to index
        %parallel_loop3A_641 = arith.index_cast %parallel_loop3A_633 : i32 to index
        %parallel_loop3A_642 = tpu.vector_load %arg5[%parallel_loop3A_640, %parallel_loop3A_641] {strides = array<i32>} : memref<8x1024xf32, #tpu.memory_space<vmem>>, vector<1x16xf32>,
        %parallel_loop3A_643 = vector.shape_cast %parallel_loop3A_642 : vector<1x16xf32> to vector<16xf32>
        %parallel_loop3A_644 = arith.addf %parallel_loop3A_638, %parallel_loop3A_643 : vector<16xf32>
        %parallel_loop3A_645 = arith.constant 3 : i32
        %parallel_loop3A_646 = arith.index_cast %parallel_loop3A_645 : i32 to index
        %parallel_loop3A_647 = arith.index_cast %parallel_loop3A_633 : i32 to index
        %parallel_loop3A_648 = tpu.vector_load %arg13[%parallel_loop3A_646, %parallel_loop3A_647] {strides = array<i32>} : memref<8x1024xf32, #tpu.memory_space<vmem>>, vector<1x16xf32>,
        %parallel_loop3A_649 = vector.shape_cast %parallel_loop3A_648 : vector<1x16xf32> to vector<16xf32>
        %parallel_loop3A_650 = vector.shape_cast %parallel_loop3A_644 : vector<16xf32> to vector<1x16xf32>
        tpu.vector_store %arg13[%parallel_loop3A_646, %parallel_loop3A_647], %parallel_loop3A_650 {strides = array<i32>} : memref<8x1024xf32, #tpu.memory_space<vmem>>, vector<1x16xf32>,
      } {sc.loop_unroll_factor = 8 : i64, sc.parallel_access}
      %parallel_loop3A_282 = arith.constant 0 : i32
      %parallel_loop3A_283 = arith.constant 1024 : i32
      %parallel_loop3A_284 = arith.constant 16 : i32
      scf.for %parallel_loop3A_633 = %parallel_loop3A_282 to %parallel_loop3A_283 step %parallel_loop3A_284  : i32 {
        %parallel_loop3A_634 = arith.constant 4 : i32
        %parallel_loop3A_635 = arith.index_cast %parallel_loop3A_634 : i32 to index
        %parallel_loop3A_636 = arith.index_cast %parallel_loop3A_633 : i32 to index
        %parallel_loop3A_637 = tpu.vector_load %arg9[%parallel_loop3A_635, %parallel_loop3A_636] {strides = array<i32>} : memref<8x1024xf32, #tpu.memory_space<vmem>>, vector<1x16xf32>,
        %parallel_loop3A_638 = vector.shape_cast %parallel_loop3A_637 : vector<1x16xf32> to vector<16xf32>
        %parallel_loop3A_639 = arith.constant 4 : i32
        %parallel_loop3A_640 = arith.index_cast %parallel_loop3A_639 : i32 to index
        %parallel_loop3A_641 = arith.index_cast %parallel_loop3A_633 : i32 to index
        %parallel_loop3A_642 = tpu.vector_load %arg5[%parallel_loop3A_640, %parallel_loop3A_641] {strides = array<i32>} : memref<8x1024xf32, #tpu.memory_space<vmem>>, vector<1x16xf32>,
        %parallel_loop3A_643 = vector.shape_cast %parallel_loop3A_642 : vector<1x16xf32> to vector<16xf32>
        %parallel_loop3A_644 = arith.addf %parallel_loop3A_638, %parallel_loop3A_643 : vector<16xf32>
        %parallel_loop3A_645 = arith.constant 4 : i32
        %parallel_loop3A_646 = arith.index_cast %parallel_loop3A_645 : i32 to index
        %parallel_loop3A_647 = arith.index_cast %parallel_loop3A_633 : i32 to index
        %parallel_loop3A_648 = tpu.vector_load %arg13[%parallel_loop3A_646, %parallel_loop3A_647] {strides = array<i32>} : memref<8x1024xf32, #tpu.memory_space<vmem>>, vector<1x16xf32>,
        %parallel_loop3A_649 = vector.shape_cast %parallel_loop3A_648 : vector<1x16xf32> to vector<16xf32>
        %parallel_loop3A_650 = vector.shape_cast %parallel_loop3A_644 : vector<16xf32> to vector<1x16xf32>
        tpu.vector_store %arg13[%parallel_loop3A_646, %parallel_loop3A_647], %parallel_loop3A_650 {strides = array<i32>} : memref<8x1024xf32, #tpu.memory_space<vmem>>, vector<1x16xf32>,
      } {sc.loop_unroll_factor = 8 : i64, sc.parallel_access}
      %parallel_loop3A_285 = arith.constant 0 : i32
      %parallel_loop3A_286 = arith.constant 1024 : i32
      %parallel_loop3A_287 = arith.constant 16 : i32
      scf.for %parallel_loop3A_633 = %parallel_loop3A_285 to %parallel_loop3A_286 step %parallel_loop3A_287  : i32 {
        %parallel_loop3A_634 = arith.constant 5 : i32
        %parallel_loop3A_635 = arith.index_cast %parallel_loop3A_634 : i32 to index
        %parallel_loop3A_636 = arith.index_cast %parallel_loop3A_633 : i32 to index
        %parallel_loop3A_637 = tpu.vector_load %arg9[%parallel_loop3A_635, %parallel_loop3A_636] {strides = array<i32>} : memref<8x1024xf32, #tpu.memory_space<vmem>>, vector<1x16xf32>,
        %parallel_loop3A_638 = vector.shape_cast %parallel_loop3A_637 : vector<1x16xf32> to vector<16xf32>
        %parallel_loop3A_639 = arith.constant 5 : i32
        %parallel_loop3A_640 = arith.index_cast %parallel_loop3A_639 : i32 to index
        %parallel_loop3A_641 = arith.index_cast %parallel_loop3A_633 : i32 to index
        %parallel_loop3A_642 = tpu.vector_load %arg5[%parallel_loop3A_640, %parallel_loop3A_641] {strides = array<i32>} : memref<8x1024xf32, #tpu.memory_space<vmem>>, vector<1x16xf32>,
        %parallel_loop3A_643 = vector.shape_cast %parallel_loop3A_642 : vector<1x16xf32> to vector<16xf32>
        %parallel_loop3A_644 = arith.addf %parallel_loop3A_638, %parallel_loop3A_643 : vector<16xf32>
        %parallel_loop3A_645 = arith.constant 5 : i32
        %parallel_loop3A_646 = arith.index_cast %parallel_loop3A_645 : i32 to index
        %parallel_loop3A_647 = arith.index_cast %parallel_loop3A_633 : i32 to index
        %parallel_loop3A_648 = tpu.vector_load %arg13[%parallel_loop3A_646, %parallel_loop3A_647] {strides = array<i32>} : memref<8x1024xf32, #tpu.memory_space<vmem>>, vector<1x16xf32>,
        %parallel_loop3A_649 = vector.shape_cast %parallel_loop3A_648 : vector<1x16xf32> to vector<16xf32>
        %parallel_loop3A_650 = vector.shape_cast %parallel_loop3A_644 : vector<16xf32> to vector<1x16xf32>
        tpu.vector_store %arg13[%parallel_loop3A_646, %parallel_loop3A_647], %parallel_loop3A_650 {strides = array<i32>} : memref<8x1024xf32, #tpu.memory_space<vmem>>, vector<1x16xf32>,
      } {sc.loop_unroll_factor = 8 : i64, sc.parallel_access}
      %parallel_loop3A_288 = arith.constant 0 : i32
      %parallel_loop3A_289 = arith.constant 1024 : i32
      %parallel_loop3A_290 = arith.constant 16 : i32
      scf.for %parallel_loop3A_633 = %parallel_loop3A_288 to %parallel_loop3A_289 step %parallel_loop3A_290  : i32 {
        %parallel_loop3A_634 = arith.constant 6 : i32
        %parallel_loop3A_635 = arith.index_cast %parallel_loop3A_634 : i32 to index
        %parallel_loop3A_636 = arith.index_cast %parallel_loop3A_633 : i32 to index
        %parallel_loop3A_637 = tpu.vector_load %arg9[%parallel_loop3A_635, %parallel_loop3A_636] {strides = array<i32>} : memref<8x1024xf32, #tpu.memory_space<vmem>>, vector<1x16xf32>,
        %parallel_loop3A_638 = vector.shape_cast %parallel_loop3A_637 : vector<1x16xf32> to vector<16xf32>
        %parallel_loop3A_639 = arith.constant 6 : i32
        %parallel_loop3A_640 = arith.index_cast %parallel_loop3A_639 : i32 to index
        %parallel_loop3A_641 = arith.index_cast %parallel_loop3A_633 : i32 to index
        %parallel_loop3A_642 = tpu.vector_load %arg5[%parallel_loop3A_640, %parallel_loop3A_641] {strides = array<i32>} : memref<8x1024xf32, #tpu.memory_space<vmem>>, vector<1x16xf32>,
        %parallel_loop3A_643 = vector.shape_cast %parallel_loop3A_642 : vector<1x16xf32> to vector<16xf32>
        %parallel_loop3A_644 = arith.addf %parallel_loop3A_638, %parallel_loop3A_643 : vector<16xf32>
        %parallel_loop3A_645 = arith.constant 6 : i32
        %parallel_loop3A_646 = arith.index_cast %parallel_loop3A_645 : i32 to index
        %parallel_loop3A_647 = arith.index_cast %parallel_loop3A_633 : i32 to index
        %parallel_loop3A_648 = tpu.vector_load %arg13[%parallel_loop3A_646, %parallel_loop3A_647] {strides = array<i32>} : memref<8x1024xf32, #tpu.memory_space<vmem>>, vector<1x16xf32>,
        %parallel_loop3A_649 = vector.shape_cast %parallel_loop3A_648 : vector<1x16xf32> to vector<16xf32>
        %parallel_loop3A_650 = vector.shape_cast %parallel_loop3A_644 : vector<16xf32> to vector<1x16xf32>
        tpu.vector_store %arg13[%parallel_loop3A_646, %parallel_loop3A_647], %parallel_loop3A_650 {strides = array<i32>} : memref<8x1024xf32, #tpu.memory_space<vmem>>, vector<1x16xf32>,
      } {sc.loop_unroll_factor = 8 : i64, sc.parallel_access}
      %parallel_loop3A_291 = arith.constant 0 : i32
      %parallel_loop3A_292 = arith.constant 1024 : i32
      %parallel_loop3A_293 = arith.constant 16 : i32
      scf.for %parallel_loop3A_633 = %parallel_loop3A_291 to %parallel_loop3A_292 step %parallel_loop3A_293  : i32 {
        %parallel_loop3A_634 = arith.constant 7 : i32
        %parallel_loop3A_635 = arith.index_cast %parallel_loop3A_634 : i32 to index
        %parallel_loop3A_636 = arith.index_cast %parallel_loop3A_633 : i32 to index
        %parallel_loop3A_637 = tpu.vector_load %arg9[%parallel_loop3A_635, %parallel_loop3A_636] {strides = array<i32>} : memref<8x1024xf32, #tpu.memory_space<vmem>>, vector<1x16xf32>,
        %parallel_loop3A_638 = vector.shape_cast %parallel_loop3A_637 : vector<1x16xf32> to vector<16xf32>
        %parallel_loop3A_639 = arith.constant 7 : i32
        %parallel_loop3A_640 = arith.index_cast %parallel_loop3A_639 : i32 to index
        %parallel_loop3A_641 = arith.index_cast %parallel_loop3A_633 : i32 to index
        %parallel_loop3A_642 = tpu.vector_load %arg5[%parallel_loop3A_640, %parallel_loop3A_641] {strides = array<i32>} : memref<8x1024xf32, #tpu.memory_space<vmem>>, vector<1x16xf32>,
        %parallel_loop3A_643 = vector.shape_cast %parallel_loop3A_642 : vector<1x16xf32> to vector<16xf32>
        %parallel_loop3A_644 = arith.addf %parallel_loop3A_638, %parallel_loop3A_643 : vector<16xf32>
        %parallel_loop3A_645 = arith.constant 7 : i32
        %parallel_loop3A_646 = arith.index_cast %parallel_loop3A_645 : i32 to index
        %parallel_loop3A_647 = arith.index_cast %parallel_loop3A_633 : i32 to index
        %parallel_loop3A_648 = tpu.vector_load %arg13[%parallel_loop3A_646, %parallel_loop3A_647] {strides = array<i32>} : memref<8x1024xf32, #tpu.memory_space<vmem>>, vector<1x16xf32>,
        %parallel_loop3A_649 = vector.shape_cast %parallel_loop3A_648 : vector<1x16xf32> to vector<16xf32>
        %parallel_loop3A_650 = vector.shape_cast %parallel_loop3A_644 : vector<16xf32> to vector<1x16xf32>
        tpu.vector_store %arg13[%parallel_loop3A_646, %parallel_loop3A_647], %parallel_loop3A_650 {strides = array<i32>} : memref<8x1024xf32, #tpu.memory_space<vmem>>, vector<1x16xf32>,
      } {sc.loop_unroll_factor = 8 : i64, sc.parallel_access}
      %mul3A_294 = arith.constant 8 : i32
      %mul3A_295 = arith.muli %add3A_254, %mul3A_294 : i32
      %add3A_296 = arith.addi %mul3A_2, %mul3A_295 : i32
      %dma_start3A_297 = arith.constant 2 : i32
      %dma_start3A_298 = arith.constant 0 : i32
      %dma_start3A_299 = tpu.memref_slice %arg4[%dma_start3A_297, %add3A_296, %dma_start3A_298] : memref<4x8192x1024xf32, #tpu.memory_space<hbm>> -> memref<1x8x1024xf32, #tpu.memory_space<hbm>>
      %dma_start3A_300 = tpu.memref_squeeze %dma_start3A_299 : memref<1x8x1024xf32, #tpu.memory_space<hbm>> -> memref<8x1024xf32, #tpu.memory_space<hbm>>
      %dma_start3A_301 = arith.constant 0 : i32
      %dma_start3A_302 = tpu.memref_slice %arg4[%dma_start3A_297, %add3A_296, %dma_start3A_301] : memref<4x8192x1024xf32, #tpu.memory_space<hbm>> -> memref<1x8x1024xf32, #tpu.memory_space<hbm>>
      %dma_start3A_303 = tpu.memref_squeeze %dma_start3A_302 : memref<1x8x1024xf32, #tpu.memory_space<hbm>> -> memref<8x1024xf32, #tpu.memory_space<hbm>>
      tpu.enqueue_dma source(%arg13 : memref<8x1024xf32, #tpu.memory_space<vmem>>) target(%dma_start3A_303 : memref<8x1024xf32, #tpu.memory_space<hbm>>) target_semaphore(%arg25 : memref<!tpu.dma_semaphore, #tpu.memory_space<semaphore_mem>>)
      %add3A_304 = arith.constant 1 : i32
      %add3A_305 = arith.addi %add3A_254, %add3A_304 : i32
      %lt3A_306 = arith.constant 32 : i32
      %lt3A_307 = arith.cmpi slt, %add3A_305, %lt3A_306 : i32
      %convert_element_type3A_308 = arith.extui %lt3A_307 : i1 to i32
      %cond3A_309 = arith.constant 0 : i32
      %cond3A_310 = arith.cmpi ne, %convert_element_type3A_308, %cond3A_309 : i32
      scf.if %cond3A_310 {
        %add3A_633 = arith.constant 1 : i32
        %add3A_634 = arith.addi %add3A_254, %add3A_633 : i32
        %mul3A_635 = arith.constant 8 : i32
        %mul3A_636 = arith.muli %add3A_634, %mul3A_635 : i32
        %add3A_637 = arith.addi %mul3A_2, %mul3A_636 : i32
        %dma_start3A_638 = arith.constant 2 : i32
        %dma_start3A_639 = arith.constant 0 : i32
        %dma_start3A_640 = tpu.memref_slice %arg2[%dma_start3A_638, %add3A_637, %dma_start3A_639] : memref<4x8192x1024xf32, #tpu.memory_space<hbm>> -> memref<1x8x1024xf32, #tpu.memory_space<hbm>>
        %dma_start3A_641 = tpu.memref_squeeze %dma_start3A_640 : memref<1x8x1024xf32, #tpu.memory_space<hbm>> -> memref<8x1024xf32, #tpu.memory_space<hbm>>
        %dma_start3A_642 = arith.constant 0 : i32
        %dma_start3A_643 = tpu.memref_slice %arg2[%dma_start3A_638, %add3A_637, %dma_start3A_642] : memref<4x8192x1024xf32, #tpu.memory_space<hbm>> -> memref<1x8x1024xf32, #tpu.memory_space<hbm>>
        %dma_start3A_644 = tpu.memref_squeeze %dma_start3A_643 : memref<1x8x1024xf32, #tpu.memory_space<hbm>> -> memref<8x1024xf32, #tpu.memory_space<hbm>>
        tpu.enqueue_dma source(%dma_start3A_644 : memref<8x1024xf32, #tpu.memory_space<hbm>>) target(%arg9 : memref<8x1024xf32, #tpu.memory_space<vmem>>) target_semaphore(%arg21 : memref<!tpu.dma_semaphore, #tpu.memory_space<semaphore_mem>>)
      } else {
      }
      %mul3A_311 = arith.constant 2 : i32
      %mul3A_312 = arith.muli %scan3A_127, %mul3A_311 : i32
      %add3A_313 = arith.constant 0 : i32
      %add3A_314 = arith.addi %mul3A_312, %add3A_313 : i32
      %mul3A_315 = arith.constant 8 : i32
      %mul3A_316 = arith.muli %add3A_314, %mul3A_315 : i32
      %add3A_317 = arith.addi %mul3A_2, %mul3A_316 : i32
      %dma_wait3A_318 = arith.constant 3 : i32
      %dma_wait3A_319 = arith.constant 0 : i32
      %dma_wait3A_320 = tpu.memref_slice %arg2[%dma_wait3A_318, %add3A_317, %dma_wait3A_319] : memref<4x8192x1024xf32, #tpu.memory_space<hbm>> -> memref<1x8x1024xf32, #tpu.memory_space<hbm>>
      %dma_wait3A_321 = tpu.memref_squeeze %dma_wait3A_320 : memref<1x8x1024xf32, #tpu.memory_space<hbm>> -> memref<8x1024xf32, #tpu.memory_space<hbm>>
      %dma_wait3A_322 = arith.constant 0 : i32
      %dma_wait3A_323 = tpu.memref_slice %arg2[%dma_wait3A_318, %add3A_317, %dma_wait3A_322] : memref<4x8192x1024xf32, #tpu.memory_space<hbm>> -> memref<1x8x1024xf32, #tpu.memory_space<hbm>>
      %dma_wait3A_324 = tpu.memref_squeeze %dma_wait3A_323 : memref<1x8x1024xf32, #tpu.memory_space<hbm>> -> memref<8x1024xf32, #tpu.memory_space<hbm>>
      tpu.wait_dma2 semaphore(%arg22 : memref<!tpu.dma_semaphore, #tpu.memory_space<semaphore_mem>>) src(%dma_wait3A_324 : memref<8x1024xf32, #tpu.memory_space<hbm>>) dst(%arg10 : memref<8x1024xf32, #tpu.memory_space<vmem>>)
      %ge3A_325 = arith.constant 2 : i32
      %ge3A_326 = arith.cmpi sge, %add3A_314, %ge3A_325 : i32
      %convert_element_type3A_327 = arith.extui %ge3A_326 : i1 to i32
      %cond3A_328 = arith.constant 0 : i32
      %cond3A_329 = arith.cmpi ne, %convert_element_type3A_327, %cond3A_328 : i32
      scf.if %cond3A_329 {
        %sub3A = arith.constant 2 : i32
        %sub3A_633 = arith.subi %add3A_314, %sub3A : i32
        %mul3A_634 = arith.constant 8 : i32
        %mul3A_635 = arith.muli %sub3A_633, %mul3A_634 : i32
        %add3A_636 = arith.addi %mul3A_2, %mul3A_635 : i32
        %dma_wait3A_637 = arith.constant 3 : i32
        %dma_wait3A_638 = arith.constant 0 : i32
        %dma_wait3A_639 = tpu.memref_slice %arg4[%dma_wait3A_637, %add3A_636, %dma_wait3A_638] : memref<4x8192x1024xf32, #tpu.memory_space<hbm>> -> memref<1x8x1024xf32, #tpu.memory_space<hbm>>
        %dma_wait3A_640 = tpu.memref_squeeze %dma_wait3A_639 : memref<1x8x1024xf32, #tpu.memory_space<hbm>> -> memref<8x1024xf32, #tpu.memory_space<hbm>>
        %dma_wait3A_641 = arith.constant 0 : i32
        %dma_wait3A_642 = tpu.memref_slice %arg4[%dma_wait3A_637, %add3A_636, %dma_wait3A_641] : memref<4x8192x1024xf32, #tpu.memory_space<hbm>> -> memref<1x8x1024xf32, #tpu.memory_space<hbm>>
        %dma_wait3A_643 = tpu.memref_squeeze %dma_wait3A_642 : memref<1x8x1024xf32, #tpu.memory_space<hbm>> -> memref<8x1024xf32, #tpu.memory_space<hbm>>
        tpu.wait_dma2 semaphore(%arg26 : memref<!tpu.dma_semaphore, #tpu.memory_space<semaphore_mem>>) src(%arg14 : memref<8x1024xf32, #tpu.memory_space<vmem>>) dst(%dma_wait3A_643 : memref<8x1024xf32, #tpu.memory_space<hbm>>)
      } else {
      }
      %parallel_loop3A_330 = arith.constant 0 : i32
      %parallel_loop3A_331 = arith.constant 1024 : i32
      %parallel_loop3A_332 = arith.constant 16 : i32
      scf.for %parallel_loop3A_633 = %parallel_loop3A_330 to %parallel_loop3A_331 step %parallel_loop3A_332  : i32 {
        %parallel_loop3A_634 = arith.constant 0 : i32
        %parallel_loop3A_635 = arith.index_cast %parallel_loop3A_634 : i32 to index
        %parallel_loop3A_636 = arith.index_cast %parallel_loop3A_633 : i32 to index
        %parallel_loop3A_637 = tpu.vector_load %arg10[%parallel_loop3A_635, %parallel_loop3A_636] {strides = array<i32>} : memref<8x1024xf32, #tpu.memory_space<vmem>>, vector<1x16xf32>,
        %parallel_loop3A_638 = vector.shape_cast %parallel_loop3A_637 : vector<1x16xf32> to vector<16xf32>
        %parallel_loop3A_639 = arith.constant 0 : i32
        %parallel_loop3A_640 = arith.index_cast %parallel_loop3A_639 : i32 to index
        %parallel_loop3A_641 = arith.index_cast %parallel_loop3A_633 : i32 to index
        %parallel_loop3A_642 = tpu.vector_load %arg5[%parallel_loop3A_640, %parallel_loop3A_641] {strides = array<i32>} : memref<8x1024xf32, #tpu.memory_space<vmem>>, vector<1x16xf32>,
        %parallel_loop3A_643 = vector.shape_cast %parallel_loop3A_642 : vector<1x16xf32> to vector<16xf32>
        %parallel_loop3A_644 = arith.addf %parallel_loop3A_638, %parallel_loop3A_643 : vector<16xf32>
        %parallel_loop3A_645 = arith.constant 0 : i32
        %parallel_loop3A_646 = arith.index_cast %parallel_loop3A_645 : i32 to index
        %parallel_loop3A_647 = arith.index_cast %parallel_loop3A_633 : i32 to index
        %parallel_loop3A_648 = tpu.vector_load %arg14[%parallel_loop3A_646, %parallel_loop3A_647] {strides = array<i32>} : memref<8x1024xf32, #tpu.memory_space<vmem>>, vector<1x16xf32>,
        %parallel_loop3A_649 = vector.shape_cast %parallel_loop3A_648 : vector<1x16xf32> to vector<16xf32>
        %parallel_loop3A_650 = vector.shape_cast %parallel_loop3A_644 : vector<16xf32> to vector<1x16xf32>
        tpu.vector_store %arg14[%parallel_loop3A_646, %parallel_loop3A_647], %parallel_loop3A_650 {strides = array<i32>} : memref<8x1024xf32, #tpu.memory_space<vmem>>, vector<1x16xf32>,
      } {sc.loop_unroll_factor = 8 : i64, sc.parallel_access}
      %parallel_loop3A_333 = arith.constant 0 : i32
      %parallel_loop3A_334 = arith.constant 1024 : i32
      %parallel_loop3A_335 = arith.constant 16 : i32
      scf.for %parallel_loop3A_633 = %parallel_loop3A_333 to %parallel_loop3A_334 step %parallel_loop3A_335  : i32 {
        %parallel_loop3A_634 = arith.constant 1 : i32
        %parallel_loop3A_635 = arith.index_cast %parallel_loop3A_634 : i32 to index
        %parallel_loop3A_636 = arith.index_cast %parallel_loop3A_633 : i32 to index
        %parallel_loop3A_637 = tpu.vector_load %arg10[%parallel_loop3A_635, %parallel_loop3A_636] {strides = array<i32>} : memref<8x1024xf32, #tpu.memory_space<vmem>>, vector<1x16xf32>,
        %parallel_loop3A_638 = vector.shape_cast %parallel_loop3A_637 : vector<1x16xf32> to vector<16xf32>
        %parallel_loop3A_639 = arith.constant 1 : i32
        %parallel_loop3A_640 = arith.index_cast %parallel_loop3A_639 : i32 to index
        %parallel_loop3A_641 = arith.index_cast %parallel_loop3A_633 : i32 to index
        %parallel_loop3A_642 = tpu.vector_load %arg5[%parallel_loop3A_640, %parallel_loop3A_641] {strides = array<i32>} : memref<8x1024xf32, #tpu.memory_space<vmem>>, vector<1x16xf32>,
        %parallel_loop3A_643 = vector.shape_cast %parallel_loop3A_642 : vector<1x16xf32> to vector<16xf32>
        %parallel_loop3A_644 = arith.addf %parallel_loop3A_638, %parallel_loop3A_643 : vector<16xf32>
        %parallel_loop3A_645 = arith.constant 1 : i32
        %parallel_loop3A_646 = arith.index_cast %parallel_loop3A_645 : i32 to index
        %parallel_loop3A_647 = arith.index_cast %parallel_loop3A_633 : i32 to index
        %parallel_loop3A_648 = tpu.vector_load %arg14[%parallel_loop3A_646, %parallel_loop3A_647] {strides = array<i32>} : memref<8x1024xf32, #tpu.memory_space<vmem>>, vector<1x16xf32>,
        %parallel_loop3A_649 = vector.shape_cast %parallel_loop3A_648 : vector<1x16xf32> to vector<16xf32>
        %parallel_loop3A_650 = vector.shape_cast %parallel_loop3A_644 : vector<16xf32> to vector<1x16xf32>
        tpu.vector_store %arg14[%parallel_loop3A_646, %parallel_loop3A_647], %parallel_loop3A_650 {strides = array<i32>} : memref<8x1024xf32, #tpu.memory_space<vmem>>, vector<1x16xf32>,
      } {sc.loop_unroll_factor = 8 : i64, sc.parallel_access}
      %parallel_loop3A_336 = arith.constant 0 : i32
      %parallel_loop3A_337 = arith.constant 1024 : i32
      %parallel_loop3A_338 = arith.constant 16 : i32
      scf.for %parallel_loop3A_633 = %parallel_loop3A_336 to %parallel_loop3A_337 step %parallel_loop3A_338  : i32 {
        %parallel_loop3A_634 = arith.constant 2 : i32
        %parallel_loop3A_635 = arith.index_cast %parallel_loop3A_634 : i32 to index
        %parallel_loop3A_636 = arith.index_cast %parallel_loop3A_633 : i32 to index
        %parallel_loop3A_637 = tpu.vector_load %arg10[%parallel_loop3A_635, %parallel_loop3A_636] {strides = array<i32>} : memref<8x1024xf32, #tpu.memory_space<vmem>>, vector<1x16xf32>,
        %parallel_loop3A_638 = vector.shape_cast %parallel_loop3A_637 : vector<1x16xf32> to vector<16xf32>
        %parallel_loop3A_639 = arith.constant 2 : i32
        %parallel_loop3A_640 = arith.index_cast %parallel_loop3A_639 : i32 to index
        %parallel_loop3A_641 = arith.index_cast %parallel_loop3A_633 : i32 to index
        %parallel_loop3A_642 = tpu.vector_load %arg5[%parallel_loop3A_640, %parallel_loop3A_641] {strides = array<i32>} : memref<8x1024xf32, #tpu.memory_space<vmem>>, vector<1x16xf32>,
        %parallel_loop3A_643 = vector.shape_cast %parallel_loop3A_642 : vector<1x16xf32> to vector<16xf32>
        %parallel_loop3A_644 = arith.addf %parallel_loop3A_638, %parallel_loop3A_643 : vector<16xf32>
        %parallel_loop3A_645 = arith.constant 2 : i32
        %parallel_loop3A_646 = arith.index_cast %parallel_loop3A_645 : i32 to index
        %parallel_loop3A_647 = arith.index_cast %parallel_loop3A_633 : i32 to index
        %parallel_loop3A_648 = tpu.vector_load %arg14[%parallel_loop3A_646, %parallel_loop3A_647] {strides = array<i32>} : memref<8x1024xf32, #tpu.memory_space<vmem>>, vector<1x16xf32>,
        %parallel_loop3A_649 = vector.shape_cast %parallel_loop3A_648 : vector<1x16xf32> to vector<16xf32>
        %parallel_loop3A_650 = vector.shape_cast %parallel_loop3A_644 : vector<16xf32> to vector<1x16xf32>
        tpu.vector_store %arg14[%parallel_loop3A_646, %parallel_loop3A_647], %parallel_loop3A_650 {strides = array<i32>} : memref<8x1024xf32, #tpu.memory_space<vmem>>, vector<1x16xf32>,
      } {sc.loop_unroll_factor = 8 : i64, sc.parallel_access}
      %parallel_loop3A_339 = arith.constant 0 : i32
      %parallel_loop3A_340 = arith.constant 1024 : i32
      %parallel_loop3A_341 = arith.constant 16 : i32
      scf.for %parallel_loop3A_633 = %parallel_loop3A_339 to %parallel_loop3A_340 step %parallel_loop3A_341  : i32 {
        %parallel_loop3A_634 = arith.constant 3 : i32
        %parallel_loop3A_635 = arith.index_cast %parallel_loop3A_634 : i32 to index
        %parallel_loop3A_636 = arith.index_cast %parallel_loop3A_633 : i32 to index
        %parallel_loop3A_637 = tpu.vector_load %arg10[%parallel_loop3A_635, %parallel_loop3A_636] {strides = array<i32>} : memref<8x1024xf32, #tpu.memory_space<vmem>>, vector<1x16xf32>,
        %parallel_loop3A_638 = vector.shape_cast %parallel_loop3A_637 : vector<1x16xf32> to vector<16xf32>
        %parallel_loop3A_639 = arith.constant 3 : i32
        %parallel_loop3A_640 = arith.index_cast %parallel_loop3A_639 : i32 to index
        %parallel_loop3A_641 = arith.index_cast %parallel_loop3A_633 : i32 to index
        %parallel_loop3A_642 = tpu.vector_load %arg5[%parallel_loop3A_640, %parallel_loop3A_641] {strides = array<i32>} : memref<8x1024xf32, #tpu.memory_space<vmem>>, vector<1x16xf32>,
        %parallel_loop3A_643 = vector.shape_cast %parallel_loop3A_642 : vector<1x16xf32> to vector<16xf32>
        %parallel_loop3A_644 = arith.addf %parallel_loop3A_638, %parallel_loop3A_643 : vector<16xf32>
        %parallel_loop3A_645 = arith.constant 3 : i32
        %parallel_loop3A_646 = arith.index_cast %parallel_loop3A_645 : i32 to index
        %parallel_loop3A_647 = arith.index_cast %parallel_loop3A_633 : i32 to index
        %parallel_loop3A_648 = tpu.vector_load %arg14[%parallel_loop3A_646, %parallel_loop3A_647] {strides = array<i32>} : memref<8x1024xf32, #tpu.memory_space<vmem>>, vector<1x16xf32>,
        %parallel_loop3A_649 = vector.shape_cast %parallel_loop3A_648 : vector<1x16xf32> to vector<16xf32>
        %parallel_loop3A_650 = vector.shape_cast %parallel_loop3A_644 : vector<16xf32> to vector<1x16xf32>
        tpu.vector_store %arg14[%parallel_loop3A_646, %parallel_loop3A_647], %parallel_loop3A_650 {strides = array<i32>} : memref<8x1024xf32, #tpu.memory_space<vmem>>, vector<1x16xf32>,
      } {sc.loop_unroll_factor = 8 : i64, sc.parallel_access}
      %parallel_loop3A_342 = arith.constant 0 : i32
      %parallel_loop3A_343 = arith.constant 1024 : i32
      %parallel_loop3A_344 = arith.constant 16 : i32
      scf.for %parallel_loop3A_633 = %parallel_loop3A_342 to %parallel_loop3A_343 step %parallel_loop3A_344  : i32 {
        %parallel_loop3A_634 = arith.constant 4 : i32
        %parallel_loop3A_635 = arith.index_cast %parallel_loop3A_634 : i32 to index
        %parallel_loop3A_636 = arith.index_cast %parallel_loop3A_633 : i32 to index
        %parallel_loop3A_637 = tpu.vector_load %arg10[%parallel_loop3A_635, %parallel_loop3A_636] {strides = array<i32>} : memref<8x1024xf32, #tpu.memory_space<vmem>>, vector<1x16xf32>,
        %parallel_loop3A_638 = vector.shape_cast %parallel_loop3A_637 : vector<1x16xf32> to vector<16xf32>
        %parallel_loop3A_639 = arith.constant 4 : i32
        %parallel_loop3A_640 = arith.index_cast %parallel_loop3A_639 : i32 to index
        %parallel_loop3A_641 = arith.index_cast %parallel_loop3A_633 : i32 to index
        %parallel_loop3A_642 = tpu.vector_load %arg5[%parallel_loop3A_640, %parallel_loop3A_641] {strides = array<i32>} : memref<8x1024xf32, #tpu.memory_space<vmem>>, vector<1x16xf32>,
        %parallel_loop3A_643 = vector.shape_cast %parallel_loop3A_642 : vector<1x16xf32> to vector<16xf32>
        %parallel_loop3A_644 = arith.addf %parallel_loop3A_638, %parallel_loop3A_643 : vector<16xf32>
        %parallel_loop3A_645 = arith.constant 4 : i32
        %parallel_loop3A_646 = arith.index_cast %parallel_loop3A_645 : i32 to index
        %parallel_loop3A_647 = arith.index_cast %parallel_loop3A_633 : i32 to index
        %parallel_loop3A_648 = tpu.vector_load %arg14[%parallel_loop3A_646, %parallel_loop3A_647] {strides = array<i32>} : memref<8x1024xf32, #tpu.memory_space<vmem>>, vector<1x16xf32>,
        %parallel_loop3A_649 = vector.shape_cast %parallel_loop3A_648 : vector<1x16xf32> to vector<16xf32>
        %parallel_loop3A_650 = vector.shape_cast %parallel_loop3A_644 : vector<16xf32> to vector<1x16xf32>
        tpu.vector_store %arg14[%parallel_loop3A_646, %parallel_loop3A_647], %parallel_loop3A_650 {strides = array<i32>} : memref<8x1024xf32, #tpu.memory_space<vmem>>, vector<1x16xf32>,
      } {sc.loop_unroll_factor = 8 : i64, sc.parallel_access}
      %parallel_loop3A_345 = arith.constant 0 : i32
      %parallel_loop3A_346 = arith.constant 1024 : i32
      %parallel_loop3A_347 = arith.constant 16 : i32
      scf.for %parallel_loop3A_633 = %parallel_loop3A_345 to %parallel_loop3A_346 step %parallel_loop3A_347  : i32 {
        %parallel_loop3A_634 = arith.constant 5 : i32
        %parallel_loop3A_635 = arith.index_cast %parallel_loop3A_634 : i32 to index
        %parallel_loop3A_636 = arith.index_cast %parallel_loop3A_633 : i32 to index
        %parallel_loop3A_637 = tpu.vector_load %arg10[%parallel_loop3A_635, %parallel_loop3A_636] {strides = array<i32>} : memref<8x1024xf32, #tpu.memory_space<vmem>>, vector<1x16xf32>,
        %parallel_loop3A_638 = vector.shape_cast %parallel_loop3A_637 : vector<1x16xf32> to vector<16xf32>
        %parallel_loop3A_639 = arith.constant 5 : i32
        %parallel_loop3A_640 = arith.index_cast %parallel_loop3A_639 : i32 to index
        %parallel_loop3A_641 = arith.index_cast %parallel_loop3A_633 : i32 to index
        %parallel_loop3A_642 = tpu.vector_load %arg5[%parallel_loop3A_640, %parallel_loop3A_641] {strides = array<i32>} : memref<8x1024xf32, #tpu.memory_space<vmem>>, vector<1x16xf32>,
        %parallel_loop3A_643 = vector.shape_cast %parallel_loop3A_642 : vector<1x16xf32> to vector<16xf32>
        %parallel_loop3A_644 = arith.addf %parallel_loop3A_638, %parallel_loop3A_643 : vector<16xf32>
        %parallel_loop3A_645 = arith.constant 5 : i32
        %parallel_loop3A_646 = arith.index_cast %parallel_loop3A_645 : i32 to index
        %parallel_loop3A_647 = arith.index_cast %parallel_loop3A_633 : i32 to index
        %parallel_loop3A_648 = tpu.vector_load %arg14[%parallel_loop3A_646, %parallel_loop3A_647] {strides = array<i32>} : memref<8x1024xf32, #tpu.memory_space<vmem>>, vector<1x16xf32>,
        %parallel_loop3A_649 = vector.shape_cast %parallel_loop3A_648 : vector<1x16xf32> to vector<16xf32>
        %parallel_loop3A_650 = vector.shape_cast %parallel_loop3A_644 : vector<16xf32> to vector<1x16xf32>
        tpu.vector_store %arg14[%parallel_loop3A_646, %parallel_loop3A_647], %parallel_loop3A_650 {strides = array<i32>} : memref<8x1024xf32, #tpu.memory_space<vmem>>, vector<1x16xf32>,
      } {sc.loop_unroll_factor = 8 : i64, sc.parallel_access}
      %parallel_loop3A_348 = arith.constant 0 : i32
      %parallel_loop3A_349 = arith.constant 1024 : i32
      %parallel_loop3A_350 = arith.constant 16 : i32
      scf.for %parallel_loop3A_633 = %parallel_loop3A_348 to %parallel_loop3A_349 step %parallel_loop3A_350  : i32 {
        %parallel_loop3A_634 = arith.constant 6 : i32
        %parallel_loop3A_635 = arith.index_cast %parallel_loop3A_634 : i32 to index
        %parallel_loop3A_636 = arith.index_cast %parallel_loop3A_633 : i32 to index
        %parallel_loop3A_637 = tpu.vector_load %arg10[%parallel_loop3A_635, %parallel_loop3A_636] {strides = array<i32>} : memref<8x1024xf32, #tpu.memory_space<vmem>>, vector<1x16xf32>,
        %parallel_loop3A_638 = vector.shape_cast %parallel_loop3A_637 : vector<1x16xf32> to vector<16xf32>
        %parallel_loop3A_639 = arith.constant 6 : i32
        %parallel_loop3A_640 = arith.index_cast %parallel_loop3A_639 : i32 to index
        %parallel_loop3A_641 = arith.index_cast %parallel_loop3A_633 : i32 to index
        %parallel_loop3A_642 = tpu.vector_load %arg5[%parallel_loop3A_640, %parallel_loop3A_641] {strides = array<i32>} : memref<8x1024xf32, #tpu.memory_space<vmem>>, vector<1x16xf32>,
        %parallel_loop3A_643 = vector.shape_cast %parallel_loop3A_642 : vector<1x16xf32> to vector<16xf32>
        %parallel_loop3A_644 = arith.addf %parallel_loop3A_638, %parallel_loop3A_643 : vector<16xf32>
        %parallel_loop3A_645 = arith.constant 6 : i32
        %parallel_loop3A_646 = arith.index_cast %parallel_loop3A_645 : i32 to index
        %parallel_loop3A_647 = arith.index_cast %parallel_loop3A_633 : i32 to index
        %parallel_loop3A_648 = tpu.vector_load %arg14[%parallel_loop3A_646, %parallel_loop3A_647] {strides = array<i32>} : memref<8x1024xf32, #tpu.memory_space<vmem>>, vector<1x16xf32>,
        %parallel_loop3A_649 = vector.shape_cast %parallel_loop3A_648 : vector<1x16xf32> to vector<16xf32>
        %parallel_loop3A_650 = vector.shape_cast %parallel_loop3A_644 : vector<16xf32> to vector<1x16xf32>
        tpu.vector_store %arg14[%parallel_loop3A_646, %parallel_loop3A_647], %parallel_loop3A_650 {strides = array<i32>} : memref<8x1024xf32, #tpu.memory_space<vmem>>, vector<1x16xf32>,
      } {sc.loop_unroll_factor = 8 : i64, sc.parallel_access}
      %parallel_loop3A_351 = arith.constant 0 : i32
      %parallel_loop3A_352 = arith.constant 1024 : i32
      %parallel_loop3A_353 = arith.constant 16 : i32
      scf.for %parallel_loop3A_633 = %parallel_loop3A_351 to %parallel_loop3A_352 step %parallel_loop3A_353  : i32 {
        %parallel_loop3A_634 = arith.constant 7 : i32
        %parallel_loop3A_635 = arith.index_cast %parallel_loop3A_634 : i32 to index
        %parallel_loop3A_636 = arith.index_cast %parallel_loop3A_633 : i32 to index
        %parallel_loop3A_637 = tpu.vector_load %arg10[%parallel_loop3A_635, %parallel_loop3A_636] {strides = array<i32>} : memref<8x1024xf32, #tpu.memory_space<vmem>>, vector<1x16xf32>,
        %parallel_loop3A_638 = vector.shape_cast %parallel_loop3A_637 : vector<1x16xf32> to vector<16xf32>
        %parallel_loop3A_639 = arith.constant 7 : i32
        %parallel_loop3A_640 = arith.index_cast %parallel_loop3A_639 : i32 to index
        %parallel_loop3A_641 = arith.index_cast %parallel_loop3A_633 : i32 to index
        %parallel_loop3A_642 = tpu.vector_load %arg5[%parallel_loop3A_640, %parallel_loop3A_641] {strides = array<i32>} : memref<8x1024xf32, #tpu.memory_space<vmem>>, vector<1x16xf32>,
        %parallel_loop3A_643 = vector.shape_cast %parallel_loop3A_642 : vector<1x16xf32> to vector<16xf32>
        %parallel_loop3A_644 = arith.addf %parallel_loop3A_638, %parallel_loop3A_643 : vector<16xf32>
        %parallel_loop3A_645 = arith.constant 7 : i32
        %parallel_loop3A_646 = arith.index_cast %parallel_loop3A_645 : i32 to index
        %parallel_loop3A_647 = arith.index_cast %parallel_loop3A_633 : i32 to index
        %parallel_loop3A_648 = tpu.vector_load %arg14[%parallel_loop3A_646, %parallel_loop3A_647] {strides = array<i32>} : memref<8x1024xf32, #tpu.memory_space<vmem>>, vector<1x16xf32>,
        %parallel_loop3A_649 = vector.shape_cast %parallel_loop3A_648 : vector<1x16xf32> to vector<16xf32>
        %parallel_loop3A_650 = vector.shape_cast %parallel_loop3A_644 : vector<16xf32> to vector<1x16xf32>
        tpu.vector_store %arg14[%parallel_loop3A_646, %parallel_loop3A_647], %parallel_loop3A_650 {strides = array<i32>} : memref<8x1024xf32, #tpu.memory_space<vmem>>, vector<1x16xf32>,
      } {sc.loop_unroll_factor = 8 : i64, sc.parallel_access}
      %mul3A_354 = arith.constant 8 : i32
      %mul3A_355 = arith.muli %add3A_314, %mul3A_354 : i32
      %add3A_356 = arith.addi %mul3A_2, %mul3A_355 : i32
      %dma_start3A_357 = arith.constant 3 : i32
      %dma_start3A_358 = arith.constant 0 : i32
      %dma_start3A_359 = tpu.memref_slice %arg4[%dma_start3A_357, %add3A_356, %dma_start3A_358] : memref<4x8192x1024xf32, #tpu.memory_space<hbm>> -> memref<1x8x1024xf32, #tpu.memory_space<hbm>>
      %dma_start3A_360 = tpu.memref_squeeze %dma_start3A_359 : memref<1x8x1024xf32, #tpu.memory_space<hbm>> -> memref<8x1024xf32, #tpu.memory_space<hbm>>
      %dma_start3A_361 = arith.constant 0 : i32
      %dma_start3A_362 = tpu.memref_slice %arg4[%dma_start3A_357, %add3A_356, %dma_start3A_361] : memref<4x8192x1024xf32, #tpu.memory_space<hbm>> -> memref<1x8x1024xf32, #tpu.memory_space<hbm>>
      %dma_start3A_363 = tpu.memref_squeeze %dma_start3A_362 : memref<1x8x1024xf32, #tpu.memory_space<hbm>> -> memref<8x1024xf32, #tpu.memory_space<hbm>>
      tpu.enqueue_dma source(%arg14 : memref<8x1024xf32, #tpu.memory_space<vmem>>) target(%dma_start3A_363 : memref<8x1024xf32, #tpu.memory_space<hbm>>) target_semaphore(%arg26 : memref<!tpu.dma_semaphore, #tpu.memory_space<semaphore_mem>>)
      %add3A_364 = arith.constant 1 : i32
      %add3A_365 = arith.addi %add3A_314, %add3A_364 : i32
      %lt3A_366 = arith.constant 32 : i32
      %lt3A_367 = arith.cmpi slt, %add3A_365, %lt3A_366 : i32
      %convert_element_type3A_368 = arith.extui %lt3A_367 : i1 to i32
      %cond3A_369 = arith.constant 0 : i32
      %cond3A_370 = arith.cmpi ne, %convert_element_type3A_368, %cond3A_369 : i32
      scf.if %cond3A_370 {
        %add3A_633 = arith.constant 1 : i32
        %add3A_634 = arith.addi %add3A_314, %add3A_633 : i32
        %mul3A_635 = arith.constant 8 : i32
        %mul3A_636 = arith.muli %add3A_634, %mul3A_635 : i32
        %add3A_637 = arith.addi %mul3A_2, %mul3A_636 : i32
        %dma_start3A_638 = arith.constant 3 : i32
        %dma_start3A_639 = arith.constant 0 : i32
        %dma_start3A_640 = tpu.memref_slice %arg2[%dma_start3A_638, %add3A_637, %dma_start3A_639] : memref<4x8192x1024xf32, #tpu.memory_space<hbm>> -> memref<1x8x1024xf32, #tpu.memory_space<hbm>>
        %dma_start3A_641 = tpu.memref_squeeze %dma_start3A_640 : memref<1x8x1024xf32, #tpu.memory_space<hbm>> -> memref<8x1024xf32, #tpu.memory_space<hbm>>
        %dma_start3A_642 = arith.constant 0 : i32
        %dma_start3A_643 = tpu.memref_slice %arg2[%dma_start3A_638, %add3A_637, %dma_start3A_642] : memref<4x8192x1024xf32, #tpu.memory_space<hbm>> -> memref<1x8x1024xf32, #tpu.memory_space<hbm>>
        %dma_start3A_644 = tpu.memref_squeeze %dma_start3A_643 : memref<1x8x1024xf32, #tpu.memory_space<hbm>> -> memref<8x1024xf32, #tpu.memory_space<hbm>>
        tpu.enqueue_dma source(%dma_start3A_644 : memref<8x1024xf32, #tpu.memory_space<hbm>>) target(%arg10 : memref<8x1024xf32, #tpu.memory_space<vmem>>) target_semaphore(%arg22 : memref<!tpu.dma_semaphore, #tpu.memory_space<semaphore_mem>>)
      } else {
      }
      %add3A_371 = arith.constant 2 : i32
      %add3A_372 = arith.addi %add3A_314, %add3A_371 : i32
      %lt3A_373 = arith.constant 32 : i32
      %lt3A_374 = arith.cmpi slt, %add3A_372, %lt3A_373 : i32
      %convert_element_type3A_375 = arith.extui %lt3A_374 : i1 to i32
      %cond3A_376 = arith.constant 0 : i32
      %cond3A_377 = arith.cmpi ne, %convert_element_type3A_375, %cond3A_376 : i32
      scf.if %cond3A_377 {
        %add3A_633 = arith.constant 2 : i32
        %add3A_634 = arith.addi %add3A_314, %add3A_633 : i32
        %mul3A_635 = arith.constant 8 : i32
        %mul3A_636 = arith.muli %add3A_634, %mul3A_635 : i32
        %add3A_637 = arith.addi %mul3A_2, %mul3A_636 : i32
        %dma_start3A_638 = arith.constant 0 : i32
        %dma_start3A_639 = tpu.memref_slice %arg3[%add3A_637, %dma_start3A_638] : memref<8192x1024xf32, #tpu.memory_space<hbm>> -> memref<8x1024xf32, #tpu.memory_space<hbm>>
        %dma_start3A_640 = arith.constant 0 : i32
        %dma_start3A_641 = tpu.memref_slice %arg3[%add3A_637, %dma_start3A_640] : memref<8192x1024xf32, #tpu.memory_space<hbm>> -> memref<8x1024xf32, #tpu.memory_space<hbm>>
        tpu.enqueue_dma source(%dma_start3A_641 : memref<8x1024xf32, #tpu.memory_space<hbm>>) target(%arg5 : memref<8x1024xf32, #tpu.memory_space<vmem>>) target_semaphore(%arg31 : memref<!tpu.dma_semaphore, #tpu.memory_space<semaphore_mem>>)
      } else {
      }
      %mul3A_378 = arith.constant 2 : i32
      %mul3A_379 = arith.muli %scan3A_127, %mul3A_378 : i32
      %add3A_380 = arith.constant 1 : i32
      %add3A_381 = arith.addi %mul3A_379, %add3A_380 : i32
      %mul3A_382 = arith.constant 8 : i32
      %mul3A_383 = arith.muli %add3A_381, %mul3A_382 : i32
      %add3A_384 = arith.addi %mul3A_2, %mul3A_383 : i32
      %dma_wait3A_385 = arith.constant 0 : i32
      %dma_wait3A_386 = arith.constant 0 : i32
      %dma_wait3A_387 = tpu.memref_slice %arg2[%dma_wait3A_385, %add3A_384, %dma_wait3A_386] : memref<4x8192x1024xf32, #tpu.memory_space<hbm>> -> memref<1x8x1024xf32, #tpu.memory_space<hbm>>
      %dma_wait3A_388 = tpu.memref_squeeze %dma_wait3A_387 : memref<1x8x1024xf32, #tpu.memory_space<hbm>> -> memref<8x1024xf32, #tpu.memory_space<hbm>>
      %dma_wait3A_389 = arith.constant 0 : i32
      %dma_wait3A_390 = tpu.memref_slice %arg2[%dma_wait3A_385, %add3A_384, %dma_wait3A_389] : memref<4x8192x1024xf32, #tpu.memory_space<hbm>> -> memref<1x8x1024xf32, #tpu.memory_space<hbm>>
      %dma_wait3A_391 = tpu.memref_squeeze %dma_wait3A_390 : memref<1x8x1024xf32, #tpu.memory_space<hbm>> -> memref<8x1024xf32, #tpu.memory_space<hbm>>
      tpu.wait_dma2 semaphore(%arg19 : memref<!tpu.dma_semaphore, #tpu.memory_space<semaphore_mem>>) src(%dma_wait3A_391 : memref<8x1024xf32, #tpu.memory_space<hbm>>) dst(%arg7 : memref<8x1024xf32, #tpu.memory_space<vmem>>)
      %mul3A_392 = arith.constant 8 : i32
      %mul3A_393 = arith.muli %add3A_381, %mul3A_392 : i32
      %add3A_394 = arith.addi %mul3A_2, %mul3A_393 : i32
      %dma_wait3A_395 = arith.constant 0 : i32
      %dma_wait3A_396 = tpu.memref_slice %arg3[%add3A_394, %dma_wait3A_395] : memref<8192x1024xf32, #tpu.memory_space<hbm>> -> memref<8x1024xf32, #tpu.memory_space<hbm>>
      %dma_wait3A_397 = arith.constant 0 : i32
      %dma_wait3A_398 = tpu.memref_slice %arg3[%add3A_394, %dma_wait3A_397] : memref<8192x1024xf32, #tpu.memory_space<hbm>> -> memref<8x1024xf32, #tpu.memory_space<hbm>>
      tpu.wait_dma2 semaphore(%arg32 : memref<!tpu.dma_semaphore, #tpu.memory_space<semaphore_mem>>) src(%dma_wait3A_398 : memref<8x1024xf32, #tpu.memory_space<hbm>>) dst(%arg6 : memref<8x1024xf32, #tpu.memory_space<vmem>>)
      %ge3A_399 = arith.constant 2 : i32
      %ge3A_400 = arith.cmpi sge, %add3A_381, %ge3A_399 : i32
      %convert_element_type3A_401 = arith.extui %ge3A_400 : i1 to i32
      %cond3A_402 = arith.constant 0 : i32
      %cond3A_403 = arith.cmpi ne, %convert_element_type3A_401, %cond3A_402 : i32
      scf.if %cond3A_403 {
        %sub3A = arith.constant 2 : i32
        %sub3A_633 = arith.subi %add3A_381, %sub3A : i32
        %mul3A_634 = arith.constant 8 : i32
        %mul3A_635 = arith.muli %sub3A_633, %mul3A_634 : i32
        %add3A_636 = arith.addi %mul3A_2, %mul3A_635 : i32
        %dma_wait3A_637 = arith.constant 0 : i32
        %dma_wait3A_638 = arith.constant 0 : i32
        %dma_wait3A_639 = tpu.memref_slice %arg4[%dma_wait3A_637, %add3A_636, %dma_wait3A_638] : memref<4x8192x1024xf32, #tpu.memory_space<hbm>> -> memref<1x8x1024xf32, #tpu.memory_space<hbm>>
        %dma_wait3A_640 = tpu.memref_squeeze %dma_wait3A_639 : memref<1x8x1024xf32, #tpu.memory_space<hbm>> -> memref<8x1024xf32, #tpu.memory_space<hbm>>
        %dma_wait3A_641 = arith.constant 0 : i32
        %dma_wait3A_642 = tpu.memref_slice %arg4[%dma_wait3A_637, %add3A_636, %dma_wait3A_641] : memref<4x8192x1024xf32, #tpu.memory_space<hbm>> -> memref<1x8x1024xf32, #tpu.memory_space<hbm>>
        %dma_wait3A_643 = tpu.memref_squeeze %dma_wait3A_642 : memref<1x8x1024xf32, #tpu.memory_space<hbm>> -> memref<8x1024xf32, #tpu.memory_space<hbm>>
        tpu.wait_dma2 semaphore(%arg27 : memref<!tpu.dma_semaphore, #tpu.memory_space<semaphore_mem>>) src(%arg15 : memref<8x1024xf32, #tpu.memory_space<vmem>>) dst(%dma_wait3A_643 : memref<8x1024xf32, #tpu.memory_space<hbm>>)
      } else {
      }
      %parallel_loop3A_404 = arith.constant 0 : i32
      %parallel_loop3A_405 = arith.constant 1024 : i32
      %parallel_loop3A_406 = arith.constant 16 : i32
      scf.for %parallel_loop3A_633 = %parallel_loop3A_404 to %parallel_loop3A_405 step %parallel_loop3A_406  : i32 {
        %parallel_loop3A_634 = arith.constant 0 : i32
        %parallel_loop3A_635 = arith.index_cast %parallel_loop3A_634 : i32 to index
        %parallel_loop3A_636 = arith.index_cast %parallel_loop3A_633 : i32 to index
        %parallel_loop3A_637 = tpu.vector_load %arg7[%parallel_loop3A_635, %parallel_loop3A_636] {strides = array<i32>} : memref<8x1024xf32, #tpu.memory_space<vmem>>, vector<1x16xf32>,
        %parallel_loop3A_638 = vector.shape_cast %parallel_loop3A_637 : vector<1x16xf32> to vector<16xf32>
        %parallel_loop3A_639 = arith.constant 0 : i32
        %parallel_loop3A_640 = arith.index_cast %parallel_loop3A_639 : i32 to index
        %parallel_loop3A_641 = arith.index_cast %parallel_loop3A_633 : i32 to index
        %parallel_loop3A_642 = tpu.vector_load %arg6[%parallel_loop3A_640, %parallel_loop3A_641] {strides = array<i32>} : memref<8x1024xf32, #tpu.memory_space<vmem>>, vector<1x16xf32>,
        %parallel_loop3A_643 = vector.shape_cast %parallel_loop3A_642 : vector<1x16xf32> to vector<16xf32>
        %parallel_loop3A_644 = arith.addf %parallel_loop3A_638, %parallel_loop3A_643 : vector<16xf32>
        %parallel_loop3A_645 = arith.constant 0 : i32
        %parallel_loop3A_646 = arith.index_cast %parallel_loop3A_645 : i32 to index
        %parallel_loop3A_647 = arith.index_cast %parallel_loop3A_633 : i32 to index
        %parallel_loop3A_648 = tpu.vector_load %arg15[%parallel_loop3A_646, %parallel_loop3A_647] {strides = array<i32>} : memref<8x1024xf32, #tpu.memory_space<vmem>>, vector<1x16xf32>,
        %parallel_loop3A_649 = vector.shape_cast %parallel_loop3A_648 : vector<1x16xf32> to vector<16xf32>
        %parallel_loop3A_650 = vector.shape_cast %parallel_loop3A_644 : vector<16xf32> to vector<1x16xf32>
        tpu.vector_store %arg15[%parallel_loop3A_646, %parallel_loop3A_647], %parallel_loop3A_650 {strides = array<i32>} : memref<8x1024xf32, #tpu.memory_space<vmem>>, vector<1x16xf32>,
      } {sc.loop_unroll_factor = 8 : i64, sc.parallel_access}
      %parallel_loop3A_407 = arith.constant 0 : i32
      %parallel_loop3A_408 = arith.constant 1024 : i32
      %parallel_loop3A_409 = arith.constant 16 : i32
      scf.for %parallel_loop3A_633 = %parallel_loop3A_407 to %parallel_loop3A_408 step %parallel_loop3A_409  : i32 {
        %parallel_loop3A_634 = arith.constant 1 : i32
        %parallel_loop3A_635 = arith.index_cast %parallel_loop3A_634 : i32 to index
        %parallel_loop3A_636 = arith.index_cast %parallel_loop3A_633 : i32 to index
        %parallel_loop3A_637 = tpu.vector_load %arg7[%parallel_loop3A_635, %parallel_loop3A_636] {strides = array<i32>} : memref<8x1024xf32, #tpu.memory_space<vmem>>, vector<1x16xf32>,
        %parallel_loop3A_638 = vector.shape_cast %parallel_loop3A_637 : vector<1x16xf32> to vector<16xf32>
        %parallel_loop3A_639 = arith.constant 1 : i32
        %parallel_loop3A_640 = arith.index_cast %parallel_loop3A_639 : i32 to index
        %parallel_loop3A_641 = arith.index_cast %parallel_loop3A_633 : i32 to index
        %parallel_loop3A_642 = tpu.vector_load %arg6[%parallel_loop3A_640, %parallel_loop3A_641] {strides = array<i32>} : memref<8x1024xf32, #tpu.memory_space<vmem>>, vector<1x16xf32>,
        %parallel_loop3A_643 = vector.shape_cast %parallel_loop3A_642 : vector<1x16xf32> to vector<16xf32>
        %parallel_loop3A_644 = arith.addf %parallel_loop3A_638, %parallel_loop3A_643 : vector<16xf32>
        %parallel_loop3A_645 = arith.constant 1 : i32
        %parallel_loop3A_646 = arith.index_cast %parallel_loop3A_645 : i32 to index
        %parallel_loop3A_647 = arith.index_cast %parallel_loop3A_633 : i32 to index
        %parallel_loop3A_648 = tpu.vector_load %arg15[%parallel_loop3A_646, %parallel_loop3A_647] {strides = array<i32>} : memref<8x1024xf32, #tpu.memory_space<vmem>>, vector<1x16xf32>,
        %parallel_loop3A_649 = vector.shape_cast %parallel_loop3A_648 : vector<1x16xf32> to vector<16xf32>
        %parallel_loop3A_650 = vector.shape_cast %parallel_loop3A_644 : vector<16xf32> to vector<1x16xf32>
        tpu.vector_store %arg15[%parallel_loop3A_646, %parallel_loop3A_647], %parallel_loop3A_650 {strides = array<i32>} : memref<8x1024xf32, #tpu.memory_space<vmem>>, vector<1x16xf32>,
      } {sc.loop_unroll_factor = 8 : i64, sc.parallel_access}
      %parallel_loop3A_410 = arith.constant 0 : i32
      %parallel_loop3A_411 = arith.constant 1024 : i32
      %parallel_loop3A_412 = arith.constant 16 : i32
      scf.for %parallel_loop3A_633 = %parallel_loop3A_410 to %parallel_loop3A_411 step %parallel_loop3A_412  : i32 {
        %parallel_loop3A_634 = arith.constant 2 : i32
        %parallel_loop3A_635 = arith.index_cast %parallel_loop3A_634 : i32 to index
        %parallel_loop3A_636 = arith.index_cast %parallel_loop3A_633 : i32 to index
        %parallel_loop3A_637 = tpu.vector_load %arg7[%parallel_loop3A_635, %parallel_loop3A_636] {strides = array<i32>} : memref<8x1024xf32, #tpu.memory_space<vmem>>, vector<1x16xf32>,
        %parallel_loop3A_638 = vector.shape_cast %parallel_loop3A_637 : vector<1x16xf32> to vector<16xf32>
        %parallel_loop3A_639 = arith.constant 2 : i32
        %parallel_loop3A_640 = arith.index_cast %parallel_loop3A_639 : i32 to index
        %parallel_loop3A_641 = arith.index_cast %parallel_loop3A_633 : i32 to index
        %parallel_loop3A_642 = tpu.vector_load %arg6[%parallel_loop3A_640, %parallel_loop3A_641] {strides = array<i32>} : memref<8x1024xf32, #tpu.memory_space<vmem>>, vector<1x16xf32>,
        %parallel_loop3A_643 = vector.shape_cast %parallel_loop3A_642 : vector<1x16xf32> to vector<16xf32>
        %parallel_loop3A_644 = arith.addf %parallel_loop3A_638, %parallel_loop3A_643 : vector<16xf32>
        %parallel_loop3A_645 = arith.constant 2 : i32
        %parallel_loop3A_646 = arith.index_cast %parallel_loop3A_645 : i32 to index
        %parallel_loop3A_647 = arith.index_cast %parallel_loop3A_633 : i32 to index
        %parallel_loop3A_648 = tpu.vector_load %arg15[%parallel_loop3A_646, %parallel_loop3A_647] {strides = array<i32>} : memref<8x1024xf32, #tpu.memory_space<vmem>>, vector<1x16xf32>,
        %parallel_loop3A_649 = vector.shape_cast %parallel_loop3A_648 : vector<1x16xf32> to vector<16xf32>
        %parallel_loop3A_650 = vector.shape_cast %parallel_loop3A_644 : vector<16xf32> to vector<1x16xf32>
        tpu.vector_store %arg15[%parallel_loop3A_646, %parallel_loop3A_647], %parallel_loop3A_650 {strides = array<i32>} : memref<8x1024xf32, #tpu.memory_space<vmem>>, vector<1x16xf32>,
      } {sc.loop_unroll_factor = 8 : i64, sc.parallel_access}
      %parallel_loop3A_413 = arith.constant 0 : i32
      %parallel_loop3A_414 = arith.constant 1024 : i32
      %parallel_loop3A_415 = arith.constant 16 : i32
      scf.for %parallel_loop3A_633 = %parallel_loop3A_413 to %parallel_loop3A_414 step %parallel_loop3A_415  : i32 {
        %parallel_loop3A_634 = arith.constant 3 : i32
        %parallel_loop3A_635 = arith.index_cast %parallel_loop3A_634 : i32 to index
        %parallel_loop3A_636 = arith.index_cast %parallel_loop3A_633 : i32 to index
        %parallel_loop3A_637 = tpu.vector_load %arg7[%parallel_loop3A_635, %parallel_loop3A_636] {strides = array<i32>} : memref<8x1024xf32, #tpu.memory_space<vmem>>, vector<1x16xf32>,
        %parallel_loop3A_638 = vector.shape_cast %parallel_loop3A_637 : vector<1x16xf32> to vector<16xf32>
        %parallel_loop3A_639 = arith.constant 3 : i32
        %parallel_loop3A_640 = arith.index_cast %parallel_loop3A_639 : i32 to index
        %parallel_loop3A_641 = arith.index_cast %parallel_loop3A_633 : i32 to index
        %parallel_loop3A_642 = tpu.vector_load %arg6[%parallel_loop3A_640, %parallel_loop3A_641] {strides = array<i32>} : memref<8x1024xf32, #tpu.memory_space<vmem>>, vector<1x16xf32>,
        %parallel_loop3A_643 = vector.shape_cast %parallel_loop3A_642 : vector<1x16xf32> to vector<16xf32>
        %parallel_loop3A_644 = arith.addf %parallel_loop3A_638, %parallel_loop3A_643 : vector<16xf32>
        %parallel_loop3A_645 = arith.constant 3 : i32
        %parallel_loop3A_646 = arith.index_cast %parallel_loop3A_645 : i32 to index
        %parallel_loop3A_647 = arith.index_cast %parallel_loop3A_633 : i32 to index
        %parallel_loop3A_648 = tpu.vector_load %arg15[%parallel_loop3A_646, %parallel_loop3A_647] {strides = array<i32>} : memref<8x1024xf32, #tpu.memory_space<vmem>>, vector<1x16xf32>,
        %parallel_loop3A_649 = vector.shape_cast %parallel_loop3A_648 : vector<1x16xf32> to vector<16xf32>
        %parallel_loop3A_650 = vector.shape_cast %parallel_loop3A_644 : vector<16xf32> to vector<1x16xf32>
        tpu.vector_store %arg15[%parallel_loop3A_646, %parallel_loop3A_647], %parallel_loop3A_650 {strides = array<i32>} : memref<8x1024xf32, #tpu.memory_space<vmem>>, vector<1x16xf32>,
      } {sc.loop_unroll_factor = 8 : i64, sc.parallel_access}
      %parallel_loop3A_416 = arith.constant 0 : i32
      %parallel_loop3A_417 = arith.constant 1024 : i32
      %parallel_loop3A_418 = arith.constant 16 : i32
      scf.for %parallel_loop3A_633 = %parallel_loop3A_416 to %parallel_loop3A_417 step %parallel_loop3A_418  : i32 {
        %parallel_loop3A_634 = arith.constant 4 : i32
        %parallel_loop3A_635 = arith.index_cast %parallel_loop3A_634 : i32 to index
        %parallel_loop3A_636 = arith.index_cast %parallel_loop3A_633 : i32 to index
        %parallel_loop3A_637 = tpu.vector_load %arg7[%parallel_loop3A_635, %parallel_loop3A_636] {strides = array<i32>} : memref<8x1024xf32, #tpu.memory_space<vmem>>, vector<1x16xf32>,
        %parallel_loop3A_638 = vector.shape_cast %parallel_loop3A_637 : vector<1x16xf32> to vector<16xf32>
        %parallel_loop3A_639 = arith.constant 4 : i32
        %parallel_loop3A_640 = arith.index_cast %parallel_loop3A_639 : i32 to index
        %parallel_loop3A_641 = arith.index_cast %parallel_loop3A_633 : i32 to index
        %parallel_loop3A_642 = tpu.vector_load %arg6[%parallel_loop3A_640, %parallel_loop3A_641] {strides = array<i32>} : memref<8x1024xf32, #tpu.memory_space<vmem>>, vector<1x16xf32>,
        %parallel_loop3A_643 = vector.shape_cast %parallel_loop3A_642 : vector<1x16xf32> to vector<16xf32>
        %parallel_loop3A_644 = arith.addf %parallel_loop3A_638, %parallel_loop3A_643 : vector<16xf32>
        %parallel_loop3A_645 = arith.constant 4 : i32
        %parallel_loop3A_646 = arith.index_cast %parallel_loop3A_645 : i32 to index
        %parallel_loop3A_647 = arith.index_cast %parallel_loop3A_633 : i32 to index
        %parallel_loop3A_648 = tpu.vector_load %arg15[%parallel_loop3A_646, %parallel_loop3A_647] {strides = array<i32>} : memref<8x1024xf32, #tpu.memory_space<vmem>>, vector<1x16xf32>,
        %parallel_loop3A_649 = vector.shape_cast %parallel_loop3A_648 : vector<1x16xf32> to vector<16xf32>
        %parallel_loop3A_650 = vector.shape_cast %parallel_loop3A_644 : vector<16xf32> to vector<1x16xf32>
        tpu.vector_store %arg15[%parallel_loop3A_646, %parallel_loop3A_647], %parallel_loop3A_650 {strides = array<i32>} : memref<8x1024xf32, #tpu.memory_space<vmem>>, vector<1x16xf32>,
      } {sc.loop_unroll_factor = 8 : i64, sc.parallel_access}
      %parallel_loop3A_419 = arith.constant 0 : i32
      %parallel_loop3A_420 = arith.constant 1024 : i32
      %parallel_loop3A_421 = arith.constant 16 : i32
      scf.for %parallel_loop3A_633 = %parallel_loop3A_419 to %parallel_loop3A_420 step %parallel_loop3A_421  : i32 {
        %parallel_loop3A_634 = arith.constant 5 : i32
        %parallel_loop3A_635 = arith.index_cast %parallel_loop3A_634 : i32 to index
        %parallel_loop3A_636 = arith.index_cast %parallel_loop3A_633 : i32 to index
        %parallel_loop3A_637 = tpu.vector_load %arg7[%parallel_loop3A_635, %parallel_loop3A_636] {strides = array<i32>} : memref<8x1024xf32, #tpu.memory_space<vmem>>, vector<1x16xf32>,
        %parallel_loop3A_638 = vector.shape_cast %parallel_loop3A_637 : vector<1x16xf32> to vector<16xf32>
        %parallel_loop3A_639 = arith.constant 5 : i32
        %parallel_loop3A_640 = arith.index_cast %parallel_loop3A_639 : i32 to index
        %parallel_loop3A_641 = arith.index_cast %parallel_loop3A_633 : i32 to index
        %parallel_loop3A_642 = tpu.vector_load %arg6[%parallel_loop3A_640, %parallel_loop3A_641] {strides = array<i32>} : memref<8x1024xf32, #tpu.memory_space<vmem>>, vector<1x16xf32>,
        %parallel_loop3A_643 = vector.shape_cast %parallel_loop3A_642 : vector<1x16xf32> to vector<16xf32>
        %parallel_loop3A_644 = arith.addf %parallel_loop3A_638, %parallel_loop3A_643 : vector<16xf32>
        %parallel_loop3A_645 = arith.constant 5 : i32
        %parallel_loop3A_646 = arith.index_cast %parallel_loop3A_645 : i32 to index
        %parallel_loop3A_647 = arith.index_cast %parallel_loop3A_633 : i32 to index
        %parallel_loop3A_648 = tpu.vector_load %arg15[%parallel_loop3A_646, %parallel_loop3A_647] {strides = array<i32>} : memref<8x1024xf32, #tpu.memory_space<vmem>>, vector<1x16xf32>,
        %parallel_loop3A_649 = vector.shape_cast %parallel_loop3A_648 : vector<1x16xf32> to vector<16xf32>
        %parallel_loop3A_650 = vector.shape_cast %parallel_loop3A_644 : vector<16xf32> to vector<1x16xf32>
        tpu.vector_store %arg15[%parallel_loop3A_646, %parallel_loop3A_647], %parallel_loop3A_650 {strides = array<i32>} : memref<8x1024xf32, #tpu.memory_space<vmem>>, vector<1x16xf32>,
      } {sc.loop_unroll_factor = 8 : i64, sc.parallel_access}
      %parallel_loop3A_422 = arith.constant 0 : i32
      %parallel_loop3A_423 = arith.constant 1024 : i32
      %parallel_loop3A_424 = arith.constant 16 : i32
      scf.for %parallel_loop3A_633 = %parallel_loop3A_422 to %parallel_loop3A_423 step %parallel_loop3A_424  : i32 {
        %parallel_loop3A_634 = arith.constant 6 : i32
        %parallel_loop3A_635 = arith.index_cast %parallel_loop3A_634 : i32 to index
        %parallel_loop3A_636 = arith.index_cast %parallel_loop3A_633 : i32 to index
        %parallel_loop3A_637 = tpu.vector_load %arg7[%parallel_loop3A_635, %parallel_loop3A_636] {strides = array<i32>} : memref<8x1024xf32, #tpu.memory_space<vmem>>, vector<1x16xf32>,
        %parallel_loop3A_638 = vector.shape_cast %parallel_loop3A_637 : vector<1x16xf32> to vector<16xf32>
        %parallel_loop3A_639 = arith.constant 6 : i32
        %parallel_loop3A_640 = arith.index_cast %parallel_loop3A_639 : i32 to index
        %parallel_loop3A_641 = arith.index_cast %parallel_loop3A_633 : i32 to index
        %parallel_loop3A_642 = tpu.vector_load %arg6[%parallel_loop3A_640, %parallel_loop3A_641] {strides = array<i32>} : memref<8x1024xf32, #tpu.memory_space<vmem>>, vector<1x16xf32>,
        %parallel_loop3A_643 = vector.shape_cast %parallel_loop3A_642 : vector<1x16xf32> to vector<16xf32>
        %parallel_loop3A_644 = arith.addf %parallel_loop3A_638, %parallel_loop3A_643 : vector<16xf32>
        %parallel_loop3A_645 = arith.constant 6 : i32
        %parallel_loop3A_646 = arith.index_cast %parallel_loop3A_645 : i32 to index
        %parallel_loop3A_647 = arith.index_cast %parallel_loop3A_633 : i32 to index
        %parallel_loop3A_648 = tpu.vector_load %arg15[%parallel_loop3A_646, %parallel_loop3A_647] {strides = array<i32>} : memref<8x1024xf32, #tpu.memory_space<vmem>>, vector<1x16xf32>,
        %parallel_loop3A_649 = vector.shape_cast %parallel_loop3A_648 : vector<1x16xf32> to vector<16xf32>
        %parallel_loop3A_650 = vector.shape_cast %parallel_loop3A_644 : vector<16xf32> to vector<1x16xf32>
        tpu.vector_store %arg15[%parallel_loop3A_646, %parallel_loop3A_647], %parallel_loop3A_650 {strides = array<i32>} : memref<8x1024xf32, #tpu.memory_space<vmem>>, vector<1x16xf32>,
      } {sc.loop_unroll_factor = 8 : i64, sc.parallel_access}
      %parallel_loop3A_425 = arith.constant 0 : i32
      %parallel_loop3A_426 = arith.constant 1024 : i32
      %parallel_loop3A_427 = arith.constant 16 : i32
      scf.for %parallel_loop3A_633 = %parallel_loop3A_425 to %parallel_loop3A_426 step %parallel_loop3A_427  : i32 {
        %parallel_loop3A_634 = arith.constant 7 : i32
        %parallel_loop3A_635 = arith.index_cast %parallel_loop3A_634 : i32 to index
        %parallel_loop3A_636 = arith.index_cast %parallel_loop3A_633 : i32 to index
        %parallel_loop3A_637 = tpu.vector_load %arg7[%parallel_loop3A_635, %parallel_loop3A_636] {strides = array<i32>} : memref<8x1024xf32, #tpu.memory_space<vmem>>, vector<1x16xf32>,
        %parallel_loop3A_638 = vector.shape_cast %parallel_loop3A_637 : vector<1x16xf32> to vector<16xf32>
        %parallel_loop3A_639 = arith.constant 7 : i32
        %parallel_loop3A_640 = arith.index_cast %parallel_loop3A_639 : i32 to index
        %parallel_loop3A_641 = arith.index_cast %parallel_loop3A_633 : i32 to index
        %parallel_loop3A_642 = tpu.vector_load %arg6[%parallel_loop3A_640, %parallel_loop3A_641] {strides = array<i32>} : memref<8x1024xf32, #tpu.memory_space<vmem>>, vector<1x16xf32>,
        %parallel_loop3A_643 = vector.shape_cast %parallel_loop3A_642 : vector<1x16xf32> to vector<16xf32>
        %parallel_loop3A_644 = arith.addf %parallel_loop3A_638, %parallel_loop3A_643 : vector<16xf32>
        %parallel_loop3A_645 = arith.constant 7 : i32
        %parallel_loop3A_646 = arith.index_cast %parallel_loop3A_645 : i32 to index
        %parallel_loop3A_647 = arith.index_cast %parallel_loop3A_633 : i32 to index
        %parallel_loop3A_648 = tpu.vector_load %arg15[%parallel_loop3A_646, %parallel_loop3A_647] {strides = array<i32>} : memref<8x1024xf32, #tpu.memory_space<vmem>>, vector<1x16xf32>,
        %parallel_loop3A_649 = vector.shape_cast %parallel_loop3A_648 : vector<1x16xf32> to vector<16xf32>
        %parallel_loop3A_650 = vector.shape_cast %parallel_loop3A_644 : vector<16xf32> to vector<1x16xf32>
        tpu.vector_store %arg15[%parallel_loop3A_646, %parallel_loop3A_647], %parallel_loop3A_650 {strides = array<i32>} : memref<8x1024xf32, #tpu.memory_space<vmem>>, vector<1x16xf32>,
      } {sc.loop_unroll_factor = 8 : i64, sc.parallel_access}
      %mul3A_428 = arith.constant 8 : i32
      %mul3A_429 = arith.muli %add3A_381, %mul3A_428 : i32
      %add3A_430 = arith.addi %mul3A_2, %mul3A_429 : i32
      %dma_start3A_431 = arith.constant 0 : i32
      %dma_start3A_432 = arith.constant 0 : i32
      %dma_start3A_433 = tpu.memref_slice %arg4[%dma_start3A_431, %add3A_430, %dma_start3A_432] : memref<4x8192x1024xf32, #tpu.memory_space<hbm>> -> memref<1x8x1024xf32, #tpu.memory_space<hbm>>
      %dma_start3A_434 = tpu.memref_squeeze %dma_start3A_433 : memref<1x8x1024xf32, #tpu.memory_space<hbm>> -> memref<8x1024xf32, #tpu.memory_space<hbm>>
      %dma_start3A_435 = arith.constant 0 : i32
      %dma_start3A_436 = tpu.memref_slice %arg4[%dma_start3A_431, %add3A_430, %dma_start3A_435] : memref<4x8192x1024xf32, #tpu.memory_space<hbm>> -> memref<1x8x1024xf32, #tpu.memory_space<hbm>>
      %dma_start3A_437 = tpu.memref_squeeze %dma_start3A_436 : memref<1x8x1024xf32, #tpu.memory_space<hbm>> -> memref<8x1024xf32, #tpu.memory_space<hbm>>
      tpu.enqueue_dma source(%arg15 : memref<8x1024xf32, #tpu.memory_space<vmem>>) target(%dma_start3A_437 : memref<8x1024xf32, #tpu.memory_space<hbm>>) target_semaphore(%arg27 : memref<!tpu.dma_semaphore, #tpu.memory_space<semaphore_mem>>)
      %add3A_438 = arith.constant 1 : i32
      %add3A_439 = arith.addi %add3A_381, %add3A_438 : i32
      %lt3A_440 = arith.constant 32 : i32
      %lt3A_441 = arith.cmpi slt, %add3A_439, %lt3A_440 : i32
      %convert_element_type3A_442 = arith.extui %lt3A_441 : i1 to i32
      %cond3A_443 = arith.constant 0 : i32
      %cond3A_444 = arith.cmpi ne, %convert_element_type3A_442, %cond3A_443 : i32
      scf.if %cond3A_444 {
        %add3A_633 = arith.constant 1 : i32
        %add3A_634 = arith.addi %add3A_381, %add3A_633 : i32
        %mul3A_635 = arith.constant 8 : i32
        %mul3A_636 = arith.muli %add3A_634, %mul3A_635 : i32
        %add3A_637 = arith.addi %mul3A_2, %mul3A_636 : i32
        %dma_start3A_638 = arith.constant 0 : i32
        %dma_start3A_639 = arith.constant 0 : i32
        %dma_start3A_640 = tpu.memref_slice %arg2[%dma_start3A_638, %add3A_637, %dma_start3A_639] : memref<4x8192x1024xf32, #tpu.memory_space<hbm>> -> memref<1x8x1024xf32, #tpu.memory_space<hbm>>
        %dma_start3A_641 = tpu.memref_squeeze %dma_start3A_640 : memref<1x8x1024xf32, #tpu.memory_space<hbm>> -> memref<8x1024xf32, #tpu.memory_space<hbm>>
        %dma_start3A_642 = arith.constant 0 : i32
        %dma_start3A_643 = tpu.memref_slice %arg2[%dma_start3A_638, %add3A_637, %dma_start3A_642] : memref<4x8192x1024xf32, #tpu.memory_space<hbm>> -> memref<1x8x1024xf32, #tpu.memory_space<hbm>>
        %dma_start3A_644 = tpu.memref_squeeze %dma_start3A_643 : memref<1x8x1024xf32, #tpu.memory_space<hbm>> -> memref<8x1024xf32, #tpu.memory_space<hbm>>
        tpu.enqueue_dma source(%dma_start3A_644 : memref<8x1024xf32, #tpu.memory_space<hbm>>) target(%arg7 : memref<8x1024xf32, #tpu.memory_space<vmem>>) target_semaphore(%arg19 : memref<!tpu.dma_semaphore, #tpu.memory_space<semaphore_mem>>)
      } else {
      }
      %mul3A_445 = arith.constant 2 : i32
      %mul3A_446 = arith.muli %scan3A_127, %mul3A_445 : i32
      %add3A_447 = arith.constant 1 : i32
      %add3A_448 = arith.addi %mul3A_446, %add3A_447 : i32
      %mul3A_449 = arith.constant 8 : i32
      %mul3A_450 = arith.muli %add3A_448, %mul3A_449 : i32
      %add3A_451 = arith.addi %mul3A_2, %mul3A_450 : i32
      %dma_wait3A_452 = arith.constant 1 : i32
      %dma_wait3A_453 = arith.constant 0 : i32
      %dma_wait3A_454 = tpu.memref_slice %arg2[%dma_wait3A_452, %add3A_451, %dma_wait3A_453] : memref<4x8192x1024xf32, #tpu.memory_space<hbm>> -> memref<1x8x1024xf32, #tpu.memory_space<hbm>>
      %dma_wait3A_455 = tpu.memref_squeeze %dma_wait3A_454 : memref<1x8x1024xf32, #tpu.memory_space<hbm>> -> memref<8x1024xf32, #tpu.memory_space<hbm>>
      %dma_wait3A_456 = arith.constant 0 : i32
      %dma_wait3A_457 = tpu.memref_slice %arg2[%dma_wait3A_452, %add3A_451, %dma_wait3A_456] : memref<4x8192x1024xf32, #tpu.memory_space<hbm>> -> memref<1x8x1024xf32, #tpu.memory_space<hbm>>
      %dma_wait3A_458 = tpu.memref_squeeze %dma_wait3A_457 : memref<1x8x1024xf32, #tpu.memory_space<hbm>> -> memref<8x1024xf32, #tpu.memory_space<hbm>>
      tpu.wait_dma2 semaphore(%arg20 : memref<!tpu.dma_semaphore, #tpu.memory_space<semaphore_mem>>) src(%dma_wait3A_458 : memref<8x1024xf32, #tpu.memory_space<hbm>>) dst(%arg8 : memref<8x1024xf32, #tpu.memory_space<vmem>>)
      %ge3A_459 = arith.constant 2 : i32
      %ge3A_460 = arith.cmpi sge, %add3A_448, %ge3A_459 : i32
      %convert_element_type3A_461 = arith.extui %ge3A_460 : i1 to i32
      %cond3A_462 = arith.constant 0 : i32
      %cond3A_463 = arith.cmpi ne, %convert_element_type3A_461, %cond3A_462 : i32
      scf.if %cond3A_463 {
        %sub3A = arith.constant 2 : i32
        %sub3A_633 = arith.subi %add3A_448, %sub3A : i32
        %mul3A_634 = arith.constant 8 : i32
        %mul3A_635 = arith.muli %sub3A_633, %mul3A_634 : i32
        %add3A_636 = arith.addi %mul3A_2, %mul3A_635 : i32
        %dma_wait3A_637 = arith.constant 1 : i32
        %dma_wait3A_638 = arith.constant 0 : i32
        %dma_wait3A_639 = tpu.memref_slice %arg4[%dma_wait3A_637, %add3A_636, %dma_wait3A_638] : memref<4x8192x1024xf32, #tpu.memory_space<hbm>> -> memref<1x8x1024xf32, #tpu.memory_space<hbm>>
        %dma_wait3A_640 = tpu.memref_squeeze %dma_wait3A_639 : memref<1x8x1024xf32, #tpu.memory_space<hbm>> -> memref<8x1024xf32, #tpu.memory_space<hbm>>
        %dma_wait3A_641 = arith.constant 0 : i32
        %dma_wait3A_642 = tpu.memref_slice %arg4[%dma_wait3A_637, %add3A_636, %dma_wait3A_641] : memref<4x8192x1024xf32, #tpu.memory_space<hbm>> -> memref<1x8x1024xf32, #tpu.memory_space<hbm>>
        %dma_wait3A_643 = tpu.memref_squeeze %dma_wait3A_642 : memref<1x8x1024xf32, #tpu.memory_space<hbm>> -> memref<8x1024xf32, #tpu.memory_space<hbm>>
        tpu.wait_dma2 semaphore(%arg28 : memref<!tpu.dma_semaphore, #tpu.memory_space<semaphore_mem>>) src(%arg16 : memref<8x1024xf32, #tpu.memory_space<vmem>>) dst(%dma_wait3A_643 : memref<8x1024xf32, #tpu.memory_space<hbm>>)
      } else {
      }
      %parallel_loop3A_464 = arith.constant 0 : i32
      %parallel_loop3A_465 = arith.constant 1024 : i32
      %parallel_loop3A_466 = arith.constant 16 : i32
      scf.for %parallel_loop3A_633 = %parallel_loop3A_464 to %parallel_loop3A_465 step %parallel_loop3A_466  : i32 {
        %parallel_loop3A_634 = arith.constant 0 : i32
        %parallel_loop3A_635 = arith.index_cast %parallel_loop3A_634 : i32 to index
        %parallel_loop3A_636 = arith.index_cast %parallel_loop3A_633 : i32 to index
        %parallel_loop3A_637 = tpu.vector_load %arg8[%parallel_loop3A_635, %parallel_loop3A_636] {strides = array<i32>} : memref<8x1024xf32, #tpu.memory_space<vmem>>, vector<1x16xf32>,
        %parallel_loop3A_638 = vector.shape_cast %parallel_loop3A_637 : vector<1x16xf32> to vector<16xf32>
        %parallel_loop3A_639 = arith.constant 0 : i32
        %parallel_loop3A_640 = arith.index_cast %parallel_loop3A_639 : i32 to index
        %parallel_loop3A_641 = arith.index_cast %parallel_loop3A_633 : i32 to index
        %parallel_loop3A_642 = tpu.vector_load %arg6[%parallel_loop3A_640, %parallel_loop3A_641] {strides = array<i32>} : memref<8x1024xf32, #tpu.memory_space<vmem>>, vector<1x16xf32>,
        %parallel_loop3A_643 = vector.shape_cast %parallel_loop3A_642 : vector<1x16xf32> to vector<16xf32>
        %parallel_loop3A_644 = arith.addf %parallel_loop3A_638, %parallel_loop3A_643 : vector<16xf32>
        %parallel_loop3A_645 = arith.constant 0 : i32
        %parallel_loop3A_646 = arith.index_cast %parallel_loop3A_645 : i32 to index
        %parallel_loop3A_647 = arith.index_cast %parallel_loop3A_633 : i32 to index
        %parallel_loop3A_648 = tpu.vector_load %arg16[%parallel_loop3A_646, %parallel_loop3A_647] {strides = array<i32>} : memref<8x1024xf32, #tpu.memory_space<vmem>>, vector<1x16xf32>,
        %parallel_loop3A_649 = vector.shape_cast %parallel_loop3A_648 : vector<1x16xf32> to vector<16xf32>
        %parallel_loop3A_650 = vector.shape_cast %parallel_loop3A_644 : vector<16xf32> to vector<1x16xf32>
        tpu.vector_store %arg16[%parallel_loop3A_646, %parallel_loop3A_647], %parallel_loop3A_650 {strides = array<i32>} : memref<8x1024xf32, #tpu.memory_space<vmem>>, vector<1x16xf32>,
      } {sc.loop_unroll_factor = 8 : i64, sc.parallel_access}
      %parallel_loop3A_467 = arith.constant 0 : i32
      %parallel_loop3A_468 = arith.constant 1024 : i32
      %parallel_loop3A_469 = arith.constant 16 : i32
      scf.for %parallel_loop3A_633 = %parallel_loop3A_467 to %parallel_loop3A_468 step %parallel_loop3A_469  : i32 {
        %parallel_loop3A_634 = arith.constant 1 : i32
        %parallel_loop3A_635 = arith.index_cast %parallel_loop3A_634 : i32 to index
        %parallel_loop3A_636 = arith.index_cast %parallel_loop3A_633 : i32 to index
        %parallel_loop3A_637 = tpu.vector_load %arg8[%parallel_loop3A_635, %parallel_loop3A_636] {strides = array<i32>} : memref<8x1024xf32, #tpu.memory_space<vmem>>, vector<1x16xf32>,
        %parallel_loop3A_638 = vector.shape_cast %parallel_loop3A_637 : vector<1x16xf32> to vector<16xf32>
        %parallel_loop3A_639 = arith.constant 1 : i32
        %parallel_loop3A_640 = arith.index_cast %parallel_loop3A_639 : i32 to index
        %parallel_loop3A_641 = arith.index_cast %parallel_loop3A_633 : i32 to index
        %parallel_loop3A_642 = tpu.vector_load %arg6[%parallel_loop3A_640, %parallel_loop3A_641] {strides = array<i32>} : memref<8x1024xf32, #tpu.memory_space<vmem>>, vector<1x16xf32>,
        %parallel_loop3A_643 = vector.shape_cast %parallel_loop3A_642 : vector<1x16xf32> to vector<16xf32>
        %parallel_loop3A_644 = arith.addf %parallel_loop3A_638, %parallel_loop3A_643 : vector<16xf32>
        %parallel_loop3A_645 = arith.constant 1 : i32
        %parallel_loop3A_646 = arith.index_cast %parallel_loop3A_645 : i32 to index
        %parallel_loop3A_647 = arith.index_cast %parallel_loop3A_633 : i32 to index
        %parallel_loop3A_648 = tpu.vector_load %arg16[%parallel_loop3A_646, %parallel_loop3A_647] {strides = array<i32>} : memref<8x1024xf32, #tpu.memory_space<vmem>>, vector<1x16xf32>,
        %parallel_loop3A_649 = vector.shape_cast %parallel_loop3A_648 : vector<1x16xf32> to vector<16xf32>
        %parallel_loop3A_650 = vector.shape_cast %parallel_loop3A_644 : vector<16xf32> to vector<1x16xf32>
        tpu.vector_store %arg16[%parallel_loop3A_646, %parallel_loop3A_647], %parallel_loop3A_650 {strides = array<i32>} : memref<8x1024xf32, #tpu.memory_space<vmem>>, vector<1x16xf32>,
      } {sc.loop_unroll_factor = 8 : i64, sc.parallel_access}
      %parallel_loop3A_470 = arith.constant 0 : i32
      %parallel_loop3A_471 = arith.constant 1024 : i32
      %parallel_loop3A_472 = arith.constant 16 : i32
      scf.for %parallel_loop3A_633 = %parallel_loop3A_470 to %parallel_loop3A_471 step %parallel_loop3A_472  : i32 {
        %parallel_loop3A_634 = arith.constant 2 : i32
        %parallel_loop3A_635 = arith.index_cast %parallel_loop3A_634 : i32 to index
        %parallel_loop3A_636 = arith.index_cast %parallel_loop3A_633 : i32 to index
        %parallel_loop3A_637 = tpu.vector_load %arg8[%parallel_loop3A_635, %parallel_loop3A_636] {strides = array<i32>} : memref<8x1024xf32, #tpu.memory_space<vmem>>, vector<1x16xf32>,
        %parallel_loop3A_638 = vector.shape_cast %parallel_loop3A_637 : vector<1x16xf32> to vector<16xf32>
        %parallel_loop3A_639 = arith.constant 2 : i32
        %parallel_loop3A_640 = arith.index_cast %parallel_loop3A_639 : i32 to index
        %parallel_loop3A_641 = arith.index_cast %parallel_loop3A_633 : i32 to index
        %parallel_loop3A_642 = tpu.vector_load %arg6[%parallel_loop3A_640, %parallel_loop3A_641] {strides = array<i32>} : memref<8x1024xf32, #tpu.memory_space<vmem>>, vector<1x16xf32>,
        %parallel_loop3A_643 = vector.shape_cast %parallel_loop3A_642 : vector<1x16xf32> to vector<16xf32>
        %parallel_loop3A_644 = arith.addf %parallel_loop3A_638, %parallel_loop3A_643 : vector<16xf32>
        %parallel_loop3A_645 = arith.constant 2 : i32
        %parallel_loop3A_646 = arith.index_cast %parallel_loop3A_645 : i32 to index
        %parallel_loop3A_647 = arith.index_cast %parallel_loop3A_633 : i32 to index
        %parallel_loop3A_648 = tpu.vector_load %arg16[%parallel_loop3A_646, %parallel_loop3A_647] {strides = array<i32>} : memref<8x1024xf32, #tpu.memory_space<vmem>>, vector<1x16xf32>,
        %parallel_loop3A_649 = vector.shape_cast %parallel_loop3A_648 : vector<1x16xf32> to vector<16xf32>
        %parallel_loop3A_650 = vector.shape_cast %parallel_loop3A_644 : vector<16xf32> to vector<1x16xf32>
        tpu.vector_store %arg16[%parallel_loop3A_646, %parallel_loop3A_647], %parallel_loop3A_650 {strides = array<i32>} : memref<8x1024xf32, #tpu.memory_space<vmem>>, vector<1x16xf32>,
      } {sc.loop_unroll_factor = 8 : i64, sc.parallel_access}
      %parallel_loop3A_473 = arith.constant 0 : i32
      %parallel_loop3A_474 = arith.constant 1024 : i32
      %parallel_loop3A_475 = arith.constant 16 : i32
      scf.for %parallel_loop3A_633 = %parallel_loop3A_473 to %parallel_loop3A_474 step %parallel_loop3A_475  : i32 {
        %parallel_loop3A_634 = arith.constant 3 : i32
        %parallel_loop3A_635 = arith.index_cast %parallel_loop3A_634 : i32 to index
        %parallel_loop3A_636 = arith.index_cast %parallel_loop3A_633 : i32 to index
        %parallel_loop3A_637 = tpu.vector_load %arg8[%parallel_loop3A_635, %parallel_loop3A_636] {strides = array<i32>} : memref<8x1024xf32, #tpu.memory_space<vmem>>, vector<1x16xf32>,
        %parallel_loop3A_638 = vector.shape_cast %parallel_loop3A_637 : vector<1x16xf32> to vector<16xf32>
        %parallel_loop3A_639 = arith.constant 3 : i32
        %parallel_loop3A_640 = arith.index_cast %parallel_loop3A_639 : i32 to index
        %parallel_loop3A_641 = arith.index_cast %parallel_loop3A_633 : i32 to index
        %parallel_loop3A_642 = tpu.vector_load %arg6[%parallel_loop3A_640, %parallel_loop3A_641] {strides = array<i32>} : memref<8x1024xf32, #tpu.memory_space<vmem>>, vector<1x16xf32>,
        %parallel_loop3A_643 = vector.shape_cast %parallel_loop3A_642 : vector<1x16xf32> to vector<16xf32>
        %parallel_loop3A_644 = arith.addf %parallel_loop3A_638, %parallel_loop3A_643 : vector<16xf32>
        %parallel_loop3A_645 = arith.constant 3 : i32
        %parallel_loop3A_646 = arith.index_cast %parallel_loop3A_645 : i32 to index
        %parallel_loop3A_647 = arith.index_cast %parallel_loop3A_633 : i32 to index
        %parallel_loop3A_648 = tpu.vector_load %arg16[%parallel_loop3A_646, %parallel_loop3A_647] {strides = array<i32>} : memref<8x1024xf32, #tpu.memory_space<vmem>>, vector<1x16xf32>,
        %parallel_loop3A_649 = vector.shape_cast %parallel_loop3A_648 : vector<1x16xf32> to vector<16xf32>
        %parallel_loop3A_650 = vector.shape_cast %parallel_loop3A_644 : vector<16xf32> to vector<1x16xf32>
        tpu.vector_store %arg16[%parallel_loop3A_646, %parallel_loop3A_647], %parallel_loop3A_650 {strides = array<i32>} : memref<8x1024xf32, #tpu.memory_space<vmem>>, vector<1x16xf32>,
      } {sc.loop_unroll_factor = 8 : i64, sc.parallel_access}
      %parallel_loop3A_476 = arith.constant 0 : i32
      %parallel_loop3A_477 = arith.constant 1024 : i32
      %parallel_loop3A_478 = arith.constant 16 : i32
      scf.for %parallel_loop3A_633 = %parallel_loop3A_476 to %parallel_loop3A_477 step %parallel_loop3A_478  : i32 {
        %parallel_loop3A_634 = arith.constant 4 : i32
        %parallel_loop3A_635 = arith.index_cast %parallel_loop3A_634 : i32 to index
        %parallel_loop3A_636 = arith.index_cast %parallel_loop3A_633 : i32 to index
        %parallel_loop3A_637 = tpu.vector_load %arg8[%parallel_loop3A_635, %parallel_loop3A_636] {strides = array<i32>} : memref<8x1024xf32, #tpu.memory_space<vmem>>, vector<1x16xf32>,
        %parallel_loop3A_638 = vector.shape_cast %parallel_loop3A_637 : vector<1x16xf32> to vector<16xf32>
        %parallel_loop3A_639 = arith.constant 4 : i32
        %parallel_loop3A_640 = arith.index_cast %parallel_loop3A_639 : i32 to index
        %parallel_loop3A_641 = arith.index_cast %parallel_loop3A_633 : i32 to index
        %parallel_loop3A_642 = tpu.vector_load %arg6[%parallel_loop3A_640, %parallel_loop3A_641] {strides = array<i32>} : memref<8x1024xf32, #tpu.memory_space<vmem>>, vector<1x16xf32>,
        %parallel_loop3A_643 = vector.shape_cast %parallel_loop3A_642 : vector<1x16xf32> to vector<16xf32>
        %parallel_loop3A_644 = arith.addf %parallel_loop3A_638, %parallel_loop3A_643 : vector<16xf32>
        %parallel_loop3A_645 = arith.constant 4 : i32
        %parallel_loop3A_646 = arith.index_cast %parallel_loop3A_645 : i32 to index
        %parallel_loop3A_647 = arith.index_cast %parallel_loop3A_633 : i32 to index
        %parallel_loop3A_648 = tpu.vector_load %arg16[%parallel_loop3A_646, %parallel_loop3A_647] {strides = array<i32>} : memref<8x1024xf32, #tpu.memory_space<vmem>>, vector<1x16xf32>,
        %parallel_loop3A_649 = vector.shape_cast %parallel_loop3A_648 : vector<1x16xf32> to vector<16xf32>
        %parallel_loop3A_650 = vector.shape_cast %parallel_loop3A_644 : vector<16xf32> to vector<1x16xf32>
        tpu.vector_store %arg16[%parallel_loop3A_646, %parallel_loop3A_647], %parallel_loop3A_650 {strides = array<i32>} : memref<8x1024xf32, #tpu.memory_space<vmem>>, vector<1x16xf32>,
      } {sc.loop_unroll_factor = 8 : i64, sc.parallel_access}
      %parallel_loop3A_479 = arith.constant 0 : i32
      %parallel_loop3A_480 = arith.constant 1024 : i32
      %parallel_loop3A_481 = arith.constant 16 : i32
      scf.for %parallel_loop3A_633 = %parallel_loop3A_479 to %parallel_loop3A_480 step %parallel_loop3A_481  : i32 {
        %parallel_loop3A_634 = arith.constant 5 : i32
        %parallel_loop3A_635 = arith.index_cast %parallel_loop3A_634 : i32 to index
        %parallel_loop3A_636 = arith.index_cast %parallel_loop3A_633 : i32 to index
        %parallel_loop3A_637 = tpu.vector_load %arg8[%parallel_loop3A_635, %parallel_loop3A_636] {strides = array<i32>} : memref<8x1024xf32, #tpu.memory_space<vmem>>, vector<1x16xf32>,
        %parallel_loop3A_638 = vector.shape_cast %parallel_loop3A_637 : vector<1x16xf32> to vector<16xf32>
        %parallel_loop3A_639 = arith.constant 5 : i32
        %parallel_loop3A_640 = arith.index_cast %parallel_loop3A_639 : i32 to index
        %parallel_loop3A_641 = arith.index_cast %parallel_loop3A_633 : i32 to index
        %parallel_loop3A_642 = tpu.vector_load %arg6[%parallel_loop3A_640, %parallel_loop3A_641] {strides = array<i32>} : memref<8x1024xf32, #tpu.memory_space<vmem>>, vector<1x16xf32>,
        %parallel_loop3A_643 = vector.shape_cast %parallel_loop3A_642 : vector<1x16xf32> to vector<16xf32>
        %parallel_loop3A_644 = arith.addf %parallel_loop3A_638, %parallel_loop3A_643 : vector<16xf32>
        %parallel_loop3A_645 = arith.constant 5 : i32
        %parallel_loop3A_646 = arith.index_cast %parallel_loop3A_645 : i32 to index
        %parallel_loop3A_647 = arith.index_cast %parallel_loop3A_633 : i32 to index
        %parallel_loop3A_648 = tpu.vector_load %arg16[%parallel_loop3A_646, %parallel_loop3A_647] {strides = array<i32>} : memref<8x1024xf32, #tpu.memory_space<vmem>>, vector<1x16xf32>,
        %parallel_loop3A_649 = vector.shape_cast %parallel_loop3A_648 : vector<1x16xf32> to vector<16xf32>
        %parallel_loop3A_650 = vector.shape_cast %parallel_loop3A_644 : vector<16xf32> to vector<1x16xf32>
        tpu.vector_store %arg16[%parallel_loop3A_646, %parallel_loop3A_647], %parallel_loop3A_650 {strides = array<i32>} : memref<8x1024xf32, #tpu.memory_space<vmem>>, vector<1x16xf32>,
      } {sc.loop_unroll_factor = 8 : i64, sc.parallel_access}
      %parallel_loop3A_482 = arith.constant 0 : i32
      %parallel_loop3A_483 = arith.constant 1024 : i32
      %parallel_loop3A_484 = arith.constant 16 : i32
      scf.for %parallel_loop3A_633 = %parallel_loop3A_482 to %parallel_loop3A_483 step %parallel_loop3A_484  : i32 {
        %parallel_loop3A_634 = arith.constant 6 : i32
        %parallel_loop3A_635 = arith.index_cast %parallel_loop3A_634 : i32 to index
        %parallel_loop3A_636 = arith.index_cast %parallel_loop3A_633 : i32 to index
        %parallel_loop3A_637 = tpu.vector_load %arg8[%parallel_loop3A_635, %parallel_loop3A_636] {strides = array<i32>} : memref<8x1024xf32, #tpu.memory_space<vmem>>, vector<1x16xf32>,
        %parallel_loop3A_638 = vector.shape_cast %parallel_loop3A_637 : vector<1x16xf32> to vector<16xf32>
        %parallel_loop3A_639 = arith.constant 6 : i32
        %parallel_loop3A_640 = arith.index_cast %parallel_loop3A_639 : i32 to index
        %parallel_loop3A_641 = arith.index_cast %parallel_loop3A_633 : i32 to index
        %parallel_loop3A_642 = tpu.vector_load %arg6[%parallel_loop3A_640, %parallel_loop3A_641] {strides = array<i32>} : memref<8x1024xf32, #tpu.memory_space<vmem>>, vector<1x16xf32>,
        %parallel_loop3A_643 = vector.shape_cast %parallel_loop3A_642 : vector<1x16xf32> to vector<16xf32>
        %parallel_loop3A_644 = arith.addf %parallel_loop3A_638, %parallel_loop3A_643 : vector<16xf32>
        %parallel_loop3A_645 = arith.constant 6 : i32
        %parallel_loop3A_646 = arith.index_cast %parallel_loop3A_645 : i32 to index
        %parallel_loop3A_647 = arith.index_cast %parallel_loop3A_633 : i32 to index
        %parallel_loop3A_648 = tpu.vector_load %arg16[%parallel_loop3A_646, %parallel_loop3A_647] {strides = array<i32>} : memref<8x1024xf32, #tpu.memory_space<vmem>>, vector<1x16xf32>,
        %parallel_loop3A_649 = vector.shape_cast %parallel_loop3A_648 : vector<1x16xf32> to vector<16xf32>
        %parallel_loop3A_650 = vector.shape_cast %parallel_loop3A_644 : vector<16xf32> to vector<1x16xf32>
        tpu.vector_store %arg16[%parallel_loop3A_646, %parallel_loop3A_647], %parallel_loop3A_650 {strides = array<i32>} : memref<8x1024xf32, #tpu.memory_space<vmem>>, vector<1x16xf32>,
      } {sc.loop_unroll_factor = 8 : i64, sc.parallel_access}
      %parallel_loop3A_485 = arith.constant 0 : i32
      %parallel_loop3A_486 = arith.constant 1024 : i32
      %parallel_loop3A_487 = arith.constant 16 : i32
      scf.for %parallel_loop3A_633 = %parallel_loop3A_485 to %parallel_loop3A_486 step %parallel_loop3A_487  : i32 {
        %parallel_loop3A_634 = arith.constant 7 : i32
        %parallel_loop3A_635 = arith.index_cast %parallel_loop3A_634 : i32 to index
        %parallel_loop3A_636 = arith.index_cast %parallel_loop3A_633 : i32 to index
        %parallel_loop3A_637 = tpu.vector_load %arg8[%parallel_loop3A_635, %parallel_loop3A_636] {strides = array<i32>} : memref<8x1024xf32, #tpu.memory_space<vmem>>, vector<1x16xf32>,
        %parallel_loop3A_638 = vector.shape_cast %parallel_loop3A_637 : vector<1x16xf32> to vector<16xf32>
        %parallel_loop3A_639 = arith.constant 7 : i32
        %parallel_loop3A_640 = arith.index_cast %parallel_loop3A_639 : i32 to index
        %parallel_loop3A_641 = arith.index_cast %parallel_loop3A_633 : i32 to index
        %parallel_loop3A_642 = tpu.vector_load %arg6[%parallel_loop3A_640, %parallel_loop3A_641] {strides = array<i32>} : memref<8x1024xf32, #tpu.memory_space<vmem>>, vector<1x16xf32>,
        %parallel_loop3A_643 = vector.shape_cast %parallel_loop3A_642 : vector<1x16xf32> to vector<16xf32>
        %parallel_loop3A_644 = arith.addf %parallel_loop3A_638, %parallel_loop3A_643 : vector<16xf32>
        %parallel_loop3A_645 = arith.constant 7 : i32
        %parallel_loop3A_646 = arith.index_cast %parallel_loop3A_645 : i32 to index
        %parallel_loop3A_647 = arith.index_cast %parallel_loop3A_633 : i32 to index
        %parallel_loop3A_648 = tpu.vector_load %arg16[%parallel_loop3A_646, %parallel_loop3A_647] {strides = array<i32>} : memref<8x1024xf32, #tpu.memory_space<vmem>>, vector<1x16xf32>,
        %parallel_loop3A_649 = vector.shape_cast %parallel_loop3A_648 : vector<1x16xf32> to vector<16xf32>
        %parallel_loop3A_650 = vector.shape_cast %parallel_loop3A_644 : vector<16xf32> to vector<1x16xf32>
        tpu.vector_store %arg16[%parallel_loop3A_646, %parallel_loop3A_647], %parallel_loop3A_650 {strides = array<i32>} : memref<8x1024xf32, #tpu.memory_space<vmem>>, vector<1x16xf32>,
      } {sc.loop_unroll_factor = 8 : i64, sc.parallel_access}
      %mul3A_488 = arith.constant 8 : i32
      %mul3A_489 = arith.muli %add3A_448, %mul3A_488 : i32
      %add3A_490 = arith.addi %mul3A_2, %mul3A_489 : i32
      %dma_start3A_491 = arith.constant 1 : i32
      %dma_start3A_492 = arith.constant 0 : i32
      %dma_start3A_493 = tpu.memref_slice %arg4[%dma_start3A_491, %add3A_490, %dma_start3A_492] : memref<4x8192x1024xf32, #tpu.memory_space<hbm>> -> memref<1x8x1024xf32, #tpu.memory_space<hbm>>
      %dma_start3A_494 = tpu.memref_squeeze %dma_start3A_493 : memref<1x8x1024xf32, #tpu.memory_space<hbm>> -> memref<8x1024xf32, #tpu.memory_space<hbm>>
      %dma_start3A_495 = arith.constant 0 : i32
      %dma_start3A_496 = tpu.memref_slice %arg4[%dma_start3A_491, %add3A_490, %dma_start3A_495] : memref<4x8192x1024xf32, #tpu.memory_space<hbm>> -> memref<1x8x1024xf32, #tpu.memory_space<hbm>>
      %dma_start3A_497 = tpu.memref_squeeze %dma_start3A_496 : memref<1x8x1024xf32, #tpu.memory_space<hbm>> -> memref<8x1024xf32, #tpu.memory_space<hbm>>
      tpu.enqueue_dma source(%arg16 : memref<8x1024xf32, #tpu.memory_space<vmem>>) target(%dma_start3A_497 : memref<8x1024xf32, #tpu.memory_space<hbm>>) target_semaphore(%arg28 : memref<!tpu.dma_semaphore, #tpu.memory_space<semaphore_mem>>)
      %add3A_498 = arith.constant 1 : i32
      %add3A_499 = arith.addi %add3A_448, %add3A_498 : i32
      %lt3A_500 = arith.constant 32 : i32
      %lt3A_501 = arith.cmpi slt, %add3A_499, %lt3A_500 : i32
      %convert_element_type3A_502 = arith.extui %lt3A_501 : i1 to i32
      %cond3A_503 = arith.constant 0 : i32
      %cond3A_504 = arith.cmpi ne, %convert_element_type3A_502, %cond3A_503 : i32
      scf.if %cond3A_504 {
        %add3A_633 = arith.constant 1 : i32
        %add3A_634 = arith.addi %add3A_448, %add3A_633 : i32
        %mul3A_635 = arith.constant 8 : i32
        %mul3A_636 = arith.muli %add3A_634, %mul3A_635 : i32
        %add3A_637 = arith.addi %mul3A_2, %mul3A_636 : i32
        %dma_start3A_638 = arith.constant 1 : i32
        %dma_start3A_639 = arith.constant 0 : i32
        %dma_start3A_640 = tpu.memref_slice %arg2[%dma_start3A_638, %add3A_637, %dma_start3A_639] : memref<4x8192x1024xf32, #tpu.memory_space<hbm>> -> memref<1x8x1024xf32, #tpu.memory_space<hbm>>
        %dma_start3A_641 = tpu.memref_squeeze %dma_start3A_640 : memref<1x8x1024xf32, #tpu.memory_space<hbm>> -> memref<8x1024xf32, #tpu.memory_space<hbm>>
        %dma_start3A_642 = arith.constant 0 : i32
        %dma_start3A_643 = tpu.memref_slice %arg2[%dma_start3A_638, %add3A_637, %dma_start3A_642] : memref<4x8192x1024xf32, #tpu.memory_space<hbm>> -> memref<1x8x1024xf32, #tpu.memory_space<hbm>>
        %dma_start3A_644 = tpu.memref_squeeze %dma_start3A_643 : memref<1x8x1024xf32, #tpu.memory_space<hbm>> -> memref<8x1024xf32, #tpu.memory_space<hbm>>
        tpu.enqueue_dma source(%dma_start3A_644 : memref<8x1024xf32, #tpu.memory_space<hbm>>) target(%arg8 : memref<8x1024xf32, #tpu.memory_space<vmem>>) target_semaphore(%arg20 : memref<!tpu.dma_semaphore, #tpu.memory_space<semaphore_mem>>)
      } else {
      }
      %mul3A_505 = arith.constant 2 : i32
      %mul3A_506 = arith.muli %scan3A_127, %mul3A_505 : i32
      %add3A_507 = arith.constant 1 : i32
      %add3A_508 = arith.addi %mul3A_506, %add3A_507 : i32
      %mul3A_509 = arith.constant 8 : i32
      %mul3A_510 = arith.muli %add3A_508, %mul3A_509 : i32
      %add3A_511 = arith.addi %mul3A_2, %mul3A_510 : i32
      %dma_wait3A_512 = arith.constant 2 : i32
      %dma_wait3A_513 = arith.constant 0 : i32
      %dma_wait3A_514 = tpu.memref_slice %arg2[%dma_wait3A_512, %add3A_511, %dma_wait3A_513] : memref<4x8192x1024xf32, #tpu.memory_space<hbm>> -> memref<1x8x1024xf32, #tpu.memory_space<hbm>>
      %dma_wait3A_515 = tpu.memref_squeeze %dma_wait3A_514 : memref<1x8x1024xf32, #tpu.memory_space<hbm>> -> memref<8x1024xf32, #tpu.memory_space<hbm>>
      %dma_wait3A_516 = arith.constant 0 : i32
      %dma_wait3A_517 = tpu.memref_slice %arg2[%dma_wait3A_512, %add3A_511, %dma_wait3A_516] : memref<4x8192x1024xf32, #tpu.memory_space<hbm>> -> memref<1x8x1024xf32, #tpu.memory_space<hbm>>
      %dma_wait3A_518 = tpu.memref_squeeze %dma_wait3A_517 : memref<1x8x1024xf32, #tpu.memory_space<hbm>> -> memref<8x1024xf32, #tpu.memory_space<hbm>>
      tpu.wait_dma2 semaphore(%arg21 : memref<!tpu.dma_semaphore, #tpu.memory_space<semaphore_mem>>) src(%dma_wait3A_518 : memref<8x1024xf32, #tpu.memory_space<hbm>>) dst(%arg9 : memref<8x1024xf32, #tpu.memory_space<vmem>>)
      %ge3A_519 = arith.constant 2 : i32
      %ge3A_520 = arith.cmpi sge, %add3A_508, %ge3A_519 : i32
      %convert_element_type3A_521 = arith.extui %ge3A_520 : i1 to i32
      %cond3A_522 = arith.constant 0 : i32
      %cond3A_523 = arith.cmpi ne, %convert_element_type3A_521, %cond3A_522 : i32
      scf.if %cond3A_523 {
        %sub3A = arith.constant 2 : i32
        %sub3A_633 = arith.subi %add3A_508, %sub3A : i32
        %mul3A_634 = arith.constant 8 : i32
        %mul3A_635 = arith.muli %sub3A_633, %mul3A_634 : i32
        %add3A_636 = arith.addi %mul3A_2, %mul3A_635 : i32
        %dma_wait3A_637 = arith.constant 2 : i32
        %dma_wait3A_638 = arith.constant 0 : i32
        %dma_wait3A_639 = tpu.memref_slice %arg4[%dma_wait3A_637, %add3A_636, %dma_wait3A_638] : memref<4x8192x1024xf32, #tpu.memory_space<hbm>> -> memref<1x8x1024xf32, #tpu.memory_space<hbm>>
        %dma_wait3A_640 = tpu.memref_squeeze %dma_wait3A_639 : memref<1x8x1024xf32, #tpu.memory_space<hbm>> -> memref<8x1024xf32, #tpu.memory_space<hbm>>
        %dma_wait3A_641 = arith.constant 0 : i32
        %dma_wait3A_642 = tpu.memref_slice %arg4[%dma_wait3A_637, %add3A_636, %dma_wait3A_641] : memref<4x8192x1024xf32, #tpu.memory_space<hbm>> -> memref<1x8x1024xf32, #tpu.memory_space<hbm>>
        %dma_wait3A_643 = tpu.memref_squeeze %dma_wait3A_642 : memref<1x8x1024xf32, #tpu.memory_space<hbm>> -> memref<8x1024xf32, #tpu.memory_space<hbm>>
        tpu.wait_dma2 semaphore(%arg29 : memref<!tpu.dma_semaphore, #tpu.memory_space<semaphore_mem>>) src(%arg17 : memref<8x1024xf32, #tpu.memory_space<vmem>>) dst(%dma_wait3A_643 : memref<8x1024xf32, #tpu.memory_space<hbm>>)
      } else {
      }
      %parallel_loop3A_524 = arith.constant 0 : i32
      %parallel_loop3A_525 = arith.constant 1024 : i32
      %parallel_loop3A_526 = arith.constant 16 : i32
      scf.for %parallel_loop3A_633 = %parallel_loop3A_524 to %parallel_loop3A_525 step %parallel_loop3A_526  : i32 {
        %parallel_loop3A_634 = arith.constant 0 : i32
        %parallel_loop3A_635 = arith.index_cast %parallel_loop3A_634 : i32 to index
        %parallel_loop3A_636 = arith.index_cast %parallel_loop3A_633 : i32 to index
        %parallel_loop3A_637 = tpu.vector_load %arg9[%parallel_loop3A_635, %parallel_loop3A_636] {strides = array<i32>} : memref<8x1024xf32, #tpu.memory_space<vmem>>, vector<1x16xf32>,
        %parallel_loop3A_638 = vector.shape_cast %parallel_loop3A_637 : vector<1x16xf32> to vector<16xf32>
        %parallel_loop3A_639 = arith.constant 0 : i32
        %parallel_loop3A_640 = arith.index_cast %parallel_loop3A_639 : i32 to index
        %parallel_loop3A_641 = arith.index_cast %parallel_loop3A_633 : i32 to index
        %parallel_loop3A_642 = tpu.vector_load %arg6[%parallel_loop3A_640, %parallel_loop3A_641] {strides = array<i32>} : memref<8x1024xf32, #tpu.memory_space<vmem>>, vector<1x16xf32>,
        %parallel_loop3A_643 = vector.shape_cast %parallel_loop3A_642 : vector<1x16xf32> to vector<16xf32>
        %parallel_loop3A_644 = arith.addf %parallel_loop3A_638, %parallel_loop3A_643 : vector<16xf32>
        %parallel_loop3A_645 = arith.constant 0 : i32
        %parallel_loop3A_646 = arith.index_cast %parallel_loop3A_645 : i32 to index
        %parallel_loop3A_647 = arith.index_cast %parallel_loop3A_633 : i32 to index
        %parallel_loop3A_648 = tpu.vector_load %arg17[%parallel_loop3A_646, %parallel_loop3A_647] {strides = array<i32>} : memref<8x1024xf32, #tpu.memory_space<vmem>>, vector<1x16xf32>,
        %parallel_loop3A_649 = vector.shape_cast %parallel_loop3A_648 : vector<1x16xf32> to vector<16xf32>
        %parallel_loop3A_650 = vector.shape_cast %parallel_loop3A_644 : vector<16xf32> to vector<1x16xf32>
        tpu.vector_store %arg17[%parallel_loop3A_646, %parallel_loop3A_647], %parallel_loop3A_650 {strides = array<i32>} : memref<8x1024xf32, #tpu.memory_space<vmem>>, vector<1x16xf32>,
      } {sc.loop_unroll_factor = 8 : i64, sc.parallel_access}
      %parallel_loop3A_527 = arith.constant 0 : i32
      %parallel_loop3A_528 = arith.constant 1024 : i32
      %parallel_loop3A_529 = arith.constant 16 : i32
      scf.for %parallel_loop3A_633 = %parallel_loop3A_527 to %parallel_loop3A_528 step %parallel_loop3A_529  : i32 {
        %parallel_loop3A_634 = arith.constant 1 : i32
        %parallel_loop3A_635 = arith.index_cast %parallel_loop3A_634 : i32 to index
        %parallel_loop3A_636 = arith.index_cast %parallel_loop3A_633 : i32 to index
        %parallel_loop3A_637 = tpu.vector_load %arg9[%parallel_loop3A_635, %parallel_loop3A_636] {strides = array<i32>} : memref<8x1024xf32, #tpu.memory_space<vmem>>, vector<1x16xf32>,
        %parallel_loop3A_638 = vector.shape_cast %parallel_loop3A_637 : vector<1x16xf32> to vector<16xf32>
        %parallel_loop3A_639 = arith.constant 1 : i32
        %parallel_loop3A_640 = arith.index_cast %parallel_loop3A_639 : i32 to index
        %parallel_loop3A_641 = arith.index_cast %parallel_loop3A_633 : i32 to index
        %parallel_loop3A_642 = tpu.vector_load %arg6[%parallel_loop3A_640, %parallel_loop3A_641] {strides = array<i32>} : memref<8x1024xf32, #tpu.memory_space<vmem>>, vector<1x16xf32>,
        %parallel_loop3A_643 = vector.shape_cast %parallel_loop3A_642 : vector<1x16xf32> to vector<16xf32>
        %parallel_loop3A_644 = arith.addf %parallel_loop3A_638, %parallel_loop3A_643 : vector<16xf32>
        %parallel_loop3A_645 = arith.constant 1 : i32
        %parallel_loop3A_646 = arith.index_cast %parallel_loop3A_645 : i32 to index
        %parallel_loop3A_647 = arith.index_cast %parallel_loop3A_633 : i32 to index
        %parallel_loop3A_648 = tpu.vector_load %arg17[%parallel_loop3A_646, %parallel_loop3A_647] {strides = array<i32>} : memref<8x1024xf32, #tpu.memory_space<vmem>>, vector<1x16xf32>,
        %parallel_loop3A_649 = vector.shape_cast %parallel_loop3A_648 : vector<1x16xf32> to vector<16xf32>
        %parallel_loop3A_650 = vector.shape_cast %parallel_loop3A_644 : vector<16xf32> to vector<1x16xf32>
        tpu.vector_store %arg17[%parallel_loop3A_646, %parallel_loop3A_647], %parallel_loop3A_650 {strides = array<i32>} : memref<8x1024xf32, #tpu.memory_space<vmem>>, vector<1x16xf32>,
      } {sc.loop_unroll_factor = 8 : i64, sc.parallel_access}
      %parallel_loop3A_530 = arith.constant 0 : i32
      %parallel_loop3A_531 = arith.constant 1024 : i32
      %parallel_loop3A_532 = arith.constant 16 : i32
      scf.for %parallel_loop3A_633 = %parallel_loop3A_530 to %parallel_loop3A_531 step %parallel_loop3A_532  : i32 {
        %parallel_loop3A_634 = arith.constant 2 : i32
        %parallel_loop3A_635 = arith.index_cast %parallel_loop3A_634 : i32 to index
        %parallel_loop3A_636 = arith.index_cast %parallel_loop3A_633 : i32 to index
        %parallel_loop3A_637 = tpu.vector_load %arg9[%parallel_loop3A_635, %parallel_loop3A_636] {strides = array<i32>} : memref<8x1024xf32, #tpu.memory_space<vmem>>, vector<1x16xf32>,
        %parallel_loop3A_638 = vector.shape_cast %parallel_loop3A_637 : vector<1x16xf32> to vector<16xf32>
        %parallel_loop3A_639 = arith.constant 2 : i32
        %parallel_loop3A_640 = arith.index_cast %parallel_loop3A_639 : i32 to index
        %parallel_loop3A_641 = arith.index_cast %parallel_loop3A_633 : i32 to index
        %parallel_loop3A_642 = tpu.vector_load %arg6[%parallel_loop3A_640, %parallel_loop3A_641] {strides = array<i32>} : memref<8x1024xf32, #tpu.memory_space<vmem>>, vector<1x16xf32>,
        %parallel_loop3A_643 = vector.shape_cast %parallel_loop3A_642 : vector<1x16xf32> to vector<16xf32>
        %parallel_loop3A_644 = arith.addf %parallel_loop3A_638, %parallel_loop3A_643 : vector<16xf32>
        %parallel_loop3A_645 = arith.constant 2 : i32
        %parallel_loop3A_646 = arith.index_cast %parallel_loop3A_645 : i32 to index
        %parallel_loop3A_647 = arith.index_cast %parallel_loop3A_633 : i32 to index
        %parallel_loop3A_648 = tpu.vector_load %arg17[%parallel_loop3A_646, %parallel_loop3A_647] {strides = array<i32>} : memref<8x1024xf32, #tpu.memory_space<vmem>>, vector<1x16xf32>,
        %parallel_loop3A_649 = vector.shape_cast %parallel_loop3A_648 : vector<1x16xf32> to vector<16xf32>
        %parallel_loop3A_650 = vector.shape_cast %parallel_loop3A_644 : vector<16xf32> to vector<1x16xf32>
        tpu.vector_store %arg17[%parallel_loop3A_646, %parallel_loop3A_647], %parallel_loop3A_650 {strides = array<i32>} : memref<8x1024xf32, #tpu.memory_space<vmem>>, vector<1x16xf32>,
      } {sc.loop_unroll_factor = 8 : i64, sc.parallel_access}
      %parallel_loop3A_533 = arith.constant 0 : i32
      %parallel_loop3A_534 = arith.constant 1024 : i32
      %parallel_loop3A_535 = arith.constant 16 : i32
      scf.for %parallel_loop3A_633 = %parallel_loop3A_533 to %parallel_loop3A_534 step %parallel_loop3A_535  : i32 {
        %parallel_loop3A_634 = arith.constant 3 : i32
        %parallel_loop3A_635 = arith.index_cast %parallel_loop3A_634 : i32 to index
        %parallel_loop3A_636 = arith.index_cast %parallel_loop3A_633 : i32 to index
        %parallel_loop3A_637 = tpu.vector_load %arg9[%parallel_loop3A_635, %parallel_loop3A_636] {strides = array<i32>} : memref<8x1024xf32, #tpu.memory_space<vmem>>, vector<1x16xf32>,
        %parallel_loop3A_638 = vector.shape_cast %parallel_loop3A_637 : vector<1x16xf32> to vector<16xf32>
        %parallel_loop3A_639 = arith.constant 3 : i32
        %parallel_loop3A_640 = arith.index_cast %parallel_loop3A_639 : i32 to index
        %parallel_loop3A_641 = arith.index_cast %parallel_loop3A_633 : i32 to index
        %parallel_loop3A_642 = tpu.vector_load %arg6[%parallel_loop3A_640, %parallel_loop3A_641] {strides = array<i32>} : memref<8x1024xf32, #tpu.memory_space<vmem>>, vector<1x16xf32>,
        %parallel_loop3A_643 = vector.shape_cast %parallel_loop3A_642 : vector<1x16xf32> to vector<16xf32>
        %parallel_loop3A_644 = arith.addf %parallel_loop3A_638, %parallel_loop3A_643 : vector<16xf32>
        %parallel_loop3A_645 = arith.constant 3 : i32
        %parallel_loop3A_646 = arith.index_cast %parallel_loop3A_645 : i32 to index
        %parallel_loop3A_647 = arith.index_cast %parallel_loop3A_633 : i32 to index
        %parallel_loop3A_648 = tpu.vector_load %arg17[%parallel_loop3A_646, %parallel_loop3A_647] {strides = array<i32>} : memref<8x1024xf32, #tpu.memory_space<vmem>>, vector<1x16xf32>,
        %parallel_loop3A_649 = vector.shape_cast %parallel_loop3A_648 : vector<1x16xf32> to vector<16xf32>
        %parallel_loop3A_650 = vector.shape_cast %parallel_loop3A_644 : vector<16xf32> to vector<1x16xf32>
        tpu.vector_store %arg17[%parallel_loop3A_646, %parallel_loop3A_647], %parallel_loop3A_650 {strides = array<i32>} : memref<8x1024xf32, #tpu.memory_space<vmem>>, vector<1x16xf32>,
      } {sc.loop_unroll_factor = 8 : i64, sc.parallel_access}
      %parallel_loop3A_536 = arith.constant 0 : i32
      %parallel_loop3A_537 = arith.constant 1024 : i32
      %parallel_loop3A_538 = arith.constant 16 : i32
      scf.for %parallel_loop3A_633 = %parallel_loop3A_536 to %parallel_loop3A_537 step %parallel_loop3A_538  : i32 {
        %parallel_loop3A_634 = arith.constant 4 : i32
        %parallel_loop3A_635 = arith.index_cast %parallel_loop3A_634 : i32 to index
        %parallel_loop3A_636 = arith.index_cast %parallel_loop3A_633 : i32 to index
        %parallel_loop3A_637 = tpu.vector_load %arg9[%parallel_loop3A_635, %parallel_loop3A_636] {strides = array<i32>} : memref<8x1024xf32, #tpu.memory_space<vmem>>, vector<1x16xf32>,
        %parallel_loop3A_638 = vector.shape_cast %parallel_loop3A_637 : vector<1x16xf32> to vector<16xf32>
        %parallel_loop3A_639 = arith.constant 4 : i32
        %parallel_loop3A_640 = arith.index_cast %parallel_loop3A_639 : i32 to index
        %parallel_loop3A_641 = arith.index_cast %parallel_loop3A_633 : i32 to index
        %parallel_loop3A_642 = tpu.vector_load %arg6[%parallel_loop3A_640, %parallel_loop3A_641] {strides = array<i32>} : memref<8x1024xf32, #tpu.memory_space<vmem>>, vector<1x16xf32>,
        %parallel_loop3A_643 = vector.shape_cast %parallel_loop3A_642 : vector<1x16xf32> to vector<16xf32>
        %parallel_loop3A_644 = arith.addf %parallel_loop3A_638, %parallel_loop3A_643 : vector<16xf32>
        %parallel_loop3A_645 = arith.constant 4 : i32
        %parallel_loop3A_646 = arith.index_cast %parallel_loop3A_645 : i32 to index
        %parallel_loop3A_647 = arith.index_cast %parallel_loop3A_633 : i32 to index
        %parallel_loop3A_648 = tpu.vector_load %arg17[%parallel_loop3A_646, %parallel_loop3A_647] {strides = array<i32>} : memref<8x1024xf32, #tpu.memory_space<vmem>>, vector<1x16xf32>,
        %parallel_loop3A_649 = vector.shape_cast %parallel_loop3A_648 : vector<1x16xf32> to vector<16xf32>
        %parallel_loop3A_650 = vector.shape_cast %parallel_loop3A_644 : vector<16xf32> to vector<1x16xf32>
        tpu.vector_store %arg17[%parallel_loop3A_646, %parallel_loop3A_647], %parallel_loop3A_650 {strides = array<i32>} : memref<8x1024xf32, #tpu.memory_space<vmem>>, vector<1x16xf32>,
      } {sc.loop_unroll_factor = 8 : i64, sc.parallel_access}
      %parallel_loop3A_539 = arith.constant 0 : i32
      %parallel_loop3A_540 = arith.constant 1024 : i32
      %parallel_loop3A_541 = arith.constant 16 : i32
      scf.for %parallel_loop3A_633 = %parallel_loop3A_539 to %parallel_loop3A_540 step %parallel_loop3A_541  : i32 {
        %parallel_loop3A_634 = arith.constant 5 : i32
        %parallel_loop3A_635 = arith.index_cast %parallel_loop3A_634 : i32 to index
        %parallel_loop3A_636 = arith.index_cast %parallel_loop3A_633 : i32 to index
        %parallel_loop3A_637 = tpu.vector_load %arg9[%parallel_loop3A_635, %parallel_loop3A_636] {strides = array<i32>} : memref<8x1024xf32, #tpu.memory_space<vmem>>, vector<1x16xf32>,
        %parallel_loop3A_638 = vector.shape_cast %parallel_loop3A_637 : vector<1x16xf32> to vector<16xf32>
        %parallel_loop3A_639 = arith.constant 5 : i32
        %parallel_loop3A_640 = arith.index_cast %parallel_loop3A_639 : i32 to index
        %parallel_loop3A_641 = arith.index_cast %parallel_loop3A_633 : i32 to index
        %parallel_loop3A_642 = tpu.vector_load %arg6[%parallel_loop3A_640, %parallel_loop3A_641] {strides = array<i32>} : memref<8x1024xf32, #tpu.memory_space<vmem>>, vector<1x16xf32>,
        %parallel_loop3A_643 = vector.shape_cast %parallel_loop3A_642 : vector<1x16xf32> to vector<16xf32>
        %parallel_loop3A_644 = arith.addf %parallel_loop3A_638, %parallel_loop3A_643 : vector<16xf32>
        %parallel_loop3A_645 = arith.constant 5 : i32
        %parallel_loop3A_646 = arith.index_cast %parallel_loop3A_645 : i32 to index
        %parallel_loop3A_647 = arith.index_cast %parallel_loop3A_633 : i32 to index
        %parallel_loop3A_648 = tpu.vector_load %arg17[%parallel_loop3A_646, %parallel_loop3A_647] {strides = array<i32>} : memref<8x1024xf32, #tpu.memory_space<vmem>>, vector<1x16xf32>,
        %parallel_loop3A_649 = vector.shape_cast %parallel_loop3A_648 : vector<1x16xf32> to vector<16xf32>
        %parallel_loop3A_650 = vector.shape_cast %parallel_loop3A_644 : vector<16xf32> to vector<1x16xf32>
        tpu.vector_store %arg17[%parallel_loop3A_646, %parallel_loop3A_647], %parallel_loop3A_650 {strides = array<i32>} : memref<8x1024xf32, #tpu.memory_space<vmem>>, vector<1x16xf32>,
      } {sc.loop_unroll_factor = 8 : i64, sc.parallel_access}
      %parallel_loop3A_542 = arith.constant 0 : i32
      %parallel_loop3A_543 = arith.constant 1024 : i32
      %parallel_loop3A_544 = arith.constant 16 : i32
      scf.for %parallel_loop3A_633 = %parallel_loop3A_542 to %parallel_loop3A_543 step %parallel_loop3A_544  : i32 {
        %parallel_loop3A_634 = arith.constant 6 : i32
        %parallel_loop3A_635 = arith.index_cast %parallel_loop3A_634 : i32 to index
        %parallel_loop3A_636 = arith.index_cast %parallel_loop3A_633 : i32 to index
        %parallel_loop3A_637 = tpu.vector_load %arg9[%parallel_loop3A_635, %parallel_loop3A_636] {strides = array<i32>} : memref<8x1024xf32, #tpu.memory_space<vmem>>, vector<1x16xf32>,
        %parallel_loop3A_638 = vector.shape_cast %parallel_loop3A_637 : vector<1x16xf32> to vector<16xf32>
        %parallel_loop3A_639 = arith.constant 6 : i32
        %parallel_loop3A_640 = arith.index_cast %parallel_loop3A_639 : i32 to index
        %parallel_loop3A_641 = arith.index_cast %parallel_loop3A_633 : i32 to index
        %parallel_loop3A_642 = tpu.vector_load %arg6[%parallel_loop3A_640, %parallel_loop3A_641] {strides = array<i32>} : memref<8x1024xf32, #tpu.memory_space<vmem>>, vector<1x16xf32>,
        %parallel_loop3A_643 = vector.shape_cast %parallel_loop3A_642 : vector<1x16xf32> to vector<16xf32>
        %parallel_loop3A_644 = arith.addf %parallel_loop3A_638, %parallel_loop3A_643 : vector<16xf32>
        %parallel_loop3A_645 = arith.constant 6 : i32
        %parallel_loop3A_646 = arith.index_cast %parallel_loop3A_645 : i32 to index
        %parallel_loop3A_647 = arith.index_cast %parallel_loop3A_633 : i32 to index
        %parallel_loop3A_648 = tpu.vector_load %arg17[%parallel_loop3A_646, %parallel_loop3A_647] {strides = array<i32>} : memref<8x1024xf32, #tpu.memory_space<vmem>>, vector<1x16xf32>,
        %parallel_loop3A_649 = vector.shape_cast %parallel_loop3A_648 : vector<1x16xf32> to vector<16xf32>
        %parallel_loop3A_650 = vector.shape_cast %parallel_loop3A_644 : vector<16xf32> to vector<1x16xf32>
        tpu.vector_store %arg17[%parallel_loop3A_646, %parallel_loop3A_647], %parallel_loop3A_650 {strides = array<i32>} : memref<8x1024xf32, #tpu.memory_space<vmem>>, vector<1x16xf32>,
      } {sc.loop_unroll_factor = 8 : i64, sc.parallel_access}
      %parallel_loop3A_545 = arith.constant 0 : i32
      %parallel_loop3A_546 = arith.constant 1024 : i32
      %parallel_loop3A_547 = arith.constant 16 : i32
      scf.for %parallel_loop3A_633 = %parallel_loop3A_545 to %parallel_loop3A_546 step %parallel_loop3A_547  : i32 {
        %parallel_loop3A_634 = arith.constant 7 : i32
        %parallel_loop3A_635 = arith.index_cast %parallel_loop3A_634 : i32 to index
        %parallel_loop3A_636 = arith.index_cast %parallel_loop3A_633 : i32 to index
        %parallel_loop3A_637 = tpu.vector_load %arg9[%parallel_loop3A_635, %parallel_loop3A_636] {strides = array<i32>} : memref<8x1024xf32, #tpu.memory_space<vmem>>, vector<1x16xf32>,
        %parallel_loop3A_638 = vector.shape_cast %parallel_loop3A_637 : vector<1x16xf32> to vector<16xf32>
        %parallel_loop3A_639 = arith.constant 7 : i32
        %parallel_loop3A_640 = arith.index_cast %parallel_loop3A_639 : i32 to index
        %parallel_loop3A_641 = arith.index_cast %parallel_loop3A_633 : i32 to index
        %parallel_loop3A_642 = tpu.vector_load %arg6[%parallel_loop3A_640, %parallel_loop3A_641] {strides = array<i32>} : memref<8x1024xf32, #tpu.memory_space<vmem>>, vector<1x16xf32>,
        %parallel_loop3A_643 = vector.shape_cast %parallel_loop3A_642 : vector<1x16xf32> to vector<16xf32>
        %parallel_loop3A_644 = arith.addf %parallel_loop3A_638, %parallel_loop3A_643 : vector<16xf32>
        %parallel_loop3A_645 = arith.constant 7 : i32
        %parallel_loop3A_646 = arith.index_cast %parallel_loop3A_645 : i32 to index
        %parallel_loop3A_647 = arith.index_cast %parallel_loop3A_633 : i32 to index
        %parallel_loop3A_648 = tpu.vector_load %arg17[%parallel_loop3A_646, %parallel_loop3A_647] {strides = array<i32>} : memref<8x1024xf32, #tpu.memory_space<vmem>>, vector<1x16xf32>,
        %parallel_loop3A_649 = vector.shape_cast %parallel_loop3A_648 : vector<1x16xf32> to vector<16xf32>
        %parallel_loop3A_650 = vector.shape_cast %parallel_loop3A_644 : vector<16xf32> to vector<1x16xf32>
        tpu.vector_store %arg17[%parallel_loop3A_646, %parallel_loop3A_647], %parallel_loop3A_650 {strides = array<i32>} : memref<8x1024xf32, #tpu.memory_space<vmem>>, vector<1x16xf32>,
      } {sc.loop_unroll_factor = 8 : i64, sc.parallel_access}
      %mul3A_548 = arith.constant 8 : i32
      %mul3A_549 = arith.muli %add3A_508, %mul3A_548 : i32
      %add3A_550 = arith.addi %mul3A_2, %mul3A_549 : i32
      %dma_start3A_551 = arith.constant 2 : i32
      %dma_start3A_552 = arith.constant 0 : i32
      %dma_start3A_553 = tpu.memref_slice %arg4[%dma_start3A_551, %add3A_550, %dma_start3A_552] : memref<4x8192x1024xf32, #tpu.memory_space<hbm>> -> memref<1x8x1024xf32, #tpu.memory_space<hbm>>
      %dma_start3A_554 = tpu.memref_squeeze %dma_start3A_553 : memref<1x8x1024xf32, #tpu.memory_space<hbm>> -> memref<8x1024xf32, #tpu.memory_space<hbm>>
      %dma_start3A_555 = arith.constant 0 : i32
      %dma_start3A_556 = tpu.memref_slice %arg4[%dma_start3A_551, %add3A_550, %dma_start3A_555] : memref<4x8192x1024xf32, #tpu.memory_space<hbm>> -> memref<1x8x1024xf32, #tpu.memory_space<hbm>>
      %dma_start3A_557 = tpu.memref_squeeze %dma_start3A_556 : memref<1x8x1024xf32, #tpu.memory_space<hbm>> -> memref<8x1024xf32, #tpu.memory_space<hbm>>
      tpu.enqueue_dma source(%arg17 : memref<8x1024xf32, #tpu.memory_space<vmem>>) target(%dma_start3A_557 : memref<8x1024xf32, #tpu.memory_space<hbm>>) target_semaphore(%arg29 : memref<!tpu.dma_semaphore, #tpu.memory_space<semaphore_mem>>)
      %add3A_558 = arith.constant 1 : i32
      %add3A_559 = arith.addi %add3A_508, %add3A_558 : i32
      %lt3A_560 = arith.constant 32 : i32
      %lt3A_561 = arith.cmpi slt, %add3A_559, %lt3A_560 : i32
      %convert_element_type3A_562 = arith.extui %lt3A_561 : i1 to i32
      %cond3A_563 = arith.constant 0 : i32
      %cond3A_564 = arith.cmpi ne, %convert_element_type3A_562, %cond3A_563 : i32
      scf.if %cond3A_564 {
        %add3A_633 = arith.constant 1 : i32
        %add3A_634 = arith.addi %add3A_508, %add3A_633 : i32
        %mul3A_635 = arith.constant 8 : i32
        %mul3A_636 = arith.muli %add3A_634, %mul3A_635 : i32
        %add3A_637 = arith.addi %mul3A_2, %mul3A_636 : i32
        %dma_start3A_638 = arith.constant 2 : i32
        %dma_start3A_639 = arith.constant 0 : i32
        %dma_start3A_640 = tpu.memref_slice %arg2[%dma_start3A_638, %add3A_637, %dma_start3A_639] : memref<4x8192x1024xf32, #tpu.memory_space<hbm>> -> memref<1x8x1024xf32, #tpu.memory_space<hbm>>
        %dma_start3A_641 = tpu.memref_squeeze %dma_start3A_640 : memref<1x8x1024xf32, #tpu.memory_space<hbm>> -> memref<8x1024xf32, #tpu.memory_space<hbm>>
        %dma_start3A_642 = arith.constant 0 : i32
        %dma_start3A_643 = tpu.memref_slice %arg2[%dma_start3A_638, %add3A_637, %dma_start3A_642] : memref<4x8192x1024xf32, #tpu.memory_space<hbm>> -> memref<1x8x1024xf32, #tpu.memory_space<hbm>>
        %dma_start3A_644 = tpu.memref_squeeze %dma_start3A_643 : memref<1x8x1024xf32, #tpu.memory_space<hbm>> -> memref<8x1024xf32, #tpu.memory_space<hbm>>
        tpu.enqueue_dma source(%dma_start3A_644 : memref<8x1024xf32, #tpu.memory_space<hbm>>) target(%arg9 : memref<8x1024xf32, #tpu.memory_space<vmem>>) target_semaphore(%arg21 : memref<!tpu.dma_semaphore, #tpu.memory_space<semaphore_mem>>)
      } else {
      }
      %mul3A_565 = arith.constant 2 : i32
      %mul3A_566 = arith.muli %scan3A_127, %mul3A_565 : i32
      %add3A_567 = arith.constant 1 : i32
      %add3A_568 = arith.addi %mul3A_566, %add3A_567 : i32
      %mul3A_569 = arith.constant 8 : i32
      %mul3A_570 = arith.muli %add3A_568, %mul3A_569 : i32
      %add3A_571 = arith.addi %mul3A_2, %mul3A_570 : i32
      %dma_wait3A_572 = arith.constant 3 : i32
      %dma_wait3A_573 = arith.constant 0 : i32
      %dma_wait3A_574 = tpu.memref_slice %arg2[%dma_wait3A_572, %add3A_571, %dma_wait3A_573] : memref<4x8192x1024xf32, #tpu.memory_space<hbm>> -> memref<1x8x1024xf32, #tpu.memory_space<hbm>>
      %dma_wait3A_575 = tpu.memref_squeeze %dma_wait3A_574 : memref<1x8x1024xf32, #tpu.memory_space<hbm>> -> memref<8x1024xf32, #tpu.memory_space<hbm>>
      %dma_wait3A_576 = arith.constant 0 : i32
      %dma_wait3A_577 = tpu.memref_slice %arg2[%dma_wait3A_572, %add3A_571, %dma_wait3A_576] : memref<4x8192x1024xf32, #tpu.memory_space<hbm>> -> memref<1x8x1024xf32, #tpu.memory_space<hbm>>
      %dma_wait3A_578 = tpu.memref_squeeze %dma_wait3A_577 : memref<1x8x1024xf32, #tpu.memory_space<hbm>> -> memref<8x1024xf32, #tpu.memory_space<hbm>>
      tpu.wait_dma2 semaphore(%arg22 : memref<!tpu.dma_semaphore, #tpu.memory_space<semaphore_mem>>) src(%dma_wait3A_578 : memref<8x1024xf32, #tpu.memory_space<hbm>>) dst(%arg10 : memref<8x1024xf32, #tpu.memory_space<vmem>>)
      %ge3A_579 = arith.constant 2 : i32
      %ge3A_580 = arith.cmpi sge, %add3A_568, %ge3A_579 : i32
      %convert_element_type3A_581 = arith.extui %ge3A_580 : i1 to i32
      %cond3A_582 = arith.constant 0 : i32
      %cond3A_583 = arith.cmpi ne, %convert_element_type3A_581, %cond3A_582 : i32
      scf.if %cond3A_583 {
        %sub3A = arith.constant 2 : i32
        %sub3A_633 = arith.subi %add3A_568, %sub3A : i32
        %mul3A_634 = arith.constant 8 : i32
        %mul3A_635 = arith.muli %sub3A_633, %mul3A_634 : i32
        %add3A_636 = arith.addi %mul3A_2, %mul3A_635 : i32
        %dma_wait3A_637 = arith.constant 3 : i32
        %dma_wait3A_638 = arith.constant 0 : i32
        %dma_wait3A_639 = tpu.memref_slice %arg4[%dma_wait3A_637, %add3A_636, %dma_wait3A_638] : memref<4x8192x1024xf32, #tpu.memory_space<hbm>> -> memref<1x8x1024xf32, #tpu.memory_space<hbm>>
        %dma_wait3A_640 = tpu.memref_squeeze %dma_wait3A_639 : memref<1x8x1024xf32, #tpu.memory_space<hbm>> -> memref<8x1024xf32, #tpu.memory_space<hbm>>
        %dma_wait3A_641 = arith.constant 0 : i32
        %dma_wait3A_642 = tpu.memref_slice %arg4[%dma_wait3A_637, %add3A_636, %dma_wait3A_641] : memref<4x8192x1024xf32, #tpu.memory_space<hbm>> -> memref<1x8x1024xf32, #tpu.memory_space<hbm>>
        %dma_wait3A_643 = tpu.memref_squeeze %dma_wait3A_642 : memref<1x8x1024xf32, #tpu.memory_space<hbm>> -> memref<8x1024xf32, #tpu.memory_space<hbm>>
        tpu.wait_dma2 semaphore(%arg30 : memref<!tpu.dma_semaphore, #tpu.memory_space<semaphore_mem>>) src(%arg18 : memref<8x1024xf32, #tpu.memory_space<vmem>>) dst(%dma_wait3A_643 : memref<8x1024xf32, #tpu.memory_space<hbm>>)
      } else {
      }
      %parallel_loop3A_584 = arith.constant 0 : i32
      %parallel_loop3A_585 = arith.constant 1024 : i32
      %parallel_loop3A_586 = arith.constant 16 : i32
      scf.for %parallel_loop3A_633 = %parallel_loop3A_584 to %parallel_loop3A_585 step %parallel_loop3A_586  : i32 {
        %parallel_loop3A_634 = arith.constant 0 : i32
        %parallel_loop3A_635 = arith.index_cast %parallel_loop3A_634 : i32 to index
        %parallel_loop3A_636 = arith.index_cast %parallel_loop3A_633 : i32 to index
        %parallel_loop3A_637 = tpu.vector_load %arg10[%parallel_loop3A_635, %parallel_loop3A_636] {strides = array<i32>} : memref<8x1024xf32, #tpu.memory_space<vmem>>, vector<1x16xf32>,
        %parallel_loop3A_638 = vector.shape_cast %parallel_loop3A_637 : vector<1x16xf32> to vector<16xf32>
        %parallel_loop3A_639 = arith.constant 0 : i32
        %parallel_loop3A_640 = arith.index_cast %parallel_loop3A_639 : i32 to index
        %parallel_loop3A_641 = arith.index_cast %parallel_loop3A_633 : i32 to index
        %parallel_loop3A_642 = tpu.vector_load %arg6[%parallel_loop3A_640, %parallel_loop3A_641] {strides = array<i32>} : memref<8x1024xf32, #tpu.memory_space<vmem>>, vector<1x16xf32>,
        %parallel_loop3A_643 = vector.shape_cast %parallel_loop3A_642 : vector<1x16xf32> to vector<16xf32>
        %parallel_loop3A_644 = arith.addf %parallel_loop3A_638, %parallel_loop3A_643 : vector<16xf32>
        %parallel_loop3A_645 = arith.constant 0 : i32
        %parallel_loop3A_646 = arith.index_cast %parallel_loop3A_645 : i32 to index
        %parallel_loop3A_647 = arith.index_cast %parallel_loop3A_633 : i32 to index
        %parallel_loop3A_648 = tpu.vector_load %arg18[%parallel_loop3A_646, %parallel_loop3A_647] {strides = array<i32>} : memref<8x1024xf32, #tpu.memory_space<vmem>>, vector<1x16xf32>,
        %parallel_loop3A_649 = vector.shape_cast %parallel_loop3A_648 : vector<1x16xf32> to vector<16xf32>
        %parallel_loop3A_650 = vector.shape_cast %parallel_loop3A_644 : vector<16xf32> to vector<1x16xf32>
        tpu.vector_store %arg18[%parallel_loop3A_646, %parallel_loop3A_647], %parallel_loop3A_650 {strides = array<i32>} : memref<8x1024xf32, #tpu.memory_space<vmem>>, vector<1x16xf32>,
      } {sc.loop_unroll_factor = 8 : i64, sc.parallel_access}
      %parallel_loop3A_587 = arith.constant 0 : i32
      %parallel_loop3A_588 = arith.constant 1024 : i32
      %parallel_loop3A_589 = arith.constant 16 : i32
      scf.for %parallel_loop3A_633 = %parallel_loop3A_587 to %parallel_loop3A_588 step %parallel_loop3A_589  : i32 {
        %parallel_loop3A_634 = arith.constant 1 : i32
        %parallel_loop3A_635 = arith.index_cast %parallel_loop3A_634 : i32 to index
        %parallel_loop3A_636 = arith.index_cast %parallel_loop3A_633 : i32 to index
        %parallel_loop3A_637 = tpu.vector_load %arg10[%parallel_loop3A_635, %parallel_loop3A_636] {strides = array<i32>} : memref<8x1024xf32, #tpu.memory_space<vmem>>, vector<1x16xf32>,
        %parallel_loop3A_638 = vector.shape_cast %parallel_loop3A_637 : vector<1x16xf32> to vector<16xf32>
        %parallel_loop3A_639 = arith.constant 1 : i32
        %parallel_loop3A_640 = arith.index_cast %parallel_loop3A_639 : i32 to index
        %parallel_loop3A_641 = arith.index_cast %parallel_loop3A_633 : i32 to index
        %parallel_loop3A_642 = tpu.vector_load %arg6[%parallel_loop3A_640, %parallel_loop3A_641] {strides = array<i32>} : memref<8x1024xf32, #tpu.memory_space<vmem>>, vector<1x16xf32>,
        %parallel_loop3A_643 = vector.shape_cast %parallel_loop3A_642 : vector<1x16xf32> to vector<16xf32>
        %parallel_loop3A_644 = arith.addf %parallel_loop3A_638, %parallel_loop3A_643 : vector<16xf32>
        %parallel_loop3A_645 = arith.constant 1 : i32
        %parallel_loop3A_646 = arith.index_cast %parallel_loop3A_645 : i32 to index
        %parallel_loop3A_647 = arith.index_cast %parallel_loop3A_633 : i32 to index
        %parallel_loop3A_648 = tpu.vector_load %arg18[%parallel_loop3A_646, %parallel_loop3A_647] {strides = array<i32>} : memref<8x1024xf32, #tpu.memory_space<vmem>>, vector<1x16xf32>,
        %parallel_loop3A_649 = vector.shape_cast %parallel_loop3A_648 : vector<1x16xf32> to vector<16xf32>
        %parallel_loop3A_650 = vector.shape_cast %parallel_loop3A_644 : vector<16xf32> to vector<1x16xf32>
        tpu.vector_store %arg18[%parallel_loop3A_646, %parallel_loop3A_647], %parallel_loop3A_650 {strides = array<i32>} : memref<8x1024xf32, #tpu.memory_space<vmem>>, vector<1x16xf32>,
      } {sc.loop_unroll_factor = 8 : i64, sc.parallel_access}
      %parallel_loop3A_590 = arith.constant 0 : i32
      %parallel_loop3A_591 = arith.constant 1024 : i32
      %parallel_loop3A_592 = arith.constant 16 : i32
      scf.for %parallel_loop3A_633 = %parallel_loop3A_590 to %parallel_loop3A_591 step %parallel_loop3A_592  : i32 {
        %parallel_loop3A_634 = arith.constant 2 : i32
        %parallel_loop3A_635 = arith.index_cast %parallel_loop3A_634 : i32 to index
        %parallel_loop3A_636 = arith.index_cast %parallel_loop3A_633 : i32 to index
        %parallel_loop3A_637 = tpu.vector_load %arg10[%parallel_loop3A_635, %parallel_loop3A_636] {strides = array<i32>} : memref<8x1024xf32, #tpu.memory_space<vmem>>, vector<1x16xf32>,
        %parallel_loop3A_638 = vector.shape_cast %parallel_loop3A_637 : vector<1x16xf32> to vector<16xf32>
        %parallel_loop3A_639 = arith.constant 2 : i32
        %parallel_loop3A_640 = arith.index_cast %parallel_loop3A_639 : i32 to index
        %parallel_loop3A_641 = arith.index_cast %parallel_loop3A_633 : i32 to index
        %parallel_loop3A_642 = tpu.vector_load %arg6[%parallel_loop3A_640, %parallel_loop3A_641] {strides = array<i32>} : memref<8x1024xf32, #tpu.memory_space<vmem>>, vector<1x16xf32>,
        %parallel_loop3A_643 = vector.shape_cast %parallel_loop3A_642 : vector<1x16xf32> to vector<16xf32>
        %parallel_loop3A_644 = arith.addf %parallel_loop3A_638, %parallel_loop3A_643 : vector<16xf32>
        %parallel_loop3A_645 = arith.constant 2 : i32
        %parallel_loop3A_646 = arith.index_cast %parallel_loop3A_645 : i32 to index
        %parallel_loop3A_647 = arith.index_cast %parallel_loop3A_633 : i32 to index
        %parallel_loop3A_648 = tpu.vector_load %arg18[%parallel_loop3A_646, %parallel_loop3A_647] {strides = array<i32>} : memref<8x1024xf32, #tpu.memory_space<vmem>>, vector<1x16xf32>,
        %parallel_loop3A_649 = vector.shape_cast %parallel_loop3A_648 : vector<1x16xf32> to vector<16xf32>
        %parallel_loop3A_650 = vector.shape_cast %parallel_loop3A_644 : vector<16xf32> to vector<1x16xf32>
        tpu.vector_store %arg18[%parallel_loop3A_646, %parallel_loop3A_647], %parallel_loop3A_650 {strides = array<i32>} : memref<8x1024xf32, #tpu.memory_space<vmem>>, vector<1x16xf32>,
      } {sc.loop_unroll_factor = 8 : i64, sc.parallel_access}
      %parallel_loop3A_593 = arith.constant 0 : i32
      %parallel_loop3A_594 = arith.constant 1024 : i32
      %parallel_loop3A_595 = arith.constant 16 : i32
      scf.for %parallel_loop3A_633 = %parallel_loop3A_593 to %parallel_loop3A_594 step %parallel_loop3A_595  : i32 {
        %parallel_loop3A_634 = arith.constant 3 : i32
        %parallel_loop3A_635 = arith.index_cast %parallel_loop3A_634 : i32 to index
        %parallel_loop3A_636 = arith.index_cast %parallel_loop3A_633 : i32 to index
        %parallel_loop3A_637 = tpu.vector_load %arg10[%parallel_loop3A_635, %parallel_loop3A_636] {strides = array<i32>} : memref<8x1024xf32, #tpu.memory_space<vmem>>, vector<1x16xf32>,
        %parallel_loop3A_638 = vector.shape_cast %parallel_loop3A_637 : vector<1x16xf32> to vector<16xf32>
        %parallel_loop3A_639 = arith.constant 3 : i32
        %parallel_loop3A_640 = arith.index_cast %parallel_loop3A_639 : i32 to index
        %parallel_loop3A_641 = arith.index_cast %parallel_loop3A_633 : i32 to index
        %parallel_loop3A_642 = tpu.vector_load %arg6[%parallel_loop3A_640, %parallel_loop3A_641] {strides = array<i32>} : memref<8x1024xf32, #tpu.memory_space<vmem>>, vector<1x16xf32>,
        %parallel_loop3A_643 = vector.shape_cast %parallel_loop3A_642 : vector<1x16xf32> to vector<16xf32>
        %parallel_loop3A_644 = arith.addf %parallel_loop3A_638, %parallel_loop3A_643 : vector<16xf32>
        %parallel_loop3A_645 = arith.constant 3 : i32
        %parallel_loop3A_646 = arith.index_cast %parallel_loop3A_645 : i32 to index
        %parallel_loop3A_647 = arith.index_cast %parallel_loop3A_633 : i32 to index
        %parallel_loop3A_648 = tpu.vector_load %arg18[%parallel_loop3A_646, %parallel_loop3A_647] {strides = array<i32>} : memref<8x1024xf32, #tpu.memory_space<vmem>>, vector<1x16xf32>,
        %parallel_loop3A_649 = vector.shape_cast %parallel_loop3A_648 : vector<1x16xf32> to vector<16xf32>
        %parallel_loop3A_650 = vector.shape_cast %parallel_loop3A_644 : vector<16xf32> to vector<1x16xf32>
        tpu.vector_store %arg18[%parallel_loop3A_646, %parallel_loop3A_647], %parallel_loop3A_650 {strides = array<i32>} : memref<8x1024xf32, #tpu.memory_space<vmem>>, vector<1x16xf32>,
      } {sc.loop_unroll_factor = 8 : i64, sc.parallel_access}
      %parallel_loop3A_596 = arith.constant 0 : i32
      %parallel_loop3A_597 = arith.constant 1024 : i32
      %parallel_loop3A_598 = arith.constant 16 : i32
      scf.for %parallel_loop3A_633 = %parallel_loop3A_596 to %parallel_loop3A_597 step %parallel_loop3A_598  : i32 {
        %parallel_loop3A_634 = arith.constant 4 : i32
        %parallel_loop3A_635 = arith.index_cast %parallel_loop3A_634 : i32 to index
        %parallel_loop3A_636 = arith.index_cast %parallel_loop3A_633 : i32 to index
        %parallel_loop3A_637 = tpu.vector_load %arg10[%parallel_loop3A_635, %parallel_loop3A_636] {strides = array<i32>} : memref<8x1024xf32, #tpu.memory_space<vmem>>, vector<1x16xf32>,
        %parallel_loop3A_638 = vector.shape_cast %parallel_loop3A_637 : vector<1x16xf32> to vector<16xf32>
        %parallel_loop3A_639 = arith.constant 4 : i32
        %parallel_loop3A_640 = arith.index_cast %parallel_loop3A_639 : i32 to index
        %parallel_loop3A_641 = arith.index_cast %parallel_loop3A_633 : i32 to index
        %parallel_loop3A_642 = tpu.vector_load %arg6[%parallel_loop3A_640, %parallel_loop3A_641] {strides = array<i32>} : memref<8x1024xf32, #tpu.memory_space<vmem>>, vector<1x16xf32>,
        %parallel_loop3A_643 = vector.shape_cast %parallel_loop3A_642 : vector<1x16xf32> to vector<16xf32>
        %parallel_loop3A_644 = arith.addf %parallel_loop3A_638, %parallel_loop3A_643 : vector<16xf32>
        %parallel_loop3A_645 = arith.constant 4 : i32
        %parallel_loop3A_646 = arith.index_cast %parallel_loop3A_645 : i32 to index
        %parallel_loop3A_647 = arith.index_cast %parallel_loop3A_633 : i32 to index
        %parallel_loop3A_648 = tpu.vector_load %arg18[%parallel_loop3A_646, %parallel_loop3A_647] {strides = array<i32>} : memref<8x1024xf32, #tpu.memory_space<vmem>>, vector<1x16xf32>,
        %parallel_loop3A_649 = vector.shape_cast %parallel_loop3A_648 : vector<1x16xf32> to vector<16xf32>
        %parallel_loop3A_650 = vector.shape_cast %parallel_loop3A_644 : vector<16xf32> to vector<1x16xf32>
        tpu.vector_store %arg18[%parallel_loop3A_646, %parallel_loop3A_647], %parallel_loop3A_650 {strides = array<i32>} : memref<8x1024xf32, #tpu.memory_space<vmem>>, vector<1x16xf32>,
      } {sc.loop_unroll_factor = 8 : i64, sc.parallel_access}
      %parallel_loop3A_599 = arith.constant 0 : i32
      %parallel_loop3A_600 = arith.constant 1024 : i32
      %parallel_loop3A_601 = arith.constant 16 : i32
      scf.for %parallel_loop3A_633 = %parallel_loop3A_599 to %parallel_loop3A_600 step %parallel_loop3A_601  : i32 {
        %parallel_loop3A_634 = arith.constant 5 : i32
        %parallel_loop3A_635 = arith.index_cast %parallel_loop3A_634 : i32 to index
        %parallel_loop3A_636 = arith.index_cast %parallel_loop3A_633 : i32 to index
        %parallel_loop3A_637 = tpu.vector_load %arg10[%parallel_loop3A_635, %parallel_loop3A_636] {strides = array<i32>} : memref<8x1024xf32, #tpu.memory_space<vmem>>, vector<1x16xf32>,
        %parallel_loop3A_638 = vector.shape_cast %parallel_loop3A_637 : vector<1x16xf32> to vector<16xf32>
        %parallel_loop3A_639 = arith.constant 5 : i32
        %parallel_loop3A_640 = arith.index_cast %parallel_loop3A_639 : i32 to index
        %parallel_loop3A_641 = arith.index_cast %parallel_loop3A_633 : i32 to index
        %parallel_loop3A_642 = tpu.vector_load %arg6[%parallel_loop3A_640, %parallel_loop3A_641] {strides = array<i32>} : memref<8x1024xf32, #tpu.memory_space<vmem>>, vector<1x16xf32>,
        %parallel_loop3A_643 = vector.shape_cast %parallel_loop3A_642 : vector<1x16xf32> to vector<16xf32>
        %parallel_loop3A_644 = arith.addf %parallel_loop3A_638, %parallel_loop3A_643 : vector<16xf32>
        %parallel_loop3A_645 = arith.constant 5 : i32
        %parallel_loop3A_646 = arith.index_cast %parallel_loop3A_645 : i32 to index
        %parallel_loop3A_647 = arith.index_cast %parallel_loop3A_633 : i32 to index
        %parallel_loop3A_648 = tpu.vector_load %arg18[%parallel_loop3A_646, %parallel_loop3A_647] {strides = array<i32>} : memref<8x1024xf32, #tpu.memory_space<vmem>>, vector<1x16xf32>,
        %parallel_loop3A_649 = vector.shape_cast %parallel_loop3A_648 : vector<1x16xf32> to vector<16xf32>
        %parallel_loop3A_650 = vector.shape_cast %parallel_loop3A_644 : vector<16xf32> to vector<1x16xf32>
        tpu.vector_store %arg18[%parallel_loop3A_646, %parallel_loop3A_647], %parallel_loop3A_650 {strides = array<i32>} : memref<8x1024xf32, #tpu.memory_space<vmem>>, vector<1x16xf32>,
      } {sc.loop_unroll_factor = 8 : i64, sc.parallel_access}
      %parallel_loop3A_602 = arith.constant 0 : i32
      %parallel_loop3A_603 = arith.constant 1024 : i32
      %parallel_loop3A_604 = arith.constant 16 : i32
      scf.for %parallel_loop3A_633 = %parallel_loop3A_602 to %parallel_loop3A_603 step %parallel_loop3A_604  : i32 {
        %parallel_loop3A_634 = arith.constant 6 : i32
        %parallel_loop3A_635 = arith.index_cast %parallel_loop3A_634 : i32 to index
        %parallel_loop3A_636 = arith.index_cast %parallel_loop3A_633 : i32 to index
        %parallel_loop3A_637 = tpu.vector_load %arg10[%parallel_loop3A_635, %parallel_loop3A_636] {strides = array<i32>} : memref<8x1024xf32, #tpu.memory_space<vmem>>, vector<1x16xf32>,
        %parallel_loop3A_638 = vector.shape_cast %parallel_loop3A_637 : vector<1x16xf32> to vector<16xf32>
        %parallel_loop3A_639 = arith.constant 6 : i32
        %parallel_loop3A_640 = arith.index_cast %parallel_loop3A_639 : i32 to index
        %parallel_loop3A_641 = arith.index_cast %parallel_loop3A_633 : i32 to index
        %parallel_loop3A_642 = tpu.vector_load %arg6[%parallel_loop3A_640, %parallel_loop3A_641] {strides = array<i32>} : memref<8x1024xf32, #tpu.memory_space<vmem>>, vector<1x16xf32>,
        %parallel_loop3A_643 = vector.shape_cast %parallel_loop3A_642 : vector<1x16xf32> to vector<16xf32>
        %parallel_loop3A_644 = arith.addf %parallel_loop3A_638, %parallel_loop3A_643 : vector<16xf32>
        %parallel_loop3A_645 = arith.constant 6 : i32
        %parallel_loop3A_646 = arith.index_cast %parallel_loop3A_645 : i32 to index
        %parallel_loop3A_647 = arith.index_cast %parallel_loop3A_633 : i32 to index
        %parallel_loop3A_648 = tpu.vector_load %arg18[%parallel_loop3A_646, %parallel_loop3A_647] {strides = array<i32>} : memref<8x1024xf32, #tpu.memory_space<vmem>>, vector<1x16xf32>,
        %parallel_loop3A_649 = vector.shape_cast %parallel_loop3A_648 : vector<1x16xf32> to vector<16xf32>
        %parallel_loop3A_650 = vector.shape_cast %parallel_loop3A_644 : vector<16xf32> to vector<1x16xf32>
        tpu.vector_store %arg18[%parallel_loop3A_646, %parallel_loop3A_647], %parallel_loop3A_650 {strides = array<i32>} : memref<8x1024xf32, #tpu.memory_space<vmem>>, vector<1x16xf32>,
      } {sc.loop_unroll_factor = 8 : i64, sc.parallel_access}
      %parallel_loop3A_605 = arith.constant 0 : i32
      %parallel_loop3A_606 = arith.constant 1024 : i32
      %parallel_loop3A_607 = arith.constant 16 : i32
      scf.for %parallel_loop3A_633 = %parallel_loop3A_605 to %parallel_loop3A_606 step %parallel_loop3A_607  : i32 {
        %parallel_loop3A_634 = arith.constant 7 : i32
        %parallel_loop3A_635 = arith.index_cast %parallel_loop3A_634 : i32 to index
        %parallel_loop3A_636 = arith.index_cast %parallel_loop3A_633 : i32 to index
        %parallel_loop3A_637 = tpu.vector_load %arg10[%parallel_loop3A_635, %parallel_loop3A_636] {strides = array<i32>} : memref<8x1024xf32, #tpu.memory_space<vmem>>, vector<1x16xf32>,
        %parallel_loop3A_638 = vector.shape_cast %parallel_loop3A_637 : vector<1x16xf32> to vector<16xf32>
        %parallel_loop3A_639 = arith.constant 7 : i32
        %parallel_loop3A_640 = arith.index_cast %parallel_loop3A_639 : i32 to index
        %parallel_loop3A_641 = arith.index_cast %parallel_loop3A_633 : i32 to index
        %parallel_loop3A_642 = tpu.vector_load %arg6[%parallel_loop3A_640, %parallel_loop3A_641] {strides = array<i32>} : memref<8x1024xf32, #tpu.memory_space<vmem>>, vector<1x16xf32>,
        %parallel_loop3A_643 = vector.shape_cast %parallel_loop3A_642 : vector<1x16xf32> to vector<16xf32>
        %parallel_loop3A_644 = arith.addf %parallel_loop3A_638, %parallel_loop3A_643 : vector<16xf32>
        %parallel_loop3A_645 = arith.constant 7 : i32
        %parallel_loop3A_646 = arith.index_cast %parallel_loop3A_645 : i32 to index
        %parallel_loop3A_647 = arith.index_cast %parallel_loop3A_633 : i32 to index
        %parallel_loop3A_648 = tpu.vector_load %arg18[%parallel_loop3A_646, %parallel_loop3A_647] {strides = array<i32>} : memref<8x1024xf32, #tpu.memory_space<vmem>>, vector<1x16xf32>,
        %parallel_loop3A_649 = vector.shape_cast %parallel_loop3A_648 : vector<1x16xf32> to vector<16xf32>
        %parallel_loop3A_650 = vector.shape_cast %parallel_loop3A_644 : vector<16xf32> to vector<1x16xf32>
        tpu.vector_store %arg18[%parallel_loop3A_646, %parallel_loop3A_647], %parallel_loop3A_650 {strides = array<i32>} : memref<8x1024xf32, #tpu.memory_space<vmem>>, vector<1x16xf32>,
      } {sc.loop_unroll_factor = 8 : i64, sc.parallel_access}
      %mul3A_608 = arith.constant 8 : i32
      %mul3A_609 = arith.muli %add3A_568, %mul3A_608 : i32
      %add3A_610 = arith.addi %mul3A_2, %mul3A_609 : i32
      %dma_start3A_611 = arith.constant 3 : i32
      %dma_start3A_612 = arith.constant 0 : i32
      %dma_start3A_613 = tpu.memref_slice %arg4[%dma_start3A_611, %add3A_610, %dma_start3A_612] : memref<4x8192x1024xf32, #tpu.memory_space<hbm>> -> memref<1x8x1024xf32, #tpu.memory_space<hbm>>
      %dma_start3A_614 = tpu.memref_squeeze %dma_start3A_613 : memref<1x8x1024xf32, #tpu.memory_space<hbm>> -> memref<8x1024xf32, #tpu.memory_space<hbm>>
      %dma_start3A_615 = arith.constant 0 : i32
      %dma_start3A_616 = tpu.memref_slice %arg4[%dma_start3A_611, %add3A_610, %dma_start3A_615] : memref<4x8192x1024xf32, #tpu.memory_space<hbm>> -> memref<1x8x1024xf32, #tpu.memory_space<hbm>>
      %dma_start3A_617 = tpu.memref_squeeze %dma_start3A_616 : memref<1x8x1024xf32, #tpu.memory_space<hbm>> -> memref<8x1024xf32, #tpu.memory_space<hbm>>
      tpu.enqueue_dma source(%arg18 : memref<8x1024xf32, #tpu.memory_space<vmem>>) target(%dma_start3A_617 : memref<8x1024xf32, #tpu.memory_space<hbm>>) target_semaphore(%arg30 : memref<!tpu.dma_semaphore, #tpu.memory_space<semaphore_mem>>)
      %add3A_618 = arith.constant 1 : i32
      %add3A_619 = arith.addi %add3A_568, %add3A_618 : i32
      %lt3A_620 = arith.constant 32 : i32
      %lt3A_621 = arith.cmpi slt, %add3A_619, %lt3A_620 : i32
      %convert_element_type3A_622 = arith.extui %lt3A_621 : i1 to i32
      %cond3A_623 = arith.constant 0 : i32
      %cond3A_624 = arith.cmpi ne, %convert_element_type3A_622, %cond3A_623 : i32
      scf.if %cond3A_624 {
        %add3A_633 = arith.constant 1 : i32
        %add3A_634 = arith.addi %add3A_568, %add3A_633 : i32
        %mul3A_635 = arith.constant 8 : i32
        %mul3A_636 = arith.muli %add3A_634, %mul3A_635 : i32
        %add3A_637 = arith.addi %mul3A_2, %mul3A_636 : i32
        %dma_start3A_638 = arith.constant 3 : i32
        %dma_start3A_639 = arith.constant 0 : i32
        %dma_start3A_640 = tpu.memref_slice %arg2[%dma_start3A_638, %add3A_637, %dma_start3A_639] : memref<4x8192x1024xf32, #tpu.memory_space<hbm>> -> memref<1x8x1024xf32, #tpu.memory_space<hbm>>
        %dma_start3A_641 = tpu.memref_squeeze %dma_start3A_640 : memref<1x8x1024xf32, #tpu.memory_space<hbm>> -> memref<8x1024xf32, #tpu.memory_space<hbm>>
        %dma_start3A_642 = arith.constant 0 : i32
        %dma_start3A_643 = tpu.memref_slice %arg2[%dma_start3A_638, %add3A_637, %dma_start3A_642] : memref<4x8192x1024xf32, #tpu.memory_space<hbm>> -> memref<1x8x1024xf32, #tpu.memory_space<hbm>>
        %dma_start3A_644 = tpu.memref_squeeze %dma_start3A_643 : memref<1x8x1024xf32, #tpu.memory_space<hbm>> -> memref<8x1024xf32, #tpu.memory_space<hbm>>
        tpu.enqueue_dma source(%dma_start3A_644 : memref<8x1024xf32, #tpu.memory_space<hbm>>) target(%arg10 : memref<8x1024xf32, #tpu.memory_space<vmem>>) target_semaphore(%arg22 : memref<!tpu.dma_semaphore, #tpu.memory_space<semaphore_mem>>)
      } else {
      }
      %add3A_625 = arith.constant 2 : i32
      %add3A_626 = arith.addi %add3A_568, %add3A_625 : i32
      %lt3A_627 = arith.constant 32 : i32
      %lt3A_628 = arith.cmpi slt, %add3A_626, %lt3A_627 : i32
      %convert_element_type3A_629 = arith.extui %lt3A_628 : i1 to i32
      %cond3A_630 = arith.constant 0 : i32
      %cond3A_631 = arith.cmpi ne, %convert_element_type3A_629, %cond3A_630 : i32
      scf.if %cond3A_631 {
        %add3A_633 = arith.constant 2 : i32
        %add3A_634 = arith.addi %add3A_568, %add3A_633 : i32
        %mul3A_635 = arith.constant 8 : i32
        %mul3A_636 = arith.muli %add3A_634, %mul3A_635 : i32
        %add3A_637 = arith.addi %mul3A_2, %mul3A_636 : i32
        %dma_start3A_638 = arith.constant 0 : i32
        %dma_start3A_639 = tpu.memref_slice %arg3[%add3A_637, %dma_start3A_638] : memref<8192x1024xf32, #tpu.memory_space<hbm>> -> memref<8x1024xf32, #tpu.memory_space<hbm>>
        %dma_start3A_640 = arith.constant 0 : i32
        %dma_start3A_641 = tpu.memref_slice %arg3[%add3A_637, %dma_start3A_640] : memref<8192x1024xf32, #tpu.memory_space<hbm>> -> memref<8x1024xf32, #tpu.memory_space<hbm>>
        tpu.enqueue_dma source(%dma_start3A_641 : memref<8x1024xf32, #tpu.memory_space<hbm>>) target(%arg6 : memref<8x1024xf32, #tpu.memory_space<vmem>>) target_semaphore(%arg32 : memref<!tpu.dma_semaphore, #tpu.memory_space<semaphore_mem>>)
      } else {
      }
      %scan3A_632 = arith.constant 0 : i32
      scf.yield %scan3A_632 : i32
    }
    %scan3A_55 = arith.constant 16 : i32
    %add3A_56 = arith.constant 240 : i32
    %add3A_57 = arith.addi %mul3A_2, %add3A_56 : i32
    %dma_wait3A = arith.constant 0 : i32
    %dma_wait3A_58 = arith.constant 0 : i32
    %dma_wait3A_59 = tpu.memref_slice %arg4[%dma_wait3A, %add3A_57, %dma_wait3A_58] : memref<4x8192x1024xf32, #tpu.memory_space<hbm>> -> memref<1x8x1024xf32, #tpu.memory_space<hbm>>
    %dma_wait3A_60 = tpu.memref_squeeze %dma_wait3A_59 : memref<1x8x1024xf32, #tpu.memory_space<hbm>> -> memref<8x1024xf32, #tpu.memory_space<hbm>>
    %dma_wait3A_61 = arith.constant 0 : i32
    %dma_wait3A_62 = tpu.memref_slice %arg4[%dma_wait3A, %add3A_57, %dma_wait3A_61] : memref<4x8192x1024xf32, #tpu.memory_space<hbm>> -> memref<1x8x1024xf32, #tpu.memory_space<hbm>>
    %dma_wait3A_63 = tpu.memref_squeeze %dma_wait3A_62 : memref<1x8x1024xf32, #tpu.memory_space<hbm>> -> memref<8x1024xf32, #tpu.memory_space<hbm>>
    tpu.wait_dma2 semaphore(%arg23 : memref<!tpu.dma_semaphore, #tpu.memory_space<semaphore_mem>>) src(%arg11 : memref<8x1024xf32, #tpu.memory_space<vmem>>) dst(%dma_wait3A_63 : memref<8x1024xf32, #tpu.memory_space<hbm>>)
    %add3A_64 = arith.constant 240 : i32
    %add3A_65 = arith.addi %mul3A_2, %add3A_64 : i32
    %dma_wait3A_66 = arith.constant 1 : i32
    %dma_wait3A_67 = arith.constant 0 : i32
    %dma_wait3A_68 = tpu.memref_slice %arg4[%dma_wait3A_66, %add3A_65, %dma_wait3A_67] : memref<4x8192x1024xf32, #tpu.memory_space<hbm>> -> memref<1x8x1024xf32, #tpu.memory_space<hbm>>
    %dma_wait3A_69 = tpu.memref_squeeze %dma_wait3A_68 : memref<1x8x1024xf32, #tpu.memory_space<hbm>> -> memref<8x1024xf32, #tpu.memory_space<hbm>>
    %dma_wait3A_70 = arith.constant 0 : i32
    %dma_wait3A_71 = tpu.memref_slice %arg4[%dma_wait3A_66, %add3A_65, %dma_wait3A_70] : memref<4x8192x1024xf32, #tpu.memory_space<hbm>> -> memref<1x8x1024xf32, #tpu.memory_space<hbm>>
    %dma_wait3A_72 = tpu.memref_squeeze %dma_wait3A_71 : memref<1x8x1024xf32, #tpu.memory_space<hbm>> -> memref<8x1024xf32, #tpu.memory_space<hbm>>
    tpu.wait_dma2 semaphore(%arg24 : memref<!tpu.dma_semaphore, #tpu.memory_space<semaphore_mem>>) src(%arg12 : memref<8x1024xf32, #tpu.memory_space<vmem>>) dst(%dma_wait3A_72 : memref<8x1024xf32, #tpu.memory_space<hbm>>)
    %add3A_73 = arith.constant 240 : i32
    %add3A_74 = arith.addi %mul3A_2, %add3A_73 : i32
    %dma_wait3A_75 = arith.constant 2 : i32
    %dma_wait3A_76 = arith.constant 0 : i32
    %dma_wait3A_77 = tpu.memref_slice %arg4[%dma_wait3A_75, %add3A_74, %dma_wait3A_76] : memref<4x8192x1024xf32, #tpu.memory_space<hbm>> -> memref<1x8x1024xf32, #tpu.memory_space<hbm>>
    %dma_wait3A_78 = tpu.memref_squeeze %dma_wait3A_77 : memref<1x8x1024xf32, #tpu.memory_space<hbm>> -> memref<8x1024xf32, #tpu.memory_space<hbm>>
    %dma_wait3A_79 = arith.constant 0 : i32
    %dma_wait3A_80 = tpu.memref_slice %arg4[%dma_wait3A_75, %add3A_74, %dma_wait3A_79] : memref<4x8192x1024xf32, #tpu.memory_space<hbm>> -> memref<1x8x1024xf32, #tpu.memory_space<hbm>>
    %dma_wait3A_81 = tpu.memref_squeeze %dma_wait3A_80 : memref<1x8x1024xf32, #tpu.memory_space<hbm>> -> memref<8x1024xf32, #tpu.memory_space<hbm>>
    tpu.wait_dma2 semaphore(%arg25 : memref<!tpu.dma_semaphore, #tpu.memory_space<semaphore_mem>>) src(%arg13 : memref<8x1024xf32, #tpu.memory_space<vmem>>) dst(%dma_wait3A_81 : memref<8x1024xf32, #tpu.memory_space<hbm>>)
    %add3A_82 = arith.constant 240 : i32
    %add3A_83 = arith.addi %mul3A_2, %add3A_82 : i32
    %dma_wait3A_84 = arith.constant 3 : i32
    %dma_wait3A_85 = arith.constant 0 : i32
    %dma_wait3A_86 = tpu.memref_slice %arg4[%dma_wait3A_84, %add3A_83, %dma_wait3A_85] : memref<4x8192x1024xf32, #tpu.memory_space<hbm>> -> memref<1x8x1024xf32, #tpu.memory_space<hbm>>
    %dma_wait3A_87 = tpu.memref_squeeze %dma_wait3A_86 : memref<1x8x1024xf32, #tpu.memory_space<hbm>> -> memref<8x1024xf32, #tpu.memory_space<hbm>>
    %dma_wait3A_88 = arith.constant 0 : i32
    %dma_wait3A_89 = tpu.memref_slice %arg4[%dma_wait3A_84, %add3A_83, %dma_wait3A_88] : memref<4x8192x1024xf32, #tpu.memory_space<hbm>> -> memref<1x8x1024xf32, #tpu.memory_space<hbm>>
    %dma_wait3A_90 = tpu.memref_squeeze %dma_wait3A_89 : memref<1x8x1024xf32, #tpu.memory_space<hbm>> -> memref<8x1024xf32, #tpu.memory_space<hbm>>
    tpu.wait_dma2 semaphore(%arg26 : memref<!tpu.dma_semaphore, #tpu.memory_space<semaphore_mem>>) src(%arg14 : memref<8x1024xf32, #tpu.memory_space<vmem>>) dst(%dma_wait3A_90 : memref<8x1024xf32, #tpu.memory_space<hbm>>)
    %add3A_91 = arith.constant 248 : i32
    %add3A_92 = arith.addi %mul3A_2, %add3A_91 : i32
    %dma_wait3A_93 = arith.constant 0 : i32
    %dma_wait3A_94 = arith.constant 0 : i32
    %dma_wait3A_95 = tpu.memref_slice %arg4[%dma_wait3A_93, %add3A_92, %dma_wait3A_94] : memref<4x8192x1024xf32, #tpu.memory_space<hbm>> -> memref<1x8x1024xf32, #tpu.memory_space<hbm>>
    %dma_wait3A_96 = tpu.memref_squeeze %dma_wait3A_95 : memref<1x8x1024xf32, #tpu.memory_space<hbm>> -> memref<8x1024xf32, #tpu.memory_space<hbm>>
    %dma_wait3A_97 = arith.constant 0 : i32
    %dma_wait3A_98 = tpu.memref_slice %arg4[%dma_wait3A_93, %add3A_92, %dma_wait3A_97] : memref<4x8192x1024xf32, #tpu.memory_space<hbm>> -> memref<1x8x1024xf32, #tpu.memory_space<hbm>>
    %dma_wait3A_99 = tpu.memref_squeeze %dma_wait3A_98 : memref<1x8x1024xf32, #tpu.memory_space<hbm>> -> memref<8x1024xf32, #tpu.memory_space<hbm>>
    tpu.wait_dma2 semaphore(%arg27 : memref<!tpu.dma_semaphore, #tpu.memory_space<semaphore_mem>>) src(%arg15 : memref<8x1024xf32, #tpu.memory_space<vmem>>) dst(%dma_wait3A_99 : memref<8x1024xf32, #tpu.memory_space<hbm>>)
    %add3A_100 = arith.constant 248 : i32
    %add3A_101 = arith.addi %mul3A_2, %add3A_100 : i32
    %dma_wait3A_102 = arith.constant 1 : i32
    %dma_wait3A_103 = arith.constant 0 : i32
    %dma_wait3A_104 = tpu.memref_slice %arg4[%dma_wait3A_102, %add3A_101, %dma_wait3A_103] : memref<4x8192x1024xf32, #tpu.memory_space<hbm>> -> memref<1x8x1024xf32, #tpu.memory_space<hbm>>
    %dma_wait3A_105 = tpu.memref_squeeze %dma_wait3A_104 : memref<1x8x1024xf32, #tpu.memory_space<hbm>> -> memref<8x1024xf32, #tpu.memory_space<hbm>>
    %dma_wait3A_106 = arith.constant 0 : i32
    %dma_wait3A_107 = tpu.memref_slice %arg4[%dma_wait3A_102, %add3A_101, %dma_wait3A_106] : memref<4x8192x1024xf32, #tpu.memory_space<hbm>> -> memref<1x8x1024xf32, #tpu.memory_space<hbm>>
    %dma_wait3A_108 = tpu.memref_squeeze %dma_wait3A_107 : memref<1x8x1024xf32, #tpu.memory_space<hbm>> -> memref<8x1024xf32, #tpu.memory_space<hbm>>
    tpu.wait_dma2 semaphore(%arg28 : memref<!tpu.dma_semaphore, #tpu.memory_space<semaphore_mem>>) src(%arg16 : memref<8x1024xf32, #tpu.memory_space<vmem>>) dst(%dma_wait3A_108 : memref<8x1024xf32, #tpu.memory_space<hbm>>)
    %add3A_109 = arith.constant 248 : i32
    %add3A_110 = arith.addi %mul3A_2, %add3A_109 : i32
    %dma_wait3A_111 = arith.constant 2 : i32
    %dma_wait3A_112 = arith.constant 0 : i32
    %dma_wait3A_113 = tpu.memref_slice %arg4[%dma_wait3A_111, %add3A_110, %dma_wait3A_112] : memref<4x8192x1024xf32, #tpu.memory_space<hbm>> -> memref<1x8x1024xf32, #tpu.memory_space<hbm>>
    %dma_wait3A_114 = tpu.memref_squeeze %dma_wait3A_113 : memref<1x8x1024xf32, #tpu.memory_space<hbm>> -> memref<8x1024xf32, #tpu.memory_space<hbm>>
    %dma_wait3A_115 = arith.constant 0 : i32
    %dma_wait3A_116 = tpu.memref_slice %arg4[%dma_wait3A_111, %add3A_110, %dma_wait3A_115] : memref<4x8192x1024xf32, #tpu.memory_space<hbm>> -> memref<1x8x1024xf32, #tpu.memory_space<hbm>>
    %dma_wait3A_117 = tpu.memref_squeeze %dma_wait3A_116 : memref<1x8x1024xf32, #tpu.memory_space<hbm>> -> memref<8x1024xf32, #tpu.memory_space<hbm>>
    tpu.wait_dma2 semaphore(%arg29 : memref<!tpu.dma_semaphore, #tpu.memory_space<semaphore_mem>>) src(%arg17 : memref<8x1024xf32, #tpu.memory_space<vmem>>) dst(%dma_wait3A_117 : memref<8x1024xf32, #tpu.memory_space<hbm>>)
    %add3A_118 = arith.constant 248 : i32
    %add3A_119 = arith.addi %mul3A_2, %add3A_118 : i32
    %dma_wait3A_120 = arith.constant 3 : i32
    %dma_wait3A_121 = arith.constant 0 : i32
    %dma_wait3A_122 = tpu.memref_slice %arg4[%dma_wait3A_120, %add3A_119, %dma_wait3A_121] : memref<4x8192x1024xf32, #tpu.memory_space<hbm>> -> memref<1x8x1024xf32, #tpu.memory_space<hbm>>
    %dma_wait3A_123 = tpu.memref_squeeze %dma_wait3A_122 : memref<1x8x1024xf32, #tpu.memory_space<hbm>> -> memref<8x1024xf32, #tpu.memory_space<hbm>>
    %dma_wait3A_124 = arith.constant 0 : i32
    %dma_wait3A_125 = tpu.memref_slice %arg4[%dma_wait3A_120, %add3A_119, %dma_wait3A_124] : memref<4x8192x1024xf32, #tpu.memory_space<hbm>> -> memref<1x8x1024xf32, #tpu.memory_space<hbm>>
    %dma_wait3A_126 = tpu.memref_squeeze %dma_wait3A_125 : memref<1x8x1024xf32, #tpu.memory_space<hbm>> -> memref<8x1024xf32, #tpu.memory_space<hbm>>
    tpu.wait_dma2 semaphore(%arg30 : memref<!tpu.dma_semaphore, #tpu.memory_space<semaphore_mem>>) src(%arg18 : memref<8x1024xf32, #tpu.memory_space<vmem>>) dst(%dma_wait3A_126 : memref<8x1024xf32, #tpu.memory_space<hbm>>)
    return
  }
}

</mosaic_0001>

<sc_bundles>
// kernel: kernel.3.cloned.1.call-start
scs
__scs_entry_jumppad:
0x0: {  	(pc) =	sbr.rel $0x88, $3  }
0x1: {  	(tag) =	ssettag $0x0;
	lr =	simm.s32 $0x1  }
0x2: {  	[smem:$0x3F9F] =	sst lr;
	_ =	strace $0xD0000000  }
0x3: {  	_ = 	snop  }
0x4: {  	_ = 	snop  }
0x5: {  	_ = 	snop  }
0x6: {  	_ = 	snop  }
0x7: {  	_ = 	snop  }
__scs_overlays_trampoline_lowered:
0x8: {  	[smem:$0x3FAE] =	sst s0  }
0x9: {  	[smem:$0x3FAF] =	sst s1  }
0xa: {  	[smem:$0x3FB0] =	sst s2  }
0xb: {  	[smem:$0x3FB1] =	sst s3  }
0xc: {  	[smem:$0x3FB2] =	sst s4  }
0xd: {  	[smem:$0x3FB3] =	sst s5  }
0xe: {  	[smem:$0x3FB4] =	sst s6  }
0xf: {  	[smem:$0x3FB5] =	sst s7  }
0x10: {  	[smem:$0x3FB6] =	sst s8  }
0x11: {  	[smem:$0x3FB7] =	sst s9;
	s0 =	simm.s32 @!p0 $0x0  }
0x12: {  	s1 =	sld [smem:$0x3F9D];
	s0 =	simm.s32 @p0 $0x1  }
0x13: {  	[smem:$0x3FB8] =	sst s0;
	s0 =	simm.s32 @!p1 $0x0  }
0x14: {  	s2 =	sld [smem:$0x3F9C];
	s0 =	simm.s32 @p1 $0x1  }
0x15: {  	[smem:$0x3FB9] =	sst s0;
	s0 =	simm.s32 @!p2 $0x0  }
0x16: {  	s3 =	sld [smem:$0x3FDB];
	s0 =	simm.s32 @p2 $0x1  }
0x17: {  	s4 =	simm.s32 $0x1BF5;
	[smem:$0x3FBB] =	sst s0  }
0x18: {  	s0 =	sld [smem:$0x3F9E];
	_ =	swait.ge [sflag:s4], $0x0  }
0x19: {  	s7 =	sld [smem:$0x3F9F]  }
0x1a: {  	s8 =	sadd.s32 $0xFFFFE003, lr  }
0x1b: {  	s9 =	sadd.s32 $0xFFFFFEF7, lr;
	s5 =	simm.s32 $0xFFFFFFFF;
	p2 =	slt.u32 s8, $0xFFFFF086  }
0x1c: {  	p1 =	slt.u32 s9, $0xF7A;
	s5 =	simm.s32 @!p2 $0x0  }
0x1d: {  	s5 =	simm.s32 @p1 $0x1;
	p0 =	seq.s32 s7, s2  }
0x1e: {  	s7 =	smul.u32 @!p0 $0xF7A, s2;
	p2 =	seq.s32 @!p0 s5, $0x0  }
0x1f: {  	s9 =	smul.u32 $0xF7A, s1;
	s8 =	simm.s32 @!p0 $0x1BF5;
	p2 =	por !p2, p0  }
0x20: {  	[sflag:s8] =	ssyncset.s32 @!p0 $0xFFFFF086;
	s6 =	sadd.s32 @!p0 s3, s7;
	s7 =	simm.s32 @!p0 $0x108  }
0x21: {  	s3 =	sadd.s32 s3, s9;
	s6 =	sadd.s32 @!p0 $0x88, s6;
	s7 =	simm.s32 @p2 $0x1082  }
0x22: {  	[simem:s7], [sflag:s8] =	dma.local @!p0 [hbm:s6], $0xF7A  }
0x23: {  	s9 =	sor.u32 $0xD0000000, s2;
	s6 =	simm.s32 $0x108;
	_ =	swait.ge @!p0 [sflag:s8], $0x0  }
0x24: {  	s3 =	sadd.s32 $0x88, s3;
	s6 =	simm.s32 @!p1 $0x1082;
	[sflag:s4] =	ssyncset.s32 $0xFFFFF086  }
0x25: {  	[simem:s6], [sflag:s4] =	dma.local [hbm:s3], $0xF7A  }
0x26: {  	[smem:$0x3F9F] =	sst s1;
	(tag) =	ssettag s2;
	_ =	strace s9  }
0x27: {  	s1 =	sld [smem:$0x3FAF]  }
0x28: {  	s2 =	sld [smem:$0x3FB0]  }
0x29: {  	s4 =	sld [smem:$0x3FB2]  }
0x2a: {  	p0 =	seq.s32 s5, $0x0;
	s5 =	sld [smem:$0x3FB3]  }
0x2b: {  	s6 =	sld [smem:$0x3FB4]  }
0x2c: {  	s7 =	sld [smem:$0x3FB5]  }
0x2d: {  	s3 =	simm.s32 $0x108;
	s8 =	sld [smem:$0x3FB6]  }
0x2e: {  	s3 =	simm.s32 @!p0 $0x1082;
	s9 =	sld [smem:$0x3FB7]  }
0x2f: {  	lr =	sadd.s32 s0, s3;
	s0 =	sld [smem:$0x3FAE]  }
0x30: {  	s3 =	sld [smem:$0x3FB1]  }
0x31: {  	[smem:$0x3FBA] =	sst s10  }
0x32: {  	s10 =	sld [smem:$0x3FB8];
	_ =	sdelay $0x3  }
0x33: {  	p0 =	seq.s32 s10, $0x1;
	s10 =	sld [smem:$0x3FBA];
	_ =	sdelay $0x3  }
0x34: {  	[smem:$0x3FBA] =	sst s10  }
0x35: {  	s10 =	sld [smem:$0x3FB9];
	_ =	sdelay $0x3  }
0x36: {  	p1 =	seq.s32 s10, $0x1;
	s10 =	sld [smem:$0x3FBA];
	_ =	sdelay $0x3  }
0x37: {  	[smem:$0x3FBA] =	sst s10  }
0x38: {  	s10 =	sld [smem:$0x3FBB]  }
0x39: {  	_ = 	snop;
	(pc) =	sbr.ind lr, $3  }
0x3a: {  	_ = 	snop  }
0x3b: {  	_ = 	snop  }
0x3c: {  	p2 =	seq.s32 s10, $0x1;
	s10 =	sld [smem:$0x3FBA]  }
0x3d: {  	_ =	shalt  }
0x3e: {  	_ =	shalt  }
0x3f: {  	_ =	shalt  }
0x40: {  	_ =	shalt  }
0x41: {  	_ =	shalt  }
0x42: {  	_ =	shalt  }
0x43: {  	_ =	shalt  }
0x44: {  	_ =	shalt  }
0x45: {  	_ =	shalt  }
0x46: {  	_ =	shalt  }
0x47: {  	_ =	shalt  }
0x48: {  	_ =	shalt  }
0x49: {  	_ =	shalt  }
0x4a: {  	_ =	shalt  }
0x4b: {  	_ =	shalt  }
0x4c: {  	_ =	shalt  }
0x4d: {  	_ =	shalt  }
0x4e: {  	_ =	shalt  }
0x4f: {  	_ =	shalt  }
0x50: {  	_ =	shalt  }
0x51: {  	_ =	shalt  }
0x52: {  	_ =	shalt  }
0x53: {  	_ =	shalt  }
0x54: {  	_ =	shalt  }
0x55: {  	_ =	shalt  }
0x56: {  	_ =	shalt  }
0x57: {  	_ =	shalt  }
0x58: {  	_ =	shalt  }
0x59: {  	_ =	shalt  }
0x5a: {  	_ =	shalt  }
0x5b: {  	_ =	shalt  }
0x5c: {  	_ =	shalt  }
0x5d: {  	_ =	shalt  }
0x5e: {  	_ =	shalt  }
0x5f: {  	_ =	shalt  }
0x60: {  	_ =	shalt  }
0x61: {  	_ =	shalt  }
0x62: {  	_ =	shalt  }
0x63: {  	_ =	shalt  }
0x64: {  	_ =	shalt  }
0x65: {  	_ =	shalt  }
0x66: {  	_ =	shalt  }
0x67: {  	_ =	shalt  }
0x68: {  	_ =	shalt  }
0x69: {  	_ =	shalt  }
0x6a: {  	_ =	shalt  }
0x6b: {  	_ =	shalt  }
0x6c: {  	_ =	shalt  }
0x6d: {  	_ =	shalt  }
0x6e: {  	_ =	shalt  }
0x6f: {  	_ =	shalt  }
0x70: {  	_ =	shalt  }
0x71: {  	_ =	shalt  }
0x72: {  	_ =	shalt  }
0x73: {  	_ =	shalt  }
0x74: {  	_ =	shalt  }
0x75: {  	_ =	shalt  }
0x76: {  	_ =	shalt  }
0x77: {  	_ =	shalt  }
0x78: {  	_ =	shalt  }
0x79: {  	_ =	shalt  }
0x7a: {  	_ =	shalt  }
0x7b: {  	_ =	shalt  }
0x7c: {  	_ =	shalt  }
0x7d: {  	_ =	shalt  }
0x7e: {  	_ =	shalt  }
0x7f: {  	_ =	shalt  }
0x80: {  	_ =	shalt  }
0x81: {  	_ =	shalt  }
0x82: {  	_ =	shalt  }
0x83: {  	_ =	shalt  }
0x84: {  	_ =	shalt  }
0x85: {  	_ =	shalt  }
0x86: {  	_ =	shalt  }
0x87: {  	_ =	shalt  }
.Lfunc_end0:
.L_simem_size_0:
called_computation_lowered:
.L_overlay_start_0:
0x88: {  	s2 =	sld [smem:$0x3FD9]  }
0x89: {  	s3 =	sld [smem:$0x3FFE];
	_ =	sdelay $0x1  }
0x8a: {  	s1 =	srdreg.scid  }
0x8b: {  	s0 =	sand.u32 $0x1, s1  }
0x8c: {  	s18 =	sshll.u32 s0, $0xA;
	s2 =	sadd.s32 s3, s2  }
0x8d: {  	s2 =	sadd.s32 s2, s18  }
0x8e: {  	[smem:$0x3FC6] =	sst s2  }
0x8f: {  	_ = 	snop  }
0x90: {  	s2 =	sld [smem:$0x3FC9]  }
0x91: {  	s19 =	sld [smem:$0x3FC8]  }
0x92: {  	s4 =	sld [smem:$0x3FD0];
	(tm) =	ssettm $0x1  }
0x93: {  	s5 =	sld [smem:$0x3FFB];
	_ =	sdelay $0x3  }
0x94: {  	_ =	strace s5  }
0x95: {  	s5 =	sld [smem:$0x3FFC];
	_ =	sdelay $0x3  }
0x96: {  	_ =	strace s5  }
0x97: {  	s5 =	sld [smem:$0x3FFD];
	_ =	sdelay $0x3  }
0x98: {  	_ =	strace s5  }
0x99: {  	_ =	strace $0x8FFFFFFF  }
0x9a: {  	s20 =	sld [smem:$0x3FDB];
	_ =	sdelay $0x1  }
0x9b: {  	s6 =	simm.s32 $_scs_section_size  }
0x9c: {  	s7 =	simm.s32 $_size__tile_overlayer_lowered;
	s8 =	simm.s32 $_tile_overlayer_lowered  }
0x9d: {  	s23 =	simm.s32 $0x1BFF;
	s22 =	sshll.u32 s8, $0x1;
	s5 =	sadd.s32 s6, s20  }
0x9e: {  	s9 =	simm.s32 $0x0;
	s21 =	sshll.u32 s7, $0x1;
	s7 =	sadd.s32 s22, s5  }
0x9f: {  	[timem:s9], [sflag:s23] =	dma.local [hbm:s7], s21  }
0xa0: {  	_ =	swait.ge [sflag:s23], s21  }
0xa1: {  	s6 =	ssub.s32 $0x0, s21;
	[sflag:s23] =	ssyncset.done $0x0  }
0xa2: {  	[sflag:s23] =	ssyncadd.s32 s6;
	_ =	sdelay $0x1  }
0xa3: {  	s24 =	simm.s32 $0x1B8B  }
0xa4: {  	_ =	swait.ge [sflag:s24], $0x1  }
0xa5: {  	[sflag:s24] =	ssyncset.done $0x0  }
0xa6: {  	s25 =	simm.s32 $0x1B8E;
	[sflag:s24] =	ssyncadd.s32 $0xFFFFFFFF  }
0xa7: {  	s26 =	simm.s32 $execute0_lowered;
	[smem:$0x3FD2] =	sst s25  }
0xa8: {  	s6 =	sshll.u32 s26, $0x1;
	_ =	strace $0x80000046;
	[dreg:$0x1] =	wrdreg $0xFFFFFFFF  }
0xa9: {  	s28 =	simm.s32 $_size_execute0_lowered;
	s5 =	sadd.s32 s5, s6;
	[dreg:$0x0] =	wrdreg $0x0  }
0xaa: {  	s6 =	sshll.u32 s28, $0x1;
	[dreg:$0x2] =	wrdreg s5  }
0xab: {  	[dreg:$0x3] =	wrdreg s6  }
0xac: {  	[dreg:$0x4] =	wrdreg $0xC0  }
0xad: {  	_ =	task [dreg:s9], $0x5FFFF  }
0xae: {  	[dreg:$0x1] =	wrdreg $0xFFFFFFFF  }
0xaf: {  	[dreg:$0x0] =	wrdreg $0x60  }
0xb0: {  	[dreg:$0x2] =	wrdreg s2  }
0xb1: {  	[dreg:$0x3] =	wrdreg s19  }
0xb2: {  	[dreg:$0x4] =	wrdreg s4  }
0xb3: {  	[dreg:$0x5] =	wrdreg $0x9  }
0xb4: {  	_ =	task.clear_ibuf [dreg:s9], $0x6FFFF;
	_ =	strace $0x90000046  }
0xb5: {  	s29 =	simm.s32 $0x9;
	_ =	strace $0x80000048  }
0xb6: {  	_ =	swait.ge [sflag:s29], $0x1  }
0xb7: {  	[sflag:s29] =	ssyncadd.s32 $0xFFFFFFFF  }
0xb8: {  	_ =	strace $0x90000048  }
0xb9: {  	_ =	sfence  }
0xba: {  	s30 =	sld [smem:$0x0];
	_ =	sdelay $0x2  }
0xbb: {  	s31 =	sshll.u32 s1, $0xD;
	s1 =	sshrl.u32 s1, $0x2  }
0xbc: {  	s3 =	sand.u32 $0x4000, s31;
	s1 =	sadd.s32 s1, s30  }
0xbd: {  	s0 =	sor.u32 s3, s0;
	s1 =	sshll.u32 s1, $0x11  }
0xbe: {  	s0 =	sor.u32 s1, s0  }
0xbf: {  	s0 =	sadd.s32 $0x8F2B, s0  }
0xc0: {  	[sflag:s0] =	ssyncadd.remote.s32 $0x1  }
0xc1: {  	_ =	sfence.sel $0xFFFF  }
0xc2: {  	[dreg:$0x0] =	wrdreg $0xFFFFFFFF;
	(pc) =	sbr.abs _section_cstart, $3  }
0xc3: {  	[dreg:$0x1] =	wrdreg $0xFFFFFFFF  }
0xc4: {  	_ =	task.clear_ibuf [dreg:s9], $0x2FFFF;
	_ =	strace $0x9FFFFFFF  }
0xc5: {  	(tm) =	ssettm $0x7FFFFFFF  }
tec
execute0_lowered:
.L_overlay_start_1:
0x0: {  	(tag) =	ssettag $0x1  }
0x1: {  	s2 =	rddreg [dreg:$0x0]  }
0x2: {  	s7 =	rddreg [dreg:$0x1];
	s0 =	srdreg.scid  }
0x3: {  	s4 =	rddreg [dreg:$0x2];
	s1 =	stileid.u32  }
0x4: {  	s5 =	simm.s32 $0x0;
	s28 =	simm.s32 $0x1;
	s29 =	simm.s32 $0xD  }
0x5: {  	s31 =	simm.s32 $0x2;
	s9 =	simm.s32 $0x4;
	s14 =	simm.s32 $0xE  }
0x6: {  	s30 =	simm.s32 $0xC;
	s0 =	sand.u32 $0x1, s0;
	s1 =	sshll.u32 s1, $0x9  }
0x7: {  	[smem:$0x7FF] =	sst s5;
	s20 =	sadd.s32 $0x100000, s2;
	s21 =	sadd.s32 $0x200000, s2  }
0x8: {  	s22 =	sadd.s32 $0x300000, s2;
	_ =	strace $0x80000047;
	[dreg:$0x7] =	wrdreg s20  }
0x9: {  	s24 =	sadd.s32 $0x100000, s4;
	s3 =	sshll.u32 s0, $0x8;
	[dreg:$0x9] =	wrdreg s21  }
0xa: {  	s25 =	sadd.s32 $0x200000, s4;
	[dreg:$0xa] =	wrdreg s22;
	s1 =	sor.u32 s3, s1  }
0xb: {  	s0 =	ssub.s32 $0x2, s0;
	[dreg:$0xd] =	wrdreg s24;
	s6 =	sshll.u32 s1, $0x7  }
0xc: {  	[dreg:$0xe] =	wrdreg s25;
	s17 =	sshrl.u32 s0, $0x1;
	s18 =	sadd.s32 s7, s6  }
0xd: {  	s0 =	ssub.s32 s0, s17;
	s19 =	sadd.s32 s2, s6;
	[dreg:$0x4] =	wrdreg s18  }
0xe: {  	s16 =	sshrl.u32 s1, $0x3;
	s23 =	sadd.s32 s6, s22;
	[dreg:$0x6] =	wrdreg s19  }
0xf: {  	s1 =	simm.s32 $0x3;
	s26 =	sor.u32 $0x3, s16;
	[dreg:$0xc] =	wrdreg s23  }
.Ltmp0:
0x10: {  	s0 =	smax.u32 s0, $0x1;
	[dreg:$0xf] =	wrdreg s26;
	(pc) =	sbr.rel .LBB2_1-.Ltmp0, $4  }
0x11: {  	s22 =	simm.s32 $0xB;
	s3 =	sadd.s32 $0x400, s18;
	[dreg:$0x10] =	wrdreg s0  }
0x12: {  	s19 =	sadd.s32 $0x300000, s4;
	[dreg:$0x5] =	wrdreg s3;
	s3 =	sadd.s32 s6, s20  }
0x13: {  	s26 =	simm.s32 $0xA000;
	[dreg:$0x8] =	wrdreg s3;
	s3 =	sadd.s32 s6, s21  }
0x14: {  	s21 =	simm.s32 $0xA;
	[dreg:$0xb] =	wrdreg s3;
	s3 =	simm.s32 $0x0  }
.LBB2_144:
0x15: {  	s0 =	simm.s32 $0x5  }
0x16: {  	_ =	swait.ge [sflag:s0], $0x2000  }
0x17: {  	[sflag:s0] =	ssyncset.done $0x0  }
0x18: {  	s18 =	simm.s32 $0x6;
	[sflag:s0] =	ssyncadd.s32 $0xFFFFE000  }
0x19: {  	_ =	swait.ge [sflag:s18], $0x2000  }
0x1a: {  	[sflag:s18] =	ssyncset.done $0x0  }
0x1b: {  	s20 =	simm.s32 $0x7;
	[sflag:s18] =	ssyncadd.s32 $0xFFFFE000  }
0x1c: {  	_ =	swait.ge [sflag:s20], $0x2000  }
0x1d: {  	[sflag:s20] =	ssyncset.done $0x0  }
0x1e: {  	s23 =	simm.s32 $0x8;
	[sflag:s20] =	ssyncadd.s32 $0xFFFFE000  }
0x1f: {  	_ =	swait.ge [sflag:s23], $0x2000  }
0x20: {  	[sflag:s23] =	ssyncset.done $0x0  }
0x21: {  	s24 =	simm.s32 $0x9;
	[sflag:s23] =	ssyncadd.s32 $0xFFFFE000  }
0x22: {  	_ =	swait.ge [sflag:s24], $0x2000  }
0x23: {  	[sflag:s24] =	ssyncset.done $0x0  }
0x24: {  	[sflag:s24] =	ssyncadd.s32 $0xFFFFE000  }
0x25: {  	_ =	swait.ge [sflag:s21], $0x2000  }
0x26: {  	[sflag:s21] =	ssyncset.done $0x0  }
0x27: {  	[sflag:s21] =	ssyncadd.s32 $0xFFFFE000  }
0x28: {  	_ =	swait.ge [sflag:s22], $0x2000  }
0x29: {  	[sflag:s22] =	ssyncset.done $0x0  }
0x2a: {  	[sflag:s22] =	ssyncadd.s32 $0xFFFFE000  }
0x2b: {  	_ =	swait.ge [sflag:s30], $0x2000  }
0x2c: {  	s3 =	rddreg [dreg:$0x11]  }
0x2d: {  	s25 =	rddreg [dreg:$0x10];
	s3 =	sadd.s32 $0x1, s3  }
0x2e: {  	p0 =	sne.s32 s3, s25  }
.Ltmp1:
0x2f: {  	_ = 	snop;
	(pc) =	sbr.rel @!p0 .LBB2_145-.Ltmp1, $3  }
0x30: {  	_ =	sdelay $0x1  }
0x31: {  	[sflag:s30] =	ssyncset.done $0x0  }
0x32: {  	[sflag:s30] =	ssyncadd.s32 $0xFFFFE000  }
.LBB2_1:
0x33: {  	[dreg:$0x11] =	wrdreg s3  }
0x34: {  	s0 =	rddreg [dreg:$0x4]  }
0x35: {  	[tilespmem:s5], [sflag:$0xD] =	stream.linear.gather [hbm4b:s0+s5], $0x2000, $0x38;
	[tilespmem:$0x1C000] =	vst v63  }
0x36: {  	s12 =	rddreg [dreg:$0x5];
	s13 =	simm.s32 $0x2000  }
0x37: {  	[tilespmem:s13], [sflag:$0xE] =	stream.linear.gather [hbm4b:s12+s5], $0x2000, $0x38;
	[tilespmem:$0x1C000] =	vst v63  }
0x38: {  	s15 =	rddreg [dreg:$0x6];
	s17 =	simm.s32 $0x4000  }
0x39: {  	[tilespmem:s17], [sflag:$0x1] =	stream.linear.gather [hbm4b:s15+s5], $0x2000, $0x38;
	[tilespmem:$0x1C000] =	vst v63  }
0x3a: {  	s18 =	rddreg [dreg:$0x8];
	s20 =	simm.s32 $0x6000  }
0x3b: {  	[tilespmem:s20], [sflag:$0x2] =	stream.linear.gather [hbm4b:s18+s5], $0x2000, $0x38;
	[tilespmem:$0x1C000] =	vst v63  }
0x3c: {  	s23 =	rddreg [dreg:$0xb];
	s24 =	simm.s32 $0x8000  }
0x3d: {  	[tilespmem:s24], [sflag:$0x3] =	stream.linear.gather [hbm4b:s23+s5], $0x2000, $0x38;
	[tilespmem:$0x1C000] =	vst v63  }
0x3e: {  	s25 =	rddreg [dreg:$0xc];
	s0 =	simm.s32 $0x0  }
0x3f: {  	[tilespmem:s26], [sflag:$0x4] =	stream.linear.gather [hbm4b:s25+s5], $0x2000, $0x38;
	[tilespmem:$0x1C000] =	vst v63  }
.LBB2_2:
0x40: {  	_ =	swait.ge [sflag:s28], $0x2000  }
0x41: {  	[sflag:s28] =	ssyncset.done $0x0  }
0x42: {  	[sflag:s28] =	ssyncadd.s32 $0xFFFFE000  }
0x43: {  	_ =	swait.ge [sflag:s29], $0x2000  }
0x44: {  	p0 =	seq.s32 s0, $0x0;
	[sflag:s29] =	ssyncset.done $0x0  }
0x45: {  	s3 =	simm.s32 @!p0 $0x5;
	[sflag:s29] =	ssyncadd.s32 $0xFFFFE000  }
0x46: {  	_ =	swait.ge @!p0 [sflag:s3], $0x2000  }
0x47: {  	[sflag:s3] =	ssyncset.done @!p0 $0x0  }
0x48: {  	s13 =	simm.s32 $0x4040;
	[sflag:s3] =	ssyncadd.s32 @!p0 $0xFFFFE000  }
0x49: {  	s3 =	simm.s32 $0x40;
	v1 =	vld [tilespmem:s13+$0x30]  }
0x4a: {  	v2 =	vld [tilespmem:s3+$0x30]  }
0x4b: {  	v0 =	vld [tilespmem:s3+$0xFFFFFFC0]  }
0x4c: {  	v3 =	vld [tilespmem:s13+$0xFFFFFFD0]  }
0x4d: {  	v4 =	vld [tilespmem:s3+$0xFFFFFFD0]  }
0x4e: {  	v5 =	vld [tilespmem:s13+$0xFFFFFFE0]  }
0x4f: {  	v6 =	vld [tilespmem:s3+$0xFFFFFFE0]  }
0x50: {  	v7 =	vld [tilespmem:s13+$0xFFFFFFF0]  }
0x51: {  	v8 =	vld [tilespmem:s3+$0xFFFFFFF0]  }
0x52: {  	v9 =	vld [tilespmem:s13+$0x0]  }
0x53: {  	v10 =	vld [tilespmem:s3+$0x0];
	v2 =	vadd.f32 v2, v1  }
0x54: {  	s10 =	simm.s32 $0xC040;
	v4 =	vadd.f32 v4, v3;
	v1 =	vld [tilespmem:s13+$0x10]  }
0x55: {  	v5 =	vadd.f32 v6, v5;
	v3 =	vld [tilespmem:s3+$0x10];
	[tilespmem:s10+$0x30] =	vst v2  }
0x56: {  	v6 =	vadd.f32 v8, v7;
	[tilespmem:s10+$0xFFFFFFD0] =	vst v4;
	v2 =	vld [tilespmem:s13+$0x20]  }
0x57: {  	s8 =	sshll.u32 s0, $0x1;
	s12 =	simm.s32 $0x0;
	s7 =	simm.s32 $0xC0F0;
	[tilespmem:s10+$0xFFFFFFE0] =	vst v5;
	v4 =	vld [tilespmem:s3+$0x20]  }
0x58: {  	s11 =	simm.s32 $0xF0;
	s15 =	simm.s32 $0x40F0;
	v5 =	vld [tilespmem:s13+$0xFFFFFFC0];
	[tilespmem:s10+$0xFFFFFFF0] =	vst v6;
	v6 =	vadd.f32 v10, v9;
	s13 =	simm.s32 $0x4440  }
.LBB2_3:
0x59: {  	v7 =	vld [tilespmem:s13+$0x30];
	s3 =	sadd.s32 $0x400, s3  }
0x5a: {  	s12 =	sadd.s32 $0x80, s12;
	v8 =	vld [tilespmem:s3+$0x30];
	[tilespmem:s10+$0x0] =	vst v6;
	v1 =	vadd.f32 v3, v1  }
0x5b: {  	p1 =	slt.u32 s12, $0x380;
	v3 =	vld [tilespmem:s3+$0xFFFFFFC0]  }
0x5c: {  	v6 =	vld [tilespmem:s13+$0xFFFFFFD0];
	[tilespmem:s10+$0x10] =	vst v1;
	v1 =	vadd.f32 v4, v2  }
0x5d: {  	v2 =	vld [tilespmem:s3+$0xFFFFFFD0];
	v9 =	vadd.f32 v0, v5  }
0x5e: {  	v4 =	vld [tilespmem:s13+$0xFFFFFFE0];
	[tilespmem:s10+$0x20] =	vst v1  }
0x5f: {  	v1 =	vld [tilespmem:s3+$0xFFFFFFE0];
	v5 =	vadd.f32 v8, v7;
	[tilespmem:s10+$0xFFFFFFC0] =	vst v9  }
0x60: {  	s10 =	sadd.s32 $0x400, s10;
	v7 =	vld [tilespmem:s13+$0xFFFFFFF0];
	v0 =	vmov v3  }
0x61: {  	v8 =	vld [tilespmem:s3+$0xFFFFFFF0];
	[tilespmem:s10+$0x30] =	vst v5  }
0x62: {  	v2 =	vadd.f32 v2, v6;
	v6 =	vld [tilespmem:s13+$0x0]  }
0x63: {  	v9 =	vld [tilespmem:s3+$0x0]  }
.Ltmp2:
0x64: {  	[tilespmem:s10+$0xFFFFFFD0] =	vst v2;
	v2 =	vadd.f32 v1, v4;
	v1 =	vld [tilespmem:s13+$0x10];
	(pc) =	sbr.rel @p1 .LBB2_3-.Ltmp2, $4  }
0x65: {  	v3 =	vld [tilespmem:s3+$0x10]  }
0x66: {  	[tilespmem:s10+$0xFFFFFFE0] =	vst v2;
	v7 =	vadd.f32 v8, v7;
	v2 =	vld [tilespmem:s13+$0x20]  }
0x67: {  	v4 =	vld [tilespmem:s3+$0x20]  }
0x68: {  	v5 =	vld [tilespmem:s13+$0xFFFFFFC0];
	[tilespmem:s10+$0xFFFFFFF0] =	vst v7;
	v6 =	vadd.f32 v9, v6;
	s13 =	sadd.s32 $0x400, s13  }
0x69: {  	_ =	sdelay $0x1  }
0x6a: {  	v1 =	vadd.f32 v3, v1  }
0x6b: {  	[tilespmem:s10+$0x0] =	vst v6;
	v2 =	vadd.f32 v4, v2  }
0x6c: {  	[tilespmem:s10+$0x10] =	vst v1;
	v0 =	vadd.f32 v0, v5  }
0x6d: {  	[tilespmem:s10+$0x20] =	vst v2  }
0x6e: {  	[tilespmem:s10+$0xFFFFFFC0] =	vst v0  }
0x6f: {  	v1 =	vld [tilespmem:s15+$0x0]  }
0x70: {  	v2 =	vld [tilespmem:s11+$0x0]  }
0x71: {  	v0 =	vld [tilespmem:s11+$0xFFFFFF90]  }
0x72: {  	v3 =	vld [tilespmem:s15+$0xFFFFFFA0]  }
0x73: {  	v4 =	vld [tilespmem:s11+$0xFFFFFFA0]  }
0x74: {  	v5 =	vld [tilespmem:s15+$0xFFFFFFB0]  }
0x75: {  	v6 =	vld [tilespmem:s11+$0xFFFFFFB0]  }
0x76: {  	v7 =	vld [tilespmem:s15+$0xFFFFFFC0]  }
0x77: {  	v8 =	vld [tilespmem:s11+$0xFFFFFFC0]  }
0x78: {  	v9 =	vld [tilespmem:s15+$0xFFFFFFD0]  }
0x79: {  	v10 =	vld [tilespmem:s11+$0xFFFFFFD0];
	v2 =	vadd.f32 v2, v1  }
0x7a: {  	v4 =	vadd.f32 v4, v3;
	v1 =	vld [tilespmem:s15+$0xFFFFFFE0]  }
0x7b: {  	v5 =	vadd.f32 v6, v5;
	v3 =	vld [tilespmem:s11+$0xFFFFFFE0];
	[tilespmem:s7+$0x0] =	vst v2  }
0x7c: {  	v6 =	vadd.f32 v8, v7;
	[tilespmem:s7+$0xFFFFFFA0] =	vst v4;
	v2 =	vld [tilespmem:s15+$0xFFFFFFF0]  }
0x7d: {  	s3 =	simm.s32 $0x0;
	s13 =	simm.s32 $0x4170;
	[tilespmem:s7+$0xFFFFFFB0] =	vst v5;
	v4 =	vld [tilespmem:s11+$0xFFFFFFF0]  }
0x7e: {  	s12 =	simm.s32 $0x170;
	s10 =	simm.s32 $0xC170;
	v5 =	vld [tilespmem:s15+$0xFFFFFF90];
	[tilespmem:s7+$0xFFFFFFC0] =	vst v6;
	v6 =	vadd.f32 v10, v9;
	s15 =	simm.s32 $0x44F0  }
.LBB2_5:
0x7f: {  	v7 =	vld [tilespmem:s15+$0x0];
	s11 =	sadd.s32 $0x400, s11  }
0x80: {  	s3 =	sadd.s32 $0x80, s3;
	v8 =	vld [tilespmem:s11+$0x0];
	[tilespmem:s7+$0xFFFFFFD0] =	vst v6;
	v1 =	vadd.f32 v3, v1  }
0x81: {  	p1 =	slt.u32 s3, $0x380;
	v3 =	vld [tilespmem:s11+$0xFFFFFF90]  }
0x82: {  	v6 =	vld [tilespmem:s15+$0xFFFFFFA0];
	[tilespmem:s7+$0xFFFFFFE0] =	vst v1;
	v1 =	vadd.f32 v4, v2  }
0x83: {  	v2 =	vld [tilespmem:s11+$0xFFFFFFA0];
	v9 =	vadd.f32 v0, v5  }
0x84: {  	v4 =	vld [tilespmem:s15+$0xFFFFFFB0];
	[tilespmem:s7+$0xFFFFFFF0] =	vst v1  }
0x85: {  	v1 =	vld [tilespmem:s11+$0xFFFFFFB0];
	v5 =	vadd.f32 v8, v7;
	[tilespmem:s7+$0xFFFFFF90] =	vst v9  }
0x86: {  	s7 =	sadd.s32 $0x400, s7;
	v7 =	vld [tilespmem:s15+$0xFFFFFFC0];
	v0 =	vmov v3  }
0x87: {  	v8 =	vld [tilespmem:s11+$0xFFFFFFC0];
	[tilespmem:s7+$0x0] =	vst v5  }
0x88: {  	v2 =	vadd.f32 v2, v6;
	v6 =	vld [tilespmem:s15+$0xFFFFFFD0]  }
0x89: {  	v9 =	vld [tilespmem:s11+$0xFFFFFFD0]  }
.Ltmp3:
0x8a: {  	[tilespmem:s7+$0xFFFFFFA0] =	vst v2;
	v2 =	vadd.f32 v1, v4;
	v1 =	vld [tilespmem:s15+$0xFFFFFFE0];
	(pc) =	sbr.rel @p1 .LBB2_5-.Ltmp3, $4  }
0x8b: {  	v3 =	vld [tilespmem:s11+$0xFFFFFFE0]  }
0x8c: {  	[tilespmem:s7+$0xFFFFFFB0] =	vst v2;
	v7 =	vadd.f32 v8, v7;
	v2 =	vld [tilespmem:s15+$0xFFFFFFF0]  }
0x8d: {  	v4 =	vld [tilespmem:s11+$0xFFFFFFF0]  }
0x8e: {  	v5 =	vld [tilespmem:s15+$0xFFFFFF90];
	[tilespmem:s7+$0xFFFFFFC0] =	vst v7;
	v6 =	vadd.f32 v9, v6;
	s15 =	sadd.s32 $0x400, s15  }
0x8f: {  	_ =	sdelay $0x1  }
0x90: {  	v1 =	vadd.f32 v3, v1  }
0x91: {  	[tilespmem:s7+$0xFFFFFFD0] =	vst v6;
	v2 =	vadd.f32 v4, v2  }
0x92: {  	[tilespmem:s7+$0xFFFFFFE0] =	vst v1;
	v0 =	vadd.f32 v0, v5  }
0x93: {  	[tilespmem:s7+$0xFFFFFFF0] =	vst v2  }
0x94: {  	[tilespmem:s7+$0xFFFFFF90] =	vst v0  }
0x95: {  	v1 =	vld [tilespmem:s13+$0x0]  }
0x96: {  	v2 =	vld [tilespmem:s12+$0x0]  }
0x97: {  	v0 =	vld [tilespmem:s12+$0xFFFFFF90]  }
0x98: {  	v3 =	vld [tilespmem:s13+$0xFFFFFFA0]  }
0x99: {  	v4 =	vld [tilespmem:s12+$0xFFFFFFA0]  }
0x9a: {  	v5 =	vld [tilespmem:s13+$0xFFFFFFB0]  }
0x9b: {  	v6 =	vld [tilespmem:s12+$0xFFFFFFB0]  }
0x9c: {  	v7 =	vld [tilespmem:s13+$0xFFFFFFC0]  }
0x9d: {  	v8 =	vld [tilespmem:s12+$0xFFFFFFC0]  }
0x9e: {  	v9 =	vld [tilespmem:s13+$0xFFFFFFD0]  }
0x9f: {  	v10 =	vld [tilespmem:s12+$0xFFFFFFD0];
	v2 =	vadd.f32 v2, v1  }
0xa0: {  	v4 =	vadd.f32 v4, v3;
	v1 =	vld [tilespmem:s13+$0xFFFFFFE0]  }
0xa1: {  	v5 =	vadd.f32 v6, v5;
	v3 =	vld [tilespmem:s12+$0xFFFFFFE0];
	[tilespmem:s10+$0x0] =	vst v2  }
0xa2: {  	v6 =	vadd.f32 v8, v7;
	[tilespmem:s10+$0xFFFFFFA0] =	vst v4;
	v2 =	vld [tilespmem:s13+$0xFFFFFFF0]  }
0xa3: {  	s3 =	simm.s32 $0x0;
	s11 =	simm.s32 $0x1F0;
	[tilespmem:s10+$0xFFFFFFB0] =	vst v5;
	v4 =	vld [tilespmem:s12+$0xFFFFFFF0]  }
0xa4: {  	s15 =	simm.s32 $0x41F0;
	s7 =	simm.s32 $0xC1F0;
	v5 =	vld [tilespmem:s13+$0xFFFFFF90];
	[tilespmem:s10+$0xFFFFFFC0] =	vst v6;
	v6 =	vadd.f32 v10, v9;
	s13 =	simm.s32 $0x4570  }
.LBB2_7:
0xa5: {  	v7 =	vld [tilespmem:s13+$0x0];
	s12 =	sadd.s32 $0x400, s12  }
0xa6: {  	s3 =	sadd.s32 $0x80, s3;
	v8 =	vld [tilespmem:s12+$0x0];
	[tilespmem:s10+$0xFFFFFFD0] =	vst v6;
	v1 =	vadd.f32 v3, v1  }
0xa7: {  	p1 =	slt.u32 s3, $0x380;
	v3 =	vld [tilespmem:s12+$0xFFFFFF90]  }
0xa8: {  	v6 =	vld [tilespmem:s13+$0xFFFFFFA0];
	[tilespmem:s10+$0xFFFFFFE0] =	vst v1;
	v1 =	vadd.f32 v4, v2  }
0xa9: {  	v2 =	vld [tilespmem:s12+$0xFFFFFFA0];
	v9 =	vadd.f32 v0, v5  }
0xaa: {  	v4 =	vld [tilespmem:s13+$0xFFFFFFB0];
	[tilespmem:s10+$0xFFFFFFF0] =	vst v1  }
0xab: {  	v1 =	vld [tilespmem:s12+$0xFFFFFFB0];
	v5 =	vadd.f32 v8, v7;
	[tilespmem:s10+$0xFFFFFF90] =	vst v9  }
0xac: {  	s10 =	sadd.s32 $0x400, s10;
	v7 =	vld [tilespmem:s13+$0xFFFFFFC0];
	v0 =	vmov v3  }
0xad: {  	v8 =	vld [tilespmem:s12+$0xFFFFFFC0];
	[tilespmem:s10+$0x0] =	vst v5  }
0xae: {  	v2 =	vadd.f32 v2, v6;
	v6 =	vld [tilespmem:s13+$0xFFFFFFD0]  }
0xaf: {  	v9 =	vld [tilespmem:s12+$0xFFFFFFD0]  }
.Ltmp4:
0xb0: {  	[tilespmem:s10+$0xFFFFFFA0] =	vst v2;
	v2 =	vadd.f32 v1, v4;
	v1 =	vld [tilespmem:s13+$0xFFFFFFE0];
	(pc) =	sbr.rel @p1 .LBB2_7-.Ltmp4, $4  }
0xb1: {  	v3 =	vld [tilespmem:s12+$0xFFFFFFE0]  }
0xb2: {  	[tilespmem:s10+$0xFFFFFFB0] =	vst v2;
	v7 =	vadd.f32 v8, v7;
	v2 =	vld [tilespmem:s13+$0xFFFFFFF0]  }
0xb3: {  	v4 =	vld [tilespmem:s12+$0xFFFFFFF0]  }
0xb4: {  	v5 =	vld [tilespmem:s13+$0xFFFFFF90];
	[tilespmem:s10+$0xFFFFFFC0] =	vst v7;
	v6 =	vadd.f32 v9, v6;
	s13 =	sadd.s32 $0x400, s13  }
0xb5: {  	_ =	sdelay $0x1  }
0xb6: {  	v1 =	vadd.f32 v3, v1  }
0xb7: {  	[tilespmem:s10+$0xFFFFFFD0] =	vst v6;
	v2 =	vadd.f32 v4, v2  }
0xb8: {  	[tilespmem:s10+$0xFFFFFFE0] =	vst v1;
	v0 =	vadd.f32 v0, v5  }
0xb9: {  	[tilespmem:s10+$0xFFFFFFF0] =	vst v2  }
0xba: {  	[tilespmem:s10+$0xFFFFFF90] =	vst v0  }
0xbb: {  	v1 =	vld [tilespmem:s15+$0x0]  }
0xbc: {  	v2 =	vld [tilespmem:s11+$0x0]  }
0xbd: {  	v0 =	vld [tilespmem:s11+$0xFFFFFF90]  }
0xbe: {  	v3 =	vld [tilespmem:s15+$0xFFFFFFA0]  }
0xbf: {  	v4 =	vld [tilespmem:s11+$0xFFFFFFA0]  }
0xc0: {  	v5 =	vld [tilespmem:s15+$0xFFFFFFB0]  }
0xc1: {  	v6 =	vld [tilespmem:s11+$0xFFFFFFB0]  }
0xc2: {  	v7 =	vld [tilespmem:s15+$0xFFFFFFC0]  }
0xc3: {  	v8 =	vld [tilespmem:s11+$0xFFFFFFC0]  }
0xc4: {  	v9 =	vld [tilespmem:s15+$0xFFFFFFD0]  }
0xc5: {  	v10 =	vld [tilespmem:s11+$0xFFFFFFD0];
	v2 =	vadd.f32 v2, v1  }
0xc6: {  	v4 =	vadd.f32 v4, v3;
	v1 =	vld [tilespmem:s15+$0xFFFFFFE0]  }
0xc7: {  	v5 =	vadd.f32 v6, v5;
	v3 =	vld [tilespmem:s11+$0xFFFFFFE0];
	[tilespmem:s7+$0x0] =	vst v2  }
0xc8: {  	v6 =	vadd.f32 v8, v7;
	[tilespmem:s7+$0xFFFFFFA0] =	vst v4;
	v2 =	vld [tilespmem:s15+$0xFFFFFFF0]  }
0xc9: {  	s3 =	simm.s32 $0x0;
	s13 =	simm.s32 $0x4270;
	[tilespmem:s7+$0xFFFFFFB0] =	vst v5;
	v4 =	vld [tilespmem:s11+$0xFFFFFFF0]  }
0xca: {  	s12 =	simm.s32 $0x270;
	s10 =	simm.s32 $0xC270;
	v5 =	vld [tilespmem:s15+$0xFFFFFF90];
	[tilespmem:s7+$0xFFFFFFC0] =	vst v6;
	v6 =	vadd.f32 v10, v9;
	s15 =	simm.s32 $0x45F0  }
.LBB2_9:
0xcb: {  	v7 =	vld [tilespmem:s15+$0x0];
	s11 =	sadd.s32 $0x400, s11  }
0xcc: {  	s3 =	sadd.s32 $0x80, s3;
	v8 =	vld [tilespmem:s11+$0x0];
	[tilespmem:s7+$0xFFFFFFD0] =	vst v6;
	v1 =	vadd.f32 v3, v1  }
0xcd: {  	p1 =	slt.u32 s3, $0x380;
	v3 =	vld [tilespmem:s11+$0xFFFFFF90]  }
0xce: {  	v6 =	vld [tilespmem:s15+$0xFFFFFFA0];
	[tilespmem:s7+$0xFFFFFFE0] =	vst v1;
	v1 =	vadd.f32 v4, v2  }
0xcf: {  	v2 =	vld [tilespmem:s11+$0xFFFFFFA0];
	v9 =	vadd.f32 v0, v5  }
0xd0: {  	v4 =	vld [tilespmem:s15+$0xFFFFFFB0];
	[tilespmem:s7+$0xFFFFFFF0] =	vst v1  }
0xd1: {  	v1 =	vld [tilespmem:s11+$0xFFFFFFB0];
	v5 =	vadd.f32 v8, v7;
	[tilespmem:s7+$0xFFFFFF90] =	vst v9  }
0xd2: {  	s7 =	sadd.s32 $0x400, s7;
	v7 =	vld [tilespmem:s15+$0xFFFFFFC0];
	v0 =	vmov v3  }
0xd3: {  	v8 =	vld [tilespmem:s11+$0xFFFFFFC0];
	[tilespmem:s7+$0x0] =	vst v5  }
0xd4: {  	v2 =	vadd.f32 v2, v6;
	v6 =	vld [tilespmem:s15+$0xFFFFFFD0]  }
0xd5: {  	v9 =	vld [tilespmem:s11+$0xFFFFFFD0]  }
.Ltmp5:
0xd6: {  	[tilespmem:s7+$0xFFFFFFA0] =	vst v2;
	v2 =	vadd.f32 v1, v4;
	v1 =	vld [tilespmem:s15+$0xFFFFFFE0];
	(pc) =	sbr.rel @p1 .LBB2_9-.Ltmp5, $4  }
0xd7: {  	v3 =	vld [tilespmem:s11+$0xFFFFFFE0]  }
0xd8: {  	[tilespmem:s7+$0xFFFFFFB0] =	vst v2;
	v7 =	vadd.f32 v8, v7;
	v2 =	vld [tilespmem:s15+$0xFFFFFFF0]  }
0xd9: {  	v4 =	vld [tilespmem:s11+$0xFFFFFFF0]  }
0xda: {  	v5 =	vld [tilespmem:s15+$0xFFFFFF90];
	[tilespmem:s7+$0xFFFFFFC0] =	vst v7;
	v6 =	vadd.f32 v9, v6;
	s15 =	sadd.s32 $0x400, s15  }
0xdb: {  	_ =	sdelay $0x1  }
0xdc: {  	v1 =	vadd.f32 v3, v1  }
0xdd: {  	[tilespmem:s7+$0xFFFFFFD0] =	vst v6;
	v2 =	vadd.f32 v4, v2  }
0xde: {  	[tilespmem:s7+$0xFFFFFFE0] =	vst v1;
	v0 =	vadd.f32 v0, v5  }
0xdf: {  	[tilespmem:s7+$0xFFFFFFF0] =	vst v2  }
0xe0: {  	[tilespmem:s7+$0xFFFFFF90] =	vst v0  }
0xe1: {  	v1 =	vld [tilespmem:s13+$0x0]  }
0xe2: {  	v2 =	vld [tilespmem:s12+$0x0]  }
0xe3: {  	v0 =	vld [tilespmem:s12+$0xFFFFFF90]  }
0xe4: {  	v3 =	vld [tilespmem:s13+$0xFFFFFFA0]  }
0xe5: {  	v4 =	vld [tilespmem:s12+$0xFFFFFFA0]  }
0xe6: {  	v5 =	vld [tilespmem:s13+$0xFFFFFFB0]  }
0xe7: {  	v6 =	vld [tilespmem:s12+$0xFFFFFFB0]  }
0xe8: {  	v7 =	vld [tilespmem:s13+$0xFFFFFFC0]  }
0xe9: {  	v8 =	vld [tilespmem:s12+$0xFFFFFFC0]  }
0xea: {  	v9 =	vld [tilespmem:s13+$0xFFFFFFD0]  }
0xeb: {  	v10 =	vld [tilespmem:s12+$0xFFFFFFD0];
	v2 =	vadd.f32 v2, v1  }
0xec: {  	v4 =	vadd.f32 v4, v3;
	v1 =	vld [tilespmem:s13+$0xFFFFFFE0]  }
0xed: {  	v5 =	vadd.f32 v6, v5;
	v3 =	vld [tilespmem:s12+$0xFFFFFFE0];
	[tilespmem:s10+$0x0] =	vst v2  }
0xee: {  	v6 =	vadd.f32 v8, v7;
	[tilespmem:s10+$0xFFFFFFA0] =	vst v4;
	v2 =	vld [tilespmem:s13+$0xFFFFFFF0]  }
0xef: {  	s3 =	simm.s32 $0x0;
	s11 =	simm.s32 $0x2F0;
	[tilespmem:s10+$0xFFFFFFB0] =	vst v5;
	v4 =	vld [tilespmem:s12+$0xFFFFFFF0]  }
0xf0: {  	s15 =	simm.s32 $0x42F0;
	s7 =	simm.s32 $0xC2F0;
	v5 =	vld [tilespmem:s13+$0xFFFFFF90];
	[tilespmem:s10+$0xFFFFFFC0] =	vst v6;
	v6 =	vadd.f32 v10, v9;
	s13 =	simm.s32 $0x4670  }
.LBB2_11:
0xf1: {  	v7 =	vld [tilespmem:s13+$0x0];
	s12 =	sadd.s32 $0x400, s12  }
0xf2: {  	s3 =	sadd.s32 $0x80, s3;
	v8 =	vld [tilespmem:s12+$0x0];
	[tilespmem:s10+$0xFFFFFFD0] =	vst v6;
	v1 =	vadd.f32 v3, v1  }
0xf3: {  	p1 =	slt.u32 s3, $0x380;
	v3 =	vld [tilespmem:s12+$0xFFFFFF90]  }
0xf4: {  	v6 =	vld [tilespmem:s13+$0xFFFFFFA0];
	[tilespmem:s10+$0xFFFFFFE0] =	vst v1;
	v1 =	vadd.f32 v4, v2  }
0xf5: {  	v2 =	vld [tilespmem:s12+$0xFFFFFFA0];
	v9 =	vadd.f32 v0, v5  }
0xf6: {  	v4 =	vld [tilespmem:s13+$0xFFFFFFB0];
	[tilespmem:s10+$0xFFFFFFF0] =	vst v1  }
0xf7: {  	v1 =	vld [tilespmem:s12+$0xFFFFFFB0];
	v5 =	vadd.f32 v8, v7;
	[tilespmem:s10+$0xFFFFFF90] =	vst v9  }
0xf8: {  	s10 =	sadd.s32 $0x400, s10;
	v7 =	vld [tilespmem:s13+$0xFFFFFFC0];
	v0 =	vmov v3  }
0xf9: {  	v8 =	vld [tilespmem:s12+$0xFFFFFFC0];
	[tilespmem:s10+$0x0] =	vst v5  }
0xfa: {  	v2 =	vadd.f32 v2, v6;
	v6 =	vld [tilespmem:s13+$0xFFFFFFD0]  }
0xfb: {  	v9 =	vld [tilespmem:s12+$0xFFFFFFD0]  }
.Ltmp6:
0xfc: {  	[tilespmem:s10+$0xFFFFFFA0] =	vst v2;
	v2 =	vadd.f32 v1, v4;
	v1 =	vld [tilespmem:s13+$0xFFFFFFE0];
	(pc) =	sbr.rel @p1 .LBB2_11-.Ltmp6, $4  }
0xfd: {  	v3 =	vld [tilespmem:s12+$0xFFFFFFE0]  }
0xfe: {  	[tilespmem:s10+$0xFFFFFFB0] =	vst v2;
	v7 =	vadd.f32 v8, v7;
	v2 =	vld [tilespmem:s13+$0xFFFFFFF0]  }
0xff: {  	v4 =	vld [tilespmem:s12+$0xFFFFFFF0]  }
0x100: {  	v5 =	vld [tilespmem:s13+$0xFFFFFF90];
	[tilespmem:s10+$0xFFFFFFC0] =	vst v7;
	v6 =	vadd.f32 v9, v6;
	s13 =	sadd.s32 $0x400, s13  }
0x101: {  	_ =	sdelay $0x1  }
0x102: {  	v1 =	vadd.f32 v3, v1  }
0x103: {  	[tilespmem:s10+$0xFFFFFFD0] =	vst v6;
	v2 =	vadd.f32 v4, v2  }
0x104: {  	[tilespmem:s10+$0xFFFFFFE0] =	vst v1;
	v0 =	vadd.f32 v0, v5  }
0x105: {  	[tilespmem:s10+$0xFFFFFFF0] =	vst v2  }
0x106: {  	[tilespmem:s10+$0xFFFFFF90] =	vst v0  }
0x107: {  	v1 =	vld [tilespmem:s15+$0x0]  }
0x108: {  	v2 =	vld [tilespmem:s11+$0x0]  }
0x109: {  	v0 =	vld [tilespmem:s11+$0xFFFFFF90]  }
0x10a: {  	v3 =	vld [tilespmem:s15+$0xFFFFFFA0]  }
0x10b: {  	v4 =	vld [tilespmem:s11+$0xFFFFFFA0]  }
0x10c: {  	v5 =	vld [tilespmem:s15+$0xFFFFFFB0]  }
0x10d: {  	v6 =	vld [tilespmem:s11+$0xFFFFFFB0]  }
0x10e: {  	v7 =	vld [tilespmem:s15+$0xFFFFFFC0]  }
0x10f: {  	v8 =	vld [tilespmem:s11+$0xFFFFFFC0]  }
0x110: {  	v9 =	vld [tilespmem:s15+$0xFFFFFFD0]  }
0x111: {  	v10 =	vld [tilespmem:s11+$0xFFFFFFD0];
	v2 =	vadd.f32 v2, v1  }
0x112: {  	v4 =	vadd.f32 v4, v3;
	v1 =	vld [tilespmem:s15+$0xFFFFFFE0]  }
0x113: {  	v5 =	vadd.f32 v6, v5;
	v3 =	vld [tilespmem:s11+$0xFFFFFFE0];
	[tilespmem:s7+$0x0] =	vst v2  }
0x114: {  	v6 =	vadd.f32 v8, v7;
	[tilespmem:s7+$0xFFFFFFA0] =	vst v4;
	v2 =	vld [tilespmem:s15+$0xFFFFFFF0]  }
0x115: {  	s3 =	simm.s32 $0x0;
	s13 =	simm.s32 $0x4370;
	[tilespmem:s7+$0xFFFFFFB0] =	vst v5;
	v4 =	vld [tilespmem:s11+$0xFFFFFFF0]  }
0x116: {  	s12 =	simm.s32 $0x370;
	s10 =	simm.s32 $0xC370;
	v5 =	vld [tilespmem:s15+$0xFFFFFF90];
	[tilespmem:s7+$0xFFFFFFC0] =	vst v6;
	v6 =	vadd.f32 v10, v9;
	s15 =	simm.s32 $0x46F0  }
.LBB2_13:
0x117: {  	v7 =	vld [tilespmem:s15+$0x0];
	s11 =	sadd.s32 $0x400, s11  }
0x118: {  	s3 =	sadd.s32 $0x80, s3;
	v8 =	vld [tilespmem:s11+$0x0];
	[tilespmem:s7+$0xFFFFFFD0] =	vst v6;
	v1 =	vadd.f32 v3, v1  }
0x119: {  	p1 =	slt.u32 s3, $0x380;
	v3 =	vld [tilespmem:s11+$0xFFFFFF90]  }
0x11a: {  	v6 =	vld [tilespmem:s15+$0xFFFFFFA0];
	[tilespmem:s7+$0xFFFFFFE0] =	vst v1;
	v1 =	vadd.f32 v4, v2  }
0x11b: {  	v2 =	vld [tilespmem:s11+$0xFFFFFFA0];
	v9 =	vadd.f32 v0, v5  }
0x11c: {  	v4 =	vld [tilespmem:s15+$0xFFFFFFB0];
	[tilespmem:s7+$0xFFFFFFF0] =	vst v1  }
0x11d: {  	v1 =	vld [tilespmem:s11+$0xFFFFFFB0];
	v5 =	vadd.f32 v8, v7;
	[tilespmem:s7+$0xFFFFFF90] =	vst v9  }
0x11e: {  	s7 =	sadd.s32 $0x400, s7;
	v7 =	vld [tilespmem:s15+$0xFFFFFFC0];
	v0 =	vmov v3  }
0x11f: {  	v8 =	vld [tilespmem:s11+$0xFFFFFFC0];
	[tilespmem:s7+$0x0] =	vst v5  }
0x120: {  	v2 =	vadd.f32 v2, v6;
	v6 =	vld [tilespmem:s15+$0xFFFFFFD0]  }
0x121: {  	v9 =	vld [tilespmem:s11+$0xFFFFFFD0]  }
.Ltmp7:
0x122: {  	[tilespmem:s7+$0xFFFFFFA0] =	vst v2;
	v2 =	vadd.f32 v1, v4;
	v1 =	vld [tilespmem:s15+$0xFFFFFFE0];
	(pc) =	sbr.rel @p1 .LBB2_13-.Ltmp7, $4  }
0x123: {  	v3 =	vld [tilespmem:s11+$0xFFFFFFE0]  }
0x124: {  	[tilespmem:s7+$0xFFFFFFB0] =	vst v2;
	v7 =	vadd.f32 v8, v7;
	v2 =	vld [tilespmem:s15+$0xFFFFFFF0]  }
0x125: {  	v4 =	vld [tilespmem:s11+$0xFFFFFFF0]  }
0x126: {  	v5 =	vld [tilespmem:s15+$0xFFFFFF90];
	[tilespmem:s7+$0xFFFFFFC0] =	vst v7;
	v6 =	vadd.f32 v9, v6;
	s15 =	sadd.s32 $0x400, s15  }
0x127: {  	_ =	sdelay $0x1  }
0x128: {  	v1 =	vadd.f32 v3, v1  }
0x129: {  	[tilespmem:s7+$0xFFFFFFD0] =	vst v6;
	v2 =	vadd.f32 v4, v2  }
0x12a: {  	[tilespmem:s7+$0xFFFFFFE0] =	vst v1;
	v0 =	vadd.f32 v0, v5  }
0x12b: {  	[tilespmem:s7+$0xFFFFFFF0] =	vst v2  }
0x12c: {  	[tilespmem:s7+$0xFFFFFF90] =	vst v0  }
0x12d: {  	v1 =	vld [tilespmem:s13+$0x0]  }
0x12e: {  	v2 =	vld [tilespmem:s12+$0x0]  }
0x12f: {  	v0 =	vld [tilespmem:s12+$0xFFFFFF90]  }
0x130: {  	v3 =	vld [tilespmem:s13+$0xFFFFFFA0]  }
0x131: {  	v4 =	vld [tilespmem:s12+$0xFFFFFFA0]  }
0x132: {  	v5 =	vld [tilespmem:s13+$0xFFFFFFB0]  }
0x133: {  	v6 =	vld [tilespmem:s12+$0xFFFFFFB0]  }
0x134: {  	v7 =	vld [tilespmem:s13+$0xFFFFFFC0]  }
0x135: {  	v8 =	vld [tilespmem:s12+$0xFFFFFFC0]  }
0x136: {  	v9 =	vld [tilespmem:s13+$0xFFFFFFD0]  }
0x137: {  	v10 =	vld [tilespmem:s12+$0xFFFFFFD0];
	v2 =	vadd.f32 v2, v1  }
0x138: {  	v4 =	vadd.f32 v4, v3;
	v1 =	vld [tilespmem:s13+$0xFFFFFFE0]  }
0x139: {  	v5 =	vadd.f32 v6, v5;
	v3 =	vld [tilespmem:s12+$0xFFFFFFE0];
	[tilespmem:s10+$0x0] =	vst v2  }
0x13a: {  	v6 =	vadd.f32 v8, v7;
	[tilespmem:s10+$0xFFFFFFA0] =	vst v4;
	v2 =	vld [tilespmem:s13+$0xFFFFFFF0]  }
0x13b: {  	s15 =	simm.s32 $0x0;
	s11 =	simm.s32 $0x3F0;
	[tilespmem:s10+$0xFFFFFFB0] =	vst v5;
	v4 =	vld [tilespmem:s12+$0xFFFFFFF0]  }
0x13c: {  	s3 =	simm.s32 $0x43F0;
	s7 =	simm.s32 $0xC3F0;
	v5 =	vld [tilespmem:s13+$0xFFFFFF90];
	[tilespmem:s10+$0xFFFFFFC0] =	vst v6;
	v6 =	vadd.f32 v10, v9;
	s13 =	simm.s32 $0x4770  }
.LBB2_15:
0x13d: {  	v7 =	vld [tilespmem:s13+$0x0];
	s12 =	sadd.s32 $0x400, s12  }
0x13e: {  	s15 =	sadd.s32 $0x80, s15;
	v8 =	vld [tilespmem:s12+$0x0];
	[tilespmem:s10+$0xFFFFFFD0] =	vst v6;
	v1 =	vadd.f32 v3, v1  }
0x13f: {  	p1 =	slt.u32 s15, $0x380;
	v3 =	vld [tilespmem:s12+$0xFFFFFF90]  }
0x140: {  	v6 =	vld [tilespmem:s13+$0xFFFFFFA0];
	[tilespmem:s10+$0xFFFFFFE0] =	vst v1;
	v1 =	vadd.f32 v4, v2  }
0x141: {  	v2 =	vld [tilespmem:s12+$0xFFFFFFA0];
	v9 =	vadd.f32 v0, v5  }
0x142: {  	v4 =	vld [tilespmem:s13+$0xFFFFFFB0];
	[tilespmem:s10+$0xFFFFFFF0] =	vst v1  }
0x143: {  	v1 =	vld [tilespmem:s12+$0xFFFFFFB0];
	v5 =	vadd.f32 v8, v7;
	[tilespmem:s10+$0xFFFFFF90] =	vst v9  }
0x144: {  	s10 =	sadd.s32 $0x400, s10;
	v7 =	vld [tilespmem:s13+$0xFFFFFFC0];
	v0 =	vmov v3  }
0x145: {  	v8 =	vld [tilespmem:s12+$0xFFFFFFC0];
	[tilespmem:s10+$0x0] =	vst v5  }
0x146: {  	v2 =	vadd.f32 v2, v6;
	v6 =	vld [tilespmem:s13+$0xFFFFFFD0]  }
0x147: {  	v9 =	vld [tilespmem:s12+$0xFFFFFFD0]  }
.Ltmp8:
0x148: {  	[tilespmem:s10+$0xFFFFFFA0] =	vst v2;
	v2 =	vadd.f32 v1, v4;
	v1 =	vld [tilespmem:s13+$0xFFFFFFE0];
	(pc) =	sbr.rel @p1 .LBB2_15-.Ltmp8, $4  }
0x149: {  	v3 =	vld [tilespmem:s12+$0xFFFFFFE0]  }
0x14a: {  	[tilespmem:s10+$0xFFFFFFB0] =	vst v2;
	v7 =	vadd.f32 v8, v7;
	v2 =	vld [tilespmem:s13+$0xFFFFFFF0]  }
0x14b: {  	v4 =	vld [tilespmem:s12+$0xFFFFFFF0]  }
0x14c: {  	v5 =	vld [tilespmem:s13+$0xFFFFFF90];
	[tilespmem:s10+$0xFFFFFFC0] =	vst v7;
	v6 =	vadd.f32 v9, v6;
	s13 =	sadd.s32 $0x400, s13  }
0x14d: {  	_ =	sdelay $0x1  }
0x14e: {  	v1 =	vadd.f32 v3, v1  }
0x14f: {  	[tilespmem:s10+$0xFFFFFFD0] =	vst v6;
	v2 =	vadd.f32 v4, v2  }
0x150: {  	[tilespmem:s10+$0xFFFFFFE0] =	vst v1;
	v0 =	vadd.f32 v0, v5  }
0x151: {  	[tilespmem:s10+$0xFFFFFFF0] =	vst v2  }
0x152: {  	[tilespmem:s10+$0xFFFFFF90] =	vst v0  }
0x153: {  	v1 =	vld [tilespmem:s3+$0x0]  }
0x154: {  	v2 =	vld [tilespmem:s11+$0x0]  }
0x155: {  	v0 =	vld [tilespmem:s11+$0xFFFFFF90]  }
0x156: {  	v3 =	vld [tilespmem:s3+$0xFFFFFFA0]  }
0x157: {  	v4 =	vld [tilespmem:s11+$0xFFFFFFA0]  }
0x158: {  	v5 =	vld [tilespmem:s3+$0xFFFFFFB0]  }
0x159: {  	v6 =	vld [tilespmem:s11+$0xFFFFFFB0]  }
0x15a: {  	v7 =	vld [tilespmem:s3+$0xFFFFFFC0]  }
0x15b: {  	v8 =	vld [tilespmem:s11+$0xFFFFFFC0]  }
0x15c: {  	v9 =	vld [tilespmem:s3+$0xFFFFFFD0]  }
0x15d: {  	v10 =	vld [tilespmem:s11+$0xFFFFFFD0];
	v2 =	vadd.f32 v2, v1  }
0x15e: {  	v4 =	vadd.f32 v4, v3;
	v1 =	vld [tilespmem:s3+$0xFFFFFFE0]  }
0x15f: {  	v5 =	vadd.f32 v6, v5;
	v3 =	vld [tilespmem:s11+$0xFFFFFFE0];
	[tilespmem:s7+$0x0] =	vst v2  }
0x160: {  	v6 =	vadd.f32 v8, v7;
	[tilespmem:s7+$0xFFFFFFA0] =	vst v4;
	v2 =	vld [tilespmem:s3+$0xFFFFFFF0]  }
0x161: {  	[tilespmem:s7+$0xFFFFFFB0] =	vst v5;
	v5 =	vld [tilespmem:s11+$0xFFFFFFF0]  }
0x162: {  	s10 =	simm.s32 $0x0;
	v4 =	vld [tilespmem:s3+$0xFFFFFF90];
	[tilespmem:s7+$0xFFFFFFC0] =	vst v6;
	v6 =	vadd.f32 v10, v9;
	s3 =	simm.s32 $0x47F0  }
.LBB2_17:
0x163: {  	v7 =	vld [tilespmem:s3+$0x0];
	s11 =	sadd.s32 $0x400, s11  }
0x164: {  	s10 =	sadd.s32 $0x80, s10;
	v8 =	vld [tilespmem:s11+$0x0];
	[tilespmem:s7+$0xFFFFFFD0] =	vst v6;
	v1 =	vadd.f32 v3, v1  }
0x165: {  	p1 =	slt.u32 s10, $0x380;
	v3 =	vld [tilespmem:s11+$0xFFFFFF90]  }
0x166: {  	v6 =	vld [tilespmem:s3+$0xFFFFFFA0];
	[tilespmem:s7+$0xFFFFFFE0] =	vst v1;
	v1 =	vadd.f32 v5, v2  }
0x167: {  	v2 =	vld [tilespmem:s11+$0xFFFFFFA0];
	v9 =	vadd.f32 v0, v4  }
0x168: {  	v4 =	vld [tilespmem:s3+$0xFFFFFFB0];
	[tilespmem:s7+$0xFFFFFFF0] =	vst v1  }
0x169: {  	v1 =	vld [tilespmem:s11+$0xFFFFFFB0];
	v5 =	vadd.f32 v8, v7;
	[tilespmem:s7+$0xFFFFFF90] =	vst v9  }
0x16a: {  	s7 =	sadd.s32 $0x400, s7;
	v7 =	vld [tilespmem:s3+$0xFFFFFFC0];
	v0 =	vmov v3  }
0x16b: {  	v8 =	vld [tilespmem:s11+$0xFFFFFFC0];
	[tilespmem:s7+$0x0] =	vst v5  }
0x16c: {  	v2 =	vadd.f32 v2, v6;
	v6 =	vld [tilespmem:s3+$0xFFFFFFD0]  }
0x16d: {  	v9 =	vld [tilespmem:s11+$0xFFFFFFD0]  }
.Ltmp9:
0x16e: {  	[tilespmem:s7+$0xFFFFFFA0] =	vst v2;
	v2 =	vadd.f32 v1, v4;
	v1 =	vld [tilespmem:s3+$0xFFFFFFE0];
	(pc) =	sbr.rel @p1 .LBB2_17-.Ltmp9, $4  }
0x16f: {  	v3 =	vld [tilespmem:s11+$0xFFFFFFE0]  }
0x170: {  	[tilespmem:s7+$0xFFFFFFB0] =	vst v2;
	v7 =	vadd.f32 v8, v7;
	v2 =	vld [tilespmem:s3+$0xFFFFFFF0]  }
0x171: {  	v5 =	vld [tilespmem:s11+$0xFFFFFFF0]  }
0x172: {  	v4 =	vld [tilespmem:s3+$0xFFFFFF90];
	[tilespmem:s7+$0xFFFFFFC0] =	vst v7;
	v6 =	vadd.f32 v9, v6;
	s3 =	sadd.s32 $0x400, s3  }
0x173: {  	_ =	sdelay $0x1  }
0x174: {  	v1 =	vadd.f32 v3, v1  }
0x175: {  	[tilespmem:s7+$0xFFFFFFD0] =	vst v6;
	v2 =	vadd.f32 v5, v2  }
0x176: {  	s3 =	sshll.u32 s0, $0xB;
	s23 =	sor.u32 s8, s16;
	[tilespmem:s7+$0xFFFFFFE0] =	vst v1;
	v0 =	vadd.f32 v0, v4  }
0x177: {  	s11 =	sadd.s32 s6, s3;
	s15 =	sshll.u32 s23, $0xA;
	[tilespmem:s7+$0xFFFFFFF0] =	vst v2  }
0x178: {  	s20 =	simm.s32 $0xC000;
	s3 =	sadd.s32 s4, s11;
	s12 =	sor.u32 $0x400, s15;
	[tilespmem:s7+$0xFFFFFF90] =	vst v0  }
0x179: {  	[hbm4b:s3+s5] =	stream.linear.scatter [tilespmem:s20], [sflag:$0x5], $0x2000, $0x38;
	[tilespmem:$0x1C000] =	vst v63  }
0x17a: {  	s25 =	simm.s32 $0x4000;
	s24 =	sadd.s32 s2, s12  }
0x17b: {  	[tilespmem:s25], [sflag:$0x1] =	stream.linear.gather [hbm4b:s24+s5], $0x2000, $0x38;
	[tilespmem:$0x1C000] =	vst v63  }
0x17c: {  	_ =	swait.ge [sflag:s31], $0x2000  }
0x17d: {  	[sflag:s31] =	ssyncset.done $0x0  }
0x17e: {  	s3 =	simm.s32 @!p0 $0x6;
	[sflag:s31] =	ssyncadd.s32 $0xFFFFE000  }
0x17f: {  	_ =	swait.ge @!p0 [sflag:s3], $0x2000  }
0x180: {  	[sflag:s3] =	ssyncset.done @!p0 $0x0  }
0x181: {  	s13 =	simm.s32 $0x6040;
	[sflag:s3] =	ssyncadd.s32 @!p0 $0xFFFFE000  }
0x182: {  	s3 =	simm.s32 $0x40;
	v1 =	vld [tilespmem:s13+$0x30]  }
0x183: {  	v2 =	vld [tilespmem:s3+$0x30]  }
0x184: {  	v0 =	vld [tilespmem:s3+$0xFFFFFFC0]  }
0x185: {  	v3 =	vld [tilespmem:s13+$0xFFFFFFD0]  }
0x186: {  	v4 =	vld [tilespmem:s3+$0xFFFFFFD0]  }
0x187: {  	v5 =	vld [tilespmem:s13+$0xFFFFFFE0]  }
0x188: {  	v6 =	vld [tilespmem:s3+$0xFFFFFFE0]  }
0x189: {  	v7 =	vld [tilespmem:s13+$0xFFFFFFF0]  }
0x18a: {  	v8 =	vld [tilespmem:s3+$0xFFFFFFF0]  }
0x18b: {  	v9 =	vld [tilespmem:s13+$0x0]  }
0x18c: {  	v10 =	vld [tilespmem:s3+$0x0];
	v2 =	vadd.f32 v2, v1  }
0x18d: {  	s10 =	simm.s32 $0xE040;
	v4 =	vadd.f32 v4, v3;
	v1 =	vld [tilespmem:s13+$0x10]  }
0x18e: {  	v5 =	vadd.f32 v6, v5;
	v3 =	vld [tilespmem:s3+$0x10];
	[tilespmem:s10+$0x30] =	vst v2  }
0x18f: {  	v6 =	vadd.f32 v8, v7;
	[tilespmem:s10+$0xFFFFFFD0] =	vst v4;
	v2 =	vld [tilespmem:s13+$0x20]  }
0x190: {  	s17 =	simm.s32 $0x6440;
	[tilespmem:s10+$0xFFFFFFE0] =	vst v5;
	v4 =	vld [tilespmem:s3+$0x20]  }
0x191: {  	s23 =	simm.s32 $0x0;
	s7 =	simm.s32 $0xE0F0;
	s20 =	simm.s32 $0x60F0;
	v5 =	vld [tilespmem:s13+$0xFFFFFFC0];
	[tilespmem:s10+$0xFFFFFFF0] =	vst v6;
	v6 =	vadd.f32 v10, v9  }
.LBB2_19:
0x192: {  	v7 =	vld [tilespmem:s17+$0x30];
	s3 =	sadd.s32 $0x400, s3  }
0x193: {  	s23 =	sadd.s32 $0x80, s23;
	v8 =	vld [tilespmem:s3+$0x30];
	[tilespmem:s10+$0x0] =	vst v6;
	v1 =	vadd.f32 v3, v1  }
0x194: {  	p1 =	slt.u32 s23, $0x380;
	v3 =	vld [tilespmem:s3+$0xFFFFFFC0]  }
0x195: {  	v6 =	vld [tilespmem:s17+$0xFFFFFFD0];
	[tilespmem:s10+$0x10] =	vst v1;
	v1 =	vadd.f32 v4, v2  }
0x196: {  	v2 =	vld [tilespmem:s3+$0xFFFFFFD0];
	v9 =	vadd.f32 v0, v5  }
0x197: {  	v4 =	vld [tilespmem:s17+$0xFFFFFFE0];
	[tilespmem:s10+$0x20] =	vst v1  }
0x198: {  	v1 =	vld [tilespmem:s3+$0xFFFFFFE0];
	v5 =	vadd.f32 v8, v7;
	[tilespmem:s10+$0xFFFFFFC0] =	vst v9  }
0x199: {  	s10 =	sadd.s32 $0x400, s10;
	v7 =	vld [tilespmem:s17+$0xFFFFFFF0];
	v0 =	vmov v3  }
0x19a: {  	s13 =	simm.s32 $0xF0;
	v8 =	vld [tilespmem:s3+$0xFFFFFFF0];
	[tilespmem:s10+$0x30] =	vst v5  }
0x19b: {  	v2 =	vadd.f32 v2, v6;
	v6 =	vld [tilespmem:s17+$0x0]  }
0x19c: {  	v9 =	vld [tilespmem:s3+$0x0]  }
.Ltmp10:
0x19d: {  	[tilespmem:s10+$0xFFFFFFD0] =	vst v2;
	v2 =	vadd.f32 v1, v4;
	v1 =	vld [tilespmem:s17+$0x10];
	(pc) =	sbr.rel @p1 .LBB2_19-.Ltmp10, $4  }
0x19e: {  	v3 =	vld [tilespmem:s3+$0x10]  }
0x19f: {  	[tilespmem:s10+$0xFFFFFFE0] =	vst v2;
	v7 =	vadd.f32 v8, v7;
	v2 =	vld [tilespmem:s17+$0x20]  }
0x1a0: {  	v4 =	vld [tilespmem:s3+$0x20]  }
0x1a1: {  	v5 =	vld [tilespmem:s17+$0xFFFFFFC0];
	[tilespmem:s10+$0xFFFFFFF0] =	vst v7;
	v6 =	vadd.f32 v9, v6;
	s17 =	sadd.s32 $0x400, s17  }
0x1a2: {  	_ =	sdelay $0x1  }
0x1a3: {  	v1 =	vadd.f32 v3, v1  }
0x1a4: {  	[tilespmem:s10+$0x0] =	vst v6;
	v2 =	vadd.f32 v4, v2  }
0x1a5: {  	[tilespmem:s10+$0x10] =	vst v1;
	v0 =	vadd.f32 v0, v5  }
0x1a6: {  	[tilespmem:s10+$0x20] =	vst v2  }
0x1a7: {  	[tilespmem:s10+$0xFFFFFFC0] =	vst v0  }
0x1a8: {  	v1 =	vld [tilespmem:s20+$0x0]  }
0x1a9: {  	v2 =	vld [tilespmem:s13+$0x0]  }
0x1aa: {  	v0 =	vld [tilespmem:s13+$0xFFFFFF90]  }
0x1ab: {  	v3 =	vld [tilespmem:s20+$0xFFFFFFA0]  }
0x1ac: {  	v4 =	vld [tilespmem:s13+$0xFFFFFFA0]  }
0x1ad: {  	v5 =	vld [tilespmem:s20+$0xFFFFFFB0]  }
0x1ae: {  	v6 =	vld [tilespmem:s13+$0xFFFFFFB0]  }
0x1af: {  	v7 =	vld [tilespmem:s20+$0xFFFFFFC0]  }
0x1b0: {  	v8 =	vld [tilespmem:s13+$0xFFFFFFC0]  }
0x1b1: {  	v9 =	vld [tilespmem:s20+$0xFFFFFFD0]  }
0x1b2: {  	v10 =	vld [tilespmem:s13+$0xFFFFFFD0];
	v2 =	vadd.f32 v2, v1  }
0x1b3: {  	v4 =	vadd.f32 v4, v3;
	v1 =	vld [tilespmem:s20+$0xFFFFFFE0]  }
0x1b4: {  	v5 =	vadd.f32 v6, v5;
	v3 =	vld [tilespmem:s13+$0xFFFFFFE0];
	[tilespmem:s7+$0x0] =	vst v2  }
0x1b5: {  	v6 =	vadd.f32 v8, v7;
	[tilespmem:s7+$0xFFFFFFA0] =	vst v4;
	v2 =	vld [tilespmem:s20+$0xFFFFFFF0]  }
0x1b6: {  	s3 =	simm.s32 $0x0;
	[tilespmem:s7+$0xFFFFFFB0] =	vst v5;
	v4 =	vld [tilespmem:s13+$0xFFFFFFF0]  }
0x1b7: {  	s24 =	simm.s32 $0x6170;
	s17 =	simm.s32 $0x64F0;
	s10 =	simm.s32 $0xE170;
	v5 =	vld [tilespmem:s20+$0xFFFFFF90];
	[tilespmem:s7+$0xFFFFFFC0] =	vst v6;
	v6 =	vadd.f32 v10, v9  }
.LBB2_21:
0x1b8: {  	v7 =	vld [tilespmem:s17+$0x0];
	s13 =	sadd.s32 $0x400, s13  }
0x1b9: {  	s3 =	sadd.s32 $0x80, s3;
	v8 =	vld [tilespmem:s13+$0x0];
	[tilespmem:s7+$0xFFFFFFD0] =	vst v6;
	v1 =	vadd.f32 v3, v1  }
0x1ba: {  	p1 =	slt.u32 s3, $0x380;
	v3 =	vld [tilespmem:s13+$0xFFFFFF90]  }
0x1bb: {  	v6 =	vld [tilespmem:s17+$0xFFFFFFA0];
	[tilespmem:s7+$0xFFFFFFE0] =	vst v1;
	v1 =	vadd.f32 v4, v2  }
0x1bc: {  	v2 =	vld [tilespmem:s13+$0xFFFFFFA0];
	v9 =	vadd.f32 v0, v5  }
0x1bd: {  	v4 =	vld [tilespmem:s17+$0xFFFFFFB0];
	[tilespmem:s7+$0xFFFFFFF0] =	vst v1  }
0x1be: {  	v1 =	vld [tilespmem:s13+$0xFFFFFFB0];
	v5 =	vadd.f32 v8, v7;
	[tilespmem:s7+$0xFFFFFF90] =	vst v9  }
0x1bf: {  	s7 =	sadd.s32 $0x400, s7;
	v7 =	vld [tilespmem:s17+$0xFFFFFFC0];
	v0 =	vmov v3  }
0x1c0: {  	s23 =	simm.s32 $0x170;
	v8 =	vld [tilespmem:s13+$0xFFFFFFC0];
	[tilespmem:s7+$0x0] =	vst v5  }
0x1c1: {  	v2 =	vadd.f32 v2, v6;
	v6 =	vld [tilespmem:s17+$0xFFFFFFD0]  }
0x1c2: {  	v9 =	vld [tilespmem:s13+$0xFFFFFFD0]  }
.Ltmp11:
0x1c3: {  	[tilespmem:s7+$0xFFFFFFA0] =	vst v2;
	v2 =	vadd.f32 v1, v4;
	v1 =	vld [tilespmem:s17+$0xFFFFFFE0];
	(pc) =	sbr.rel @p1 .LBB2_21-.Ltmp11, $4  }
0x1c4: {  	v3 =	vld [tilespmem:s13+$0xFFFFFFE0]  }
0x1c5: {  	[tilespmem:s7+$0xFFFFFFB0] =	vst v2;
	v7 =	vadd.f32 v8, v7;
	v2 =	vld [tilespmem:s17+$0xFFFFFFF0]  }
0x1c6: {  	v4 =	vld [tilespmem:s13+$0xFFFFFFF0]  }
0x1c7: {  	v5 =	vld [tilespmem:s17+$0xFFFFFF90];
	[tilespmem:s7+$0xFFFFFFC0] =	vst v7;
	v6 =	vadd.f32 v9, v6;
	s17 =	sadd.s32 $0x400, s17  }
0x1c8: {  	_ =	sdelay $0x1  }
0x1c9: {  	v1 =	vadd.f32 v3, v1  }
0x1ca: {  	[tilespmem:s7+$0xFFFFFFD0] =	vst v6;
	v2 =	vadd.f32 v4, v2  }
0x1cb: {  	[tilespmem:s7+$0xFFFFFFE0] =	vst v1;
	v0 =	vadd.f32 v0, v5  }
0x1cc: {  	[tilespmem:s7+$0xFFFFFFF0] =	vst v2  }
0x1cd: {  	[tilespmem:s7+$0xFFFFFF90] =	vst v0  }
0x1ce: {  	v1 =	vld [tilespmem:s24+$0x0]  }
0x1cf: {  	v2 =	vld [tilespmem:s23+$0x0]  }
0x1d0: {  	v0 =	vld [tilespmem:s23+$0xFFFFFF90]  }
0x1d1: {  	v3 =	vld [tilespmem:s24+$0xFFFFFFA0]  }
0x1d2: {  	v4 =	vld [tilespmem:s23+$0xFFFFFFA0]  }
0x1d3: {  	v5 =	vld [tilespmem:s24+$0xFFFFFFB0]  }
0x1d4: {  	v6 =	vld [tilespmem:s23+$0xFFFFFFB0]  }
0x1d5: {  	v7 =	vld [tilespmem:s24+$0xFFFFFFC0]  }
0x1d6: {  	v8 =	vld [tilespmem:s23+$0xFFFFFFC0]  }
0x1d7: {  	v9 =	vld [tilespmem:s24+$0xFFFFFFD0]  }
0x1d8: {  	v10 =	vld [tilespmem:s23+$0xFFFFFFD0];
	v2 =	vadd.f32 v2, v1  }
0x1d9: {  	v4 =	vadd.f32 v4, v3;
	v1 =	vld [tilespmem:s24+$0xFFFFFFE0]  }
0x1da: {  	v5 =	vadd.f32 v6, v5;
	v3 =	vld [tilespmem:s23+$0xFFFFFFE0];
	[tilespmem:s10+$0x0] =	vst v2  }
0x1db: {  	v6 =	vadd.f32 v8, v7;
	[tilespmem:s10+$0xFFFFFFA0] =	vst v4;
	v2 =	vld [tilespmem:s24+$0xFFFFFFF0]  }
0x1dc: {  	s3 =	simm.s32 $0x0;
	[tilespmem:s10+$0xFFFFFFB0] =	vst v5;
	v4 =	vld [tilespmem:s23+$0xFFFFFFF0]  }
0x1dd: {  	s20 =	simm.s32 $0x61F0;
	s17 =	simm.s32 $0x6570;
	s7 =	simm.s32 $0xE1F0;
	v5 =	vld [tilespmem:s24+$0xFFFFFF90];
	[tilespmem:s10+$0xFFFFFFC0] =	vst v6;
	v6 =	vadd.f32 v10, v9  }
.LBB2_23:
0x1de: {  	v7 =	vld [tilespmem:s17+$0x0];
	s23 =	sadd.s32 $0x400, s23  }
0x1df: {  	s3 =	sadd.s32 $0x80, s3;
	v8 =	vld [tilespmem:s23+$0x0];
	[tilespmem:s10+$0xFFFFFFD0] =	vst v6;
	v1 =	vadd.f32 v3, v1  }
0x1e0: {  	p1 =	slt.u32 s3, $0x380;
	v3 =	vld [tilespmem:s23+$0xFFFFFF90]  }
0x1e1: {  	v6 =	vld [tilespmem:s17+$0xFFFFFFA0];
	[tilespmem:s10+$0xFFFFFFE0] =	vst v1;
	v1 =	vadd.f32 v4, v2  }
0x1e2: {  	v2 =	vld [tilespmem:s23+$0xFFFFFFA0];
	v9 =	vadd.f32 v0, v5  }
0x1e3: {  	v4 =	vld [tilespmem:s17+$0xFFFFFFB0];
	[tilespmem:s10+$0xFFFFFFF0] =	vst v1  }
0x1e4: {  	v1 =	vld [tilespmem:s23+$0xFFFFFFB0];
	v5 =	vadd.f32 v8, v7;
	[tilespmem:s10+$0xFFFFFF90] =	vst v9  }
0x1e5: {  	s10 =	sadd.s32 $0x400, s10;
	v7 =	vld [tilespmem:s17+$0xFFFFFFC0];
	v0 =	vmov v3  }
0x1e6: {  	s13 =	simm.s32 $0x1F0;
	v8 =	vld [tilespmem:s23+$0xFFFFFFC0];
	[tilespmem:s10+$0x0] =	vst v5  }
0x1e7: {  	v2 =	vadd.f32 v2, v6;
	v6 =	vld [tilespmem:s17+$0xFFFFFFD0]  }
0x1e8: {  	v9 =	vld [tilespmem:s23+$0xFFFFFFD0]  }
.Ltmp12:
0x1e9: {  	[tilespmem:s10+$0xFFFFFFA0] =	vst v2;
	v2 =	vadd.f32 v1, v4;
	v1 =	vld [tilespmem:s17+$0xFFFFFFE0];
	(pc) =	sbr.rel @p1 .LBB2_23-.Ltmp12, $4  }
0x1ea: {  	v3 =	vld [tilespmem:s23+$0xFFFFFFE0]  }
0x1eb: {  	[tilespmem:s10+$0xFFFFFFB0] =	vst v2;
	v7 =	vadd.f32 v8, v7;
	v2 =	vld [tilespmem:s17+$0xFFFFFFF0]  }
0x1ec: {  	v4 =	vld [tilespmem:s23+$0xFFFFFFF0]  }
0x1ed: {  	v5 =	vld [tilespmem:s17+$0xFFFFFF90];
	[tilespmem:s10+$0xFFFFFFC0] =	vst v7;
	v6 =	vadd.f32 v9, v6;
	s17 =	sadd.s32 $0x400, s17  }
0x1ee: {  	_ =	sdelay $0x1  }
0x1ef: {  	v1 =	vadd.f32 v3, v1  }
0x1f0: {  	[tilespmem:s10+$0xFFFFFFD0] =	vst v6;
	v2 =	vadd.f32 v4, v2  }
0x1f1: {  	[tilespmem:s10+$0xFFFFFFE0] =	vst v1;
	v0 =	vadd.f32 v0, v5  }
0x1f2: {  	[tilespmem:s10+$0xFFFFFFF0] =	vst v2  }
0x1f3: {  	[tilespmem:s10+$0xFFFFFF90] =	vst v0  }
0x1f4: {  	v1 =	vld [tilespmem:s20+$0x0]  }
0x1f5: {  	v2 =	vld [tilespmem:s13+$0x0]  }
0x1f6: {  	v0 =	vld [tilespmem:s13+$0xFFFFFF90]  }
0x1f7: {  	v3 =	vld [tilespmem:s20+$0xFFFFFFA0]  }
0x1f8: {  	v4 =	vld [tilespmem:s13+$0xFFFFFFA0]  }
0x1f9: {  	v5 =	vld [tilespmem:s20+$0xFFFFFFB0]  }
0x1fa: {  	v6 =	vld [tilespmem:s13+$0xFFFFFFB0]  }
0x1fb: {  	v7 =	vld [tilespmem:s20+$0xFFFFFFC0]  }
0x1fc: {  	v8 =	vld [tilespmem:s13+$0xFFFFFFC0]  }
0x1fd: {  	v9 =	vld [tilespmem:s20+$0xFFFFFFD0]  }
0x1fe: {  	v10 =	vld [tilespmem:s13+$0xFFFFFFD0];
	v2 =	vadd.f32 v2, v1  }
0x1ff: {  	v4 =	vadd.f32 v4, v3;
	v1 =	vld [tilespmem:s20+$0xFFFFFFE0]  }
0x200: {  	v5 =	vadd.f32 v6, v5;
	v3 =	vld [tilespmem:s13+$0xFFFFFFE0];
	[tilespmem:s7+$0x0] =	vst v2  }
0x201: {  	v6 =	vadd.f32 v8, v7;
	[tilespmem:s7+$0xFFFFFFA0] =	vst v4;
	v2 =	vld [tilespmem:s20+$0xFFFFFFF0]  }
0x202: {  	s3 =	simm.s32 $0x0;
	[tilespmem:s7+$0xFFFFFFB0] =	vst v5;
	v4 =	vld [tilespmem:s13+$0xFFFFFFF0]  }
0x203: {  	s24 =	simm.s32 $0x6270;
	s17 =	simm.s32 $0x65F0;
	s10 =	simm.s32 $0xE270;
	v5 =	vld [tilespmem:s20+$0xFFFFFF90];
	[tilespmem:s7+$0xFFFFFFC0] =	vst v6;
	v6 =	vadd.f32 v10, v9  }
.LBB2_25:
0x204: {  	v7 =	vld [tilespmem:s17+$0x0];
	s13 =	sadd.s32 $0x400, s13  }
0x205: {  	s3 =	sadd.s32 $0x80, s3;
	v8 =	vld [tilespmem:s13+$0x0];
	[tilespmem:s7+$0xFFFFFFD0] =	vst v6;
	v1 =	vadd.f32 v3, v1  }
0x206: {  	p1 =	slt.u32 s3, $0x380;
	v3 =	vld [tilespmem:s13+$0xFFFFFF90]  }
0x207: {  	v6 =	vld [tilespmem:s17+$0xFFFFFFA0];
	[tilespmem:s7+$0xFFFFFFE0] =	vst v1;
	v1 =	vadd.f32 v4, v2  }
0x208: {  	v2 =	vld [tilespmem:s13+$0xFFFFFFA0];
	v9 =	vadd.f32 v0, v5  }
0x209: {  	v4 =	vld [tilespmem:s17+$0xFFFFFFB0];
	[tilespmem:s7+$0xFFFFFFF0] =	vst v1  }
0x20a: {  	v1 =	vld [tilespmem:s13+$0xFFFFFFB0];
	v5 =	vadd.f32 v8, v7;
	[tilespmem:s7+$0xFFFFFF90] =	vst v9  }
0x20b: {  	s7 =	sadd.s32 $0x400, s7;
	v7 =	vld [tilespmem:s17+$0xFFFFFFC0];
	v0 =	vmov v3  }
0x20c: {  	s23 =	simm.s32 $0x270;
	v8 =	vld [tilespmem:s13+$0xFFFFFFC0];
	[tilespmem:s7+$0x0] =	vst v5  }
0x20d: {  	v2 =	vadd.f32 v2, v6;
	v6 =	vld [tilespmem:s17+$0xFFFFFFD0]  }
0x20e: {  	v9 =	vld [tilespmem:s13+$0xFFFFFFD0]  }
.Ltmp13:
0x20f: {  	[tilespmem:s7+$0xFFFFFFA0] =	vst v2;
	v2 =	vadd.f32 v1, v4;
	v1 =	vld [tilespmem:s17+$0xFFFFFFE0];
	(pc) =	sbr.rel @p1 .LBB2_25-.Ltmp13, $4  }
0x210: {  	v3 =	vld [tilespmem:s13+$0xFFFFFFE0]  }
0x211: {  	[tilespmem:s7+$0xFFFFFFB0] =	vst v2;
	v7 =	vadd.f32 v8, v7;
	v2 =	vld [tilespmem:s17+$0xFFFFFFF0]  }
0x212: {  	v4 =	vld [tilespmem:s13+$0xFFFFFFF0]  }
0x213: {  	v5 =	vld [tilespmem:s17+$0xFFFFFF90];
	[tilespmem:s7+$0xFFFFFFC0] =	vst v7;
	v6 =	vadd.f32 v9, v6;
	s17 =	sadd.s32 $0x400, s17  }
0x214: {  	_ =	sdelay $0x1  }
0x215: {  	v1 =	vadd.f32 v3, v1  }
0x216: {  	[tilespmem:s7+$0xFFFFFFD0] =	vst v6;
	v2 =	vadd.f32 v4, v2  }
0x217: {  	[tilespmem:s7+$0xFFFFFFE0] =	vst v1;
	v0 =	vadd.f32 v0, v5  }
0x218: {  	[tilespmem:s7+$0xFFFFFFF0] =	vst v2  }
0x219: {  	[tilespmem:s7+$0xFFFFFF90] =	vst v0  }
0x21a: {  	v1 =	vld [tilespmem:s24+$0x0]  }
0x21b: {  	v2 =	vld [tilespmem:s23+$0x0]  }
0x21c: {  	v0 =	vld [tilespmem:s23+$0xFFFFFF90]  }
0x21d: {  	v3 =	vld [tilespmem:s24+$0xFFFFFFA0]  }
0x21e: {  	v4 =	vld [tilespmem:s23+$0xFFFFFFA0]  }
0x21f: {  	v5 =	vld [tilespmem:s24+$0xFFFFFFB0]  }
0x220: {  	v6 =	vld [tilespmem:s23+$0xFFFFFFB0]  }
0x221: {  	v7 =	vld [tilespmem:s24+$0xFFFFFFC0]  }
0x222: {  	v8 =	vld [tilespmem:s23+$0xFFFFFFC0]  }
0x223: {  	v9 =	vld [tilespmem:s24+$0xFFFFFFD0]  }
0x224: {  	v10 =	vld [tilespmem:s23+$0xFFFFFFD0];
	v2 =	vadd.f32 v2, v1  }
0x225: {  	v4 =	vadd.f32 v4, v3;
	v1 =	vld [tilespmem:s24+$0xFFFFFFE0]  }
0x226: {  	v5 =	vadd.f32 v6, v5;
	v3 =	vld [tilespmem:s23+$0xFFFFFFE0];
	[tilespmem:s10+$0x0] =	vst v2  }
0x227: {  	v6 =	vadd.f32 v8, v7;
	[tilespmem:s10+$0xFFFFFFA0] =	vst v4;
	v2 =	vld [tilespmem:s24+$0xFFFFFFF0]  }
0x228: {  	s3 =	simm.s32 $0x0;
	[tilespmem:s10+$0xFFFFFFB0] =	vst v5;
	v4 =	vld [tilespmem:s23+$0xFFFFFFF0]  }
0x229: {  	s20 =	simm.s32 $0x62F0;
	s17 =	simm.s32 $0x6670;
	s7 =	simm.s32 $0xE2F0;
	v5 =	vld [tilespmem:s24+$0xFFFFFF90];
	[tilespmem:s10+$0xFFFFFFC0] =	vst v6;
	v6 =	vadd.f32 v10, v9  }
.LBB2_27:
0x22a: {  	v7 =	vld [tilespmem:s17+$0x0];
	s23 =	sadd.s32 $0x400, s23  }
0x22b: {  	s3 =	sadd.s32 $0x80, s3;
	v8 =	vld [tilespmem:s23+$0x0];
	[tilespmem:s10+$0xFFFFFFD0] =	vst v6;
	v1 =	vadd.f32 v3, v1  }
0x22c: {  	p1 =	slt.u32 s3, $0x380;
	v3 =	vld [tilespmem:s23+$0xFFFFFF90]  }
0x22d: {  	v6 =	vld [tilespmem:s17+$0xFFFFFFA0];
	[tilespmem:s10+$0xFFFFFFE0] =	vst v1;
	v1 =	vadd.f32 v4, v2  }
0x22e: {  	v2 =	vld [tilespmem:s23+$0xFFFFFFA0];
	v9 =	vadd.f32 v0, v5  }
0x22f: {  	v4 =	vld [tilespmem:s17+$0xFFFFFFB0];
	[tilespmem:s10+$0xFFFFFFF0] =	vst v1  }
0x230: {  	v1 =	vld [tilespmem:s23+$0xFFFFFFB0];
	v5 =	vadd.f32 v8, v7;
	[tilespmem:s10+$0xFFFFFF90] =	vst v9  }
0x231: {  	s10 =	sadd.s32 $0x400, s10;
	v7 =	vld [tilespmem:s17+$0xFFFFFFC0];
	v0 =	vmov v3  }
0x232: {  	s13 =	simm.s32 $0x2F0;
	v8 =	vld [tilespmem:s23+$0xFFFFFFC0];
	[tilespmem:s10+$0x0] =	vst v5  }
0x233: {  	v2 =	vadd.f32 v2, v6;
	v6 =	vld [tilespmem:s17+$0xFFFFFFD0]  }
0x234: {  	v9 =	vld [tilespmem:s23+$0xFFFFFFD0]  }
.Ltmp14:
0x235: {  	[tilespmem:s10+$0xFFFFFFA0] =	vst v2;
	v2 =	vadd.f32 v1, v4;
	v1 =	vld [tilespmem:s17+$0xFFFFFFE0];
	(pc) =	sbr.rel @p1 .LBB2_27-.Ltmp14, $4  }
0x236: {  	v3 =	vld [tilespmem:s23+$0xFFFFFFE0]  }
0x237: {  	[tilespmem:s10+$0xFFFFFFB0] =	vst v2;
	v7 =	vadd.f32 v8, v7;
	v2 =	vld [tilespmem:s17+$0xFFFFFFF0]  }
0x238: {  	v4 =	vld [tilespmem:s23+$0xFFFFFFF0]  }
0x239: {  	v5 =	vld [tilespmem:s17+$0xFFFFFF90];
	[tilespmem:s10+$0xFFFFFFC0] =	vst v7;
	v6 =	vadd.f32 v9, v6;
	s17 =	sadd.s32 $0x400, s17  }
0x23a: {  	_ =	sdelay $0x1  }
0x23b: {  	v1 =	vadd.f32 v3, v1  }
0x23c: {  	[tilespmem:s10+$0xFFFFFFD0] =	vst v6;
	v2 =	vadd.f32 v4, v2  }
0x23d: {  	[tilespmem:s10+$0xFFFFFFE0] =	vst v1;
	v0 =	vadd.f32 v0, v5  }
0x23e: {  	[tilespmem:s10+$0xFFFFFFF0] =	vst v2  }
0x23f: {  	[tilespmem:s10+$0xFFFFFF90] =	vst v0  }
0x240: {  	v1 =	vld [tilespmem:s20+$0x0]  }
0x241: {  	v2 =	vld [tilespmem:s13+$0x0]  }
0x242: {  	v0 =	vld [tilespmem:s13+$0xFFFFFF90]  }
0x243: {  	v3 =	vld [tilespmem:s20+$0xFFFFFFA0]  }
0x244: {  	v4 =	vld [tilespmem:s13+$0xFFFFFFA0]  }
0x245: {  	v5 =	vld [tilespmem:s20+$0xFFFFFFB0]  }
0x246: {  	v6 =	vld [tilespmem:s13+$0xFFFFFFB0]  }
0x247: {  	v7 =	vld [tilespmem:s20+$0xFFFFFFC0]  }
0x248: {  	v8 =	vld [tilespmem:s13+$0xFFFFFFC0]  }
0x249: {  	v9 =	vld [tilespmem:s20+$0xFFFFFFD0]  }
0x24a: {  	v10 =	vld [tilespmem:s13+$0xFFFFFFD0];
	v2 =	vadd.f32 v2, v1  }
0x24b: {  	v4 =	vadd.f32 v4, v3;
	v1 =	vld [tilespmem:s20+$0xFFFFFFE0]  }
0x24c: {  	v5 =	vadd.f32 v6, v5;
	v3 =	vld [tilespmem:s13+$0xFFFFFFE0];
	[tilespmem:s7+$0x0] =	vst v2  }
0x24d: {  	v6 =	vadd.f32 v8, v7;
	[tilespmem:s7+$0xFFFFFFA0] =	vst v4;
	v2 =	vld [tilespmem:s20+$0xFFFFFFF0]  }
0x24e: {  	s3 =	simm.s32 $0x0;
	[tilespmem:s7+$0xFFFFFFB0] =	vst v5;
	v4 =	vld [tilespmem:s13+$0xFFFFFFF0]  }
0x24f: {  	s24 =	simm.s32 $0x6370;
	s17 =	simm.s32 $0x66F0;
	s10 =	simm.s32 $0xE370;
	v5 =	vld [tilespmem:s20+$0xFFFFFF90];
	[tilespmem:s7+$0xFFFFFFC0] =	vst v6;
	v6 =	vadd.f32 v10, v9  }
.LBB2_29:
0x250: {  	v7 =	vld [tilespmem:s17+$0x0];
	s13 =	sadd.s32 $0x400, s13  }
0x251: {  	s3 =	sadd.s32 $0x80, s3;
	v8 =	vld [tilespmem:s13+$0x0];
	[tilespmem:s7+$0xFFFFFFD0] =	vst v6;
	v1 =	vadd.f32 v3, v1  }
0x252: {  	p1 =	slt.u32 s3, $0x380;
	v3 =	vld [tilespmem:s13+$0xFFFFFF90]  }
0x253: {  	v6 =	vld [tilespmem:s17+$0xFFFFFFA0];
	[tilespmem:s7+$0xFFFFFFE0] =	vst v1;
	v1 =	vadd.f32 v4, v2  }
0x254: {  	v2 =	vld [tilespmem:s13+$0xFFFFFFA0];
	v9 =	vadd.f32 v0, v5  }
0x255: {  	v4 =	vld [tilespmem:s17+$0xFFFFFFB0];
	[tilespmem:s7+$0xFFFFFFF0] =	vst v1  }
0x256: {  	v1 =	vld [tilespmem:s13+$0xFFFFFFB0];
	v5 =	vadd.f32 v8, v7;
	[tilespmem:s7+$0xFFFFFF90] =	vst v9  }
0x257: {  	s7 =	sadd.s32 $0x400, s7;
	v7 =	vld [tilespmem:s17+$0xFFFFFFC0];
	v0 =	vmov v3  }
0x258: {  	s23 =	simm.s32 $0x370;
	v8 =	vld [tilespmem:s13+$0xFFFFFFC0];
	[tilespmem:s7+$0x0] =	vst v5  }
0x259: {  	v2 =	vadd.f32 v2, v6;
	v6 =	vld [tilespmem:s17+$0xFFFFFFD0]  }
0x25a: {  	v9 =	vld [tilespmem:s13+$0xFFFFFFD0]  }
.Ltmp15:
0x25b: {  	[tilespmem:s7+$0xFFFFFFA0] =	vst v2;
	v2 =	vadd.f32 v1, v4;
	v1 =	vld [tilespmem:s17+$0xFFFFFFE0];
	(pc) =	sbr.rel @p1 .LBB2_29-.Ltmp15, $4  }
0x25c: {  	v3 =	vld [tilespmem:s13+$0xFFFFFFE0]  }
0x25d: {  	[tilespmem:s7+$0xFFFFFFB0] =	vst v2;
	v7 =	vadd.f32 v8, v7;
	v2 =	vld [tilespmem:s17+$0xFFFFFFF0]  }
0x25e: {  	v4 =	vld [tilespmem:s13+$0xFFFFFFF0]  }
0x25f: {  	v5 =	vld [tilespmem:s17+$0xFFFFFF90];
	[tilespmem:s7+$0xFFFFFFC0] =	vst v7;
	v6 =	vadd.f32 v9, v6;
	s17 =	sadd.s32 $0x400, s17  }
0x260: {  	_ =	sdelay $0x1  }
0x261: {  	v1 =	vadd.f32 v3, v1  }
0x262: {  	[tilespmem:s7+$0xFFFFFFD0] =	vst v6;
	v2 =	vadd.f32 v4, v2  }
0x263: {  	[tilespmem:s7+$0xFFFFFFE0] =	vst v1;
	v0 =	vadd.f32 v0, v5  }
0x264: {  	[tilespmem:s7+$0xFFFFFFF0] =	vst v2  }
0x265: {  	[tilespmem:s7+$0xFFFFFF90] =	vst v0  }
0x266: {  	v1 =	vld [tilespmem:s24+$0x0]  }
0x267: {  	v2 =	vld [tilespmem:s23+$0x0]  }
0x268: {  	v0 =	vld [tilespmem:s23+$0xFFFFFF90]  }
0x269: {  	v3 =	vld [tilespmem:s24+$0xFFFFFFA0]  }
0x26a: {  	v4 =	vld [tilespmem:s23+$0xFFFFFFA0]  }
0x26b: {  	v5 =	vld [tilespmem:s24+$0xFFFFFFB0]  }
0x26c: {  	v6 =	vld [tilespmem:s23+$0xFFFFFFB0]  }
0x26d: {  	v7 =	vld [tilespmem:s24+$0xFFFFFFC0]  }
0x26e: {  	v8 =	vld [tilespmem:s23+$0xFFFFFFC0]  }
0x26f: {  	v9 =	vld [tilespmem:s24+$0xFFFFFFD0]  }
0x270: {  	v10 =	vld [tilespmem:s23+$0xFFFFFFD0];
	v2 =	vadd.f32 v2, v1  }
0x271: {  	v4 =	vadd.f32 v4, v3;
	v1 =	vld [tilespmem:s24+$0xFFFFFFE0]  }
0x272: {  	v5 =	vadd.f32 v6, v5;
	v3 =	vld [tilespmem:s23+$0xFFFFFFE0];
	[tilespmem:s10+$0x0] =	vst v2  }
0x273: {  	v6 =	vadd.f32 v8, v7;
	[tilespmem:s10+$0xFFFFFFA0] =	vst v4;
	v2 =	vld [tilespmem:s24+$0xFFFFFFF0]  }
0x274: {  	s20 =	simm.s32 $0x0;
	[tilespmem:s10+$0xFFFFFFB0] =	vst v5;
	v4 =	vld [tilespmem:s23+$0xFFFFFFF0]  }
0x275: {  	s3 =	simm.s32 $0x63F0;
	s17 =	simm.s32 $0x6770;
	s7 =	simm.s32 $0xE3F0;
	v5 =	vld [tilespmem:s24+$0xFFFFFF90];
	[tilespmem:s10+$0xFFFFFFC0] =	vst v6;
	v6 =	vadd.f32 v10, v9  }
.LBB2_31:
0x276: {  	v7 =	vld [tilespmem:s17+$0x0];
	s23 =	sadd.s32 $0x400, s23  }
0x277: {  	s20 =	sadd.s32 $0x80, s20;
	v8 =	vld [tilespmem:s23+$0x0];
	[tilespmem:s10+$0xFFFFFFD0] =	vst v6;
	v1 =	vadd.f32 v3, v1  }
0x278: {  	p1 =	slt.u32 s20, $0x380;
	v3 =	vld [tilespmem:s23+$0xFFFFFF90]  }
0x279: {  	v6 =	vld [tilespmem:s17+$0xFFFFFFA0];
	[tilespmem:s10+$0xFFFFFFE0] =	vst v1;
	v1 =	vadd.f32 v4, v2  }
0x27a: {  	v2 =	vld [tilespmem:s23+$0xFFFFFFA0];
	v9 =	vadd.f32 v0, v5  }
0x27b: {  	v4 =	vld [tilespmem:s17+$0xFFFFFFB0];
	[tilespmem:s10+$0xFFFFFFF0] =	vst v1  }
0x27c: {  	v1 =	vld [tilespmem:s23+$0xFFFFFFB0];
	v5 =	vadd.f32 v8, v7;
	[tilespmem:s10+$0xFFFFFF90] =	vst v9  }
0x27d: {  	s10 =	sadd.s32 $0x400, s10;
	v7 =	vld [tilespmem:s17+$0xFFFFFFC0];
	v0 =	vmov v3  }
0x27e: {  	s13 =	simm.s32 $0x3F0;
	v8 =	vld [tilespmem:s23+$0xFFFFFFC0];
	[tilespmem:s10+$0x0] =	vst v5  }
0x27f: {  	v2 =	vadd.f32 v2, v6;
	v6 =	vld [tilespmem:s17+$0xFFFFFFD0]  }
0x280: {  	v9 =	vld [tilespmem:s23+$0xFFFFFFD0]  }
.Ltmp16:
0x281: {  	[tilespmem:s10+$0xFFFFFFA0] =	vst v2;
	v2 =	vadd.f32 v1, v4;
	v1 =	vld [tilespmem:s17+$0xFFFFFFE0];
	(pc) =	sbr.rel @p1 .LBB2_31-.Ltmp16, $4  }
0x282: {  	v3 =	vld [tilespmem:s23+$0xFFFFFFE0]  }
0x283: {  	[tilespmem:s10+$0xFFFFFFB0] =	vst v2;
	v7 =	vadd.f32 v8, v7;
	v2 =	vld [tilespmem:s17+$0xFFFFFFF0]  }
0x284: {  	v4 =	vld [tilespmem:s23+$0xFFFFFFF0]  }
0x285: {  	v5 =	vld [tilespmem:s17+$0xFFFFFF90];
	[tilespmem:s10+$0xFFFFFFC0] =	vst v7;
	v6 =	vadd.f32 v9, v6;
	s17 =	sadd.s32 $0x400, s17  }
0x286: {  	_ =	sdelay $0x1  }
0x287: {  	v1 =	vadd.f32 v3, v1  }
0x288: {  	[tilespmem:s10+$0xFFFFFFD0] =	vst v6;
	v2 =	vadd.f32 v4, v2  }
0x289: {  	[tilespmem:s10+$0xFFFFFFE0] =	vst v1;
	v0 =	vadd.f32 v0, v5  }
0x28a: {  	[tilespmem:s10+$0xFFFFFFF0] =	vst v2  }
0x28b: {  	[tilespmem:s10+$0xFFFFFF90] =	vst v0  }
0x28c: {  	v1 =	vld [tilespmem:s3+$0x0]  }
0x28d: {  	v2 =	vld [tilespmem:s13+$0x0]  }
0x28e: {  	v0 =	vld [tilespmem:s13+$0xFFFFFF90]  }
0x28f: {  	v3 =	vld [tilespmem:s3+$0xFFFFFFA0]  }
0x290: {  	v4 =	vld [tilespmem:s13+$0xFFFFFFA0]  }
0x291: {  	v5 =	vld [tilespmem:s3+$0xFFFFFFB0]  }
0x292: {  	v6 =	vld [tilespmem:s13+$0xFFFFFFB0]  }
0x293: {  	v7 =	vld [tilespmem:s3+$0xFFFFFFC0]  }
0x294: {  	v8 =	vld [tilespmem:s13+$0xFFFFFFC0]  }
0x295: {  	v9 =	vld [tilespmem:s3+$0xFFFFFFD0]  }
0x296: {  	v10 =	vld [tilespmem:s13+$0xFFFFFFD0];
	v2 =	vadd.f32 v2, v1  }
0x297: {  	v4 =	vadd.f32 v4, v3;
	v1 =	vld [tilespmem:s3+$0xFFFFFFE0]  }
0x298: {  	v5 =	vadd.f32 v6, v5;
	v3 =	vld [tilespmem:s13+$0xFFFFFFE0];
	[tilespmem:s7+$0x0] =	vst v2  }
0x299: {  	v6 =	vadd.f32 v8, v7;
	[tilespmem:s7+$0xFFFFFFA0] =	vst v4;
	v2 =	vld [tilespmem:s3+$0xFFFFFFF0]  }
0x29a: {  	[tilespmem:s7+$0xFFFFFFB0] =	vst v5;
	v5 =	vld [tilespmem:s13+$0xFFFFFFF0]  }
0x29b: {  	s10 =	simm.s32 $0x0;
	v4 =	vld [tilespmem:s3+$0xFFFFFF90];
	[tilespmem:s7+$0xFFFFFFC0] =	vst v6;
	v6 =	vadd.f32 v10, v9;
	s3 =	simm.s32 $0x67F0  }
.LBB2_33:
0x29c: {  	v7 =	vld [tilespmem:s3+$0x0];
	s13 =	sadd.s32 $0x400, s13  }
0x29d: {  	s10 =	sadd.s32 $0x80, s10;
	v8 =	vld [tilespmem:s13+$0x0];
	[tilespmem:s7+$0xFFFFFFD0] =	vst v6;
	v1 =	vadd.f32 v3, v1  }
0x29e: {  	p1 =	slt.u32 s10, $0x380;
	v3 =	vld [tilespmem:s13+$0xFFFFFF90]  }
0x29f: {  	v6 =	vld [tilespmem:s3+$0xFFFFFFA0];
	[tilespmem:s7+$0xFFFFFFE0] =	vst v1;
	v1 =	vadd.f32 v5, v2  }
0x2a0: {  	v2 =	vld [tilespmem:s13+$0xFFFFFFA0];
	v9 =	vadd.f32 v0, v4  }
0x2a1: {  	v4 =	vld [tilespmem:s3+$0xFFFFFFB0];
	[tilespmem:s7+$0xFFFFFFF0] =	vst v1  }
0x2a2: {  	v1 =	vld [tilespmem:s13+$0xFFFFFFB0];
	v5 =	vadd.f32 v8, v7;
	[tilespmem:s7+$0xFFFFFF90] =	vst v9  }
0x2a3: {  	s7 =	sadd.s32 $0x400, s7;
	v7 =	vld [tilespmem:s3+$0xFFFFFFC0];
	v0 =	vmov v3  }
0x2a4: {  	v8 =	vld [tilespmem:s13+$0xFFFFFFC0];
	[tilespmem:s7+$0x0] =	vst v5  }
0x2a5: {  	v2 =	vadd.f32 v2, v6;
	v6 =	vld [tilespmem:s3+$0xFFFFFFD0]  }
0x2a6: {  	v9 =	vld [tilespmem:s13+$0xFFFFFFD0]  }
.Ltmp17:
0x2a7: {  	[tilespmem:s7+$0xFFFFFFA0] =	vst v2;
	v2 =	vadd.f32 v1, v4;
	v1 =	vld [tilespmem:s3+$0xFFFFFFE0];
	(pc) =	sbr.rel @p1 .LBB2_33-.Ltmp17, $4  }
0x2a8: {  	v3 =	vld [tilespmem:s13+$0xFFFFFFE0]  }
0x2a9: {  	[tilespmem:s7+$0xFFFFFFB0] =	vst v2;
	v7 =	vadd.f32 v8, v7;
	v2 =	vld [tilespmem:s3+$0xFFFFFFF0]  }
0x2aa: {  	v5 =	vld [tilespmem:s13+$0xFFFFFFF0]  }
0x2ab: {  	v4 =	vld [tilespmem:s3+$0xFFFFFF90];
	[tilespmem:s7+$0xFFFFFFC0] =	vst v7;
	v6 =	vadd.f32 v9, v6;
	s3 =	sadd.s32 $0x400, s3  }
0x2ac: {  	_ =	sdelay $0x1  }
0x2ad: {  	v1 =	vadd.f32 v3, v1  }
0x2ae: {  	[tilespmem:s7+$0xFFFFFFD0] =	vst v6;
	v2 =	vadd.f32 v5, v2  }
0x2af: {  	[tilespmem:s7+$0xFFFFFFE0] =	vst v1;
	v0 =	vadd.f32 v0, v4  }
0x2b0: {  	[tilespmem:s7+$0xFFFFFFF0] =	vst v2  }
0x2b1: {  	[tilespmem:s7+$0xFFFFFF90] =	vst v0  }
0x2b2: {  	s3 =	rddreg [dreg:$0xd]  }
0x2b3: {  	s23 =	simm.s32 $0xE000;
	s10 =	sor.u32 $0x100400, s15;
	s3 =	sadd.s32 s11, s3  }
0x2b4: {  	[hbm4b:s3+s5] =	stream.linear.scatter [tilespmem:s23], [sflag:$0x6], $0x2000, $0x38;
	[tilespmem:$0x1C000] =	vst v63  }
0x2b5: {  	s25 =	simm.s32 $0x6000;
	s24 =	sadd.s32 s2, s10  }
0x2b6: {  	[tilespmem:s25], [sflag:$0x2] =	stream.linear.gather [hbm4b:s24+s5], $0x2000, $0x38;
	[tilespmem:$0x1C000] =	vst v63  }
0x2b7: {  	_ =	swait.ge [sflag:s1], $0x2000  }
0x2b8: {  	[sflag:s1] =	ssyncset.done $0x0  }
0x2b9: {  	s3 =	simm.s32 @!p0 $0x7;
	[sflag:s1] =	ssyncadd.s32 $0xFFFFE000  }
0x2ba: {  	_ =	swait.ge @!p0 [sflag:s3], $0x2000  }
0x2bb: {  	[sflag:s3] =	ssyncset.done @!p0 $0x0  }
0x2bc: {  	s13 =	simm.s32 $0x8040;
	[sflag:s3] =	ssyncadd.s32 @!p0 $0xFFFFE000  }
0x2bd: {  	s3 =	simm.s32 $0x40;
	v1 =	vld [tilespmem:s13+$0x30]  }
0x2be: {  	v2 =	vld [tilespmem:s3+$0x30]  }
0x2bf: {  	v0 =	vld [tilespmem:s3+$0xFFFFFFC0]  }
0x2c0: {  	v3 =	vld [tilespmem:s13+$0xFFFFFFD0]  }
0x2c1: {  	v4 =	vld [tilespmem:s3+$0xFFFFFFD0]  }
0x2c2: {  	v5 =	vld [tilespmem:s13+$0xFFFFFFE0]  }
0x2c3: {  	v6 =	vld [tilespmem:s3+$0xFFFFFFE0]  }
0x2c4: {  	v7 =	vld [tilespmem:s13+$0xFFFFFFF0]  }
0x2c5: {  	v8 =	vld [tilespmem:s3+$0xFFFFFFF0]  }
0x2c6: {  	v9 =	vld [tilespmem:s13+$0x0]  }
0x2c7: {  	v10 =	vld [tilespmem:s3+$0x0];
	v2 =	vadd.f32 v2, v1  }
0x2c8: {  	s23 =	simm.s32 $0x10040;
	v4 =	vadd.f32 v4, v3;
	v1 =	vld [tilespmem:s13+$0x10]  }
0x2c9: {  	v5 =	vadd.f32 v6, v5;
	v3 =	vld [tilespmem:s3+$0x10];
	[tilespmem:s23+$0x30] =	vst v2  }
0x2ca: {  	v6 =	vadd.f32 v8, v7;
	[tilespmem:s23+$0xFFFFFFD0] =	vst v4;
	v2 =	vld [tilespmem:s13+$0x20]  }
0x2cb: {  	s20 =	simm.s32 $0x80F0;
	[tilespmem:s23+$0xFFFFFFE0] =	vst v5;
	v4 =	vld [tilespmem:s3+$0x20]  }
0x2cc: {  	s17 =	simm.s32 $0x8440;
	s7 =	simm.s32 $0x100F0;
	s24 =	simm.s32 $0x0;
	v5 =	vld [tilespmem:s13+$0xFFFFFFC0];
	[tilespmem:s23+$0xFFFFFFF0] =	vst v6;
	v6 =	vadd.f32 v10, v9  }
.LBB2_35:
0x2cd: {  	v7 =	vld [tilespmem:s17+$0x30];
	s3 =	sadd.s32 $0x400, s3  }
0x2ce: {  	s24 =	sadd.s32 $0x80, s24;
	v8 =	vld [tilespmem:s3+$0x30];
	[tilespmem:s23+$0x0] =	vst v6;
	v1 =	vadd.f32 v3, v1  }
0x2cf: {  	p1 =	slt.u32 s24, $0x380;
	v3 =	vld [tilespmem:s3+$0xFFFFFFC0]  }
0x2d0: {  	v6 =	vld [tilespmem:s17+$0xFFFFFFD0];
	[tilespmem:s23+$0x10] =	vst v1;
	v1 =	vadd.f32 v4, v2  }
0x2d1: {  	v2 =	vld [tilespmem:s3+$0xFFFFFFD0];
	v9 =	vadd.f32 v0, v5  }
0x2d2: {  	v4 =	vld [tilespmem:s17+$0xFFFFFFE0];
	[tilespmem:s23+$0x20] =	vst v1  }
0x2d3: {  	v1 =	vld [tilespmem:s3+$0xFFFFFFE0];
	v5 =	vadd.f32 v8, v7;
	[tilespmem:s23+$0xFFFFFFC0] =	vst v9  }
0x2d4: {  	s23 =	sadd.s32 $0x400, s23;
	v7 =	vld [tilespmem:s17+$0xFFFFFFF0];
	v0 =	vmov v3  }
0x2d5: {  	s13 =	simm.s32 $0xF0;
	v8 =	vld [tilespmem:s3+$0xFFFFFFF0];
	[tilespmem:s23+$0x30] =	vst v5  }
0x2d6: {  	v2 =	vadd.f32 v2, v6;
	v6 =	vld [tilespmem:s17+$0x0]  }
0x2d7: {  	v9 =	vld [tilespmem:s3+$0x0]  }
.Ltmp18:
0x2d8: {  	[tilespmem:s23+$0xFFFFFFD0] =	vst v2;
	v2 =	vadd.f32 v1, v4;
	v1 =	vld [tilespmem:s17+$0x10];
	(pc) =	sbr.rel @p1 .LBB2_35-.Ltmp18, $4  }
0x2d9: {  	v3 =	vld [tilespmem:s3+$0x10]  }
0x2da: {  	[tilespmem:s23+$0xFFFFFFE0] =	vst v2;
	v7 =	vadd.f32 v8, v7;
	v2 =	vld [tilespmem:s17+$0x20]  }
0x2db: {  	v4 =	vld [tilespmem:s3+$0x20]  }
0x2dc: {  	v5 =	vld [tilespmem:s17+$0xFFFFFFC0];
	[tilespmem:s23+$0xFFFFFFF0] =	vst v7;
	v6 =	vadd.f32 v9, v6;
	s17 =	sadd.s32 $0x400, s17  }
0x2dd: {  	_ =	sdelay $0x1  }
0x2de: {  	v1 =	vadd.f32 v3, v1  }
0x2df: {  	[tilespmem:s23+$0x0] =	vst v6;
	v2 =	vadd.f32 v4, v2  }
0x2e0: {  	[tilespmem:s23+$0x10] =	vst v1;
	v0 =	vadd.f32 v0, v5  }
0x2e1: {  	[tilespmem:s23+$0x20] =	vst v2  }
0x2e2: {  	[tilespmem:s23+$0xFFFFFFC0] =	vst v0  }
0x2e3: {  	v1 =	vld [tilespmem:s20+$0x0]  }
0x2e4: {  	v2 =	vld [tilespmem:s13+$0x0]  }
0x2e5: {  	v0 =	vld [tilespmem:s13+$0xFFFFFF90]  }
0x2e6: {  	v3 =	vld [tilespmem:s20+$0xFFFFFFA0]  }
0x2e7: {  	v4 =	vld [tilespmem:s13+$0xFFFFFFA0]  }
0x2e8: {  	v5 =	vld [tilespmem:s20+$0xFFFFFFB0]  }
0x2e9: {  	v6 =	vld [tilespmem:s13+$0xFFFFFFB0]  }
0x2ea: {  	v7 =	vld [tilespmem:s20+$0xFFFFFFC0]  }
0x2eb: {  	v8 =	vld [tilespmem:s13+$0xFFFFFFC0]  }
0x2ec: {  	v9 =	vld [tilespmem:s20+$0xFFFFFFD0]  }
0x2ed: {  	v10 =	vld [tilespmem:s13+$0xFFFFFFD0];
	v2 =	vadd.f32 v2, v1  }
0x2ee: {  	v4 =	vadd.f32 v4, v3;
	v1 =	vld [tilespmem:s20+$0xFFFFFFE0]  }
0x2ef: {  	v5 =	vadd.f32 v6, v5;
	v3 =	vld [tilespmem:s13+$0xFFFFFFE0];
	[tilespmem:s7+$0x0] =	vst v2  }
0x2f0: {  	v6 =	vadd.f32 v8, v7;
	[tilespmem:s7+$0xFFFFFFA0] =	vst v4;
	v2 =	vld [tilespmem:s20+$0xFFFFFFF0]  }
0x2f1: {  	s3 =	simm.s32 $0x0;
	[tilespmem:s7+$0xFFFFFFB0] =	vst v5;
	v4 =	vld [tilespmem:s13+$0xFFFFFFF0]  }
0x2f2: {  	s25 =	simm.s32 $0x8170;
	s17 =	simm.s32 $0x84F0;
	s23 =	simm.s32 $0x10170;
	v5 =	vld [tilespmem:s20+$0xFFFFFF90];
	[tilespmem:s7+$0xFFFFFFC0] =	vst v6;
	v6 =	vadd.f32 v10, v9  }
.LBB2_37:
0x2f3: {  	v7 =	vld [tilespmem:s17+$0x0];
	s13 =	sadd.s32 $0x400, s13  }
0x2f4: {  	s3 =	sadd.s32 $0x80, s3;
	v8 =	vld [tilespmem:s13+$0x0];
	[tilespmem:s7+$0xFFFFFFD0] =	vst v6;
	v1 =	vadd.f32 v3, v1  }
0x2f5: {  	p1 =	slt.u32 s3, $0x380;
	v3 =	vld [tilespmem:s13+$0xFFFFFF90]  }
0x2f6: {  	v6 =	vld [tilespmem:s17+$0xFFFFFFA0];
	[tilespmem:s7+$0xFFFFFFE0] =	vst v1;
	v1 =	vadd.f32 v4, v2  }
0x2f7: {  	v2 =	vld [tilespmem:s13+$0xFFFFFFA0];
	v9 =	vadd.f32 v0, v5  }
0x2f8: {  	v4 =	vld [tilespmem:s17+$0xFFFFFFB0];
	[tilespmem:s7+$0xFFFFFFF0] =	vst v1  }
0x2f9: {  	v1 =	vld [tilespmem:s13+$0xFFFFFFB0];
	v5 =	vadd.f32 v8, v7;
	[tilespmem:s7+$0xFFFFFF90] =	vst v9  }
0x2fa: {  	s7 =	sadd.s32 $0x400, s7;
	v7 =	vld [tilespmem:s17+$0xFFFFFFC0];
	v0 =	vmov v3  }
0x2fb: {  	s24 =	simm.s32 $0x170;
	v8 =	vld [tilespmem:s13+$0xFFFFFFC0];
	[tilespmem:s7+$0x0] =	vst v5  }
0x2fc: {  	v2 =	vadd.f32 v2, v6;
	v6 =	vld [tilespmem:s17+$0xFFFFFFD0]  }
0x2fd: {  	v9 =	vld [tilespmem:s13+$0xFFFFFFD0]  }
.Ltmp19:
0x2fe: {  	[tilespmem:s7+$0xFFFFFFA0] =	vst v2;
	v2 =	vadd.f32 v1, v4;
	v1 =	vld [tilespmem:s17+$0xFFFFFFE0];
	(pc) =	sbr.rel @p1 .LBB2_37-.Ltmp19, $4  }
0x2ff: {  	v3 =	vld [tilespmem:s13+$0xFFFFFFE0]  }
0x300: {  	[tilespmem:s7+$0xFFFFFFB0] =	vst v2;
	v7 =	vadd.f32 v8, v7;
	v2 =	vld [tilespmem:s17+$0xFFFFFFF0]  }
0x301: {  	v4 =	vld [tilespmem:s13+$0xFFFFFFF0]  }
0x302: {  	v5 =	vld [tilespmem:s17+$0xFFFFFF90];
	[tilespmem:s7+$0xFFFFFFC0] =	vst v7;
	v6 =	vadd.f32 v9, v6;
	s17 =	sadd.s32 $0x400, s17  }
0x303: {  	_ =	sdelay $0x1  }
0x304: {  	v1 =	vadd.f32 v3, v1  }
0x305: {  	[tilespmem:s7+$0xFFFFFFD0] =	vst v6;
	v2 =	vadd.f32 v4, v2  }
0x306: {  	[tilespmem:s7+$0xFFFFFFE0] =	vst v1;
	v0 =	vadd.f32 v0, v5  }
0x307: {  	[tilespmem:s7+$0xFFFFFFF0] =	vst v2  }
0x308: {  	[tilespmem:s7+$0xFFFFFF90] =	vst v0  }
0x309: {  	v1 =	vld [tilespmem:s25+$0x0]  }
0x30a: {  	v2 =	vld [tilespmem:s24+$0x0]  }
0x30b: {  	v0 =	vld [tilespmem:s24+$0xFFFFFF90]  }
0x30c: {  	v3 =	vld [tilespmem:s25+$0xFFFFFFA0]  }
0x30d: {  	v4 =	vld [tilespmem:s24+$0xFFFFFFA0]  }
0x30e: {  	v5 =	vld [tilespmem:s25+$0xFFFFFFB0]  }
0x30f: {  	v6 =	vld [tilespmem:s24+$0xFFFFFFB0]  }
0x310: {  	v7 =	vld [tilespmem:s25+$0xFFFFFFC0]  }
0x311: {  	v8 =	vld [tilespmem:s24+$0xFFFFFFC0]  }
0x312: {  	v9 =	vld [tilespmem:s25+$0xFFFFFFD0]  }
0x313: {  	v10 =	vld [tilespmem:s24+$0xFFFFFFD0];
	v2 =	vadd.f32 v2, v1  }
0x314: {  	v4 =	vadd.f32 v4, v3;
	v1 =	vld [tilespmem:s25+$0xFFFFFFE0]  }
0x315: {  	v5 =	vadd.f32 v6, v5;
	v3 =	vld [tilespmem:s24+$0xFFFFFFE0];
	[tilespmem:s23+$0x0] =	vst v2  }
0x316: {  	v6 =	vadd.f32 v8, v7;
	[tilespmem:s23+$0xFFFFFFA0] =	vst v4;
	v2 =	vld [tilespmem:s25+$0xFFFFFFF0]  }
0x317: {  	s3 =	simm.s32 $0x0;
	[tilespmem:s23+$0xFFFFFFB0] =	vst v5;
	v4 =	vld [tilespmem:s24+$0xFFFFFFF0]  }
0x318: {  	s20 =	simm.s32 $0x81F0;
	s17 =	simm.s32 $0x8570;
	s7 =	simm.s32 $0x101F0;
	v5 =	vld [tilespmem:s25+$0xFFFFFF90];
	[tilespmem:s23+$0xFFFFFFC0] =	vst v6;
	v6 =	vadd.f32 v10, v9  }
.LBB2_39:
0x319: {  	v7 =	vld [tilespmem:s17+$0x0];
	s24 =	sadd.s32 $0x400, s24  }
0x31a: {  	s3 =	sadd.s32 $0x80, s3;
	v8 =	vld [tilespmem:s24+$0x0];
	[tilespmem:s23+$0xFFFFFFD0] =	vst v6;
	v1 =	vadd.f32 v3, v1  }
0x31b: {  	p1 =	slt.u32 s3, $0x380;
	v3 =	vld [tilespmem:s24+$0xFFFFFF90]  }
0x31c: {  	v6 =	vld [tilespmem:s17+$0xFFFFFFA0];
	[tilespmem:s23+$0xFFFFFFE0] =	vst v1;
	v1 =	vadd.f32 v4, v2  }
0x31d: {  	v2 =	vld [tilespmem:s24+$0xFFFFFFA0];
	v9 =	vadd.f32 v0, v5  }
0x31e: {  	v4 =	vld [tilespmem:s17+$0xFFFFFFB0];
	[tilespmem:s23+$0xFFFFFFF0] =	vst v1  }
0x31f: {  	v1 =	vld [tilespmem:s24+$0xFFFFFFB0];
	v5 =	vadd.f32 v8, v7;
	[tilespmem:s23+$0xFFFFFF90] =	vst v9  }
0x320: {  	s23 =	sadd.s32 $0x400, s23;
	v7 =	vld [tilespmem:s17+$0xFFFFFFC0];
	v0 =	vmov v3  }
0x321: {  	s13 =	simm.s32 $0x1F0;
	v8 =	vld [tilespmem:s24+$0xFFFFFFC0];
	[tilespmem:s23+$0x0] =	vst v5  }
0x322: {  	v2 =	vadd.f32 v2, v6;
	v6 =	vld [tilespmem:s17+$0xFFFFFFD0]  }
0x323: {  	v9 =	vld [tilespmem:s24+$0xFFFFFFD0]  }
.Ltmp20:
0x324: {  	[tilespmem:s23+$0xFFFFFFA0] =	vst v2;
	v2 =	vadd.f32 v1, v4;
	v1 =	vld [tilespmem:s17+$0xFFFFFFE0];
	(pc) =	sbr.rel @p1 .LBB2_39-.Ltmp20, $4  }
0x325: {  	v3 =	vld [tilespmem:s24+$0xFFFFFFE0]  }
0x326: {  	[tilespmem:s23+$0xFFFFFFB0] =	vst v2;
	v7 =	vadd.f32 v8, v7;
	v2 =	vld [tilespmem:s17+$0xFFFFFFF0]  }
0x327: {  	v4 =	vld [tilespmem:s24+$0xFFFFFFF0]  }
0x328: {  	v5 =	vld [tilespmem:s17+$0xFFFFFF90];
	[tilespmem:s23+$0xFFFFFFC0] =	vst v7;
	v6 =	vadd.f32 v9, v6;
	s17 =	sadd.s32 $0x400, s17  }
0x329: {  	_ =	sdelay $0x1  }
0x32a: {  	v1 =	vadd.f32 v3, v1  }
0x32b: {  	[tilespmem:s23+$0xFFFFFFD0] =	vst v6;
	v2 =	vadd.f32 v4, v2  }
0x32c: {  	[tilespmem:s23+$0xFFFFFFE0] =	vst v1;
	v0 =	vadd.f32 v0, v5  }
0x32d: {  	[tilespmem:s23+$0xFFFFFFF0] =	vst v2  }
0x32e: {  	[tilespmem:s23+$0xFFFFFF90] =	vst v0  }
0x32f: {  	v1 =	vld [tilespmem:s20+$0x0]  }
0x330: {  	v2 =	vld [tilespmem:s13+$0x0]  }
0x331: {  	v0 =	vld [tilespmem:s13+$0xFFFFFF90]  }
0x332: {  	v3 =	vld [tilespmem:s20+$0xFFFFFFA0]  }
0x333: {  	v4 =	vld [tilespmem:s13+$0xFFFFFFA0]  }
0x334: {  	v5 =	vld [tilespmem:s20+$0xFFFFFFB0]  }
0x335: {  	v6 =	vld [tilespmem:s13+$0xFFFFFFB0]  }
0x336: {  	v7 =	vld [tilespmem:s20+$0xFFFFFFC0]  }
0x337: {  	v8 =	vld [tilespmem:s13+$0xFFFFFFC0]  }
0x338: {  	v9 =	vld [tilespmem:s20+$0xFFFFFFD0]  }
0x339: {  	v10 =	vld [tilespmem:s13+$0xFFFFFFD0];
	v2 =	vadd.f32 v2, v1  }
0x33a: {  	v4 =	vadd.f32 v4, v3;
	v1 =	vld [tilespmem:s20+$0xFFFFFFE0]  }
0x33b: {  	v5 =	vadd.f32 v6, v5;
	v3 =	vld [tilespmem:s13+$0xFFFFFFE0];
	[tilespmem:s7+$0x0] =	vst v2  }
0x33c: {  	v6 =	vadd.f32 v8, v7;
	[tilespmem:s7+$0xFFFFFFA0] =	vst v4;
	v2 =	vld [tilespmem:s20+$0xFFFFFFF0]  }
0x33d: {  	s3 =	simm.s32 $0x0;
	[tilespmem:s7+$0xFFFFFFB0] =	vst v5;
	v4 =	vld [tilespmem:s13+$0xFFFFFFF0]  }
0x33e: {  	s25 =	simm.s32 $0x8270;
	s17 =	simm.s32 $0x85F0;
	s23 =	simm.s32 $0x10270;
	v5 =	vld [tilespmem:s20+$0xFFFFFF90];
	[tilespmem:s7+$0xFFFFFFC0] =	vst v6;
	v6 =	vadd.f32 v10, v9  }
.LBB2_41:
0x33f: {  	v7 =	vld [tilespmem:s17+$0x0];
	s13 =	sadd.s32 $0x400, s13  }
0x340: {  	s3 =	sadd.s32 $0x80, s3;
	v8 =	vld [tilespmem:s13+$0x0];
	[tilespmem:s7+$0xFFFFFFD0] =	vst v6;
	v1 =	vadd.f32 v3, v1  }
0x341: {  	p1 =	slt.u32 s3, $0x380;
	v3 =	vld [tilespmem:s13+$0xFFFFFF90]  }
0x342: {  	v6 =	vld [tilespmem:s17+$0xFFFFFFA0];
	[tilespmem:s7+$0xFFFFFFE0] =	vst v1;
	v1 =	vadd.f32 v4, v2  }
0x343: {  	v2 =	vld [tilespmem:s13+$0xFFFFFFA0];
	v9 =	vadd.f32 v0, v5  }
0x344: {  	v4 =	vld [tilespmem:s17+$0xFFFFFFB0];
	[tilespmem:s7+$0xFFFFFFF0] =	vst v1  }
0x345: {  	v1 =	vld [tilespmem:s13+$0xFFFFFFB0];
	v5 =	vadd.f32 v8, v7;
	[tilespmem:s7+$0xFFFFFF90] =	vst v9  }
0x346: {  	s7 =	sadd.s32 $0x400, s7;
	v7 =	vld [tilespmem:s17+$0xFFFFFFC0];
	v0 =	vmov v3  }
0x347: {  	s24 =	simm.s32 $0x270;
	v8 =	vld [tilespmem:s13+$0xFFFFFFC0];
	[tilespmem:s7+$0x0] =	vst v5  }
0x348: {  	v2 =	vadd.f32 v2, v6;
	v6 =	vld [tilespmem:s17+$0xFFFFFFD0]  }
0x349: {  	v9 =	vld [tilespmem:s13+$0xFFFFFFD0]  }
.Ltmp21:
0x34a: {  	[tilespmem:s7+$0xFFFFFFA0] =	vst v2;
	v2 =	vadd.f32 v1, v4;
	v1 =	vld [tilespmem:s17+$0xFFFFFFE0];
	(pc) =	sbr.rel @p1 .LBB2_41-.Ltmp21, $4  }
0x34b: {  	v3 =	vld [tilespmem:s13+$0xFFFFFFE0]  }
0x34c: {  	[tilespmem:s7+$0xFFFFFFB0] =	vst v2;
	v7 =	vadd.f32 v8, v7;
	v2 =	vld [tilespmem:s17+$0xFFFFFFF0]  }
0x34d: {  	v4 =	vld [tilespmem:s13+$0xFFFFFFF0]  }
0x34e: {  	v5 =	vld [tilespmem:s17+$0xFFFFFF90];
	[tilespmem:s7+$0xFFFFFFC0] =	vst v7;
	v6 =	vadd.f32 v9, v6;
	s17 =	sadd.s32 $0x400, s17  }
0x34f: {  	_ =	sdelay $0x1  }
0x350: {  	v1 =	vadd.f32 v3, v1  }
0x351: {  	[tilespmem:s7+$0xFFFFFFD0] =	vst v6;
	v2 =	vadd.f32 v4, v2  }
0x352: {  	[tilespmem:s7+$0xFFFFFFE0] =	vst v1;
	v0 =	vadd.f32 v0, v5  }
0x353: {  	[tilespmem:s7+$0xFFFFFFF0] =	vst v2  }
0x354: {  	[tilespmem:s7+$0xFFFFFF90] =	vst v0  }
0x355: {  	v1 =	vld [tilespmem:s25+$0x0]  }
0x356: {  	v2 =	vld [tilespmem:s24+$0x0]  }
0x357: {  	v0 =	vld [tilespmem:s24+$0xFFFFFF90]  }
0x358: {  	v3 =	vld [tilespmem:s25+$0xFFFFFFA0]  }
0x359: {  	v4 =	vld [tilespmem:s24+$0xFFFFFFA0]  }
0x35a: {  	v5 =	vld [tilespmem:s25+$0xFFFFFFB0]  }
0x35b: {  	v6 =	vld [tilespmem:s24+$0xFFFFFFB0]  }
0x35c: {  	v7 =	vld [tilespmem:s25+$0xFFFFFFC0]  }
0x35d: {  	v8 =	vld [tilespmem:s24+$0xFFFFFFC0]  }
0x35e: {  	v9 =	vld [tilespmem:s25+$0xFFFFFFD0]  }
0x35f: {  	v10 =	vld [tilespmem:s24+$0xFFFFFFD0];
	v2 =	vadd.f32 v2, v1  }
0x360: {  	v4 =	vadd.f32 v4, v3;
	v1 =	vld [tilespmem:s25+$0xFFFFFFE0]  }
0x361: {  	v5 =	vadd.f32 v6, v5;
	v3 =	vld [tilespmem:s24+$0xFFFFFFE0];
	[tilespmem:s23+$0x0] =	vst v2  }
0x362: {  	v6 =	vadd.f32 v8, v7;
	[tilespmem:s23+$0xFFFFFFA0] =	vst v4;
	v2 =	vld [tilespmem:s25+$0xFFFFFFF0]  }
0x363: {  	s3 =	simm.s32 $0x0;
	[tilespmem:s23+$0xFFFFFFB0] =	vst v5;
	v4 =	vld [tilespmem:s24+$0xFFFFFFF0]  }
0x364: {  	s20 =	simm.s32 $0x82F0;
	s17 =	simm.s32 $0x8670;
	s7 =	simm.s32 $0x102F0;
	v5 =	vld [tilespmem:s25+$0xFFFFFF90];
	[tilespmem:s23+$0xFFFFFFC0] =	vst v6;
	v6 =	vadd.f32 v10, v9  }
.LBB2_43:
0x365: {  	v7 =	vld [tilespmem:s17+$0x0];
	s24 =	sadd.s32 $0x400, s24  }
0x366: {  	s3 =	sadd.s32 $0x80, s3;
	v8 =	vld [tilespmem:s24+$0x0];
	[tilespmem:s23+$0xFFFFFFD0] =	vst v6;
	v1 =	vadd.f32 v3, v1  }
0x367: {  	p1 =	slt.u32 s3, $0x380;
	v3 =	vld [tilespmem:s24+$0xFFFFFF90]  }
0x368: {  	v6 =	vld [tilespmem:s17+$0xFFFFFFA0];
	[tilespmem:s23+$0xFFFFFFE0] =	vst v1;
	v1 =	vadd.f32 v4, v2  }
0x369: {  	v2 =	vld [tilespmem:s24+$0xFFFFFFA0];
	v9 =	vadd.f32 v0, v5  }
0x36a: {  	v4 =	vld [tilespmem:s17+$0xFFFFFFB0];
	[tilespmem:s23+$0xFFFFFFF0] =	vst v1  }
0x36b: {  	v1 =	vld [tilespmem:s24+$0xFFFFFFB0];
	v5 =	vadd.f32 v8, v7;
	[tilespmem:s23+$0xFFFFFF90] =	vst v9  }
0x36c: {  	s23 =	sadd.s32 $0x400, s23;
	v7 =	vld [tilespmem:s17+$0xFFFFFFC0];
	v0 =	vmov v3  }
0x36d: {  	s13 =	simm.s32 $0x2F0;
	v8 =	vld [tilespmem:s24+$0xFFFFFFC0];
	[tilespmem:s23+$0x0] =	vst v5  }
0x36e: {  	v2 =	vadd.f32 v2, v6;
	v6 =	vld [tilespmem:s17+$0xFFFFFFD0]  }
0x36f: {  	v9 =	vld [tilespmem:s24+$0xFFFFFFD0]  }
.Ltmp22:
0x370: {  	[tilespmem:s23+$0xFFFFFFA0] =	vst v2;
	v2 =	vadd.f32 v1, v4;
	v1 =	vld [tilespmem:s17+$0xFFFFFFE0];
	(pc) =	sbr.rel @p1 .LBB2_43-.Ltmp22, $4  }
0x371: {  	v3 =	vld [tilespmem:s24+$0xFFFFFFE0]  }
0x372: {  	[tilespmem:s23+$0xFFFFFFB0] =	vst v2;
	v7 =	vadd.f32 v8, v7;
	v2 =	vld [tilespmem:s17+$0xFFFFFFF0]  }
0x373: {  	v4 =	vld [tilespmem:s24+$0xFFFFFFF0]  }
0x374: {  	v5 =	vld [tilespmem:s17+$0xFFFFFF90];
	[tilespmem:s23+$0xFFFFFFC0] =	vst v7;
	v6 =	vadd.f32 v9, v6;
	s17 =	sadd.s32 $0x400, s17  }
0x375: {  	_ =	sdelay $0x1  }
0x376: {  	v1 =	vadd.f32 v3, v1  }
0x377: {  	[tilespmem:s23+$0xFFFFFFD0] =	vst v6;
	v2 =	vadd.f32 v4, v2  }
0x378: {  	[tilespmem:s23+$0xFFFFFFE0] =	vst v1;
	v0 =	vadd.f32 v0, v5  }
0x379: {  	[tilespmem:s23+$0xFFFFFFF0] =	vst v2  }
0x37a: {  	[tilespmem:s23+$0xFFFFFF90] =	vst v0  }
0x37b: {  	v1 =	vld [tilespmem:s20+$0x0]  }
0x37c: {  	v2 =	vld [tilespmem:s13+$0x0]  }
0x37d: {  	v0 =	vld [tilespmem:s13+$0xFFFFFF90]  }
0x37e: {  	v3 =	vld [tilespmem:s20+$0xFFFFFFA0]  }
0x37f: {  	v4 =	vld [tilespmem:s13+$0xFFFFFFA0]  }
0x380: {  	v5 =	vld [tilespmem:s20+$0xFFFFFFB0]  }
0x381: {  	v6 =	vld [tilespmem:s13+$0xFFFFFFB0]  }
0x382: {  	v7 =	vld [tilespmem:s20+$0xFFFFFFC0]  }
0x383: {  	v8 =	vld [tilespmem:s13+$0xFFFFFFC0]  }
0x384: {  	v9 =	vld [tilespmem:s20+$0xFFFFFFD0]  }
0x385: {  	v10 =	vld [tilespmem:s13+$0xFFFFFFD0];
	v2 =	vadd.f32 v2, v1  }
0x386: {  	v4 =	vadd.f32 v4, v3;
	v1 =	vld [tilespmem:s20+$0xFFFFFFE0]  }
0x387: {  	v5 =	vadd.f32 v6, v5;
	v3 =	vld [tilespmem:s13+$0xFFFFFFE0];
	[tilespmem:s7+$0x0] =	vst v2  }
0x388: {  	v6 =	vadd.f32 v8, v7;
	[tilespmem:s7+$0xFFFFFFA0] =	vst v4;
	v2 =	vld [tilespmem:s20+$0xFFFFFFF0]  }
0x389: {  	s3 =	simm.s32 $0x0;
	[tilespmem:s7+$0xFFFFFFB0] =	vst v5;
	v4 =	vld [tilespmem:s13+$0xFFFFFFF0]  }
0x38a: {  	s25 =	simm.s32 $0x8370;
	s17 =	simm.s32 $0x86F0;
	s23 =	simm.s32 $0x10370;
	v5 =	vld [tilespmem:s20+$0xFFFFFF90];
	[tilespmem:s7+$0xFFFFFFC0] =	vst v6;
	v6 =	vadd.f32 v10, v9  }
.LBB2_45:
0x38b: {  	v7 =	vld [tilespmem:s17+$0x0];
	s13 =	sadd.s32 $0x400, s13  }
0x38c: {  	s3 =	sadd.s32 $0x80, s3;
	v8 =	vld [tilespmem:s13+$0x0];
	[tilespmem:s7+$0xFFFFFFD0] =	vst v6;
	v1 =	vadd.f32 v3, v1  }
0x38d: {  	p1 =	slt.u32 s3, $0x380;
	v3 =	vld [tilespmem:s13+$0xFFFFFF90]  }
0x38e: {  	v6 =	vld [tilespmem:s17+$0xFFFFFFA0];
	[tilespmem:s7+$0xFFFFFFE0] =	vst v1;
	v1 =	vadd.f32 v4, v2  }
0x38f: {  	v2 =	vld [tilespmem:s13+$0xFFFFFFA0];
	v9 =	vadd.f32 v0, v5  }
0x390: {  	v4 =	vld [tilespmem:s17+$0xFFFFFFB0];
	[tilespmem:s7+$0xFFFFFFF0] =	vst v1  }
0x391: {  	v1 =	vld [tilespmem:s13+$0xFFFFFFB0];
	v5 =	vadd.f32 v8, v7;
	[tilespmem:s7+$0xFFFFFF90] =	vst v9  }
0x392: {  	s7 =	sadd.s32 $0x400, s7;
	v7 =	vld [tilespmem:s17+$0xFFFFFFC0];
	v0 =	vmov v3  }
0x393: {  	s24 =	simm.s32 $0x370;
	v8 =	vld [tilespmem:s13+$0xFFFFFFC0];
	[tilespmem:s7+$0x0] =	vst v5  }
0x394: {  	v2 =	vadd.f32 v2, v6;
	v6 =	vld [tilespmem:s17+$0xFFFFFFD0]  }
0x395: {  	v9 =	vld [tilespmem:s13+$0xFFFFFFD0]  }
.Ltmp23:
0x396: {  	[tilespmem:s7+$0xFFFFFFA0] =	vst v2;
	v2 =	vadd.f32 v1, v4;
	v1 =	vld [tilespmem:s17+$0xFFFFFFE0];
	(pc) =	sbr.rel @p1 .LBB2_45-.Ltmp23, $4  }
0x397: {  	v3 =	vld [tilespmem:s13+$0xFFFFFFE0]  }
0x398: {  	[tilespmem:s7+$0xFFFFFFB0] =	vst v2;
	v7 =	vadd.f32 v8, v7;
	v2 =	vld [tilespmem:s17+$0xFFFFFFF0]  }
0x399: {  	v4 =	vld [tilespmem:s13+$0xFFFFFFF0]  }
0x39a: {  	v5 =	vld [tilespmem:s17+$0xFFFFFF90];
	[tilespmem:s7+$0xFFFFFFC0] =	vst v7;
	v6 =	vadd.f32 v9, v6;
	s17 =	sadd.s32 $0x400, s17  }
0x39b: {  	_ =	sdelay $0x1  }
0x39c: {  	v1 =	vadd.f32 v3, v1  }
0x39d: {  	[tilespmem:s7+$0xFFFFFFD0] =	vst v6;
	v2 =	vadd.f32 v4, v2  }
0x39e: {  	[tilespmem:s7+$0xFFFFFFE0] =	vst v1;
	v0 =	vadd.f32 v0, v5  }
0x39f: {  	[tilespmem:s7+$0xFFFFFFF0] =	vst v2  }
0x3a0: {  	[tilespmem:s7+$0xFFFFFF90] =	vst v0  }
0x3a1: {  	v1 =	vld [tilespmem:s25+$0x0]  }
0x3a2: {  	v2 =	vld [tilespmem:s24+$0x0]  }
0x3a3: {  	v0 =	vld [tilespmem:s24+$0xFFFFFF90]  }
0x3a4: {  	v3 =	vld [tilespmem:s25+$0xFFFFFFA0]  }
0x3a5: {  	v4 =	vld [tilespmem:s24+$0xFFFFFFA0]  }
0x3a6: {  	v5 =	vld [tilespmem:s25+$0xFFFFFFB0]  }
0x3a7: {  	v6 =	vld [tilespmem:s24+$0xFFFFFFB0]  }
0x3a8: {  	v7 =	vld [tilespmem:s25+$0xFFFFFFC0]  }
0x3a9: {  	v8 =	vld [tilespmem:s24+$0xFFFFFFC0]  }
0x3aa: {  	v9 =	vld [tilespmem:s25+$0xFFFFFFD0]  }
0x3ab: {  	v10 =	vld [tilespmem:s24+$0xFFFFFFD0];
	v2 =	vadd.f32 v2, v1  }
0x3ac: {  	v4 =	vadd.f32 v4, v3;
	v1 =	vld [tilespmem:s25+$0xFFFFFFE0]  }
0x3ad: {  	v5 =	vadd.f32 v6, v5;
	v3 =	vld [tilespmem:s24+$0xFFFFFFE0];
	[tilespmem:s23+$0x0] =	vst v2  }
0x3ae: {  	v6 =	vadd.f32 v8, v7;
	[tilespmem:s23+$0xFFFFFFA0] =	vst v4;
	v2 =	vld [tilespmem:s25+$0xFFFFFFF0]  }
0x3af: {  	s20 =	simm.s32 $0x0;
	[tilespmem:s23+$0xFFFFFFB0] =	vst v5;
	v4 =	vld [tilespmem:s24+$0xFFFFFFF0]  }
0x3b0: {  	s3 =	simm.s32 $0x83F0;
	s17 =	simm.s32 $0x8770;
	s7 =	simm.s32 $0x103F0;
	v5 =	vld [tilespmem:s25+$0xFFFFFF90];
	[tilespmem:s23+$0xFFFFFFC0] =	vst v6;
	v6 =	vadd.f32 v10, v9  }
.LBB2_47:
0x3b1: {  	v7 =	vld [tilespmem:s17+$0x0];
	s24 =	sadd.s32 $0x400, s24  }
0x3b2: {  	s20 =	sadd.s32 $0x80, s20;
	v8 =	vld [tilespmem:s24+$0x0];
	[tilespmem:s23+$0xFFFFFFD0] =	vst v6;
	v1 =	vadd.f32 v3, v1  }
0x3b3: {  	p1 =	slt.u32 s20, $0x380;
	v3 =	vld [tilespmem:s24+$0xFFFFFF90]  }
0x3b4: {  	v6 =	vld [tilespmem:s17+$0xFFFFFFA0];
	[tilespmem:s23+$0xFFFFFFE0] =	vst v1;
	v1 =	vadd.f32 v4, v2  }
0x3b5: {  	v2 =	vld [tilespmem:s24+$0xFFFFFFA0];
	v9 =	vadd.f32 v0, v5  }
0x3b6: {  	v4 =	vld [tilespmem:s17+$0xFFFFFFB0];
	[tilespmem:s23+$0xFFFFFFF0] =	vst v1  }
0x3b7: {  	v1 =	vld [tilespmem:s24+$0xFFFFFFB0];
	v5 =	vadd.f32 v8, v7;
	[tilespmem:s23+$0xFFFFFF90] =	vst v9  }
0x3b8: {  	s23 =	sadd.s32 $0x400, s23;
	v7 =	vld [tilespmem:s17+$0xFFFFFFC0];
	v0 =	vmov v3  }
0x3b9: {  	s13 =	simm.s32 $0x3F0;
	v8 =	vld [tilespmem:s24+$0xFFFFFFC0];
	[tilespmem:s23+$0x0] =	vst v5  }
0x3ba: {  	v2 =	vadd.f32 v2, v6;
	v6 =	vld [tilespmem:s17+$0xFFFFFFD0]  }
0x3bb: {  	v9 =	vld [tilespmem:s24+$0xFFFFFFD0]  }
.Ltmp24:
0x3bc: {  	[tilespmem:s23+$0xFFFFFFA0] =	vst v2;
	v2 =	vadd.f32 v1, v4;
	v1 =	vld [tilespmem:s17+$0xFFFFFFE0];
	(pc) =	sbr.rel @p1 .LBB2_47-.Ltmp24, $4  }
0x3bd: {  	v3 =	vld [tilespmem:s24+$0xFFFFFFE0]  }
0x3be: {  	[tilespmem:s23+$0xFFFFFFB0] =	vst v2;
	v7 =	vadd.f32 v8, v7;
	v2 =	vld [tilespmem:s17+$0xFFFFFFF0]  }
0x3bf: {  	v4 =	vld [tilespmem:s24+$0xFFFFFFF0]  }
0x3c0: {  	v5 =	vld [tilespmem:s17+$0xFFFFFF90];
	[tilespmem:s23+$0xFFFFFFC0] =	vst v7;
	v6 =	vadd.f32 v9, v6;
	s17 =	sadd.s32 $0x400, s17  }
0x3c1: {  	_ =	sdelay $0x1  }
0x3c2: {  	v1 =	vadd.f32 v3, v1  }
0x3c3: {  	[tilespmem:s23+$0xFFFFFFD0] =	vst v6;
	v2 =	vadd.f32 v4, v2  }
0x3c4: {  	[tilespmem:s23+$0xFFFFFFE0] =	vst v1;
	v0 =	vadd.f32 v0, v5  }
0x3c5: {  	[tilespmem:s23+$0xFFFFFFF0] =	vst v2  }
0x3c6: {  	[tilespmem:s23+$0xFFFFFF90] =	vst v0  }
0x3c7: {  	v1 =	vld [tilespmem:s3+$0x0]  }
0x3c8: {  	v2 =	vld [tilespmem:s13+$0x0]  }
0x3c9: {  	v0 =	vld [tilespmem:s13+$0xFFFFFF90]  }
0x3ca: {  	v3 =	vld [tilespmem:s3+$0xFFFFFFA0]  }
0x3cb: {  	v4 =	vld [tilespmem:s13+$0xFFFFFFA0]  }
0x3cc: {  	v5 =	vld [tilespmem:s3+$0xFFFFFFB0]  }
0x3cd: {  	v6 =	vld [tilespmem:s13+$0xFFFFFFB0]  }
0x3ce: {  	v7 =	vld [tilespmem:s3+$0xFFFFFFC0]  }
0x3cf: {  	v8 =	vld [tilespmem:s13+$0xFFFFFFC0]  }
0x3d0: {  	v9 =	vld [tilespmem:s3+$0xFFFFFFD0]  }
0x3d1: {  	v10 =	vld [tilespmem:s13+$0xFFFFFFD0];
	v2 =	vadd.f32 v2, v1  }
0x3d2: {  	v4 =	vadd.f32 v4, v3;
	v1 =	vld [tilespmem:s3+$0xFFFFFFE0]  }
0x3d3: {  	v5 =	vadd.f32 v6, v5;
	v3 =	vld [tilespmem:s13+$0xFFFFFFE0];
	[tilespmem:s7+$0x0] =	vst v2  }
0x3d4: {  	v6 =	vadd.f32 v8, v7;
	[tilespmem:s7+$0xFFFFFFA0] =	vst v4;
	v2 =	vld [tilespmem:s3+$0xFFFFFFF0]  }
0x3d5: {  	[tilespmem:s7+$0xFFFFFFB0] =	vst v5;
	v5 =	vld [tilespmem:s13+$0xFFFFFFF0]  }
0x3d6: {  	s17 =	simm.s32 $0x0;
	v4 =	vld [tilespmem:s3+$0xFFFFFF90];
	[tilespmem:s7+$0xFFFFFFC0] =	vst v6;
	v6 =	vadd.f32 v10, v9;
	s3 =	simm.s32 $0x87F0  }
.LBB2_49:
0x3d7: {  	v7 =	vld [tilespmem:s3+$0x0];
	s13 =	sadd.s32 $0x400, s13  }
0x3d8: {  	s17 =	sadd.s32 $0x80, s17;
	v8 =	vld [tilespmem:s13+$0x0];
	[tilespmem:s7+$0xFFFFFFD0] =	vst v6;
	v1 =	vadd.f32 v3, v1  }
0x3d9: {  	p1 =	slt.u32 s17, $0x380;
	v3 =	vld [tilespmem:s13+$0xFFFFFF90]  }
0x3da: {  	v6 =	vld [tilespmem:s3+$0xFFFFFFA0];
	[tilespmem:s7+$0xFFFFFFE0] =	vst v1;
	v1 =	vadd.f32 v5, v2  }
0x3db: {  	v2 =	vld [tilespmem:s13+$0xFFFFFFA0];
	v9 =	vadd.f32 v0, v4  }
0x3dc: {  	v4 =	vld [tilespmem:s3+$0xFFFFFFB0];
	[tilespmem:s7+$0xFFFFFFF0] =	vst v1  }
0x3dd: {  	v1 =	vld [tilespmem:s13+$0xFFFFFFB0];
	v5 =	vadd.f32 v8, v7;
	[tilespmem:s7+$0xFFFFFF90] =	vst v9  }
0x3de: {  	s7 =	sadd.s32 $0x400, s7;
	v7 =	vld [tilespmem:s3+$0xFFFFFFC0];
	v0 =	vmov v3  }
0x3df: {  	v8 =	vld [tilespmem:s13+$0xFFFFFFC0];
	[tilespmem:s7+$0x0] =	vst v5  }
0x3e0: {  	v2 =	vadd.f32 v2, v6;
	v6 =	vld [tilespmem:s3+$0xFFFFFFD0]  }
0x3e1: {  	v9 =	vld [tilespmem:s13+$0xFFFFFFD0]  }
.Ltmp25:
0x3e2: {  	[tilespmem:s7+$0xFFFFFFA0] =	vst v2;
	v2 =	vadd.f32 v1, v4;
	v1 =	vld [tilespmem:s3+$0xFFFFFFE0];
	(pc) =	sbr.rel @p1 .LBB2_49-.Ltmp25, $4  }
0x3e3: {  	v3 =	vld [tilespmem:s13+$0xFFFFFFE0]  }
0x3e4: {  	[tilespmem:s7+$0xFFFFFFB0] =	vst v2;
	v7 =	vadd.f32 v8, v7;
	v2 =	vld [tilespmem:s3+$0xFFFFFFF0]  }
0x3e5: {  	v5 =	vld [tilespmem:s13+$0xFFFFFFF0]  }
0x3e6: {  	v4 =	vld [tilespmem:s3+$0xFFFFFF90];
	[tilespmem:s7+$0xFFFFFFC0] =	vst v7;
	v6 =	vadd.f32 v9, v6;
	s3 =	sadd.s32 $0x400, s3  }
0x3e7: {  	_ =	sdelay $0x1  }
0x3e8: {  	v1 =	vadd.f32 v3, v1  }
0x3e9: {  	[tilespmem:s7+$0xFFFFFFD0] =	vst v6;
	v2 =	vadd.f32 v5, v2  }
0x3ea: {  	[tilespmem:s7+$0xFFFFFFE0] =	vst v1;
	v0 =	vadd.f32 v0, v4  }
0x3eb: {  	[tilespmem:s7+$0xFFFFFFF0] =	vst v2  }
0x3ec: {  	[tilespmem:s7+$0xFFFFFF90] =	vst v0  }
0x3ed: {  	s3 =	rddreg [dreg:$0xe]  }
0x3ee: {  	s13 =	simm.s32 $0x10000;
	s7 =	sor.u32 $0x200400, s15;
	s3 =	sadd.s32 s11, s3  }
0x3ef: {  	[hbm4b:s3+s5] =	stream.linear.scatter [tilespmem:s13], [sflag:$0x7], $0x2000, $0x38;
	[tilespmem:$0x1C000] =	vst v63  }
0x3f0: {  	s17 =	sadd.s32 s2, s7;
	s13 =	simm.s32 $0x8000  }
0x3f1: {  	[tilespmem:s13], [sflag:$0x3] =	stream.linear.gather [hbm4b:s17+s5], $0x2000, $0x38;
	[tilespmem:$0x1C000] =	vst v63  }
0x3f2: {  	_ =	swait.ge [sflag:s9], $0x2000  }
0x3f3: {  	[sflag:s9] =	ssyncset.done $0x0  }
0x3f4: {  	s3 =	simm.s32 @!p0 $0x8;
	[sflag:s9] =	ssyncadd.s32 $0xFFFFE000  }
0x3f5: {  	_ =	swait.ge @!p0 [sflag:s3], $0x2000  }
0x3f6: {  	[sflag:s3] =	ssyncset.done @!p0 $0x0  }
0x3f7: {  	s18 =	simm.s32 $0xA040;
	[sflag:s3] =	ssyncadd.s32 @!p0 $0xFFFFE000  }
0x3f8: {  	s3 =	simm.s32 $0x40;
	v1 =	vld [tilespmem:s18+$0x30]  }
0x3f9: {  	v2 =	vld [tilespmem:s3+$0x30]  }
0x3fa: {  	v0 =	vld [tilespmem:s3+$0xFFFFFFC0]  }
0x3fb: {  	v3 =	vld [tilespmem:s18+$0xFFFFFFD0]  }
0x3fc: {  	v4 =	vld [tilespmem:s3+$0xFFFFFFD0]  }
0x3fd: {  	v5 =	vld [tilespmem:s18+$0xFFFFFFE0]  }
0x3fe: {  	v6 =	vld [tilespmem:s3+$0xFFFFFFE0]  }
0x3ff: {  	v7 =	vld [tilespmem:s18+$0xFFFFFFF0]  }
0x400: {  	v8 =	vld [tilespmem:s3+$0xFFFFFFF0]  }
0x401: {  	v9 =	vld [tilespmem:s18+$0x0]  }
0x402: {  	v10 =	vld [tilespmem:s3+$0x0];
	v2 =	vadd.f32 v2, v1  }
0x403: {  	s20 =	simm.s32 $0x12040;
	v4 =	vadd.f32 v4, v3;
	v1 =	vld [tilespmem:s18+$0x10]  }
0x404: {  	v5 =	vadd.f32 v6, v5;
	v3 =	vld [tilespmem:s3+$0x10];
	[tilespmem:s20+$0x30] =	vst v2  }
0x405: {  	v6 =	vadd.f32 v8, v7;
	[tilespmem:s20+$0xFFFFFFD0] =	vst v4;
	v2 =	vld [tilespmem:s18+$0x20]  }
0x406: {  	s24 =	simm.s32 $0x0;
	[tilespmem:s20+$0xFFFFFFE0] =	vst v5;
	v4 =	vld [tilespmem:s3+$0x20]  }
0x407: {  	s23 =	simm.s32 $0x120F0;
	s25 =	simm.s32 $0xA0F0;
	s17 =	simm.s32 $0xA440;
	v5 =	vld [tilespmem:s18+$0xFFFFFFC0];
	[tilespmem:s20+$0xFFFFFFF0] =	vst v6;
	v6 =	vadd.f32 v10, v9  }
.LBB2_51:
0x408: {  	v7 =	vld [tilespmem:s17+$0x30];
	s3 =	sadd.s32 $0x400, s3  }
0x409: {  	s24 =	sadd.s32 $0x80, s24;
	v8 =	vld [tilespmem:s3+$0x30];
	[tilespmem:s20+$0x0] =	vst v6;
	v1 =	vadd.f32 v3, v1  }
0x40a: {  	p1 =	slt.u32 s24, $0x380;
	v3 =	vld [tilespmem:s3+$0xFFFFFFC0]  }
0x40b: {  	v6 =	vld [tilespmem:s17+$0xFFFFFFD0];
	[tilespmem:s20+$0x10] =	vst v1;
	v1 =	vadd.f32 v4, v2  }
0x40c: {  	v2 =	vld [tilespmem:s3+$0xFFFFFFD0];
	v9 =	vadd.f32 v0, v5  }
0x40d: {  	v4 =	vld [tilespmem:s17+$0xFFFFFFE0];
	[tilespmem:s20+$0x20] =	vst v1  }
0x40e: {  	v1 =	vld [tilespmem:s3+$0xFFFFFFE0];
	v5 =	vadd.f32 v8, v7;
	[tilespmem:s20+$0xFFFFFFC0] =	vst v9  }
0x40f: {  	s20 =	sadd.s32 $0x400, s20;
	v7 =	vld [tilespmem:s17+$0xFFFFFFF0];
	v0 =	vmov v3  }
0x410: {  	s13 =	simm.s32 $0xF0;
	v8 =	vld [tilespmem:s3+$0xFFFFFFF0];
	[tilespmem:s20+$0x30] =	vst v5  }
0x411: {  	v2 =	vadd.f32 v2, v6;
	v6 =	vld [tilespmem:s17+$0x0]  }
0x412: {  	v9 =	vld [tilespmem:s3+$0x0]  }
.Ltmp26:
0x413: {  	[tilespmem:s20+$0xFFFFFFD0] =	vst v2;
	v2 =	vadd.f32 v1, v4;
	v1 =	vld [tilespmem:s17+$0x10];
	(pc) =	sbr.rel @p1 .LBB2_51-.Ltmp26, $4  }
0x414: {  	v3 =	vld [tilespmem:s3+$0x10]  }
0x415: {  	[tilespmem:s20+$0xFFFFFFE0] =	vst v2;
	v7 =	vadd.f32 v8, v7;
	v2 =	vld [tilespmem:s17+$0x20]  }
0x416: {  	v4 =	vld [tilespmem:s3+$0x20]  }
0x417: {  	v5 =	vld [tilespmem:s17+$0xFFFFFFC0];
	[tilespmem:s20+$0xFFFFFFF0] =	vst v7;
	v6 =	vadd.f32 v9, v6;
	s17 =	sadd.s32 $0x400, s17  }
0x418: {  	_ =	sdelay $0x1  }
0x419: {  	v1 =	vadd.f32 v3, v1  }
0x41a: {  	[tilespmem:s20+$0x0] =	vst v6;
	v2 =	vadd.f32 v4, v2  }
0x41b: {  	[tilespmem:s20+$0x10] =	vst v1;
	v0 =	vadd.f32 v0, v5  }
0x41c: {  	[tilespmem:s20+$0x20] =	vst v2  }
0x41d: {  	[tilespmem:s20+$0xFFFFFFC0] =	vst v0  }
0x41e: {  	v1 =	vld [tilespmem:s25+$0x0]  }
0x41f: {  	v2 =	vld [tilespmem:s13+$0x0]  }
0x420: {  	v0 =	vld [tilespmem:s13+$0xFFFFFF90]  }
0x421: {  	v3 =	vld [tilespmem:s25+$0xFFFFFFA0]  }
0x422: {  	v4 =	vld [tilespmem:s13+$0xFFFFFFA0]  }
0x423: {  	v5 =	vld [tilespmem:s25+$0xFFFFFFB0]  }
0x424: {  	v6 =	vld [tilespmem:s13+$0xFFFFFFB0]  }
0x425: {  	v7 =	vld [tilespmem:s25+$0xFFFFFFC0]  }
0x426: {  	v8 =	vld [tilespmem:s13+$0xFFFFFFC0]  }
0x427: {  	v9 =	vld [tilespmem:s25+$0xFFFFFFD0]  }
0x428: {  	v10 =	vld [tilespmem:s13+$0xFFFFFFD0];
	v2 =	vadd.f32 v2, v1  }
0x429: {  	v4 =	vadd.f32 v4, v3;
	v1 =	vld [tilespmem:s25+$0xFFFFFFE0]  }
0x42a: {  	v5 =	vadd.f32 v6, v5;
	v3 =	vld [tilespmem:s13+$0xFFFFFFE0];
	[tilespmem:s23+$0x0] =	vst v2  }
0x42b: {  	v6 =	vadd.f32 v8, v7;
	[tilespmem:s23+$0xFFFFFFA0] =	vst v4;
	v2 =	vld [tilespmem:s25+$0xFFFFFFF0]  }
0x42c: {  	s3 =	simm.s32 $0x0;
	[tilespmem:s23+$0xFFFFFFB0] =	vst v5;
	v4 =	vld [tilespmem:s13+$0xFFFFFFF0]  }
0x42d: {  	s24 =	simm.s32 $0x12170;
	s17 =	simm.s32 $0xA4F0;
	s20 =	simm.s32 $0xA170;
	v5 =	vld [tilespmem:s25+$0xFFFFFF90];
	[tilespmem:s23+$0xFFFFFFC0] =	vst v6;
	v6 =	vadd.f32 v10, v9  }
.LBB2_53:
0x42e: {  	v7 =	vld [tilespmem:s17+$0x0];
	s13 =	sadd.s32 $0x400, s13  }
0x42f: {  	s3 =	sadd.s32 $0x80, s3;
	v8 =	vld [tilespmem:s13+$0x0];
	[tilespmem:s23+$0xFFFFFFD0] =	vst v6;
	v1 =	vadd.f32 v3, v1  }
0x430: {  	p1 =	slt.u32 s3, $0x380;
	v3 =	vld [tilespmem:s13+$0xFFFFFF90]  }
0x431: {  	v6 =	vld [tilespmem:s17+$0xFFFFFFA0];
	[tilespmem:s23+$0xFFFFFFE0] =	vst v1;
	v1 =	vadd.f32 v4, v2  }
0x432: {  	v2 =	vld [tilespmem:s13+$0xFFFFFFA0];
	v9 =	vadd.f32 v0, v5  }
0x433: {  	v4 =	vld [tilespmem:s17+$0xFFFFFFB0];
	[tilespmem:s23+$0xFFFFFFF0] =	vst v1  }
0x434: {  	v1 =	vld [tilespmem:s13+$0xFFFFFFB0];
	v5 =	vadd.f32 v8, v7;
	[tilespmem:s23+$0xFFFFFF90] =	vst v9  }
0x435: {  	s23 =	sadd.s32 $0x400, s23;
	v7 =	vld [tilespmem:s17+$0xFFFFFFC0];
	v0 =	vmov v3  }
0x436: {  	s25 =	simm.s32 $0x170;
	v8 =	vld [tilespmem:s13+$0xFFFFFFC0];
	[tilespmem:s23+$0x0] =	vst v5  }
0x437: {  	v2 =	vadd.f32 v2, v6;
	v6 =	vld [tilespmem:s17+$0xFFFFFFD0]  }
0x438: {  	v9 =	vld [tilespmem:s13+$0xFFFFFFD0]  }
.Ltmp27:
0x439: {  	[tilespmem:s23+$0xFFFFFFA0] =	vst v2;
	v2 =	vadd.f32 v1, v4;
	v1 =	vld [tilespmem:s17+$0xFFFFFFE0];
	(pc) =	sbr.rel @p1 .LBB2_53-.Ltmp27, $4  }
0x43a: {  	v3 =	vld [tilespmem:s13+$0xFFFFFFE0]  }
0x43b: {  	[tilespmem:s23+$0xFFFFFFB0] =	vst v2;
	v7 =	vadd.f32 v8, v7;
	v2 =	vld [tilespmem:s17+$0xFFFFFFF0]  }
0x43c: {  	v4 =	vld [tilespmem:s13+$0xFFFFFFF0]  }
0x43d: {  	v5 =	vld [tilespmem:s17+$0xFFFFFF90];
	[tilespmem:s23+$0xFFFFFFC0] =	vst v7;
	v6 =	vadd.f32 v9, v6;
	s17 =	sadd.s32 $0x400, s17  }
0x43e: {  	_ =	sdelay $0x1  }
0x43f: {  	v1 =	vadd.f32 v3, v1  }
0x440: {  	[tilespmem:s23+$0xFFFFFFD0] =	vst v6;
	v2 =	vadd.f32 v4, v2  }
0x441: {  	[tilespmem:s23+$0xFFFFFFE0] =	vst v1;
	v0 =	vadd.f32 v0, v5  }
0x442: {  	[tilespmem:s23+$0xFFFFFFF0] =	vst v2  }
0x443: {  	[tilespmem:s23+$0xFFFFFF90] =	vst v0  }
0x444: {  	v1 =	vld [tilespmem:s20+$0x0]  }
0x445: {  	v2 =	vld [tilespmem:s25+$0x0]  }
0x446: {  	v0 =	vld [tilespmem:s25+$0xFFFFFF90]  }
0x447: {  	v3 =	vld [tilespmem:s20+$0xFFFFFFA0]  }
0x448: {  	v4 =	vld [tilespmem:s25+$0xFFFFFFA0]  }
0x449: {  	v5 =	vld [tilespmem:s20+$0xFFFFFFB0]  }
0x44a: {  	v6 =	vld [tilespmem:s25+$0xFFFFFFB0]  }
0x44b: {  	v7 =	vld [tilespmem:s20+$0xFFFFFFC0]  }
0x44c: {  	v8 =	vld [tilespmem:s25+$0xFFFFFFC0]  }
0x44d: {  	v9 =	vld [tilespmem:s20+$0xFFFFFFD0]  }
0x44e: {  	v10 =	vld [tilespmem:s25+$0xFFFFFFD0];
	v2 =	vadd.f32 v2, v1  }
0x44f: {  	v4 =	vadd.f32 v4, v3;
	v1 =	vld [tilespmem:s20+$0xFFFFFFE0]  }
0x450: {  	v5 =	vadd.f32 v6, v5;
	v3 =	vld [tilespmem:s25+$0xFFFFFFE0];
	[tilespmem:s24+$0x0] =	vst v2  }
0x451: {  	v6 =	vadd.f32 v8, v7;
	[tilespmem:s24+$0xFFFFFFA0] =	vst v4;
	v2 =	vld [tilespmem:s20+$0xFFFFFFF0]  }
0x452: {  	s17 =	simm.s32 $0x0;
	[tilespmem:s24+$0xFFFFFFB0] =	vst v5;
	v4 =	vld [tilespmem:s25+$0xFFFFFFF0]  }
0x453: {  	s3 =	simm.s32 $0xA1F0;
	s23 =	simm.s32 $0x121F0;
	v5 =	vld [tilespmem:s20+$0xFFFFFF90];
	[tilespmem:s24+$0xFFFFFFC0] =	vst v6;
	v6 =	vadd.f32 v10, v9;
	s20 =	simm.s32 $0xA570  }
.LBB2_55:
0x454: {  	v7 =	vld [tilespmem:s20+$0x0];
	s25 =	sadd.s32 $0x400, s25  }
0x455: {  	s17 =	sadd.s32 $0x80, s17;
	v8 =	vld [tilespmem:s25+$0x0];
	[tilespmem:s24+$0xFFFFFFD0] =	vst v6;
	v1 =	vadd.f32 v3, v1  }
0x456: {  	p1 =	slt.u32 s17, $0x380;
	v3 =	vld [tilespmem:s25+$0xFFFFFF90]  }
0x457: {  	v6 =	vld [tilespmem:s20+$0xFFFFFFA0];
	[tilespmem:s24+$0xFFFFFFE0] =	vst v1;
	v1 =	vadd.f32 v4, v2  }
0x458: {  	v2 =	vld [tilespmem:s25+$0xFFFFFFA0];
	v9 =	vadd.f32 v0, v5  }
0x459: {  	v4 =	vld [tilespmem:s20+$0xFFFFFFB0];
	[tilespmem:s24+$0xFFFFFFF0] =	vst v1  }
0x45a: {  	v1 =	vld [tilespmem:s25+$0xFFFFFFB0];
	v5 =	vadd.f32 v8, v7;
	[tilespmem:s24+$0xFFFFFF90] =	vst v9  }
0x45b: {  	s24 =	sadd.s32 $0x400, s24;
	v7 =	vld [tilespmem:s20+$0xFFFFFFC0];
	v0 =	vmov v3  }
0x45c: {  	s13 =	simm.s32 $0x1F0;
	v8 =	vld [tilespmem:s25+$0xFFFFFFC0];
	[tilespmem:s24+$0x0] =	vst v5  }
0x45d: {  	v2 =	vadd.f32 v2, v6;
	v6 =	vld [tilespmem:s20+$0xFFFFFFD0]  }
0x45e: {  	v9 =	vld [tilespmem:s25+$0xFFFFFFD0]  }
.Ltmp28:
0x45f: {  	[tilespmem:s24+$0xFFFFFFA0] =	vst v2;
	v2 =	vadd.f32 v1, v4;
	v1 =	vld [tilespmem:s20+$0xFFFFFFE0];
	(pc) =	sbr.rel @p1 .LBB2_55-.Ltmp28, $4  }
0x460: {  	v3 =	vld [tilespmem:s25+$0xFFFFFFE0]  }
0x461: {  	[tilespmem:s24+$0xFFFFFFB0] =	vst v2;
	v7 =	vadd.f32 v8, v7;
	v2 =	vld [tilespmem:s20+$0xFFFFFFF0]  }
0x462: {  	v4 =	vld [tilespmem:s25+$0xFFFFFFF0]  }
0x463: {  	v5 =	vld [tilespmem:s20+$0xFFFFFF90];
	[tilespmem:s24+$0xFFFFFFC0] =	vst v7;
	v6 =	vadd.f32 v9, v6;
	s20 =	sadd.s32 $0x400, s20  }
0x464: {  	_ =	sdelay $0x1  }
0x465: {  	v1 =	vadd.f32 v3, v1  }
0x466: {  	[tilespmem:s24+$0xFFFFFFD0] =	vst v6;
	v2 =	vadd.f32 v4, v2  }
0x467: {  	[tilespmem:s24+$0xFFFFFFE0] =	vst v1;
	v0 =	vadd.f32 v0, v5  }
0x468: {  	[tilespmem:s24+$0xFFFFFFF0] =	vst v2  }
0x469: {  	[tilespmem:s24+$0xFFFFFF90] =	vst v0  }
0x46a: {  	v1 =	vld [tilespmem:s3+$0x0]  }
0x46b: {  	v2 =	vld [tilespmem:s13+$0x0]  }
0x46c: {  	v0 =	vld [tilespmem:s13+$0xFFFFFF90]  }
0x46d: {  	v3 =	vld [tilespmem:s3+$0xFFFFFFA0]  }
0x46e: {  	v4 =	vld [tilespmem:s13+$0xFFFFFFA0]  }
0x46f: {  	v5 =	vld [tilespmem:s3+$0xFFFFFFB0]  }
0x470: {  	v6 =	vld [tilespmem:s13+$0xFFFFFFB0]  }
0x471: {  	v7 =	vld [tilespmem:s3+$0xFFFFFFC0]  }
0x472: {  	v8 =	vld [tilespmem:s13+$0xFFFFFFC0]  }
0x473: {  	v9 =	vld [tilespmem:s3+$0xFFFFFFD0]  }
0x474: {  	v10 =	vld [tilespmem:s13+$0xFFFFFFD0];
	v2 =	vadd.f32 v2, v1  }
0x475: {  	v4 =	vadd.f32 v4, v3;
	v1 =	vld [tilespmem:s3+$0xFFFFFFE0]  }
0x476: {  	v5 =	vadd.f32 v6, v5;
	v3 =	vld [tilespmem:s13+$0xFFFFFFE0];
	[tilespmem:s23+$0x0] =	vst v2  }
0x477: {  	v6 =	vadd.f32 v8, v7;
	[tilespmem:s23+$0xFFFFFFA0] =	vst v4;
	v2 =	vld [tilespmem:s3+$0xFFFFFFF0]  }
0x478: {  	s17 =	simm.s32 $0x0;
	[tilespmem:s23+$0xFFFFFFB0] =	vst v5;
	v4 =	vld [tilespmem:s13+$0xFFFFFFF0]  }
0x479: {  	s20 =	simm.s32 $0xA270;
	s24 =	simm.s32 $0x12270;
	v5 =	vld [tilespmem:s3+$0xFFFFFF90];
	[tilespmem:s23+$0xFFFFFFC0] =	vst v6;
	v6 =	vadd.f32 v10, v9;
	s3 =	simm.s32 $0xA5F0  }
.LBB2_57:
0x47a: {  	v7 =	vld [tilespmem:s3+$0x0];
	s13 =	sadd.s32 $0x400, s13  }
0x47b: {  	s17 =	sadd.s32 $0x80, s17;
	v8 =	vld [tilespmem:s13+$0x0];
	[tilespmem:s23+$0xFFFFFFD0] =	vst v6;
	v1 =	vadd.f32 v3, v1  }
0x47c: {  	p1 =	slt.u32 s17, $0x380;
	v3 =	vld [tilespmem:s13+$0xFFFFFF90]  }
0x47d: {  	v6 =	vld [tilespmem:s3+$0xFFFFFFA0];
	[tilespmem:s23+$0xFFFFFFE0] =	vst v1;
	v1 =	vadd.f32 v4, v2  }
0x47e: {  	v2 =	vld [tilespmem:s13+$0xFFFFFFA0];
	v9 =	vadd.f32 v0, v5  }
0x47f: {  	v4 =	vld [tilespmem:s3+$0xFFFFFFB0];
	[tilespmem:s23+$0xFFFFFFF0] =	vst v1  }
0x480: {  	v1 =	vld [tilespmem:s13+$0xFFFFFFB0];
	v5 =	vadd.f32 v8, v7;
	[tilespmem:s23+$0xFFFFFF90] =	vst v9  }
0x481: {  	s23 =	sadd.s32 $0x400, s23;
	v7 =	vld [tilespmem:s3+$0xFFFFFFC0];
	v0 =	vmov v3  }
0x482: {  	s25 =	simm.s32 $0x270;
	v8 =	vld [tilespmem:s13+$0xFFFFFFC0];
	[tilespmem:s23+$0x0] =	vst v5  }
0x483: {  	v2 =	vadd.f32 v2, v6;
	v6 =	vld [tilespmem:s3+$0xFFFFFFD0]  }
0x484: {  	v9 =	vld [tilespmem:s13+$0xFFFFFFD0]  }
.Ltmp29:
0x485: {  	[tilespmem:s23+$0xFFFFFFA0] =	vst v2;
	v2 =	vadd.f32 v1, v4;
	v1 =	vld [tilespmem:s3+$0xFFFFFFE0];
	(pc) =	sbr.rel @p1 .LBB2_57-.Ltmp29, $4  }
0x486: {  	v3 =	vld [tilespmem:s13+$0xFFFFFFE0]  }
0x487: {  	[tilespmem:s23+$0xFFFFFFB0] =	vst v2;
	v7 =	vadd.f32 v8, v7;
	v2 =	vld [tilespmem:s3+$0xFFFFFFF0]  }
0x488: {  	v4 =	vld [tilespmem:s13+$0xFFFFFFF0]  }
0x489: {  	v5 =	vld [tilespmem:s3+$0xFFFFFF90];
	[tilespmem:s23+$0xFFFFFFC0] =	vst v7;
	v6 =	vadd.f32 v9, v6;
	s3 =	sadd.s32 $0x400, s3  }
0x48a: {  	_ =	sdelay $0x1  }
0x48b: {  	v1 =	vadd.f32 v3, v1  }
0x48c: {  	[tilespmem:s23+$0xFFFFFFD0] =	vst v6;
	v2 =	vadd.f32 v4, v2  }
0x48d: {  	[tilespmem:s23+$0xFFFFFFE0] =	vst v1;
	v0 =	vadd.f32 v0, v5  }
0x48e: {  	[tilespmem:s23+$0xFFFFFFF0] =	vst v2  }
0x48f: {  	[tilespmem:s23+$0xFFFFFF90] =	vst v0  }
0x490: {  	v1 =	vld [tilespmem:s20+$0x0]  }
0x491: {  	v2 =	vld [tilespmem:s25+$0x0]  }
0x492: {  	v0 =	vld [tilespmem:s25+$0xFFFFFF90]  }
0x493: {  	v3 =	vld [tilespmem:s20+$0xFFFFFFA0]  }
0x494: {  	v4 =	vld [tilespmem:s25+$0xFFFFFFA0]  }
0x495: {  	v5 =	vld [tilespmem:s20+$0xFFFFFFB0]  }
0x496: {  	v6 =	vld [tilespmem:s25+$0xFFFFFFB0]  }
0x497: {  	v7 =	vld [tilespmem:s20+$0xFFFFFFC0]  }
0x498: {  	v8 =	vld [tilespmem:s25+$0xFFFFFFC0]  }
0x499: {  	v9 =	vld [tilespmem:s20+$0xFFFFFFD0]  }
0x49a: {  	v10 =	vld [tilespmem:s25+$0xFFFFFFD0];
	v2 =	vadd.f32 v2, v1  }
0x49b: {  	v4 =	vadd.f32 v4, v3;
	v1 =	vld [tilespmem:s20+$0xFFFFFFE0]  }
0x49c: {  	v5 =	vadd.f32 v6, v5;
	v3 =	vld [tilespmem:s25+$0xFFFFFFE0];
	[tilespmem:s24+$0x0] =	vst v2  }
0x49d: {  	v6 =	vadd.f32 v8, v7;
	[tilespmem:s24+$0xFFFFFFA0] =	vst v4;
	v2 =	vld [tilespmem:s20+$0xFFFFFFF0]  }
0x49e: {  	s17 =	simm.s32 $0x0;
	[tilespmem:s24+$0xFFFFFFB0] =	vst v5;
	v4 =	vld [tilespmem:s25+$0xFFFFFFF0]  }
0x49f: {  	s3 =	simm.s32 $0xA2F0;
	s23 =	simm.s32 $0x122F0;
	v5 =	vld [tilespmem:s20+$0xFFFFFF90];
	[tilespmem:s24+$0xFFFFFFC0] =	vst v6;
	v6 =	vadd.f32 v10, v9;
	s20 =	simm.s32 $0xA670  }
.LBB2_59:
0x4a0: {  	v7 =	vld [tilespmem:s20+$0x0];
	s25 =	sadd.s32 $0x400, s25  }
0x4a1: {  	s17 =	sadd.s32 $0x80, s17;
	v8 =	vld [tilespmem:s25+$0x0];
	[tilespmem:s24+$0xFFFFFFD0] =	vst v6;
	v1 =	vadd.f32 v3, v1  }
0x4a2: {  	p1 =	slt.u32 s17, $0x380;
	v3 =	vld [tilespmem:s25+$0xFFFFFF90]  }
0x4a3: {  	v6 =	vld [tilespmem:s20+$0xFFFFFFA0];
	[tilespmem:s24+$0xFFFFFFE0] =	vst v1;
	v1 =	vadd.f32 v4, v2  }
0x4a4: {  	v2 =	vld [tilespmem:s25+$0xFFFFFFA0];
	v9 =	vadd.f32 v0, v5  }
0x4a5: {  	v4 =	vld [tilespmem:s20+$0xFFFFFFB0];
	[tilespmem:s24+$0xFFFFFFF0] =	vst v1  }
0x4a6: {  	v1 =	vld [tilespmem:s25+$0xFFFFFFB0];
	v5 =	vadd.f32 v8, v7;
	[tilespmem:s24+$0xFFFFFF90] =	vst v9  }
0x4a7: {  	s24 =	sadd.s32 $0x400, s24;
	v7 =	vld [tilespmem:s20+$0xFFFFFFC0];
	v0 =	vmov v3  }
0x4a8: {  	s13 =	simm.s32 $0x2F0;
	v8 =	vld [tilespmem:s25+$0xFFFFFFC0];
	[tilespmem:s24+$0x0] =	vst v5  }
0x4a9: {  	v2 =	vadd.f32 v2, v6;
	v6 =	vld [tilespmem:s20+$0xFFFFFFD0]  }
0x4aa: {  	v9 =	vld [tilespmem:s25+$0xFFFFFFD0]  }
.Ltmp30:
0x4ab: {  	[tilespmem:s24+$0xFFFFFFA0] =	vst v2;
	v2 =	vadd.f32 v1, v4;
	v1 =	vld [tilespmem:s20+$0xFFFFFFE0];
	(pc) =	sbr.rel @p1 .LBB2_59-.Ltmp30, $4  }
0x4ac: {  	v3 =	vld [tilespmem:s25+$0xFFFFFFE0]  }
0x4ad: {  	[tilespmem:s24+$0xFFFFFFB0] =	vst v2;
	v7 =	vadd.f32 v8, v7;
	v2 =	vld [tilespmem:s20+$0xFFFFFFF0]  }
0x4ae: {  	v4 =	vld [tilespmem:s25+$0xFFFFFFF0]  }
0x4af: {  	v5 =	vld [tilespmem:s20+$0xFFFFFF90];
	[tilespmem:s24+$0xFFFFFFC0] =	vst v7;
	v6 =	vadd.f32 v9, v6;
	s20 =	sadd.s32 $0x400, s20  }
0x4b0: {  	_ =	sdelay $0x1  }
0x4b1: {  	v1 =	vadd.f32 v3, v1  }
0x4b2: {  	[tilespmem:s24+$0xFFFFFFD0] =	vst v6;
	v2 =	vadd.f32 v4, v2  }
0x4b3: {  	[tilespmem:s24+$0xFFFFFFE0] =	vst v1;
	v0 =	vadd.f32 v0, v5  }
0x4b4: {  	[tilespmem:s24+$0xFFFFFFF0] =	vst v2  }
0x4b5: {  	[tilespmem:s24+$0xFFFFFF90] =	vst v0  }
0x4b6: {  	v1 =	vld [tilespmem:s3+$0x0]  }
0x4b7: {  	v2 =	vld [tilespmem:s13+$0x0]  }
0x4b8: {  	v0 =	vld [tilespmem:s13+$0xFFFFFF90]  }
0x4b9: {  	v3 =	vld [tilespmem:s3+$0xFFFFFFA0]  }
0x4ba: {  	v4 =	vld [tilespmem:s13+$0xFFFFFFA0]  }
0x4bb: {  	v5 =	vld [tilespmem:s3+$0xFFFFFFB0]  }
0x4bc: {  	v6 =	vld [tilespmem:s13+$0xFFFFFFB0]  }
0x4bd: {  	v7 =	vld [tilespmem:s3+$0xFFFFFFC0]  }
0x4be: {  	v8 =	vld [tilespmem:s13+$0xFFFFFFC0]  }
0x4bf: {  	v9 =	vld [tilespmem:s3+$0xFFFFFFD0]  }
0x4c0: {  	v10 =	vld [tilespmem:s13+$0xFFFFFFD0];
	v2 =	vadd.f32 v2, v1  }
0x4c1: {  	v4 =	vadd.f32 v4, v3;
	v1 =	vld [tilespmem:s3+$0xFFFFFFE0]  }
0x4c2: {  	v5 =	vadd.f32 v6, v5;
	v3 =	vld [tilespmem:s13+$0xFFFFFFE0];
	[tilespmem:s23+$0x0] =	vst v2  }
0x4c3: {  	v6 =	vadd.f32 v8, v7;
	[tilespmem:s23+$0xFFFFFFA0] =	vst v4;
	v2 =	vld [tilespmem:s3+$0xFFFFFFF0]  }
0x4c4: {  	s17 =	simm.s32 $0x0;
	[tilespmem:s23+$0xFFFFFFB0] =	vst v5;
	v4 =	vld [tilespmem:s13+$0xFFFFFFF0]  }
0x4c5: {  	s20 =	simm.s32 $0xA370;
	s24 =	simm.s32 $0x12370;
	v5 =	vld [tilespmem:s3+$0xFFFFFF90];
	[tilespmem:s23+$0xFFFFFFC0] =	vst v6;
	v6 =	vadd.f32 v10, v9;
	s3 =	simm.s32 $0xA6F0  }
.LBB2_61:
0x4c6: {  	v7 =	vld [tilespmem:s3+$0x0];
	s13 =	sadd.s32 $0x400, s13  }
0x4c7: {  	s17 =	sadd.s32 $0x80, s17;
	v8 =	vld [tilespmem:s13+$0x0];
	[tilespmem:s23+$0xFFFFFFD0] =	vst v6;
	v1 =	vadd.f32 v3, v1  }
0x4c8: {  	p1 =	slt.u32 s17, $0x380;
	v3 =	vld [tilespmem:s13+$0xFFFFFF90]  }
0x4c9: {  	v6 =	vld [tilespmem:s3+$0xFFFFFFA0];
	[tilespmem:s23+$0xFFFFFFE0] =	vst v1;
	v1 =	vadd.f32 v4, v2  }
0x4ca: {  	v2 =	vld [tilespmem:s13+$0xFFFFFFA0];
	v9 =	vadd.f32 v0, v5  }
0x4cb: {  	v4 =	vld [tilespmem:s3+$0xFFFFFFB0];
	[tilespmem:s23+$0xFFFFFFF0] =	vst v1  }
0x4cc: {  	v1 =	vld [tilespmem:s13+$0xFFFFFFB0];
	v5 =	vadd.f32 v8, v7;
	[tilespmem:s23+$0xFFFFFF90] =	vst v9  }
0x4cd: {  	s23 =	sadd.s32 $0x400, s23;
	v7 =	vld [tilespmem:s3+$0xFFFFFFC0];
	v0 =	vmov v3  }
0x4ce: {  	s25 =	simm.s32 $0x370;
	v8 =	vld [tilespmem:s13+$0xFFFFFFC0];
	[tilespmem:s23+$0x0] =	vst v5  }
0x4cf: {  	v2 =	vadd.f32 v2, v6;
	v6 =	vld [tilespmem:s3+$0xFFFFFFD0]  }
0x4d0: {  	v9 =	vld [tilespmem:s13+$0xFFFFFFD0]  }
.Ltmp31:
0x4d1: {  	[tilespmem:s23+$0xFFFFFFA0] =	vst v2;
	v2 =	vadd.f32 v1, v4;
	v1 =	vld [tilespmem:s3+$0xFFFFFFE0];
	(pc) =	sbr.rel @p1 .LBB2_61-.Ltmp31, $4  }
0x4d2: {  	v3 =	vld [tilespmem:s13+$0xFFFFFFE0]  }
0x4d3: {  	[tilespmem:s23+$0xFFFFFFB0] =	vst v2;
	v7 =	vadd.f32 v8, v7;
	v2 =	vld [tilespmem:s3+$0xFFFFFFF0]  }
0x4d4: {  	v4 =	vld [tilespmem:s13+$0xFFFFFFF0]  }
0x4d5: {  	v5 =	vld [tilespmem:s3+$0xFFFFFF90];
	[tilespmem:s23+$0xFFFFFFC0] =	vst v7;
	v6 =	vadd.f32 v9, v6;
	s3 =	sadd.s32 $0x400, s3  }
0x4d6: {  	_ =	sdelay $0x1  }
0x4d7: {  	v1 =	vadd.f32 v3, v1  }
0x4d8: {  	[tilespmem:s23+$0xFFFFFFD0] =	vst v6;
	v2 =	vadd.f32 v4, v2  }
0x4d9: {  	[tilespmem:s23+$0xFFFFFFE0] =	vst v1;
	v0 =	vadd.f32 v0, v5  }
0x4da: {  	[tilespmem:s23+$0xFFFFFFF0] =	vst v2  }
0x4db: {  	[tilespmem:s23+$0xFFFFFF90] =	vst v0  }
0x4dc: {  	v1 =	vld [tilespmem:s20+$0x0]  }
0x4dd: {  	v2 =	vld [tilespmem:s25+$0x0]  }
0x4de: {  	v0 =	vld [tilespmem:s25+$0xFFFFFF90]  }
0x4df: {  	v3 =	vld [tilespmem:s20+$0xFFFFFFA0]  }
0x4e0: {  	v4 =	vld [tilespmem:s25+$0xFFFFFFA0]  }
0x4e1: {  	v5 =	vld [tilespmem:s20+$0xFFFFFFB0]  }
0x4e2: {  	v6 =	vld [tilespmem:s25+$0xFFFFFFB0]  }
0x4e3: {  	v7 =	vld [tilespmem:s20+$0xFFFFFFC0]  }
0x4e4: {  	v8 =	vld [tilespmem:s25+$0xFFFFFFC0]  }
0x4e5: {  	v9 =	vld [tilespmem:s20+$0xFFFFFFD0]  }
0x4e6: {  	v10 =	vld [tilespmem:s25+$0xFFFFFFD0];
	v2 =	vadd.f32 v2, v1  }
0x4e7: {  	v4 =	vadd.f32 v4, v3;
	v1 =	vld [tilespmem:s20+$0xFFFFFFE0]  }
0x4e8: {  	v5 =	vadd.f32 v6, v5;
	v3 =	vld [tilespmem:s25+$0xFFFFFFE0];
	[tilespmem:s24+$0x0] =	vst v2  }
0x4e9: {  	v6 =	vadd.f32 v8, v7;
	[tilespmem:s24+$0xFFFFFFA0] =	vst v4;
	v2 =	vld [tilespmem:s20+$0xFFFFFFF0]  }
0x4ea: {  	s17 =	simm.s32 $0x0;
	[tilespmem:s24+$0xFFFFFFB0] =	vst v5;
	v4 =	vld [tilespmem:s25+$0xFFFFFFF0]  }
0x4eb: {  	s3 =	simm.s32 $0xA3F0;
	s23 =	simm.s32 $0x123F0;
	v5 =	vld [tilespmem:s20+$0xFFFFFF90];
	[tilespmem:s24+$0xFFFFFFC0] =	vst v6;
	v6 =	vadd.f32 v10, v9;
	s20 =	simm.s32 $0xA770  }
.LBB2_63:
0x4ec: {  	v7 =	vld [tilespmem:s20+$0x0];
	s25 =	sadd.s32 $0x400, s25  }
0x4ed: {  	s17 =	sadd.s32 $0x80, s17;
	v8 =	vld [tilespmem:s25+$0x0];
	[tilespmem:s24+$0xFFFFFFD0] =	vst v6;
	v1 =	vadd.f32 v3, v1  }
0x4ee: {  	p1 =	slt.u32 s17, $0x380;
	v3 =	vld [tilespmem:s25+$0xFFFFFF90]  }
0x4ef: {  	v6 =	vld [tilespmem:s20+$0xFFFFFFA0];
	[tilespmem:s24+$0xFFFFFFE0] =	vst v1;
	v1 =	vadd.f32 v4, v2  }
0x4f0: {  	v2 =	vld [tilespmem:s25+$0xFFFFFFA0];
	v9 =	vadd.f32 v0, v5  }
0x4f1: {  	v4 =	vld [tilespmem:s20+$0xFFFFFFB0];
	[tilespmem:s24+$0xFFFFFFF0] =	vst v1  }
0x4f2: {  	v1 =	vld [tilespmem:s25+$0xFFFFFFB0];
	v5 =	vadd.f32 v8, v7;
	[tilespmem:s24+$0xFFFFFF90] =	vst v9  }
0x4f3: {  	s24 =	sadd.s32 $0x400, s24;
	v7 =	vld [tilespmem:s20+$0xFFFFFFC0];
	v0 =	vmov v3  }
0x4f4: {  	s13 =	simm.s32 $0x3F0;
	v8 =	vld [tilespmem:s25+$0xFFFFFFC0];
	[tilespmem:s24+$0x0] =	vst v5  }
0x4f5: {  	v2 =	vadd.f32 v2, v6;
	v6 =	vld [tilespmem:s20+$0xFFFFFFD0]  }
0x4f6: {  	v9 =	vld [tilespmem:s25+$0xFFFFFFD0]  }
.Ltmp32:
0x4f7: {  	[tilespmem:s24+$0xFFFFFFA0] =	vst v2;
	v2 =	vadd.f32 v1, v4;
	v1 =	vld [tilespmem:s20+$0xFFFFFFE0];
	(pc) =	sbr.rel @p1 .LBB2_63-.Ltmp32, $4  }
0x4f8: {  	v3 =	vld [tilespmem:s25+$0xFFFFFFE0]  }
0x4f9: {  	[tilespmem:s24+$0xFFFFFFB0] =	vst v2;
	v7 =	vadd.f32 v8, v7;
	v2 =	vld [tilespmem:s20+$0xFFFFFFF0]  }
0x4fa: {  	v4 =	vld [tilespmem:s25+$0xFFFFFFF0]  }
0x4fb: {  	v5 =	vld [tilespmem:s20+$0xFFFFFF90];
	[tilespmem:s24+$0xFFFFFFC0] =	vst v7;
	v6 =	vadd.f32 v9, v6;
	s20 =	sadd.s32 $0x400, s20  }
0x4fc: {  	_ =	sdelay $0x1  }
0x4fd: {  	v1 =	vadd.f32 v3, v1  }
0x4fe: {  	[tilespmem:s24+$0xFFFFFFD0] =	vst v6;
	v2 =	vadd.f32 v4, v2  }
0x4ff: {  	[tilespmem:s24+$0xFFFFFFE0] =	vst v1;
	v0 =	vadd.f32 v0, v5  }
0x500: {  	[tilespmem:s24+$0xFFFFFFF0] =	vst v2  }
0x501: {  	[tilespmem:s24+$0xFFFFFF90] =	vst v0  }
0x502: {  	v1 =	vld [tilespmem:s3+$0x0]  }
0x503: {  	v2 =	vld [tilespmem:s13+$0x0]  }
0x504: {  	v0 =	vld [tilespmem:s13+$0xFFFFFF90]  }
0x505: {  	v3 =	vld [tilespmem:s3+$0xFFFFFFA0]  }
0x506: {  	v4 =	vld [tilespmem:s13+$0xFFFFFFA0]  }
0x507: {  	v5 =	vld [tilespmem:s3+$0xFFFFFFB0]  }
0x508: {  	v6 =	vld [tilespmem:s13+$0xFFFFFFB0]  }
0x509: {  	v7 =	vld [tilespmem:s3+$0xFFFFFFC0]  }
0x50a: {  	v8 =	vld [tilespmem:s13+$0xFFFFFFC0]  }
0x50b: {  	v9 =	vld [tilespmem:s3+$0xFFFFFFD0]  }
0x50c: {  	v10 =	vld [tilespmem:s13+$0xFFFFFFD0];
	v2 =	vadd.f32 v2, v1  }
0x50d: {  	v4 =	vadd.f32 v4, v3;
	v1 =	vld [tilespmem:s3+$0xFFFFFFE0]  }
0x50e: {  	v5 =	vadd.f32 v6, v5;
	v3 =	vld [tilespmem:s13+$0xFFFFFFE0];
	[tilespmem:s23+$0x0] =	vst v2  }
0x50f: {  	v6 =	vadd.f32 v8, v7;
	[tilespmem:s23+$0xFFFFFFA0] =	vst v4;
	v2 =	vld [tilespmem:s3+$0xFFFFFFF0]  }
0x510: {  	[tilespmem:s23+$0xFFFFFFB0] =	vst v5;
	v5 =	vld [tilespmem:s13+$0xFFFFFFF0]  }
0x511: {  	s17 =	simm.s32 $0x0;
	v4 =	vld [tilespmem:s3+$0xFFFFFF90];
	[tilespmem:s23+$0xFFFFFFC0] =	vst v6;
	v6 =	vadd.f32 v10, v9;
	s3 =	simm.s32 $0xA7F0  }
.LBB2_65:
0x512: {  	v7 =	vld [tilespmem:s3+$0x0];
	s13 =	sadd.s32 $0x400, s13  }
0x513: {  	s17 =	sadd.s32 $0x80, s17;
	v8 =	vld [tilespmem:s13+$0x0];
	[tilespmem:s23+$0xFFFFFFD0] =	vst v6;
	v1 =	vadd.f32 v3, v1  }
0x514: {  	p1 =	slt.u32 s17, $0x380;
	v3 =	vld [tilespmem:s13+$0xFFFFFF90]  }
0x515: {  	v6 =	vld [tilespmem:s3+$0xFFFFFFA0];
	[tilespmem:s23+$0xFFFFFFE0] =	vst v1;
	v1 =	vadd.f32 v5, v2  }
0x516: {  	v2 =	vld [tilespmem:s13+$0xFFFFFFA0];
	v9 =	vadd.f32 v0, v4  }
0x517: {  	v4 =	vld [tilespmem:s3+$0xFFFFFFB0];
	[tilespmem:s23+$0xFFFFFFF0] =	vst v1  }
0x518: {  	v1 =	vld [tilespmem:s13+$0xFFFFFFB0];
	v5 =	vadd.f32 v8, v7;
	[tilespmem:s23+$0xFFFFFF90] =	vst v9  }
0x519: {  	s23 =	sadd.s32 $0x400, s23;
	v7 =	vld [tilespmem:s3+$0xFFFFFFC0];
	v0 =	vmov v3  }
0x51a: {  	v8 =	vld [tilespmem:s13+$0xFFFFFFC0];
	[tilespmem:s23+$0x0] =	vst v5  }
0x51b: {  	v2 =	vadd.f32 v2, v6;
	v6 =	vld [tilespmem:s3+$0xFFFFFFD0]  }
0x51c: {  	v9 =	vld [tilespmem:s13+$0xFFFFFFD0]  }
.Ltmp33:
0x51d: {  	[tilespmem:s23+$0xFFFFFFA0] =	vst v2;
	v2 =	vadd.f32 v1, v4;
	v1 =	vld [tilespmem:s3+$0xFFFFFFE0];
	(pc) =	sbr.rel @p1 .LBB2_65-.Ltmp33, $4  }
0x51e: {  	v3 =	vld [tilespmem:s13+$0xFFFFFFE0]  }
0x51f: {  	[tilespmem:s23+$0xFFFFFFB0] =	vst v2;
	v7 =	vadd.f32 v8, v7;
	v2 =	vld [tilespmem:s3+$0xFFFFFFF0]  }
0x520: {  	v5 =	vld [tilespmem:s13+$0xFFFFFFF0]  }
0x521: {  	v4 =	vld [tilespmem:s3+$0xFFFFFF90];
	[tilespmem:s23+$0xFFFFFFC0] =	vst v7;
	v6 =	vadd.f32 v9, v6;
	s3 =	sadd.s32 $0x400, s3  }
0x522: {  	_ =	sdelay $0x1  }
0x523: {  	v1 =	vadd.f32 v3, v1  }
0x524: {  	[tilespmem:s23+$0xFFFFFFD0] =	vst v6;
	v2 =	vadd.f32 v5, v2  }
0x525: {  	[tilespmem:s23+$0xFFFFFFE0] =	vst v1;
	v0 =	vadd.f32 v0, v4  }
0x526: {  	s3 =	sadd.s32 s11, s19;
	[tilespmem:s23+$0xFFFFFFF0] =	vst v2  }
0x527: {  	s24 =	simm.s32 $0x12000;
	s11 =	sadd.s32 $0x2, s8;
	p1 =	seq.s32 s0, $0xF;
	[tilespmem:s23+$0xFFFFFF90] =	vst v0  }
0x528: {  	[hbm4b:s3+s5] =	stream.linear.scatter [tilespmem:s24], [sflag:$0x8], $0x2000, $0x38;
	[tilespmem:$0x1C000] =	vst v63  }
0x529: {  	s15 =	sor.u32 $0x300400, s15;
	s3 =	sadd.s32 @!p1 s16, s11  }
0x52a: {  	s25 =	sadd.s32 s2, s15;
	s3 =	sshll.u32 @!p1 s3, $0xA  }
0x52b: {  	[tilespmem:s26], [sflag:$0x4] =	stream.linear.gather [hbm4b:s25+s5], $0x2000, $0x38;
	[tilespmem:$0x1C000] =	vst v63  }
0x52c: {  	s13 =	rddreg [dreg:$0x1];
	s3 =	sand.u32 @!p1 $0x1FFFF800, s3  }
0x52d: {  	s3 =	sadd.s32 @!p1 s13, s3;
	s13 =	simm.s32 @!p1 $0x0  }
0x52e: {  	[tilespmem:s13], [sflag:$0xD] =	stream.linear.gather @!p1 [hbm4b:s3+s13], $0x2000, $0x38;
	[tilespmem:$0x1C000] =	vst v63  }
0x52f: {  	_ =	swait.ge [sflag:s28], $0x2000  }
0x530: {  	[sflag:s28] =	ssyncset.done $0x0  }
0x531: {  	[sflag:s28] =	ssyncadd.s32 $0xFFFFE000  }
0x532: {  	_ =	swait.ge [sflag:s14], $0x2000  }
0x533: {  	[sflag:s14] =	ssyncset.done $0x0  }
0x534: {  	s3 =	simm.s32 @!p0 $0x9;
	[sflag:s14] =	ssyncadd.s32 $0xFFFFE000  }
0x535: {  	_ =	swait.ge @!p0 [sflag:s3], $0x2000  }
0x536: {  	[sflag:s3] =	ssyncset.done @!p0 $0x0  }
0x537: {  	s18 =	simm.s32 $0x4040;
	[sflag:s3] =	ssyncadd.s32 @!p0 $0xFFFFE000  }
0x538: {  	s3 =	simm.s32 $0x2040;
	v1 =	vld [tilespmem:s18+$0x30]  }
0x539: {  	v2 =	vld [tilespmem:s3+$0x30]  }
0x53a: {  	v0 =	vld [tilespmem:s3+$0xFFFFFFC0]  }
0x53b: {  	v3 =	vld [tilespmem:s18+$0xFFFFFFD0]  }
0x53c: {  	v4 =	vld [tilespmem:s3+$0xFFFFFFD0]  }
0x53d: {  	v5 =	vld [tilespmem:s18+$0xFFFFFFE0]  }
0x53e: {  	v6 =	vld [tilespmem:s3+$0xFFFFFFE0]  }
0x53f: {  	v7 =	vld [tilespmem:s18+$0xFFFFFFF0]  }
0x540: {  	v8 =	vld [tilespmem:s3+$0xFFFFFFF0]  }
0x541: {  	v9 =	vld [tilespmem:s18+$0x0]  }
0x542: {  	v10 =	vld [tilespmem:s3+$0x0];
	v2 =	vadd.f32 v2, v1  }
0x543: {  	s13 =	simm.s32 $0x14040;
	v4 =	vadd.f32 v4, v3;
	v1 =	vld [tilespmem:s18+$0x10]  }
0x544: {  	v5 =	vadd.f32 v6, v5;
	v3 =	vld [tilespmem:s3+$0x10];
	[tilespmem:s13+$0x30] =	vst v2  }
0x545: {  	v6 =	vadd.f32 v8, v7;
	[tilespmem:s13+$0xFFFFFFD0] =	vst v4;
	v2 =	vld [tilespmem:s18+$0x20]  }
0x546: {  	s17 =	simm.s32 $0x0;
	[tilespmem:s13+$0xFFFFFFE0] =	vst v5;
	v4 =	vld [tilespmem:s3+$0x20]  }
0x547: {  	s20 =	simm.s32 $0x4440;
	s23 =	simm.s32 $0x140F0;
	s25 =	simm.s32 $0x20F0;
	v5 =	vld [tilespmem:s18+$0xFFFFFFC0];
	[tilespmem:s13+$0xFFFFFFF0] =	vst v6;
	v6 =	vadd.f32 v10, v9  }
.LBB2_67:
0x548: {  	v7 =	vld [tilespmem:s20+$0x30];
	s3 =	sadd.s32 $0x400, s3  }
0x549: {  	s17 =	sadd.s32 $0x80, s17;
	v8 =	vld [tilespmem:s3+$0x30];
	[tilespmem:s13+$0x0] =	vst v6;
	v1 =	vadd.f32 v3, v1  }
0x54a: {  	p2 =	slt.u32 s17, $0x380;
	v3 =	vld [tilespmem:s3+$0xFFFFFFC0]  }
0x54b: {  	v6 =	vld [tilespmem:s20+$0xFFFFFFD0];
	[tilespmem:s13+$0x10] =	vst v1;
	v1 =	vadd.f32 v4, v2  }
0x54c: {  	v2 =	vld [tilespmem:s3+$0xFFFFFFD0];
	v9 =	vadd.f32 v0, v5  }
0x54d: {  	v4 =	vld [tilespmem:s20+$0xFFFFFFE0];
	[tilespmem:s13+$0x20] =	vst v1  }
0x54e: {  	v1 =	vld [tilespmem:s3+$0xFFFFFFE0];
	v5 =	vadd.f32 v8, v7;
	[tilespmem:s13+$0xFFFFFFC0] =	vst v9  }
0x54f: {  	s13 =	sadd.s32 $0x400, s13;
	v7 =	vld [tilespmem:s20+$0xFFFFFFF0];
	v0 =	vmov v3  }
0x550: {  	s18 =	simm.s32 $0x40F0;
	v8 =	vld [tilespmem:s3+$0xFFFFFFF0];
	[tilespmem:s13+$0x30] =	vst v5  }
0x551: {  	v2 =	vadd.f32 v2, v6;
	v6 =	vld [tilespmem:s20+$0x0]  }
0x552: {  	v9 =	vld [tilespmem:s3+$0x0]  }
.Ltmp34:
0x553: {  	[tilespmem:s13+$0xFFFFFFD0] =	vst v2;
	v2 =	vadd.f32 v1, v4;
	v1 =	vld [tilespmem:s20+$0x10];
	(pc) =	sbr.rel @p2 .LBB2_67-.Ltmp34, $4  }
0x554: {  	v3 =	vld [tilespmem:s3+$0x10]  }
0x555: {  	[tilespmem:s13+$0xFFFFFFE0] =	vst v2;
	v7 =	vadd.f32 v8, v7;
	v2 =	vld [tilespmem:s20+$0x20]  }
0x556: {  	v4 =	vld [tilespmem:s3+$0x20]  }
0x557: {  	v5 =	vld [tilespmem:s20+$0xFFFFFFC0];
	[tilespmem:s13+$0xFFFFFFF0] =	vst v7;
	v6 =	vadd.f32 v9, v6;
	s20 =	sadd.s32 $0x400, s20  }
0x558: {  	_ =	sdelay $0x1  }
0x559: {  	v1 =	vadd.f32 v3, v1  }
0x55a: {  	[tilespmem:s13+$0x0] =	vst v6;
	v2 =	vadd.f32 v4, v2  }
0x55b: {  	[tilespmem:s13+$0x10] =	vst v1;
	v0 =	vadd.f32 v0, v5  }
0x55c: {  	[tilespmem:s13+$0x20] =	vst v2  }
0x55d: {  	[tilespmem:s13+$0xFFFFFFC0] =	vst v0  }
0x55e: {  	v1 =	vld [tilespmem:s18+$0x0]  }
0x55f: {  	v2 =	vld [tilespmem:s25+$0x0]  }
0x560: {  	v0 =	vld [tilespmem:s25+$0xFFFFFF90]  }
0x561: {  	v3 =	vld [tilespmem:s18+$0xFFFFFFA0]  }
0x562: {  	v4 =	vld [tilespmem:s25+$0xFFFFFFA0]  }
0x563: {  	v5 =	vld [tilespmem:s18+$0xFFFFFFB0]  }
0x564: {  	v6 =	vld [tilespmem:s25+$0xFFFFFFB0]  }
0x565: {  	v7 =	vld [tilespmem:s18+$0xFFFFFFC0]  }
0x566: {  	v8 =	vld [tilespmem:s25+$0xFFFFFFC0]  }
0x567: {  	v9 =	vld [tilespmem:s18+$0xFFFFFFD0]  }
0x568: {  	v10 =	vld [tilespmem:s25+$0xFFFFFFD0];
	v2 =	vadd.f32 v2, v1  }
0x569: {  	v4 =	vadd.f32 v4, v3;
	v1 =	vld [tilespmem:s18+$0xFFFFFFE0]  }
0x56a: {  	v5 =	vadd.f32 v6, v5;
	v3 =	vld [tilespmem:s25+$0xFFFFFFE0];
	[tilespmem:s23+$0x0] =	vst v2  }
0x56b: {  	v6 =	vadd.f32 v8, v7;
	[tilespmem:s23+$0xFFFFFFA0] =	vst v4;
	v2 =	vld [tilespmem:s18+$0xFFFFFFF0]  }
0x56c: {  	s3 =	simm.s32 $0x0;
	[tilespmem:s23+$0xFFFFFFB0] =	vst v5;
	v4 =	vld [tilespmem:s25+$0xFFFFFFF0]  }
0x56d: {  	s24 =	simm.s32 $0x14170;
	s20 =	simm.s32 $0x44F0;
	s13 =	simm.s32 $0x2170;
	v5 =	vld [tilespmem:s18+$0xFFFFFF90];
	[tilespmem:s23+$0xFFFFFFC0] =	vst v6;
	v6 =	vadd.f32 v10, v9  }
.LBB2_69:
0x56e: {  	v7 =	vld [tilespmem:s20+$0x0];
	s25 =	sadd.s32 $0x400, s25  }
0x56f: {  	s3 =	sadd.s32 $0x80, s3;
	v8 =	vld [tilespmem:s25+$0x0];
	[tilespmem:s23+$0xFFFFFFD0] =	vst v6;
	v1 =	vadd.f32 v3, v1  }
0x570: {  	p2 =	slt.u32 s3, $0x380;
	v3 =	vld [tilespmem:s25+$0xFFFFFF90]  }
0x571: {  	v6 =	vld [tilespmem:s20+$0xFFFFFFA0];
	[tilespmem:s23+$0xFFFFFFE0] =	vst v1;
	v1 =	vadd.f32 v4, v2  }
0x572: {  	v2 =	vld [tilespmem:s25+$0xFFFFFFA0];
	v9 =	vadd.f32 v0, v5  }
0x573: {  	v4 =	vld [tilespmem:s20+$0xFFFFFFB0];
	[tilespmem:s23+$0xFFFFFFF0] =	vst v1  }
0x574: {  	v1 =	vld [tilespmem:s25+$0xFFFFFFB0];
	v5 =	vadd.f32 v8, v7;
	[tilespmem:s23+$0xFFFFFF90] =	vst v9  }
0x575: {  	s17 =	simm.s32 $0x4170;
	s23 =	sadd.s32 $0x400, s23;
	v7 =	vld [tilespmem:s20+$0xFFFFFFC0];
	v0 =	vmov v3  }
0x576: {  	v8 =	vld [tilespmem:s25+$0xFFFFFFC0];
	[tilespmem:s23+$0x0] =	vst v5  }
0x577: {  	v2 =	vadd.f32 v2, v6;
	v6 =	vld [tilespmem:s20+$0xFFFFFFD0]  }
0x578: {  	v9 =	vld [tilespmem:s25+$0xFFFFFFD0]  }
.Ltmp35:
0x579: {  	[tilespmem:s23+$0xFFFFFFA0] =	vst v2;
	v2 =	vadd.f32 v1, v4;
	v1 =	vld [tilespmem:s20+$0xFFFFFFE0];
	(pc) =	sbr.rel @p2 .LBB2_69-.Ltmp35, $4  }
0x57a: {  	v3 =	vld [tilespmem:s25+$0xFFFFFFE0]  }
0x57b: {  	[tilespmem:s23+$0xFFFFFFB0] =	vst v2;
	v7 =	vadd.f32 v8, v7;
	v2 =	vld [tilespmem:s20+$0xFFFFFFF0]  }
0x57c: {  	v4 =	vld [tilespmem:s25+$0xFFFFFFF0]  }
0x57d: {  	v5 =	vld [tilespmem:s20+$0xFFFFFF90];
	[tilespmem:s23+$0xFFFFFFC0] =	vst v7;
	v6 =	vadd.f32 v9, v6;
	s20 =	sadd.s32 $0x400, s20  }
0x57e: {  	_ =	sdelay $0x1  }
0x57f: {  	v1 =	vadd.f32 v3, v1  }
0x580: {  	[tilespmem:s23+$0xFFFFFFD0] =	vst v6;
	v2 =	vadd.f32 v4, v2  }
0x581: {  	[tilespmem:s23+$0xFFFFFFE0] =	vst v1;
	v0 =	vadd.f32 v0, v5  }
0x582: {  	[tilespmem:s23+$0xFFFFFFF0] =	vst v2  }
0x583: {  	[tilespmem:s23+$0xFFFFFF90] =	vst v0  }
0x584: {  	v1 =	vld [tilespmem:s17+$0x0]  }
0x585: {  	v2 =	vld [tilespmem:s13+$0x0]  }
0x586: {  	v0 =	vld [tilespmem:s13+$0xFFFFFF90]  }
0x587: {  	v3 =	vld [tilespmem:s17+$0xFFFFFFA0]  }
0x588: {  	v4 =	vld [tilespmem:s13+$0xFFFFFFA0]  }
0x589: {  	v5 =	vld [tilespmem:s17+$0xFFFFFFB0]  }
0x58a: {  	v6 =	vld [tilespmem:s13+$0xFFFFFFB0]  }
0x58b: {  	v7 =	vld [tilespmem:s17+$0xFFFFFFC0]  }
0x58c: {  	v8 =	vld [tilespmem:s13+$0xFFFFFFC0]  }
0x58d: {  	v9 =	vld [tilespmem:s17+$0xFFFFFFD0]  }
0x58e: {  	v10 =	vld [tilespmem:s13+$0xFFFFFFD0];
	v2 =	vadd.f32 v2, v1  }
0x58f: {  	v4 =	vadd.f32 v4, v3;
	v1 =	vld [tilespmem:s17+$0xFFFFFFE0]  }
0x590: {  	v5 =	vadd.f32 v6, v5;
	v3 =	vld [tilespmem:s13+$0xFFFFFFE0];
	[tilespmem:s24+$0x0] =	vst v2  }
0x591: {  	v6 =	vadd.f32 v8, v7;
	[tilespmem:s24+$0xFFFFFFA0] =	vst v4;
	v2 =	vld [tilespmem:s17+$0xFFFFFFF0]  }
0x592: {  	s3 =	simm.s32 $0x0;
	[tilespmem:s24+$0xFFFFFFB0] =	vst v5;
	v4 =	vld [tilespmem:s13+$0xFFFFFFF0]  }
0x593: {  	s25 =	simm.s32 $0x21F0;
	s23 =	simm.s32 $0x141F0;
	v5 =	vld [tilespmem:s17+$0xFFFFFF90];
	[tilespmem:s24+$0xFFFFFFC0] =	vst v6;
	v6 =	vadd.f32 v10, v9;
	s17 =	simm.s32 $0x4570  }
.LBB2_71:
0x594: {  	v7 =	vld [tilespmem:s17+$0x0];
	s13 =	sadd.s32 $0x400, s13  }
0x595: {  	s3 =	sadd.s32 $0x80, s3;
	v8 =	vld [tilespmem:s13+$0x0];
	[tilespmem:s24+$0xFFFFFFD0] =	vst v6;
	v1 =	vadd.f32 v3, v1  }
0x596: {  	p2 =	slt.u32 s3, $0x380;
	v3 =	vld [tilespmem:s13+$0xFFFFFF90]  }
0x597: {  	v6 =	vld [tilespmem:s17+$0xFFFFFFA0];
	[tilespmem:s24+$0xFFFFFFE0] =	vst v1;
	v1 =	vadd.f32 v4, v2  }
0x598: {  	v2 =	vld [tilespmem:s13+$0xFFFFFFA0];
	v9 =	vadd.f32 v0, v5  }
0x599: {  	v4 =	vld [tilespmem:s17+$0xFFFFFFB0];
	[tilespmem:s24+$0xFFFFFFF0] =	vst v1  }
0x59a: {  	v1 =	vld [tilespmem:s13+$0xFFFFFFB0];
	v5 =	vadd.f32 v8, v7;
	[tilespmem:s24+$0xFFFFFF90] =	vst v9  }
0x59b: {  	s24 =	sadd.s32 $0x400, s24;
	v7 =	vld [tilespmem:s17+$0xFFFFFFC0];
	v0 =	vmov v3  }
0x59c: {  	s18 =	simm.s32 $0x41F0;
	v8 =	vld [tilespmem:s13+$0xFFFFFFC0];
	[tilespmem:s24+$0x0] =	vst v5  }
0x59d: {  	v2 =	vadd.f32 v2, v6;
	v6 =	vld [tilespmem:s17+$0xFFFFFFD0]  }
0x59e: {  	v9 =	vld [tilespmem:s13+$0xFFFFFFD0]  }
.Ltmp36:
0x59f: {  	[tilespmem:s24+$0xFFFFFFA0] =	vst v2;
	v2 =	vadd.f32 v1, v4;
	v1 =	vld [tilespmem:s17+$0xFFFFFFE0];
	(pc) =	sbr.rel @p2 .LBB2_71-.Ltmp36, $4  }
0x5a0: {  	v3 =	vld [tilespmem:s13+$0xFFFFFFE0]  }
0x5a1: {  	[tilespmem:s24+$0xFFFFFFB0] =	vst v2;
	v7 =	vadd.f32 v8, v7;
	v2 =	vld [tilespmem:s17+$0xFFFFFFF0]  }
0x5a2: {  	v4 =	vld [tilespmem:s13+$0xFFFFFFF0]  }
0x5a3: {  	v5 =	vld [tilespmem:s17+$0xFFFFFF90];
	[tilespmem:s24+$0xFFFFFFC0] =	vst v7;
	v6 =	vadd.f32 v9, v6;
	s17 =	sadd.s32 $0x400, s17  }
0x5a4: {  	_ =	sdelay $0x1  }
0x5a5: {  	v1 =	vadd.f32 v3, v1  }
0x5a6: {  	[tilespmem:s24+$0xFFFFFFD0] =	vst v6;
	v2 =	vadd.f32 v4, v2  }
0x5a7: {  	[tilespmem:s24+$0xFFFFFFE0] =	vst v1;
	v0 =	vadd.f32 v0, v5  }
0x5a8: {  	[tilespmem:s24+$0xFFFFFFF0] =	vst v2  }
0x5a9: {  	[tilespmem:s24+$0xFFFFFF90] =	vst v0  }
0x5aa: {  	v1 =	vld [tilespmem:s18+$0x0]  }
0x5ab: {  	v2 =	vld [tilespmem:s25+$0x0]  }
0x5ac: {  	v0 =	vld [tilespmem:s25+$0xFFFFFF90]  }
0x5ad: {  	v3 =	vld [tilespmem:s18+$0xFFFFFFA0]  }
0x5ae: {  	v4 =	vld [tilespmem:s25+$0xFFFFFFA0]  }
0x5af: {  	v5 =	vld [tilespmem:s18+$0xFFFFFFB0]  }
0x5b0: {  	v6 =	vld [tilespmem:s25+$0xFFFFFFB0]  }
0x5b1: {  	v7 =	vld [tilespmem:s18+$0xFFFFFFC0]  }
0x5b2: {  	v8 =	vld [tilespmem:s25+$0xFFFFFFC0]  }
0x5b3: {  	v9 =	vld [tilespmem:s18+$0xFFFFFFD0]  }
0x5b4: {  	v10 =	vld [tilespmem:s25+$0xFFFFFFD0];
	v2 =	vadd.f32 v2, v1  }
0x5b5: {  	v4 =	vadd.f32 v4, v3;
	v1 =	vld [tilespmem:s18+$0xFFFFFFE0]  }
0x5b6: {  	v5 =	vadd.f32 v6, v5;
	v3 =	vld [tilespmem:s25+$0xFFFFFFE0];
	[tilespmem:s23+$0x0] =	vst v2  }
0x5b7: {  	v6 =	vadd.f32 v8, v7;
	[tilespmem:s23+$0xFFFFFFA0] =	vst v4;
	v2 =	vld [tilespmem:s18+$0xFFFFFFF0]  }
0x5b8: {  	s3 =	simm.s32 $0x0;
	[tilespmem:s23+$0xFFFFFFB0] =	vst v5;
	v4 =	vld [tilespmem:s25+$0xFFFFFFF0]  }
0x5b9: {  	s13 =	simm.s32 $0x2270;
	s20 =	simm.s32 $0x45F0;
	s24 =	simm.s32 $0x14270;
	v5 =	vld [tilespmem:s18+$0xFFFFFF90];
	[tilespmem:s23+$0xFFFFFFC0] =	vst v6;
	v6 =	vadd.f32 v10, v9  }
.LBB2_73:
0x5ba: {  	v7 =	vld [tilespmem:s20+$0x0];
	s25 =	sadd.s32 $0x400, s25  }
0x5bb: {  	s3 =	sadd.s32 $0x80, s3;
	v8 =	vld [tilespmem:s25+$0x0];
	[tilespmem:s23+$0xFFFFFFD0] =	vst v6;
	v1 =	vadd.f32 v3, v1  }
0x5bc: {  	p2 =	slt.u32 s3, $0x380;
	v3 =	vld [tilespmem:s25+$0xFFFFFF90]  }
0x5bd: {  	v6 =	vld [tilespmem:s20+$0xFFFFFFA0];
	[tilespmem:s23+$0xFFFFFFE0] =	vst v1;
	v1 =	vadd.f32 v4, v2  }
0x5be: {  	v2 =	vld [tilespmem:s25+$0xFFFFFFA0];
	v9 =	vadd.f32 v0, v5  }
0x5bf: {  	v4 =	vld [tilespmem:s20+$0xFFFFFFB0];
	[tilespmem:s23+$0xFFFFFFF0] =	vst v1  }
0x5c0: {  	v1 =	vld [tilespmem:s25+$0xFFFFFFB0];
	v5 =	vadd.f32 v8, v7;
	[tilespmem:s23+$0xFFFFFF90] =	vst v9  }
0x5c1: {  	s17 =	simm.s32 $0x4270;
	s23 =	sadd.s32 $0x400, s23;
	v7 =	vld [tilespmem:s20+$0xFFFFFFC0];
	v0 =	vmov v3  }
0x5c2: {  	v8 =	vld [tilespmem:s25+$0xFFFFFFC0];
	[tilespmem:s23+$0x0] =	vst v5  }
0x5c3: {  	v2 =	vadd.f32 v2, v6;
	v6 =	vld [tilespmem:s20+$0xFFFFFFD0]  }
0x5c4: {  	v9 =	vld [tilespmem:s25+$0xFFFFFFD0]  }
.Ltmp37:
0x5c5: {  	[tilespmem:s23+$0xFFFFFFA0] =	vst v2;
	v2 =	vadd.f32 v1, v4;
	v1 =	vld [tilespmem:s20+$0xFFFFFFE0];
	(pc) =	sbr.rel @p2 .LBB2_73-.Ltmp37, $4  }
0x5c6: {  	v3 =	vld [tilespmem:s25+$0xFFFFFFE0]  }
0x5c7: {  	[tilespmem:s23+$0xFFFFFFB0] =	vst v2;
	v7 =	vadd.f32 v8, v7;
	v2 =	vld [tilespmem:s20+$0xFFFFFFF0]  }
0x5c8: {  	v4 =	vld [tilespmem:s25+$0xFFFFFFF0]  }
0x5c9: {  	v5 =	vld [tilespmem:s20+$0xFFFFFF90];
	[tilespmem:s23+$0xFFFFFFC0] =	vst v7;
	v6 =	vadd.f32 v9, v6;
	s20 =	sadd.s32 $0x400, s20  }
0x5ca: {  	_ =	sdelay $0x1  }
0x5cb: {  	v1 =	vadd.f32 v3, v1  }
0x5cc: {  	[tilespmem:s23+$0xFFFFFFD0] =	vst v6;
	v2 =	vadd.f32 v4, v2  }
0x5cd: {  	[tilespmem:s23+$0xFFFFFFE0] =	vst v1;
	v0 =	vadd.f32 v0, v5  }
0x5ce: {  	[tilespmem:s23+$0xFFFFFFF0] =	vst v2  }
0x5cf: {  	[tilespmem:s23+$0xFFFFFF90] =	vst v0  }
0x5d0: {  	v1 =	vld [tilespmem:s17+$0x0]  }
0x5d1: {  	v2 =	vld [tilespmem:s13+$0x0]  }
0x5d2: {  	v0 =	vld [tilespmem:s13+$0xFFFFFF90]  }
0x5d3: {  	v3 =	vld [tilespmem:s17+$0xFFFFFFA0]  }
0x5d4: {  	v4 =	vld [tilespmem:s13+$0xFFFFFFA0]  }
0x5d5: {  	v5 =	vld [tilespmem:s17+$0xFFFFFFB0]  }
0x5d6: {  	v6 =	vld [tilespmem:s13+$0xFFFFFFB0]  }
0x5d7: {  	v7 =	vld [tilespmem:s17+$0xFFFFFFC0]  }
0x5d8: {  	v8 =	vld [tilespmem:s13+$0xFFFFFFC0]  }
0x5d9: {  	v9 =	vld [tilespmem:s17+$0xFFFFFFD0]  }
0x5da: {  	v10 =	vld [tilespmem:s13+$0xFFFFFFD0];
	v2 =	vadd.f32 v2, v1  }
0x5db: {  	v4 =	vadd.f32 v4, v3;
	v1 =	vld [tilespmem:s17+$0xFFFFFFE0]  }
0x5dc: {  	v5 =	vadd.f32 v6, v5;
	v3 =	vld [tilespmem:s13+$0xFFFFFFE0];
	[tilespmem:s24+$0x0] =	vst v2  }
0x5dd: {  	v6 =	vadd.f32 v8, v7;
	[tilespmem:s24+$0xFFFFFFA0] =	vst v4;
	v2 =	vld [tilespmem:s17+$0xFFFFFFF0]  }
0x5de: {  	s3 =	simm.s32 $0x0;
	[tilespmem:s24+$0xFFFFFFB0] =	vst v5;
	v4 =	vld [tilespmem:s13+$0xFFFFFFF0]  }
0x5df: {  	s25 =	simm.s32 $0x22F0;
	s23 =	simm.s32 $0x142F0;
	v5 =	vld [tilespmem:s17+$0xFFFFFF90];
	[tilespmem:s24+$0xFFFFFFC0] =	vst v6;
	v6 =	vadd.f32 v10, v9;
	s17 =	simm.s32 $0x4670  }
.LBB2_75:
0x5e0: {  	v7 =	vld [tilespmem:s17+$0x0];
	s13 =	sadd.s32 $0x400, s13  }
0x5e1: {  	s3 =	sadd.s32 $0x80, s3;
	v8 =	vld [tilespmem:s13+$0x0];
	[tilespmem:s24+$0xFFFFFFD0] =	vst v6;
	v1 =	vadd.f32 v3, v1  }
0x5e2: {  	p2 =	slt.u32 s3, $0x380;
	v3 =	vld [tilespmem:s13+$0xFFFFFF90]  }
0x5e3: {  	v6 =	vld [tilespmem:s17+$0xFFFFFFA0];
	[tilespmem:s24+$0xFFFFFFE0] =	vst v1;
	v1 =	vadd.f32 v4, v2  }
0x5e4: {  	v2 =	vld [tilespmem:s13+$0xFFFFFFA0];
	v9 =	vadd.f32 v0, v5  }
0x5e5: {  	v4 =	vld [tilespmem:s17+$0xFFFFFFB0];
	[tilespmem:s24+$0xFFFFFFF0] =	vst v1  }
0x5e6: {  	v1 =	vld [tilespmem:s13+$0xFFFFFFB0];
	v5 =	vadd.f32 v8, v7;
	[tilespmem:s24+$0xFFFFFF90] =	vst v9  }
0x5e7: {  	s24 =	sadd.s32 $0x400, s24;
	v7 =	vld [tilespmem:s17+$0xFFFFFFC0];
	v0 =	vmov v3  }
0x5e8: {  	s18 =	simm.s32 $0x42F0;
	v8 =	vld [tilespmem:s13+$0xFFFFFFC0];
	[tilespmem:s24+$0x0] =	vst v5  }
0x5e9: {  	v2 =	vadd.f32 v2, v6;
	v6 =	vld [tilespmem:s17+$0xFFFFFFD0]  }
0x5ea: {  	v9 =	vld [tilespmem:s13+$0xFFFFFFD0]  }
.Ltmp38:
0x5eb: {  	[tilespmem:s24+$0xFFFFFFA0] =	vst v2;
	v2 =	vadd.f32 v1, v4;
	v1 =	vld [tilespmem:s17+$0xFFFFFFE0];
	(pc) =	sbr.rel @p2 .LBB2_75-.Ltmp38, $4  }
0x5ec: {  	v3 =	vld [tilespmem:s13+$0xFFFFFFE0]  }
0x5ed: {  	[tilespmem:s24+$0xFFFFFFB0] =	vst v2;
	v7 =	vadd.f32 v8, v7;
	v2 =	vld [tilespmem:s17+$0xFFFFFFF0]  }
0x5ee: {  	v4 =	vld [tilespmem:s13+$0xFFFFFFF0]  }
0x5ef: {  	v5 =	vld [tilespmem:s17+$0xFFFFFF90];
	[tilespmem:s24+$0xFFFFFFC0] =	vst v7;
	v6 =	vadd.f32 v9, v6;
	s17 =	sadd.s32 $0x400, s17  }
0x5f0: {  	_ =	sdelay $0x1  }
0x5f1: {  	v1 =	vadd.f32 v3, v1  }
0x5f2: {  	[tilespmem:s24+$0xFFFFFFD0] =	vst v6;
	v2 =	vadd.f32 v4, v2  }
0x5f3: {  	[tilespmem:s24+$0xFFFFFFE0] =	vst v1;
	v0 =	vadd.f32 v0, v5  }
0x5f4: {  	[tilespmem:s24+$0xFFFFFFF0] =	vst v2  }
0x5f5: {  	[tilespmem:s24+$0xFFFFFF90] =	vst v0  }
0x5f6: {  	v1 =	vld [tilespmem:s18+$0x0]  }
0x5f7: {  	v2 =	vld [tilespmem:s25+$0x0]  }
0x5f8: {  	v0 =	vld [tilespmem:s25+$0xFFFFFF90]  }
0x5f9: {  	v3 =	vld [tilespmem:s18+$0xFFFFFFA0]  }
0x5fa: {  	v4 =	vld [tilespmem:s25+$0xFFFFFFA0]  }
0x5fb: {  	v5 =	vld [tilespmem:s18+$0xFFFFFFB0]  }
0x5fc: {  	v6 =	vld [tilespmem:s25+$0xFFFFFFB0]  }
0x5fd: {  	v7 =	vld [tilespmem:s18+$0xFFFFFFC0]  }
0x5fe: {  	v8 =	vld [tilespmem:s25+$0xFFFFFFC0]  }
0x5ff: {  	v9 =	vld [tilespmem:s18+$0xFFFFFFD0]  }
0x600: {  	v10 =	vld [tilespmem:s25+$0xFFFFFFD0];
	v2 =	vadd.f32 v2, v1  }
0x601: {  	v4 =	vadd.f32 v4, v3;
	v1 =	vld [tilespmem:s18+$0xFFFFFFE0]  }
0x602: {  	v5 =	vadd.f32 v6, v5;
	v3 =	vld [tilespmem:s25+$0xFFFFFFE0];
	[tilespmem:s23+$0x0] =	vst v2  }
0x603: {  	v6 =	vadd.f32 v8, v7;
	[tilespmem:s23+$0xFFFFFFA0] =	vst v4;
	v2 =	vld [tilespmem:s18+$0xFFFFFFF0]  }
0x604: {  	s3 =	simm.s32 $0x0;
	[tilespmem:s23+$0xFFFFFFB0] =	vst v5;
	v4 =	vld [tilespmem:s25+$0xFFFFFFF0]  }
0x605: {  	s13 =	simm.s32 $0x2370;
	s20 =	simm.s32 $0x46F0;
	s24 =	simm.s32 $0x14370;
	v5 =	vld [tilespmem:s18+$0xFFFFFF90];
	[tilespmem:s23+$0xFFFFFFC0] =	vst v6;
	v6 =	vadd.f32 v10, v9  }
.LBB2_77:
0x606: {  	v7 =	vld [tilespmem:s20+$0x0];
	s25 =	sadd.s32 $0x400, s25  }
0x607: {  	s3 =	sadd.s32 $0x80, s3;
	v8 =	vld [tilespmem:s25+$0x0];
	[tilespmem:s23+$0xFFFFFFD0] =	vst v6;
	v1 =	vadd.f32 v3, v1  }
0x608: {  	p2 =	slt.u32 s3, $0x380;
	v3 =	vld [tilespmem:s25+$0xFFFFFF90]  }
0x609: {  	v6 =	vld [tilespmem:s20+$0xFFFFFFA0];
	[tilespmem:s23+$0xFFFFFFE0] =	vst v1;
	v1 =	vadd.f32 v4, v2  }
0x60a: {  	v2 =	vld [tilespmem:s25+$0xFFFFFFA0];
	v9 =	vadd.f32 v0, v5  }
0x60b: {  	v4 =	vld [tilespmem:s20+$0xFFFFFFB0];
	[tilespmem:s23+$0xFFFFFFF0] =	vst v1  }
0x60c: {  	v1 =	vld [tilespmem:s25+$0xFFFFFFB0];
	v5 =	vadd.f32 v8, v7;
	[tilespmem:s23+$0xFFFFFF90] =	vst v9  }
0x60d: {  	s17 =	simm.s32 $0x4370;
	s23 =	sadd.s32 $0x400, s23;
	v7 =	vld [tilespmem:s20+$0xFFFFFFC0];
	v0 =	vmov v3  }
0x60e: {  	v8 =	vld [tilespmem:s25+$0xFFFFFFC0];
	[tilespmem:s23+$0x0] =	vst v5  }
0x60f: {  	v2 =	vadd.f32 v2, v6;
	v6 =	vld [tilespmem:s20+$0xFFFFFFD0]  }
0x610: {  	v9 =	vld [tilespmem:s25+$0xFFFFFFD0]  }
.Ltmp39:
0x611: {  	[tilespmem:s23+$0xFFFFFFA0] =	vst v2;
	v2 =	vadd.f32 v1, v4;
	v1 =	vld [tilespmem:s20+$0xFFFFFFE0];
	(pc) =	sbr.rel @p2 .LBB2_77-.Ltmp39, $4  }
0x612: {  	v3 =	vld [tilespmem:s25+$0xFFFFFFE0]  }
0x613: {  	[tilespmem:s23+$0xFFFFFFB0] =	vst v2;
	v7 =	vadd.f32 v8, v7;
	v2 =	vld [tilespmem:s20+$0xFFFFFFF0]  }
0x614: {  	v4 =	vld [tilespmem:s25+$0xFFFFFFF0]  }
0x615: {  	v5 =	vld [tilespmem:s20+$0xFFFFFF90];
	[tilespmem:s23+$0xFFFFFFC0] =	vst v7;
	v6 =	vadd.f32 v9, v6;
	s20 =	sadd.s32 $0x400, s20  }
0x616: {  	_ =	sdelay $0x1  }
0x617: {  	v1 =	vadd.f32 v3, v1  }
0x618: {  	[tilespmem:s23+$0xFFFFFFD0] =	vst v6;
	v2 =	vadd.f32 v4, v2  }
0x619: {  	[tilespmem:s23+$0xFFFFFFE0] =	vst v1;
	v0 =	vadd.f32 v0, v5  }
0x61a: {  	[tilespmem:s23+$0xFFFFFFF0] =	vst v2  }
0x61b: {  	[tilespmem:s23+$0xFFFFFF90] =	vst v0  }
0x61c: {  	v1 =	vld [tilespmem:s17+$0x0]  }
0x61d: {  	v2 =	vld [tilespmem:s13+$0x0]  }
0x61e: {  	v0 =	vld [tilespmem:s13+$0xFFFFFF90]  }
0x61f: {  	v3 =	vld [tilespmem:s17+$0xFFFFFFA0]  }
0x620: {  	v4 =	vld [tilespmem:s13+$0xFFFFFFA0]  }
0x621: {  	v5 =	vld [tilespmem:s17+$0xFFFFFFB0]  }
0x622: {  	v6 =	vld [tilespmem:s13+$0xFFFFFFB0]  }
0x623: {  	v7 =	vld [tilespmem:s17+$0xFFFFFFC0]  }
0x624: {  	v8 =	vld [tilespmem:s13+$0xFFFFFFC0]  }
0x625: {  	v9 =	vld [tilespmem:s17+$0xFFFFFFD0]  }
0x626: {  	v10 =	vld [tilespmem:s13+$0xFFFFFFD0];
	v2 =	vadd.f32 v2, v1  }
0x627: {  	v4 =	vadd.f32 v4, v3;
	v1 =	vld [tilespmem:s17+$0xFFFFFFE0]  }
0x628: {  	v5 =	vadd.f32 v6, v5;
	v3 =	vld [tilespmem:s13+$0xFFFFFFE0];
	[tilespmem:s24+$0x0] =	vst v2  }
0x629: {  	v6 =	vadd.f32 v8, v7;
	[tilespmem:s24+$0xFFFFFFA0] =	vst v4;
	v2 =	vld [tilespmem:s17+$0xFFFFFFF0]  }
0x62a: {  	s3 =	simm.s32 $0x0;
	[tilespmem:s24+$0xFFFFFFB0] =	vst v5;
	v4 =	vld [tilespmem:s13+$0xFFFFFFF0]  }
0x62b: {  	s25 =	simm.s32 $0x23F0;
	s23 =	simm.s32 $0x143F0;
	v5 =	vld [tilespmem:s17+$0xFFFFFF90];
	[tilespmem:s24+$0xFFFFFFC0] =	vst v6;
	v6 =	vadd.f32 v10, v9;
	s17 =	simm.s32 $0x4770  }
.LBB2_79:
0x62c: {  	v7 =	vld [tilespmem:s17+$0x0];
	s13 =	sadd.s32 $0x400, s13  }
0x62d: {  	s3 =	sadd.s32 $0x80, s3;
	v8 =	vld [tilespmem:s13+$0x0];
	[tilespmem:s24+$0xFFFFFFD0] =	vst v6;
	v1 =	vadd.f32 v3, v1  }
0x62e: {  	p2 =	slt.u32 s3, $0x380;
	v3 =	vld [tilespmem:s13+$0xFFFFFF90]  }
0x62f: {  	v6 =	vld [tilespmem:s17+$0xFFFFFFA0];
	[tilespmem:s24+$0xFFFFFFE0] =	vst v1;
	v1 =	vadd.f32 v4, v2  }
0x630: {  	v2 =	vld [tilespmem:s13+$0xFFFFFFA0];
	v9 =	vadd.f32 v0, v5  }
0x631: {  	v4 =	vld [tilespmem:s17+$0xFFFFFFB0];
	[tilespmem:s24+$0xFFFFFFF0] =	vst v1  }
0x632: {  	v1 =	vld [tilespmem:s13+$0xFFFFFFB0];
	v5 =	vadd.f32 v8, v7;
	[tilespmem:s24+$0xFFFFFF90] =	vst v9  }
0x633: {  	s24 =	sadd.s32 $0x400, s24;
	v7 =	vld [tilespmem:s17+$0xFFFFFFC0];
	v0 =	vmov v3  }
0x634: {  	s18 =	simm.s32 $0x43F0;
	v8 =	vld [tilespmem:s13+$0xFFFFFFC0];
	[tilespmem:s24+$0x0] =	vst v5  }
0x635: {  	v2 =	vadd.f32 v2, v6;
	v6 =	vld [tilespmem:s17+$0xFFFFFFD0]  }
0x636: {  	v9 =	vld [tilespmem:s13+$0xFFFFFFD0]  }
.Ltmp40:
0x637: {  	[tilespmem:s24+$0xFFFFFFA0] =	vst v2;
	v2 =	vadd.f32 v1, v4;
	v1 =	vld [tilespmem:s17+$0xFFFFFFE0];
	(pc) =	sbr.rel @p2 .LBB2_79-.Ltmp40, $4  }
0x638: {  	v3 =	vld [tilespmem:s13+$0xFFFFFFE0]  }
0x639: {  	[tilespmem:s24+$0xFFFFFFB0] =	vst v2;
	v7 =	vadd.f32 v8, v7;
	v2 =	vld [tilespmem:s17+$0xFFFFFFF0]  }
0x63a: {  	v4 =	vld [tilespmem:s13+$0xFFFFFFF0]  }
0x63b: {  	v5 =	vld [tilespmem:s17+$0xFFFFFF90];
	[tilespmem:s24+$0xFFFFFFC0] =	vst v7;
	v6 =	vadd.f32 v9, v6;
	s17 =	sadd.s32 $0x400, s17  }
0x63c: {  	_ =	sdelay $0x1  }
0x63d: {  	v1 =	vadd.f32 v3, v1  }
0x63e: {  	[tilespmem:s24+$0xFFFFFFD0] =	vst v6;
	v2 =	vadd.f32 v4, v2  }
0x63f: {  	[tilespmem:s24+$0xFFFFFFE0] =	vst v1;
	v0 =	vadd.f32 v0, v5  }
0x640: {  	[tilespmem:s24+$0xFFFFFFF0] =	vst v2  }
0x641: {  	[tilespmem:s24+$0xFFFFFF90] =	vst v0  }
0x642: {  	v1 =	vld [tilespmem:s18+$0x0]  }
0x643: {  	v2 =	vld [tilespmem:s25+$0x0]  }
0x644: {  	v0 =	vld [tilespmem:s25+$0xFFFFFF90]  }
0x645: {  	v3 =	vld [tilespmem:s18+$0xFFFFFFA0]  }
0x646: {  	v4 =	vld [tilespmem:s25+$0xFFFFFFA0]  }
0x647: {  	v5 =	vld [tilespmem:s18+$0xFFFFFFB0]  }
0x648: {  	v6 =	vld [tilespmem:s25+$0xFFFFFFB0]  }
0x649: {  	v7 =	vld [tilespmem:s18+$0xFFFFFFC0]  }
0x64a: {  	v8 =	vld [tilespmem:s25+$0xFFFFFFC0]  }
0x64b: {  	v9 =	vld [tilespmem:s18+$0xFFFFFFD0]  }
0x64c: {  	v10 =	vld [tilespmem:s25+$0xFFFFFFD0];
	v2 =	vadd.f32 v2, v1  }
0x64d: {  	v4 =	vadd.f32 v4, v3;
	v1 =	vld [tilespmem:s18+$0xFFFFFFE0]  }
0x64e: {  	v5 =	vadd.f32 v6, v5;
	v3 =	vld [tilespmem:s25+$0xFFFFFFE0];
	[tilespmem:s23+$0x0] =	vst v2  }
0x64f: {  	v6 =	vadd.f32 v8, v7;
	[tilespmem:s23+$0xFFFFFFA0] =	vst v4;
	v2 =	vld [tilespmem:s18+$0xFFFFFFF0]  }
0x650: {  	[tilespmem:s23+$0xFFFFFFB0] =	vst v5;
	v5 =	vld [tilespmem:s25+$0xFFFFFFF0]  }
0x651: {  	s3 =	simm.s32 $0x0;
	s13 =	simm.s32 $0x47F0;
	v4 =	vld [tilespmem:s18+$0xFFFFFF90];
	[tilespmem:s23+$0xFFFFFFC0] =	vst v6;
	v6 =	vadd.f32 v10, v9  }
.LBB2_81:
0x652: {  	v7 =	vld [tilespmem:s13+$0x0];
	s25 =	sadd.s32 $0x400, s25  }
0x653: {  	s3 =	sadd.s32 $0x80, s3;
	v8 =	vld [tilespmem:s25+$0x0];
	[tilespmem:s23+$0xFFFFFFD0] =	vst v6;
	v1 =	vadd.f32 v3, v1  }
0x654: {  	p2 =	slt.u32 s3, $0x380;
	v3 =	vld [tilespmem:s25+$0xFFFFFF90]  }
0x655: {  	v6 =	vld [tilespmem:s13+$0xFFFFFFA0];
	[tilespmem:s23+$0xFFFFFFE0] =	vst v1;
	v1 =	vadd.f32 v5, v2  }
0x656: {  	v2 =	vld [tilespmem:s25+$0xFFFFFFA0];
	v9 =	vadd.f32 v0, v4  }
0x657: {  	v4 =	vld [tilespmem:s13+$0xFFFFFFB0];
	[tilespmem:s23+$0xFFFFFFF0] =	vst v1  }
0x658: {  	v1 =	vld [tilespmem:s25+$0xFFFFFFB0];
	v5 =	vadd.f32 v8, v7;
	[tilespmem:s23+$0xFFFFFF90] =	vst v9  }
0x659: {  	s23 =	sadd.s32 $0x400, s23;
	v7 =	vld [tilespmem:s13+$0xFFFFFFC0];
	v0 =	vmov v3  }
0x65a: {  	v8 =	vld [tilespmem:s25+$0xFFFFFFC0];
	[tilespmem:s23+$0x0] =	vst v5  }
0x65b: {  	v2 =	vadd.f32 v2, v6;
	v6 =	vld [tilespmem:s13+$0xFFFFFFD0]  }
0x65c: {  	v9 =	vld [tilespmem:s25+$0xFFFFFFD0]  }
.Ltmp41:
0x65d: {  	[tilespmem:s23+$0xFFFFFFA0] =	vst v2;
	v2 =	vadd.f32 v1, v4;
	v1 =	vld [tilespmem:s13+$0xFFFFFFE0];
	(pc) =	sbr.rel @p2 .LBB2_81-.Ltmp41, $4  }
0x65e: {  	v3 =	vld [tilespmem:s25+$0xFFFFFFE0]  }
0x65f: {  	[tilespmem:s23+$0xFFFFFFB0] =	vst v2;
	v7 =	vadd.f32 v8, v7;
	v2 =	vld [tilespmem:s13+$0xFFFFFFF0]  }
0x660: {  	v5 =	vld [tilespmem:s25+$0xFFFFFFF0]  }
0x661: {  	v4 =	vld [tilespmem:s13+$0xFFFFFF90];
	[tilespmem:s23+$0xFFFFFFC0] =	vst v7;
	v6 =	vadd.f32 v9, v6;
	s13 =	sadd.s32 $0x400, s13  }
0x662: {  	_ =	sdelay $0x1  }
0x663: {  	p2 =	sne.s32 s0, $0xF;
	v1 =	vadd.f32 v3, v1  }
.Ltmp42:
0x664: {  	[tilespmem:s23+$0xFFFFFFD0] =	vst v6;
	v2 =	vadd.f32 v5, v2;
	(pc) =	sbr.rel @p2 .LBB2_84-.Ltmp42, $4  }
0x665: {  	[tilespmem:s23+$0xFFFFFFE0] =	vst v1;
	v0 =	vadd.f32 v0, v4  }
0x666: {  	[tilespmem:s23+$0xFFFFFFF0] =	vst v2  }
0x667: {  	s3 =	sadd.s32 s4, s12;
	s25 =	simm.s32 $0x14000;
	[tilespmem:s23+$0xFFFFFF90] =	vst v0  }
0x668: {  	[hbm4b:s3+s5] =	stream.linear.scatter [tilespmem:s25], [sflag:$0x9], $0x2000, $0x38;
	[tilespmem:$0x1C000] =	vst v63  }
.Ltmp43:
0x669: {  	(pc) =	sbr.rel .LBB2_85-.Ltmp43, $4  }
0x66a: {  	_ = 	snop  }
0x66b: {  	_ =	swait.ge [sflag:s31], $0x2000  }
0x66c: {  	[sflag:s31] =	ssyncset.done $0x0  }
0x66d: {  	[sflag:s31] =	ssyncadd.s32 $0xFFFFE000  }
.LBB2_84:
0x66e: {  	s3 =	sadd.s32 s16, s11  }
0x66f: {  	s3 =	sshll.u32 s3, $0xA  }
0x670: {  	s3 =	sand.u32 $0x1FFFF800, s3  }
.Ltmp44:
0x671: {  	s12 =	simm.s32 $0x4000;
	s3 =	sadd.s32 s2, s3;
	(pc) =	sbr.rel @p0 .LBB2_86-.Ltmp44, $4  }
0x672: {  	[tilespmem:s12], [sflag:$0x1] =	stream.linear.gather [hbm4b:s3+s5], $0x2000, $0x38;
	[tilespmem:$0x1C000] =	vst v63  }
0x673: {  	_ =	swait.ge [sflag:s31], $0x2000  }
0x674: {  	[sflag:s31] =	ssyncset.done $0x0  }
0x675: {  	[sflag:s31] =	ssyncadd.s32 $0xFFFFE000  }
.LBB2_85:
0x676: {  	_ =	swait.ge [sflag:s21], $0x2000  }
0x677: {  	[sflag:s21] =	ssyncset.done $0x0  }
0x678: {  	[sflag:s21] =	ssyncadd.s32 $0xFFFFE000  }
.LBB2_86:
0x679: {  	s13 =	simm.s32 $0x6040  }
0x67a: {  	s3 =	simm.s32 $0x2040;
	v1 =	vld [tilespmem:s13+$0x30]  }
0x67b: {  	v2 =	vld [tilespmem:s3+$0x30]  }
0x67c: {  	v0 =	vld [tilespmem:s3+$0xFFFFFFC0]  }
0x67d: {  	v3 =	vld [tilespmem:s13+$0xFFFFFFD0]  }
0x67e: {  	v4 =	vld [tilespmem:s3+$0xFFFFFFD0]  }
0x67f: {  	v5 =	vld [tilespmem:s13+$0xFFFFFFE0]  }
0x680: {  	v6 =	vld [tilespmem:s3+$0xFFFFFFE0]  }
0x681: {  	v7 =	vld [tilespmem:s13+$0xFFFFFFF0]  }
0x682: {  	v8 =	vld [tilespmem:s3+$0xFFFFFFF0]  }
0x683: {  	v9 =	vld [tilespmem:s13+$0x0]  }
0x684: {  	v10 =	vld [tilespmem:s3+$0x0];
	v2 =	vadd.f32 v2, v1  }
0x685: {  	s20 =	simm.s32 $0x16040;
	v4 =	vadd.f32 v4, v3;
	v1 =	vld [tilespmem:s13+$0x10]  }
0x686: {  	v5 =	vadd.f32 v6, v5;
	v3 =	vld [tilespmem:s3+$0x10];
	[tilespmem:s20+$0x30] =	vst v2  }
0x687: {  	v6 =	vadd.f32 v8, v7;
	[tilespmem:s20+$0xFFFFFFD0] =	vst v4;
	v2 =	vld [tilespmem:s13+$0x20]  }
0x688: {  	[tilespmem:s20+$0xFFFFFFE0] =	vst v5;
	v4 =	vld [tilespmem:s3+$0x20]  }
0x689: {  	s17 =	simm.s32 $0x0;
	s12 =	simm.s32 $0x160F0;
	s23 =	simm.s32 $0x6440;
	v5 =	vld [tilespmem:s13+$0xFFFFFFC0];
	[tilespmem:s20+$0xFFFFFFF0] =	vst v6;
	v6 =	vadd.f32 v10, v9  }
.LBB2_87:
0x68a: {  	v7 =	vld [tilespmem:s23+$0x30];
	s3 =	sadd.s32 $0x400, s3  }
0x68b: {  	s17 =	sadd.s32 $0x80, s17;
	v8 =	vld [tilespmem:s3+$0x30];
	[tilespmem:s20+$0x0] =	vst v6;
	v1 =	vadd.f32 v3, v1  }
0x68c: {  	p3 =	slt.u32 s17, $0x380;
	v3 =	vld [tilespmem:s3+$0xFFFFFFC0]  }
0x68d: {  	v6 =	vld [tilespmem:s23+$0xFFFFFFD0];
	[tilespmem:s20+$0x10] =	vst v1;
	v1 =	vadd.f32 v4, v2  }
0x68e: {  	v2 =	vld [tilespmem:s3+$0xFFFFFFD0];
	v9 =	vadd.f32 v0, v5  }
0x68f: {  	v4 =	vld [tilespmem:s23+$0xFFFFFFE0];
	[tilespmem:s20+$0x20] =	vst v1  }
0x690: {  	v1 =	vld [tilespmem:s3+$0xFFFFFFE0];
	v5 =	vadd.f32 v8, v7;
	[tilespmem:s20+$0xFFFFFFC0] =	vst v9  }
0x691: {  	s20 =	sadd.s32 $0x400, s20;
	v7 =	vld [tilespmem:s23+$0xFFFFFFF0];
	v0 =	vmov v3  }
0x692: {  	s13 =	simm.s32 $0x20F0;
	s18 =	simm.s32 $0x60F0;
	v8 =	vld [tilespmem:s3+$0xFFFFFFF0];
	[tilespmem:s20+$0x30] =	vst v5  }
0x693: {  	v2 =	vadd.f32 v2, v6;
	v6 =	vld [tilespmem:s23+$0x0]  }
0x694: {  	v9 =	vld [tilespmem:s3+$0x0]  }
.Ltmp45:
0x695: {  	[tilespmem:s20+$0xFFFFFFD0] =	vst v2;
	v2 =	vadd.f32 v1, v4;
	v1 =	vld [tilespmem:s23+$0x10];
	(pc) =	sbr.rel @p3 .LBB2_87-.Ltmp45, $4  }
0x696: {  	v3 =	vld [tilespmem:s3+$0x10]  }
0x697: {  	[tilespmem:s20+$0xFFFFFFE0] =	vst v2;
	v7 =	vadd.f32 v8, v7;
	v2 =	vld [tilespmem:s23+$0x20]  }
0x698: {  	v4 =	vld [tilespmem:s3+$0x20]  }
0x699: {  	v5 =	vld [tilespmem:s23+$0xFFFFFFC0];
	[tilespmem:s20+$0xFFFFFFF0] =	vst v7;
	v6 =	vadd.f32 v9, v6;
	s23 =	sadd.s32 $0x400, s23  }
0x69a: {  	_ =	sdelay $0x1  }
0x69b: {  	v1 =	vadd.f32 v3, v1  }
0x69c: {  	[tilespmem:s20+$0x0] =	vst v6;
	v2 =	vadd.f32 v4, v2  }
0x69d: {  	[tilespmem:s20+$0x10] =	vst v1;
	v0 =	vadd.f32 v0, v5  }
0x69e: {  	[tilespmem:s20+$0x20] =	vst v2  }
0x69f: {  	[tilespmem:s20+$0xFFFFFFC0] =	vst v0  }
0x6a0: {  	v1 =	vld [tilespmem:s18+$0x0]  }
0x6a1: {  	v2 =	vld [tilespmem:s13+$0x0]  }
0x6a2: {  	v0 =	vld [tilespmem:s13+$0xFFFFFF90]  }
0x6a3: {  	v3 =	vld [tilespmem:s18+$0xFFFFFFA0]  }
0x6a4: {  	v4 =	vld [tilespmem:s13+$0xFFFFFFA0]  }
0x6a5: {  	v5 =	vld [tilespmem:s18+$0xFFFFFFB0]  }
0x6a6: {  	v6 =	vld [tilespmem:s13+$0xFFFFFFB0]  }
0x6a7: {  	v7 =	vld [tilespmem:s18+$0xFFFFFFC0]  }
0x6a8: {  	v8 =	vld [tilespmem:s13+$0xFFFFFFC0]  }
0x6a9: {  	v9 =	vld [tilespmem:s18+$0xFFFFFFD0]  }
0x6aa: {  	v10 =	vld [tilespmem:s13+$0xFFFFFFD0];
	v2 =	vadd.f32 v2, v1  }
0x6ab: {  	v4 =	vadd.f32 v4, v3;
	v1 =	vld [tilespmem:s18+$0xFFFFFFE0]  }
0x6ac: {  	v5 =	vadd.f32 v6, v5;
	v3 =	vld [tilespmem:s13+$0xFFFFFFE0];
	[tilespmem:s12+$0x0] =	vst v2  }
0x6ad: {  	v6 =	vadd.f32 v8, v7;
	[tilespmem:s12+$0xFFFFFFA0] =	vst v4;
	v2 =	vld [tilespmem:s18+$0xFFFFFFF0]  }
0x6ae: {  	[tilespmem:s12+$0xFFFFFFB0] =	vst v5;
	v4 =	vld [tilespmem:s13+$0xFFFFFFF0]  }
0x6af: {  	s3 =	simm.s32 $0x0;
	s23 =	simm.s32 $0x16170;
	s20 =	simm.s32 $0x64F0;
	v5 =	vld [tilespmem:s18+$0xFFFFFF90];
	[tilespmem:s12+$0xFFFFFFC0] =	vst v6;
	v6 =	vadd.f32 v10, v9  }
.LBB2_89:
0x6b0: {  	v7 =	vld [tilespmem:s20+$0x0];
	s13 =	sadd.s32 $0x400, s13  }
0x6b1: {  	s3 =	sadd.s32 $0x80, s3;
	v8 =	vld [tilespmem:s13+$0x0];
	[tilespmem:s12+$0xFFFFFFD0] =	vst v6;
	v1 =	vadd.f32 v3, v1  }
0x6b2: {  	p3 =	slt.u32 s3, $0x380;
	v3 =	vld [tilespmem:s13+$0xFFFFFF90]  }
0x6b3: {  	v6 =	vld [tilespmem:s20+$0xFFFFFFA0];
	[tilespmem:s12+$0xFFFFFFE0] =	vst v1;
	v1 =	vadd.f32 v4, v2  }
0x6b4: {  	v2 =	vld [tilespmem:s13+$0xFFFFFFA0];
	v9 =	vadd.f32 v0, v5  }
0x6b5: {  	v4 =	vld [tilespmem:s20+$0xFFFFFFB0];
	[tilespmem:s12+$0xFFFFFFF0] =	vst v1  }
0x6b6: {  	v1 =	vld [tilespmem:s13+$0xFFFFFFB0];
	v5 =	vadd.f32 v8, v7;
	[tilespmem:s12+$0xFFFFFF90] =	vst v9  }
0x6b7: {  	s17 =	simm.s32 $0x6170;
	s12 =	sadd.s32 $0x400, s12;
	v7 =	vld [tilespmem:s20+$0xFFFFFFC0];
	v0 =	vmov v3  }
0x6b8: {  	s24 =	simm.s32 $0x2170;
	v8 =	vld [tilespmem:s13+$0xFFFFFFC0];
	[tilespmem:s12+$0x0] =	vst v5  }
0x6b9: {  	v2 =	vadd.f32 v2, v6;
	v6 =	vld [tilespmem:s20+$0xFFFFFFD0]  }
0x6ba: {  	v9 =	vld [tilespmem:s13+$0xFFFFFFD0]  }
.Ltmp46:
0x6bb: {  	[tilespmem:s12+$0xFFFFFFA0] =	vst v2;
	v2 =	vadd.f32 v1, v4;
	v1 =	vld [tilespmem:s20+$0xFFFFFFE0];
	(pc) =	sbr.rel @p3 .LBB2_89-.Ltmp46, $4  }
0x6bc: {  	v3 =	vld [tilespmem:s13+$0xFFFFFFE0]  }
0x6bd: {  	[tilespmem:s12+$0xFFFFFFB0] =	vst v2;
	v7 =	vadd.f32 v8, v7;
	v2 =	vld [tilespmem:s20+$0xFFFFFFF0]  }
0x6be: {  	v4 =	vld [tilespmem:s13+$0xFFFFFFF0]  }
0x6bf: {  	v5 =	vld [tilespmem:s20+$0xFFFFFF90];
	[tilespmem:s12+$0xFFFFFFC0] =	vst v7;
	v6 =	vadd.f32 v9, v6;
	s20 =	sadd.s32 $0x400, s20  }
0x6c0: {  	_ =	sdelay $0x1  }
0x6c1: {  	v1 =	vadd.f32 v3, v1  }
0x6c2: {  	[tilespmem:s12+$0xFFFFFFD0] =	vst v6;
	v2 =	vadd.f32 v4, v2  }
0x6c3: {  	[tilespmem:s12+$0xFFFFFFE0] =	vst v1;
	v0 =	vadd.f32 v0, v5  }
0x6c4: {  	[tilespmem:s12+$0xFFFFFFF0] =	vst v2  }
0x6c5: {  	[tilespmem:s12+$0xFFFFFF90] =	vst v0  }
0x6c6: {  	v1 =	vld [tilespmem:s17+$0x0]  }
0x6c7: {  	v2 =	vld [tilespmem:s24+$0x0]  }
0x6c8: {  	v0 =	vld [tilespmem:s24+$0xFFFFFF90]  }
0x6c9: {  	v3 =	vld [tilespmem:s17+$0xFFFFFFA0]  }
0x6ca: {  	v4 =	vld [tilespmem:s24+$0xFFFFFFA0]  }
0x6cb: {  	v5 =	vld [tilespmem:s17+$0xFFFFFFB0]  }
0x6cc: {  	v6 =	vld [tilespmem:s24+$0xFFFFFFB0]  }
0x6cd: {  	v7 =	vld [tilespmem:s17+$0xFFFFFFC0]  }
0x6ce: {  	v8 =	vld [tilespmem:s24+$0xFFFFFFC0]  }
0x6cf: {  	v9 =	vld [tilespmem:s17+$0xFFFFFFD0]  }
0x6d0: {  	v10 =	vld [tilespmem:s24+$0xFFFFFFD0];
	v2 =	vadd.f32 v2, v1  }
0x6d1: {  	v4 =	vadd.f32 v4, v3;
	v1 =	vld [tilespmem:s17+$0xFFFFFFE0]  }
0x6d2: {  	v5 =	vadd.f32 v6, v5;
	v3 =	vld [tilespmem:s24+$0xFFFFFFE0];
	[tilespmem:s23+$0x0] =	vst v2  }
0x6d3: {  	v6 =	vadd.f32 v8, v7;
	[tilespmem:s23+$0xFFFFFFA0] =	vst v4;
	v2 =	vld [tilespmem:s17+$0xFFFFFFF0]  }
0x6d4: {  	[tilespmem:s23+$0xFFFFFFB0] =	vst v5;
	v4 =	vld [tilespmem:s24+$0xFFFFFFF0]  }
0x6d5: {  	s3 =	simm.s32 $0x0;
	s12 =	simm.s32 $0x161F0;
	v5 =	vld [tilespmem:s17+$0xFFFFFF90];
	[tilespmem:s23+$0xFFFFFFC0] =	vst v6;
	v6 =	vadd.f32 v10, v9;
	s17 =	simm.s32 $0x6570  }
.LBB2_91:
0x6d6: {  	v7 =	vld [tilespmem:s17+$0x0];
	s24 =	sadd.s32 $0x400, s24  }
0x6d7: {  	s3 =	sadd.s32 $0x80, s3;
	v8 =	vld [tilespmem:s24+$0x0];
	[tilespmem:s23+$0xFFFFFFD0] =	vst v6;
	v1 =	vadd.f32 v3, v1  }
0x6d8: {  	p3 =	slt.u32 s3, $0x380;
	v3 =	vld [tilespmem:s24+$0xFFFFFF90]  }
0x6d9: {  	v6 =	vld [tilespmem:s17+$0xFFFFFFA0];
	[tilespmem:s23+$0xFFFFFFE0] =	vst v1;
	v1 =	vadd.f32 v4, v2  }
0x6da: {  	v2 =	vld [tilespmem:s24+$0xFFFFFFA0];
	v9 =	vadd.f32 v0, v5  }
0x6db: {  	v4 =	vld [tilespmem:s17+$0xFFFFFFB0];
	[tilespmem:s23+$0xFFFFFFF0] =	vst v1  }
0x6dc: {  	v1 =	vld [tilespmem:s24+$0xFFFFFFB0];
	v5 =	vadd.f32 v8, v7;
	[tilespmem:s23+$0xFFFFFF90] =	vst v9  }
0x6dd: {  	s23 =	sadd.s32 $0x400, s23;
	v7 =	vld [tilespmem:s17+$0xFFFFFFC0];
	v0 =	vmov v3  }
0x6de: {  	s13 =	simm.s32 $0x21F0;
	s18 =	simm.s32 $0x61F0;
	v8 =	vld [tilespmem:s24+$0xFFFFFFC0];
	[tilespmem:s23+$0x0] =	vst v5  }
0x6df: {  	v2 =	vadd.f32 v2, v6;
	v6 =	vld [tilespmem:s17+$0xFFFFFFD0]  }
0x6e0: {  	v9 =	vld [tilespmem:s24+$0xFFFFFFD0]  }
.Ltmp47:
0x6e1: {  	[tilespmem:s23+$0xFFFFFFA0] =	vst v2;
	v2 =	vadd.f32 v1, v4;
	v1 =	vld [tilespmem:s17+$0xFFFFFFE0];
	(pc) =	sbr.rel @p3 .LBB2_91-.Ltmp47, $4  }
0x6e2: {  	v3 =	vld [tilespmem:s24+$0xFFFFFFE0]  }
0x6e3: {  	[tilespmem:s23+$0xFFFFFFB0] =	vst v2;
	v7 =	vadd.f32 v8, v7;
	v2 =	vld [tilespmem:s17+$0xFFFFFFF0]  }
0x6e4: {  	v4 =	vld [tilespmem:s24+$0xFFFFFFF0]  }
0x6e5: {  	v5 =	vld [tilespmem:s17+$0xFFFFFF90];
	[tilespmem:s23+$0xFFFFFFC0] =	vst v7;
	v6 =	vadd.f32 v9, v6;
	s17 =	sadd.s32 $0x400, s17  }
0x6e6: {  	_ =	sdelay $0x1  }
0x6e7: {  	v1 =	vadd.f32 v3, v1  }
0x6e8: {  	[tilespmem:s23+$0xFFFFFFD0] =	vst v6;
	v2 =	vadd.f32 v4, v2  }
0x6e9: {  	[tilespmem:s23+$0xFFFFFFE0] =	vst v1;
	v0 =	vadd.f32 v0, v5  }
0x6ea: {  	[tilespmem:s23+$0xFFFFFFF0] =	vst v2  }
0x6eb: {  	[tilespmem:s23+$0xFFFFFF90] =	vst v0  }
0x6ec: {  	v1 =	vld [tilespmem:s18+$0x0]  }
0x6ed: {  	v2 =	vld [tilespmem:s13+$0x0]  }
0x6ee: {  	v0 =	vld [tilespmem:s13+$0xFFFFFF90]  }
0x6ef: {  	v3 =	vld [tilespmem:s18+$0xFFFFFFA0]  }
0x6f0: {  	v4 =	vld [tilespmem:s13+$0xFFFFFFA0]  }
0x6f1: {  	v5 =	vld [tilespmem:s18+$0xFFFFFFB0]  }
0x6f2: {  	v6 =	vld [tilespmem:s13+$0xFFFFFFB0]  }
0x6f3: {  	v7 =	vld [tilespmem:s18+$0xFFFFFFC0]  }
0x6f4: {  	v8 =	vld [tilespmem:s13+$0xFFFFFFC0]  }
0x6f5: {  	v9 =	vld [tilespmem:s18+$0xFFFFFFD0]  }
0x6f6: {  	v10 =	vld [tilespmem:s13+$0xFFFFFFD0];
	v2 =	vadd.f32 v2, v1  }
0x6f7: {  	v4 =	vadd.f32 v4, v3;
	v1 =	vld [tilespmem:s18+$0xFFFFFFE0]  }
0x6f8: {  	v5 =	vadd.f32 v6, v5;
	v3 =	vld [tilespmem:s13+$0xFFFFFFE0];
	[tilespmem:s12+$0x0] =	vst v2  }
0x6f9: {  	v6 =	vadd.f32 v8, v7;
	[tilespmem:s12+$0xFFFFFFA0] =	vst v4;
	v2 =	vld [tilespmem:s18+$0xFFFFFFF0]  }
0x6fa: {  	[tilespmem:s12+$0xFFFFFFB0] =	vst v5;
	v4 =	vld [tilespmem:s13+$0xFFFFFFF0]  }
0x6fb: {  	s3 =	simm.s32 $0x0;
	s20 =	simm.s32 $0x65F0;
	s23 =	simm.s32 $0x16270;
	v5 =	vld [tilespmem:s18+$0xFFFFFF90];
	[tilespmem:s12+$0xFFFFFFC0] =	vst v6;
	v6 =	vadd.f32 v10, v9  }
.LBB2_93:
0x6fc: {  	v7 =	vld [tilespmem:s20+$0x0];
	s13 =	sadd.s32 $0x400, s13  }
0x6fd: {  	s3 =	sadd.s32 $0x80, s3;
	v8 =	vld [tilespmem:s13+$0x0];
	[tilespmem:s12+$0xFFFFFFD0] =	vst v6;
	v1 =	vadd.f32 v3, v1  }
0x6fe: {  	p3 =	slt.u32 s3, $0x380;
	v3 =	vld [tilespmem:s13+$0xFFFFFF90]  }
0x6ff: {  	v6 =	vld [tilespmem:s20+$0xFFFFFFA0];
	[tilespmem:s12+$0xFFFFFFE0] =	vst v1;
	v1 =	vadd.f32 v4, v2  }
0x700: {  	v2 =	vld [tilespmem:s13+$0xFFFFFFA0];
	v9 =	vadd.f32 v0, v5  }
0x701: {  	v4 =	vld [tilespmem:s20+$0xFFFFFFB0];
	[tilespmem:s12+$0xFFFFFFF0] =	vst v1  }
0x702: {  	v1 =	vld [tilespmem:s13+$0xFFFFFFB0];
	v5 =	vadd.f32 v8, v7;
	[tilespmem:s12+$0xFFFFFF90] =	vst v9  }
0x703: {  	s17 =	simm.s32 $0x6270;
	s12 =	sadd.s32 $0x400, s12;
	v7 =	vld [tilespmem:s20+$0xFFFFFFC0];
	v0 =	vmov v3  }
0x704: {  	s24 =	simm.s32 $0x2270;
	v8 =	vld [tilespmem:s13+$0xFFFFFFC0];
	[tilespmem:s12+$0x0] =	vst v5  }
0x705: {  	v2 =	vadd.f32 v2, v6;
	v6 =	vld [tilespmem:s20+$0xFFFFFFD0]  }
0x706: {  	v9 =	vld [tilespmem:s13+$0xFFFFFFD0]  }
.Ltmp48:
0x707: {  	[tilespmem:s12+$0xFFFFFFA0] =	vst v2;
	v2 =	vadd.f32 v1, v4;
	v1 =	vld [tilespmem:s20+$0xFFFFFFE0];
	(pc) =	sbr.rel @p3 .LBB2_93-.Ltmp48, $4  }
0x708: {  	v3 =	vld [tilespmem:s13+$0xFFFFFFE0]  }
0x709: {  	[tilespmem:s12+$0xFFFFFFB0] =	vst v2;
	v7 =	vadd.f32 v8, v7;
	v2 =	vld [tilespmem:s20+$0xFFFFFFF0]  }
0x70a: {  	v4 =	vld [tilespmem:s13+$0xFFFFFFF0]  }
0x70b: {  	v5 =	vld [tilespmem:s20+$0xFFFFFF90];
	[tilespmem:s12+$0xFFFFFFC0] =	vst v7;
	v6 =	vadd.f32 v9, v6;
	s20 =	sadd.s32 $0x400, s20  }
0x70c: {  	_ =	sdelay $0x1  }
0x70d: {  	v1 =	vadd.f32 v3, v1  }
0x70e: {  	[tilespmem:s12+$0xFFFFFFD0] =	vst v6;
	v2 =	vadd.f32 v4, v2  }
0x70f: {  	[tilespmem:s12+$0xFFFFFFE0] =	vst v1;
	v0 =	vadd.f32 v0, v5  }
0x710: {  	[tilespmem:s12+$0xFFFFFFF0] =	vst v2  }
0x711: {  	[tilespmem:s12+$0xFFFFFF90] =	vst v0  }
0x712: {  	v1 =	vld [tilespmem:s17+$0x0]  }
0x713: {  	v2 =	vld [tilespmem:s24+$0x0]  }
0x714: {  	v0 =	vld [tilespmem:s24+$0xFFFFFF90]  }
0x715: {  	v3 =	vld [tilespmem:s17+$0xFFFFFFA0]  }
0x716: {  	v4 =	vld [tilespmem:s24+$0xFFFFFFA0]  }
0x717: {  	v5 =	vld [tilespmem:s17+$0xFFFFFFB0]  }
0x718: {  	v6 =	vld [tilespmem:s24+$0xFFFFFFB0]  }
0x719: {  	v7 =	vld [tilespmem:s17+$0xFFFFFFC0]  }
0x71a: {  	v8 =	vld [tilespmem:s24+$0xFFFFFFC0]  }
0x71b: {  	v9 =	vld [tilespmem:s17+$0xFFFFFFD0]  }
0x71c: {  	v10 =	vld [tilespmem:s24+$0xFFFFFFD0];
	v2 =	vadd.f32 v2, v1  }
0x71d: {  	v4 =	vadd.f32 v4, v3;
	v1 =	vld [tilespmem:s17+$0xFFFFFFE0]  }
0x71e: {  	v5 =	vadd.f32 v6, v5;
	v3 =	vld [tilespmem:s24+$0xFFFFFFE0];
	[tilespmem:s23+$0x0] =	vst v2  }
0x71f: {  	v6 =	vadd.f32 v8, v7;
	[tilespmem:s23+$0xFFFFFFA0] =	vst v4;
	v2 =	vld [tilespmem:s17+$0xFFFFFFF0]  }
0x720: {  	[tilespmem:s23+$0xFFFFFFB0] =	vst v5;
	v4 =	vld [tilespmem:s24+$0xFFFFFFF0]  }
0x721: {  	s3 =	simm.s32 $0x0;
	s12 =	simm.s32 $0x162F0;
	v5 =	vld [tilespmem:s17+$0xFFFFFF90];
	[tilespmem:s23+$0xFFFFFFC0] =	vst v6;
	v6 =	vadd.f32 v10, v9;
	s17 =	simm.s32 $0x6670  }
.LBB2_95:
0x722: {  	v7 =	vld [tilespmem:s17+$0x0];
	s24 =	sadd.s32 $0x400, s24  }
0x723: {  	s3 =	sadd.s32 $0x80, s3;
	v8 =	vld [tilespmem:s24+$0x0];
	[tilespmem:s23+$0xFFFFFFD0] =	vst v6;
	v1 =	vadd.f32 v3, v1  }
0x724: {  	p3 =	slt.u32 s3, $0x380;
	v3 =	vld [tilespmem:s24+$0xFFFFFF90]  }
0x725: {  	v6 =	vld [tilespmem:s17+$0xFFFFFFA0];
	[tilespmem:s23+$0xFFFFFFE0] =	vst v1;
	v1 =	vadd.f32 v4, v2  }
0x726: {  	v2 =	vld [tilespmem:s24+$0xFFFFFFA0];
	v9 =	vadd.f32 v0, v5  }
0x727: {  	v4 =	vld [tilespmem:s17+$0xFFFFFFB0];
	[tilespmem:s23+$0xFFFFFFF0] =	vst v1  }
0x728: {  	v1 =	vld [tilespmem:s24+$0xFFFFFFB0];
	v5 =	vadd.f32 v8, v7;
	[tilespmem:s23+$0xFFFFFF90] =	vst v9  }
0x729: {  	s23 =	sadd.s32 $0x400, s23;
	v7 =	vld [tilespmem:s17+$0xFFFFFFC0];
	v0 =	vmov v3  }
0x72a: {  	s13 =	simm.s32 $0x22F0;
	s18 =	simm.s32 $0x62F0;
	v8 =	vld [tilespmem:s24+$0xFFFFFFC0];
	[tilespmem:s23+$0x0] =	vst v5  }
0x72b: {  	v2 =	vadd.f32 v2, v6;
	v6 =	vld [tilespmem:s17+$0xFFFFFFD0]  }
0x72c: {  	v9 =	vld [tilespmem:s24+$0xFFFFFFD0]  }
.Ltmp49:
0x72d: {  	[tilespmem:s23+$0xFFFFFFA0] =	vst v2;
	v2 =	vadd.f32 v1, v4;
	v1 =	vld [tilespmem:s17+$0xFFFFFFE0];
	(pc) =	sbr.rel @p3 .LBB2_95-.Ltmp49, $4  }
0x72e: {  	v3 =	vld [tilespmem:s24+$0xFFFFFFE0]  }
0x72f: {  	[tilespmem:s23+$0xFFFFFFB0] =	vst v2;
	v7 =	vadd.f32 v8, v7;
	v2 =	vld [tilespmem:s17+$0xFFFFFFF0]  }
0x730: {  	v4 =	vld [tilespmem:s24+$0xFFFFFFF0]  }
0x731: {  	v5 =	vld [tilespmem:s17+$0xFFFFFF90];
	[tilespmem:s23+$0xFFFFFFC0] =	vst v7;
	v6 =	vadd.f32 v9, v6;
	s17 =	sadd.s32 $0x400, s17  }
0x732: {  	_ =	sdelay $0x1  }
0x733: {  	v1 =	vadd.f32 v3, v1  }
0x734: {  	[tilespmem:s23+$0xFFFFFFD0] =	vst v6;
	v2 =	vadd.f32 v4, v2  }
0x735: {  	[tilespmem:s23+$0xFFFFFFE0] =	vst v1;
	v0 =	vadd.f32 v0, v5  }
0x736: {  	[tilespmem:s23+$0xFFFFFFF0] =	vst v2  }
0x737: {  	[tilespmem:s23+$0xFFFFFF90] =	vst v0  }
0x738: {  	v1 =	vld [tilespmem:s18+$0x0]  }
0x739: {  	v2 =	vld [tilespmem:s13+$0x0]  }
0x73a: {  	v0 =	vld [tilespmem:s13+$0xFFFFFF90]  }
0x73b: {  	v3 =	vld [tilespmem:s18+$0xFFFFFFA0]  }
0x73c: {  	v4 =	vld [tilespmem:s13+$0xFFFFFFA0]  }
0x73d: {  	v5 =	vld [tilespmem:s18+$0xFFFFFFB0]  }
0x73e: {  	v6 =	vld [tilespmem:s13+$0xFFFFFFB0]  }
0x73f: {  	v7 =	vld [tilespmem:s18+$0xFFFFFFC0]  }
0x740: {  	v8 =	vld [tilespmem:s13+$0xFFFFFFC0]  }
0x741: {  	v9 =	vld [tilespmem:s18+$0xFFFFFFD0]  }
0x742: {  	v10 =	vld [tilespmem:s13+$0xFFFFFFD0];
	v2 =	vadd.f32 v2, v1  }
0x743: {  	v4 =	vadd.f32 v4, v3;
	v1 =	vld [tilespmem:s18+$0xFFFFFFE0]  }
0x744: {  	v5 =	vadd.f32 v6, v5;
	v3 =	vld [tilespmem:s13+$0xFFFFFFE0];
	[tilespmem:s12+$0x0] =	vst v2  }
0x745: {  	v6 =	vadd.f32 v8, v7;
	[tilespmem:s12+$0xFFFFFFA0] =	vst v4;
	v2 =	vld [tilespmem:s18+$0xFFFFFFF0]  }
0x746: {  	[tilespmem:s12+$0xFFFFFFB0] =	vst v5;
	v4 =	vld [tilespmem:s13+$0xFFFFFFF0]  }
0x747: {  	s3 =	simm.s32 $0x0;
	s20 =	simm.s32 $0x66F0;
	s23 =	simm.s32 $0x16370;
	v5 =	vld [tilespmem:s18+$0xFFFFFF90];
	[tilespmem:s12+$0xFFFFFFC0] =	vst v6;
	v6 =	vadd.f32 v10, v9  }
.LBB2_97:
0x748: {  	v7 =	vld [tilespmem:s20+$0x0];
	s13 =	sadd.s32 $0x400, s13  }
0x749: {  	s3 =	sadd.s32 $0x80, s3;
	v8 =	vld [tilespmem:s13+$0x0];
	[tilespmem:s12+$0xFFFFFFD0] =	vst v6;
	v1 =	vadd.f32 v3, v1  }
0x74a: {  	p3 =	slt.u32 s3, $0x380;
	v3 =	vld [tilespmem:s13+$0xFFFFFF90]  }
0x74b: {  	v6 =	vld [tilespmem:s20+$0xFFFFFFA0];
	[tilespmem:s12+$0xFFFFFFE0] =	vst v1;
	v1 =	vadd.f32 v4, v2  }
0x74c: {  	v2 =	vld [tilespmem:s13+$0xFFFFFFA0];
	v9 =	vadd.f32 v0, v5  }
0x74d: {  	v4 =	vld [tilespmem:s20+$0xFFFFFFB0];
	[tilespmem:s12+$0xFFFFFFF0] =	vst v1  }
0x74e: {  	v1 =	vld [tilespmem:s13+$0xFFFFFFB0];
	v5 =	vadd.f32 v8, v7;
	[tilespmem:s12+$0xFFFFFF90] =	vst v9  }
0x74f: {  	s17 =	simm.s32 $0x6370;
	s12 =	sadd.s32 $0x400, s12;
	v7 =	vld [tilespmem:s20+$0xFFFFFFC0];
	v0 =	vmov v3  }
0x750: {  	s24 =	simm.s32 $0x2370;
	v8 =	vld [tilespmem:s13+$0xFFFFFFC0];
	[tilespmem:s12+$0x0] =	vst v5  }
0x751: {  	v2 =	vadd.f32 v2, v6;
	v6 =	vld [tilespmem:s20+$0xFFFFFFD0]  }
0x752: {  	v9 =	vld [tilespmem:s13+$0xFFFFFFD0]  }
.Ltmp50:
0x753: {  	[tilespmem:s12+$0xFFFFFFA0] =	vst v2;
	v2 =	vadd.f32 v1, v4;
	v1 =	vld [tilespmem:s20+$0xFFFFFFE0];
	(pc) =	sbr.rel @p3 .LBB2_97-.Ltmp50, $4  }
0x754: {  	v3 =	vld [tilespmem:s13+$0xFFFFFFE0]  }
0x755: {  	[tilespmem:s12+$0xFFFFFFB0] =	vst v2;
	v7 =	vadd.f32 v8, v7;
	v2 =	vld [tilespmem:s20+$0xFFFFFFF0]  }
0x756: {  	v4 =	vld [tilespmem:s13+$0xFFFFFFF0]  }
0x757: {  	v5 =	vld [tilespmem:s20+$0xFFFFFF90];
	[tilespmem:s12+$0xFFFFFFC0] =	vst v7;
	v6 =	vadd.f32 v9, v6;
	s20 =	sadd.s32 $0x400, s20  }
0x758: {  	_ =	sdelay $0x1  }
0x759: {  	v1 =	vadd.f32 v3, v1  }
0x75a: {  	[tilespmem:s12+$0xFFFFFFD0] =	vst v6;
	v2 =	vadd.f32 v4, v2  }
0x75b: {  	[tilespmem:s12+$0xFFFFFFE0] =	vst v1;
	v0 =	vadd.f32 v0, v5  }
0x75c: {  	[tilespmem:s12+$0xFFFFFFF0] =	vst v2  }
0x75d: {  	[tilespmem:s12+$0xFFFFFF90] =	vst v0  }
0x75e: {  	v1 =	vld [tilespmem:s17+$0x0]  }
0x75f: {  	v2 =	vld [tilespmem:s24+$0x0]  }
0x760: {  	v0 =	vld [tilespmem:s24+$0xFFFFFF90]  }
0x761: {  	v3 =	vld [tilespmem:s17+$0xFFFFFFA0]  }
0x762: {  	v4 =	vld [tilespmem:s24+$0xFFFFFFA0]  }
0x763: {  	v5 =	vld [tilespmem:s17+$0xFFFFFFB0]  }
0x764: {  	v6 =	vld [tilespmem:s24+$0xFFFFFFB0]  }
0x765: {  	v7 =	vld [tilespmem:s17+$0xFFFFFFC0]  }
0x766: {  	v8 =	vld [tilespmem:s24+$0xFFFFFFC0]  }
0x767: {  	v9 =	vld [tilespmem:s17+$0xFFFFFFD0]  }
0x768: {  	v10 =	vld [tilespmem:s24+$0xFFFFFFD0];
	v2 =	vadd.f32 v2, v1  }
0x769: {  	v4 =	vadd.f32 v4, v3;
	v1 =	vld [tilespmem:s17+$0xFFFFFFE0]  }
0x76a: {  	v5 =	vadd.f32 v6, v5;
	v3 =	vld [tilespmem:s24+$0xFFFFFFE0];
	[tilespmem:s23+$0x0] =	vst v2  }
0x76b: {  	v6 =	vadd.f32 v8, v7;
	[tilespmem:s23+$0xFFFFFFA0] =	vst v4;
	v2 =	vld [tilespmem:s17+$0xFFFFFFF0]  }
0x76c: {  	[tilespmem:s23+$0xFFFFFFB0] =	vst v5;
	v4 =	vld [tilespmem:s24+$0xFFFFFFF0]  }
0x76d: {  	s3 =	simm.s32 $0x0;
	s12 =	simm.s32 $0x163F0;
	v5 =	vld [tilespmem:s17+$0xFFFFFF90];
	[tilespmem:s23+$0xFFFFFFC0] =	vst v6;
	v6 =	vadd.f32 v10, v9;
	s17 =	simm.s32 $0x6770  }
.LBB2_99:
0x76e: {  	v7 =	vld [tilespmem:s17+$0x0];
	s24 =	sadd.s32 $0x400, s24  }
0x76f: {  	s3 =	sadd.s32 $0x80, s3;
	v8 =	vld [tilespmem:s24+$0x0];
	[tilespmem:s23+$0xFFFFFFD0] =	vst v6;
	v1 =	vadd.f32 v3, v1  }
0x770: {  	p3 =	slt.u32 s3, $0x380;
	v3 =	vld [tilespmem:s24+$0xFFFFFF90]  }
0x771: {  	v6 =	vld [tilespmem:s17+$0xFFFFFFA0];
	[tilespmem:s23+$0xFFFFFFE0] =	vst v1;
	v1 =	vadd.f32 v4, v2  }
0x772: {  	v2 =	vld [tilespmem:s24+$0xFFFFFFA0];
	v9 =	vadd.f32 v0, v5  }
0x773: {  	v4 =	vld [tilespmem:s17+$0xFFFFFFB0];
	[tilespmem:s23+$0xFFFFFFF0] =	vst v1  }
0x774: {  	v1 =	vld [tilespmem:s24+$0xFFFFFFB0];
	v5 =	vadd.f32 v8, v7;
	[tilespmem:s23+$0xFFFFFF90] =	vst v9  }
0x775: {  	s23 =	sadd.s32 $0x400, s23;
	v7 =	vld [tilespmem:s17+$0xFFFFFFC0];
	v0 =	vmov v3  }
0x776: {  	s13 =	simm.s32 $0x23F0;
	s18 =	simm.s32 $0x63F0;
	v8 =	vld [tilespmem:s24+$0xFFFFFFC0];
	[tilespmem:s23+$0x0] =	vst v5  }
0x777: {  	v2 =	vadd.f32 v2, v6;
	v6 =	vld [tilespmem:s17+$0xFFFFFFD0]  }
0x778: {  	v9 =	vld [tilespmem:s24+$0xFFFFFFD0]  }
.Ltmp51:
0x779: {  	[tilespmem:s23+$0xFFFFFFA0] =	vst v2;
	v2 =	vadd.f32 v1, v4;
	v1 =	vld [tilespmem:s17+$0xFFFFFFE0];
	(pc) =	sbr.rel @p3 .LBB2_99-.Ltmp51, $4  }
0x77a: {  	v3 =	vld [tilespmem:s24+$0xFFFFFFE0]  }
0x77b: {  	[tilespmem:s23+$0xFFFFFFB0] =	vst v2;
	v7 =	vadd.f32 v8, v7;
	v2 =	vld [tilespmem:s17+$0xFFFFFFF0]  }
0x77c: {  	v4 =	vld [tilespmem:s24+$0xFFFFFFF0]  }
0x77d: {  	v5 =	vld [tilespmem:s17+$0xFFFFFF90];
	[tilespmem:s23+$0xFFFFFFC0] =	vst v7;
	v6 =	vadd.f32 v9, v6;
	s17 =	sadd.s32 $0x400, s17  }
0x77e: {  	_ =	sdelay $0x1  }
0x77f: {  	v1 =	vadd.f32 v3, v1  }
0x780: {  	[tilespmem:s23+$0xFFFFFFD0] =	vst v6;
	v2 =	vadd.f32 v4, v2  }
0x781: {  	[tilespmem:s23+$0xFFFFFFE0] =	vst v1;
	v0 =	vadd.f32 v0, v5  }
0x782: {  	[tilespmem:s23+$0xFFFFFFF0] =	vst v2  }
0x783: {  	[tilespmem:s23+$0xFFFFFF90] =	vst v0  }
0x784: {  	v1 =	vld [tilespmem:s18+$0x0]  }
0x785: {  	v2 =	vld [tilespmem:s13+$0x0]  }
0x786: {  	v0 =	vld [tilespmem:s13+$0xFFFFFF90]  }
0x787: {  	v3 =	vld [tilespmem:s18+$0xFFFFFFA0]  }
0x788: {  	v4 =	vld [tilespmem:s13+$0xFFFFFFA0]  }
0x789: {  	v5 =	vld [tilespmem:s18+$0xFFFFFFB0]  }
0x78a: {  	v6 =	vld [tilespmem:s13+$0xFFFFFFB0]  }
0x78b: {  	v7 =	vld [tilespmem:s18+$0xFFFFFFC0]  }
0x78c: {  	v8 =	vld [tilespmem:s13+$0xFFFFFFC0]  }
0x78d: {  	v9 =	vld [tilespmem:s18+$0xFFFFFFD0]  }
0x78e: {  	v10 =	vld [tilespmem:s13+$0xFFFFFFD0];
	v2 =	vadd.f32 v2, v1  }
0x78f: {  	v4 =	vadd.f32 v4, v3;
	v1 =	vld [tilespmem:s18+$0xFFFFFFE0]  }
0x790: {  	v5 =	vadd.f32 v6, v5;
	v3 =	vld [tilespmem:s13+$0xFFFFFFE0];
	[tilespmem:s12+$0x0] =	vst v2  }
0x791: {  	v6 =	vadd.f32 v8, v7;
	[tilespmem:s12+$0xFFFFFFA0] =	vst v4;
	v2 =	vld [tilespmem:s18+$0xFFFFFFF0]  }
0x792: {  	[tilespmem:s12+$0xFFFFFFB0] =	vst v5;
	v5 =	vld [tilespmem:s13+$0xFFFFFFF0]  }
0x793: {  	s3 =	simm.s32 $0x0;
	s17 =	simm.s32 $0x67F0;
	v4 =	vld [tilespmem:s18+$0xFFFFFF90];
	[tilespmem:s12+$0xFFFFFFC0] =	vst v6;
	v6 =	vadd.f32 v10, v9  }
.LBB2_101:
0x794: {  	v7 =	vld [tilespmem:s17+$0x0];
	s13 =	sadd.s32 $0x400, s13  }
0x795: {  	s3 =	sadd.s32 $0x80, s3;
	v8 =	vld [tilespmem:s13+$0x0];
	[tilespmem:s12+$0xFFFFFFD0] =	vst v6;
	v1 =	vadd.f32 v3, v1  }
0x796: {  	p3 =	slt.u32 s3, $0x380;
	v3 =	vld [tilespmem:s13+$0xFFFFFF90]  }
0x797: {  	v6 =	vld [tilespmem:s17+$0xFFFFFFA0];
	[tilespmem:s12+$0xFFFFFFE0] =	vst v1;
	v1 =	vadd.f32 v5, v2  }
0x798: {  	v2 =	vld [tilespmem:s13+$0xFFFFFFA0];
	v9 =	vadd.f32 v0, v4  }
0x799: {  	v4 =	vld [tilespmem:s17+$0xFFFFFFB0];
	[tilespmem:s12+$0xFFFFFFF0] =	vst v1  }
0x79a: {  	v1 =	vld [tilespmem:s13+$0xFFFFFFB0];
	v5 =	vadd.f32 v8, v7;
	[tilespmem:s12+$0xFFFFFF90] =	vst v9  }
0x79b: {  	s12 =	sadd.s32 $0x400, s12;
	v7 =	vld [tilespmem:s17+$0xFFFFFFC0];
	v0 =	vmov v3  }
0x79c: {  	v8 =	vld [tilespmem:s13+$0xFFFFFFC0];
	[tilespmem:s12+$0x0] =	vst v5  }
0x79d: {  	v2 =	vadd.f32 v2, v6;
	v6 =	vld [tilespmem:s17+$0xFFFFFFD0]  }
0x79e: {  	v9 =	vld [tilespmem:s13+$0xFFFFFFD0]  }
.Ltmp52:
0x79f: {  	[tilespmem:s12+$0xFFFFFFA0] =	vst v2;
	v2 =	vadd.f32 v1, v4;
	v1 =	vld [tilespmem:s17+$0xFFFFFFE0];
	(pc) =	sbr.rel @p3 .LBB2_101-.Ltmp52, $4  }
0x7a0: {  	v3 =	vld [tilespmem:s13+$0xFFFFFFE0]  }
0x7a1: {  	[tilespmem:s12+$0xFFFFFFB0] =	vst v2;
	v7 =	vadd.f32 v8, v7;
	v2 =	vld [tilespmem:s17+$0xFFFFFFF0]  }
0x7a2: {  	v5 =	vld [tilespmem:s13+$0xFFFFFFF0]  }
0x7a3: {  	v4 =	vld [tilespmem:s17+$0xFFFFFF90];
	[tilespmem:s12+$0xFFFFFFC0] =	vst v7;
	v6 =	vadd.f32 v9, v6;
	s17 =	sadd.s32 $0x400, s17  }
0x7a4: {  	_ =	sdelay $0x1  }
0x7a5: {  	v1 =	vadd.f32 v3, v1  }
.Ltmp53:
0x7a6: {  	[tilespmem:s12+$0xFFFFFFD0] =	vst v6;
	v2 =	vadd.f32 v5, v2;
	(pc) =	sbr.rel @p2 .LBB2_104-.Ltmp53, $4  }
0x7a7: {  	[tilespmem:s12+$0xFFFFFFE0] =	vst v1;
	v0 =	vadd.f32 v0, v4  }
0x7a8: {  	[tilespmem:s12+$0xFFFFFFF0] =	vst v2  }
0x7a9: {  	s3 =	sadd.s32 s4, s10;
	s25 =	simm.s32 $0x16000;
	[tilespmem:s12+$0xFFFFFF90] =	vst v0  }
0x7aa: {  	[hbm4b:s3+s5] =	stream.linear.scatter [tilespmem:s25], [sflag:$0xA], $0x2000, $0x38;
	[tilespmem:$0x1C000] =	vst v63  }
.Ltmp54:
0x7ab: {  	(pc) =	sbr.rel .LBB2_105-.Ltmp54, $4  }
0x7ac: {  	_ = 	snop  }
0x7ad: {  	_ =	swait.ge [sflag:s1], $0x2000  }
0x7ae: {  	[sflag:s1] =	ssyncset.done $0x0  }
0x7af: {  	[sflag:s1] =	ssyncadd.s32 $0xFFFFE000  }
.LBB2_104:
0x7b0: {  	s3 =	sadd.s32 s16, s11  }
0x7b1: {  	s10 =	rddreg [dreg:$0x7];
	s3 =	sshll.u32 s3, $0xA  }
.Ltmp55:
0x7b2: {  	s25 =	simm.s32 $0x6000;
	s3 =	sadd.s32 s3, s10;
	(pc) =	sbr.rel @p0 .LBB2_106-.Ltmp55, $4  }
0x7b3: {  	[tilespmem:s25], [sflag:$0x2] =	stream.linear.gather [hbm4b:s3+s5], $0x2000, $0x38;
	[tilespmem:$0x1C000] =	vst v63  }
0x7b4: {  	_ =	swait.ge [sflag:s1], $0x2000  }
0x7b5: {  	[sflag:s1] =	ssyncset.done $0x0  }
0x7b6: {  	[sflag:s1] =	ssyncadd.s32 $0xFFFFE000  }
.LBB2_105:
0x7b7: {  	_ =	swait.ge [sflag:s22], $0x2000  }
0x7b8: {  	[sflag:s22] =	ssyncset.done $0x0  }
0x7b9: {  	[sflag:s22] =	ssyncadd.s32 $0xFFFFE000  }
.LBB2_106:
0x7ba: {  	s13 =	simm.s32 $0x8040  }
0x7bb: {  	s3 =	simm.s32 $0x2040;
	v1 =	vld [tilespmem:s13+$0x30]  }
0x7bc: {  	v2 =	vld [tilespmem:s3+$0x30]  }
0x7bd: {  	v0 =	vld [tilespmem:s3+$0xFFFFFFC0]  }
0x7be: {  	v3 =	vld [tilespmem:s13+$0xFFFFFFD0]  }
0x7bf: {  	v4 =	vld [tilespmem:s3+$0xFFFFFFD0]  }
0x7c0: {  	v5 =	vld [tilespmem:s13+$0xFFFFFFE0]  }
0x7c1: {  	v6 =	vld [tilespmem:s3+$0xFFFFFFE0]  }
0x7c2: {  	v7 =	vld [tilespmem:s13+$0xFFFFFFF0]  }
0x7c3: {  	v8 =	vld [tilespmem:s3+$0xFFFFFFF0]  }
0x7c4: {  	v9 =	vld [tilespmem:s13+$0x0]  }
0x7c5: {  	v10 =	vld [tilespmem:s3+$0x0];
	v2 =	vadd.f32 v2, v1  }
0x7c6: {  	s12 =	simm.s32 $0x18040;
	v4 =	vadd.f32 v4, v3;
	v1 =	vld [tilespmem:s13+$0x10]  }
0x7c7: {  	v5 =	vadd.f32 v6, v5;
	v3 =	vld [tilespmem:s3+$0x10];
	[tilespmem:s12+$0x30] =	vst v2  }
0x7c8: {  	v6 =	vadd.f32 v8, v7;
	[tilespmem:s12+$0xFFFFFFD0] =	vst v4;
	v2 =	vld [tilespmem:s13+$0x20]  }
0x7c9: {  	[tilespmem:s12+$0xFFFFFFE0] =	vst v5;
	v4 =	vld [tilespmem:s3+$0x20]  }
0x7ca: {  	s17 =	simm.s32 $0x0;
	s10 =	simm.s32 $0x180F0;
	s20 =	simm.s32 $0x8440;
	v5 =	vld [tilespmem:s13+$0xFFFFFFC0];
	[tilespmem:s12+$0xFFFFFFF0] =	vst v6;
	v6 =	vadd.f32 v10, v9  }
.LBB2_107:
0x7cb: {  	v7 =	vld [tilespmem:s20+$0x30];
	s3 =	sadd.s32 $0x400, s3  }
0x7cc: {  	s17 =	sadd.s32 $0x80, s17;
	v8 =	vld [tilespmem:s3+$0x30];
	[tilespmem:s12+$0x0] =	vst v6;
	v1 =	vadd.f32 v3, v1  }
0x7cd: {  	p3 =	slt.u32 s17, $0x380;
	v3 =	vld [tilespmem:s3+$0xFFFFFFC0]  }
0x7ce: {  	v6 =	vld [tilespmem:s20+$0xFFFFFFD0];
	[tilespmem:s12+$0x10] =	vst v1;
	v1 =	vadd.f32 v4, v2  }
0x7cf: {  	v2 =	vld [tilespmem:s3+$0xFFFFFFD0];
	v9 =	vadd.f32 v0, v5  }
0x7d0: {  	v4 =	vld [tilespmem:s20+$0xFFFFFFE0];
	[tilespmem:s12+$0x20] =	vst v1  }
0x7d1: {  	v1 =	vld [tilespmem:s3+$0xFFFFFFE0];
	v5 =	vadd.f32 v8, v7;
	[tilespmem:s12+$0xFFFFFFC0] =	vst v9  }
0x7d2: {  	s12 =	sadd.s32 $0x400, s12;
	v7 =	vld [tilespmem:s20+$0xFFFFFFF0];
	v0 =	vmov v3  }
0x7d3: {  	s13 =	simm.s32 $0x20F0;
	s18 =	simm.s32 $0x80F0;
	v8 =	vld [tilespmem:s3+$0xFFFFFFF0];
	[tilespmem:s12+$0x30] =	vst v5  }
0x7d4: {  	v2 =	vadd.f32 v2, v6;
	v6 =	vld [tilespmem:s20+$0x0]  }
0x7d5: {  	v9 =	vld [tilespmem:s3+$0x0]  }
.Ltmp56:
0x7d6: {  	[tilespmem:s12+$0xFFFFFFD0] =	vst v2;
	v2 =	vadd.f32 v1, v4;
	v1 =	vld [tilespmem:s20+$0x10];
	(pc) =	sbr.rel @p3 .LBB2_107-.Ltmp56, $4  }
0x7d7: {  	v3 =	vld [tilespmem:s3+$0x10]  }
0x7d8: {  	[tilespmem:s12+$0xFFFFFFE0] =	vst v2;
	v7 =	vadd.f32 v8, v7;
	v2 =	vld [tilespmem:s20+$0x20]  }
0x7d9: {  	v4 =	vld [tilespmem:s3+$0x20]  }
0x7da: {  	v5 =	vld [tilespmem:s20+$0xFFFFFFC0];
	[tilespmem:s12+$0xFFFFFFF0] =	vst v7;
	v6 =	vadd.f32 v9, v6;
	s20 =	sadd.s32 $0x400, s20  }
0x7db: {  	_ =	sdelay $0x1  }
0x7dc: {  	v1 =	vadd.f32 v3, v1  }
0x7dd: {  	[tilespmem:s12+$0x0] =	vst v6;
	v2 =	vadd.f32 v4, v2  }
0x7de: {  	[tilespmem:s12+$0x10] =	vst v1;
	v0 =	vadd.f32 v0, v5  }
0x7df: {  	[tilespmem:s12+$0x20] =	vst v2  }
0x7e0: {  	[tilespmem:s12+$0xFFFFFFC0] =	vst v0  }
0x7e1: {  	v1 =	vld [tilespmem:s18+$0x0]  }
0x7e2: {  	v2 =	vld [tilespmem:s13+$0x0]  }
0x7e3: {  	v0 =	vld [tilespmem:s13+$0xFFFFFF90]  }
0x7e4: {  	v3 =	vld [tilespmem:s18+$0xFFFFFFA0]  }
0x7e5: {  	v4 =	vld [tilespmem:s13+$0xFFFFFFA0]  }
0x7e6: {  	v5 =	vld [tilespmem:s18+$0xFFFFFFB0]  }
0x7e7: {  	v6 =	vld [tilespmem:s13+$0xFFFFFFB0]  }
0x7e8: {  	v7 =	vld [tilespmem:s18+$0xFFFFFFC0]  }
0x7e9: {  	v8 =	vld [tilespmem:s13+$0xFFFFFFC0]  }
0x7ea: {  	v9 =	vld [tilespmem:s18+$0xFFFFFFD0]  }
0x7eb: {  	v10 =	vld [tilespmem:s13+$0xFFFFFFD0];
	v2 =	vadd.f32 v2, v1  }
0x7ec: {  	v4 =	vadd.f32 v4, v3;
	v1 =	vld [tilespmem:s18+$0xFFFFFFE0]  }
0x7ed: {  	v5 =	vadd.f32 v6, v5;
	v3 =	vld [tilespmem:s13+$0xFFFFFFE0];
	[tilespmem:s10+$0x0] =	vst v2  }
0x7ee: {  	v6 =	vadd.f32 v8, v7;
	[tilespmem:s10+$0xFFFFFFA0] =	vst v4;
	v2 =	vld [tilespmem:s18+$0xFFFFFFF0]  }
0x7ef: {  	[tilespmem:s10+$0xFFFFFFB0] =	vst v5;
	v4 =	vld [tilespmem:s13+$0xFFFFFFF0]  }
0x7f0: {  	s3 =	simm.s32 $0x0;
	s20 =	simm.s32 $0x84F0;
	s12 =	simm.s32 $0x18170;
	v5 =	vld [tilespmem:s18+$0xFFFFFF90];
	[tilespmem:s10+$0xFFFFFFC0] =	vst v6;
	v6 =	vadd.f32 v10, v9  }
.LBB2_109:
0x7f1: {  	v7 =	vld [tilespmem:s20+$0x0];
	s13 =	sadd.s32 $0x400, s13  }
0x7f2: {  	s3 =	sadd.s32 $0x80, s3;
	v8 =	vld [tilespmem:s13+$0x0];
	[tilespmem:s10+$0xFFFFFFD0] =	vst v6;
	v1 =	vadd.f32 v3, v1  }
0x7f3: {  	p3 =	slt.u32 s3, $0x380;
	v3 =	vld [tilespmem:s13+$0xFFFFFF90]  }
0x7f4: {  	v6 =	vld [tilespmem:s20+$0xFFFFFFA0];
	[tilespmem:s10+$0xFFFFFFE0] =	vst v1;
	v1 =	vadd.f32 v4, v2  }
0x7f5: {  	v2 =	vld [tilespmem:s13+$0xFFFFFFA0];
	v9 =	vadd.f32 v0, v5  }
0x7f6: {  	v4 =	vld [tilespmem:s20+$0xFFFFFFB0];
	[tilespmem:s10+$0xFFFFFFF0] =	vst v1  }
0x7f7: {  	v1 =	vld [tilespmem:s13+$0xFFFFFFB0];
	v5 =	vadd.f32 v8, v7;
	[tilespmem:s10+$0xFFFFFF90] =	vst v9  }
0x7f8: {  	s17 =	simm.s32 $0x8170;
	s10 =	sadd.s32 $0x400, s10;
	v7 =	vld [tilespmem:s20+$0xFFFFFFC0];
	v0 =	vmov v3  }
0x7f9: {  	s23 =	simm.s32 $0x2170;
	v8 =	vld [tilespmem:s13+$0xFFFFFFC0];
	[tilespmem:s10+$0x0] =	vst v5  }
0x7fa: {  	v2 =	vadd.f32 v2, v6;
	v6 =	vld [tilespmem:s20+$0xFFFFFFD0]  }
0x7fb: {  	v9 =	vld [tilespmem:s13+$0xFFFFFFD0]  }
.Ltmp57:
0x7fc: {  	[tilespmem:s10+$0xFFFFFFA0] =	vst v2;
	v2 =	vadd.f32 v1, v4;
	v1 =	vld [tilespmem:s20+$0xFFFFFFE0];
	(pc) =	sbr.rel @p3 .LBB2_109-.Ltmp57, $4  }
0x7fd: {  	v3 =	vld [tilespmem:s13+$0xFFFFFFE0]  }
0x7fe: {  	[tilespmem:s10+$0xFFFFFFB0] =	vst v2;
	v7 =	vadd.f32 v8, v7;
	v2 =	vld [tilespmem:s20+$0xFFFFFFF0]  }
0x7ff: {  	v4 =	vld [tilespmem:s13+$0xFFFFFFF0]  }
0x800: {  	v5 =	vld [tilespmem:s20+$0xFFFFFF90];
	[tilespmem:s10+$0xFFFFFFC0] =	vst v7;
	v6 =	vadd.f32 v9, v6;
	s20 =	sadd.s32 $0x400, s20  }
0x801: {  	_ =	sdelay $0x1  }
0x802: {  	v1 =	vadd.f32 v3, v1  }
0x803: {  	[tilespmem:s10+$0xFFFFFFD0] =	vst v6;
	v2 =	vadd.f32 v4, v2  }
0x804: {  	[tilespmem:s10+$0xFFFFFFE0] =	vst v1;
	v0 =	vadd.f32 v0, v5  }
0x805: {  	[tilespmem:s10+$0xFFFFFFF0] =	vst v2  }
0x806: {  	[tilespmem:s10+$0xFFFFFF90] =	vst v0  }
0x807: {  	v1 =	vld [tilespmem:s17+$0x0]  }
0x808: {  	v2 =	vld [tilespmem:s23+$0x0]  }
0x809: {  	v0 =	vld [tilespmem:s23+$0xFFFFFF90]  }
0x80a: {  	v3 =	vld [tilespmem:s17+$0xFFFFFFA0]  }
0x80b: {  	v4 =	vld [tilespmem:s23+$0xFFFFFFA0]  }
0x80c: {  	v5 =	vld [tilespmem:s17+$0xFFFFFFB0]  }
0x80d: {  	v6 =	vld [tilespmem:s23+$0xFFFFFFB0]  }
0x80e: {  	v7 =	vld [tilespmem:s17+$0xFFFFFFC0]  }
0x80f: {  	v8 =	vld [tilespmem:s23+$0xFFFFFFC0]  }
0x810: {  	v9 =	vld [tilespmem:s17+$0xFFFFFFD0]  }
0x811: {  	v10 =	vld [tilespmem:s23+$0xFFFFFFD0];
	v2 =	vadd.f32 v2, v1  }
0x812: {  	v4 =	vadd.f32 v4, v3;
	v1 =	vld [tilespmem:s17+$0xFFFFFFE0]  }
0x813: {  	v5 =	vadd.f32 v6, v5;
	v3 =	vld [tilespmem:s23+$0xFFFFFFE0];
	[tilespmem:s12+$0x0] =	vst v2  }
0x814: {  	v6 =	vadd.f32 v8, v7;
	[tilespmem:s12+$0xFFFFFFA0] =	vst v4;
	v2 =	vld [tilespmem:s17+$0xFFFFFFF0]  }
0x815: {  	[tilespmem:s12+$0xFFFFFFB0] =	vst v5;
	v4 =	vld [tilespmem:s23+$0xFFFFFFF0]  }
0x816: {  	s3 =	simm.s32 $0x0;
	s10 =	simm.s32 $0x181F0;
	v5 =	vld [tilespmem:s17+$0xFFFFFF90];
	[tilespmem:s12+$0xFFFFFFC0] =	vst v6;
	v6 =	vadd.f32 v10, v9;
	s17 =	simm.s32 $0x8570  }
.LBB2_111:
0x817: {  	v7 =	vld [tilespmem:s17+$0x0];
	s23 =	sadd.s32 $0x400, s23  }
0x818: {  	s3 =	sadd.s32 $0x80, s3;
	v8 =	vld [tilespmem:s23+$0x0];
	[tilespmem:s12+$0xFFFFFFD0] =	vst v6;
	v1 =	vadd.f32 v3, v1  }
0x819: {  	p3 =	slt.u32 s3, $0x380;
	v3 =	vld [tilespmem:s23+$0xFFFFFF90]  }
0x81a: {  	v6 =	vld [tilespmem:s17+$0xFFFFFFA0];
	[tilespmem:s12+$0xFFFFFFE0] =	vst v1;
	v1 =	vadd.f32 v4, v2  }
0x81b: {  	v2 =	vld [tilespmem:s23+$0xFFFFFFA0];
	v9 =	vadd.f32 v0, v5  }
0x81c: {  	v4 =	vld [tilespmem:s17+$0xFFFFFFB0];
	[tilespmem:s12+$0xFFFFFFF0] =	vst v1  }
0x81d: {  	v1 =	vld [tilespmem:s23+$0xFFFFFFB0];
	v5 =	vadd.f32 v8, v7;
	[tilespmem:s12+$0xFFFFFF90] =	vst v9  }
0x81e: {  	s12 =	sadd.s32 $0x400, s12;
	v7 =	vld [tilespmem:s17+$0xFFFFFFC0];
	v0 =	vmov v3  }
0x81f: {  	s13 =	simm.s32 $0x21F0;
	s18 =	simm.s32 $0x81F0;
	v8 =	vld [tilespmem:s23+$0xFFFFFFC0];
	[tilespmem:s12+$0x0] =	vst v5  }
0x820: {  	v2 =	vadd.f32 v2, v6;
	v6 =	vld [tilespmem:s17+$0xFFFFFFD0]  }
0x821: {  	v9 =	vld [tilespmem:s23+$0xFFFFFFD0]  }
.Ltmp58:
0x822: {  	[tilespmem:s12+$0xFFFFFFA0] =	vst v2;
	v2 =	vadd.f32 v1, v4;
	v1 =	vld [tilespmem:s17+$0xFFFFFFE0];
	(pc) =	sbr.rel @p3 .LBB2_111-.Ltmp58, $4  }
0x823: {  	v3 =	vld [tilespmem:s23+$0xFFFFFFE0]  }
0x824: {  	[tilespmem:s12+$0xFFFFFFB0] =	vst v2;
	v7 =	vadd.f32 v8, v7;
	v2 =	vld [tilespmem:s17+$0xFFFFFFF0]  }
0x825: {  	v4 =	vld [tilespmem:s23+$0xFFFFFFF0]  }
0x826: {  	v5 =	vld [tilespmem:s17+$0xFFFFFF90];
	[tilespmem:s12+$0xFFFFFFC0] =	vst v7;
	v6 =	vadd.f32 v9, v6;
	s17 =	sadd.s32 $0x400, s17  }
0x827: {  	_ =	sdelay $0x1  }
0x828: {  	v1 =	vadd.f32 v3, v1  }
0x829: {  	[tilespmem:s12+$0xFFFFFFD0] =	vst v6;
	v2 =	vadd.f32 v4, v2  }
0x82a: {  	[tilespmem:s12+$0xFFFFFFE0] =	vst v1;
	v0 =	vadd.f32 v0, v5  }
0x82b: {  	[tilespmem:s12+$0xFFFFFFF0] =	vst v2  }
0x82c: {  	[tilespmem:s12+$0xFFFFFF90] =	vst v0  }
0x82d: {  	v1 =	vld [tilespmem:s18+$0x0]  }
0x82e: {  	v2 =	vld [tilespmem:s13+$0x0]  }
0x82f: {  	v0 =	vld [tilespmem:s13+$0xFFFFFF90]  }
0x830: {  	v3 =	vld [tilespmem:s18+$0xFFFFFFA0]  }
0x831: {  	v4 =	vld [tilespmem:s13+$0xFFFFFFA0]  }
0x832: {  	v5 =	vld [tilespmem:s18+$0xFFFFFFB0]  }
0x833: {  	v6 =	vld [tilespmem:s13+$0xFFFFFFB0]  }
0x834: {  	v7 =	vld [tilespmem:s18+$0xFFFFFFC0]  }
0x835: {  	v8 =	vld [tilespmem:s13+$0xFFFFFFC0]  }
0x836: {  	v9 =	vld [tilespmem:s18+$0xFFFFFFD0]  }
0x837: {  	v10 =	vld [tilespmem:s13+$0xFFFFFFD0];
	v2 =	vadd.f32 v2, v1  }
0x838: {  	v4 =	vadd.f32 v4, v3;
	v1 =	vld [tilespmem:s18+$0xFFFFFFE0]  }
0x839: {  	v5 =	vadd.f32 v6, v5;
	v3 =	vld [tilespmem:s13+$0xFFFFFFE0];
	[tilespmem:s10+$0x0] =	vst v2  }
0x83a: {  	v6 =	vadd.f32 v8, v7;
	[tilespmem:s10+$0xFFFFFFA0] =	vst v4;
	v2 =	vld [tilespmem:s18+$0xFFFFFFF0]  }
0x83b: {  	[tilespmem:s10+$0xFFFFFFB0] =	vst v5;
	v4 =	vld [tilespmem:s13+$0xFFFFFFF0]  }
0x83c: {  	s3 =	simm.s32 $0x0;
	s20 =	simm.s32 $0x85F0;
	s12 =	simm.s32 $0x18270;
	v5 =	vld [tilespmem:s18+$0xFFFFFF90];
	[tilespmem:s10+$0xFFFFFFC0] =	vst v6;
	v6 =	vadd.f32 v10, v9  }
.LBB2_113:
0x83d: {  	v7 =	vld [tilespmem:s20+$0x0];
	s13 =	sadd.s32 $0x400, s13  }
0x83e: {  	s3 =	sadd.s32 $0x80, s3;
	v8 =	vld [tilespmem:s13+$0x0];
	[tilespmem:s10+$0xFFFFFFD0] =	vst v6;
	v1 =	vadd.f32 v3, v1  }
0x83f: {  	p3 =	slt.u32 s3, $0x380;
	v3 =	vld [tilespmem:s13+$0xFFFFFF90]  }
0x840: {  	v6 =	vld [tilespmem:s20+$0xFFFFFFA0];
	[tilespmem:s10+$0xFFFFFFE0] =	vst v1;
	v1 =	vadd.f32 v4, v2  }
0x841: {  	v2 =	vld [tilespmem:s13+$0xFFFFFFA0];
	v9 =	vadd.f32 v0, v5  }
0x842: {  	v4 =	vld [tilespmem:s20+$0xFFFFFFB0];
	[tilespmem:s10+$0xFFFFFFF0] =	vst v1  }
0x843: {  	v1 =	vld [tilespmem:s13+$0xFFFFFFB0];
	v5 =	vadd.f32 v8, v7;
	[tilespmem:s10+$0xFFFFFF90] =	vst v9  }
0x844: {  	s17 =	simm.s32 $0x8270;
	s10 =	sadd.s32 $0x400, s10;
	v7 =	vld [tilespmem:s20+$0xFFFFFFC0];
	v0 =	vmov v3  }
0x845: {  	s23 =	simm.s32 $0x2270;
	v8 =	vld [tilespmem:s13+$0xFFFFFFC0];
	[tilespmem:s10+$0x0] =	vst v5  }
0x846: {  	v2 =	vadd.f32 v2, v6;
	v6 =	vld [tilespmem:s20+$0xFFFFFFD0]  }
0x847: {  	v9 =	vld [tilespmem:s13+$0xFFFFFFD0]  }
.Ltmp59:
0x848: {  	[tilespmem:s10+$0xFFFFFFA0] =	vst v2;
	v2 =	vadd.f32 v1, v4;
	v1 =	vld [tilespmem:s20+$0xFFFFFFE0];
	(pc) =	sbr.rel @p3 .LBB2_113-.Ltmp59, $4  }
0x849: {  	v3 =	vld [tilespmem:s13+$0xFFFFFFE0]  }
0x84a: {  	[tilespmem:s10+$0xFFFFFFB0] =	vst v2;
	v7 =	vadd.f32 v8, v7;
	v2 =	vld [tilespmem:s20+$0xFFFFFFF0]  }
0x84b: {  	v4 =	vld [tilespmem:s13+$0xFFFFFFF0]  }
0x84c: {  	v5 =	vld [tilespmem:s20+$0xFFFFFF90];
	[tilespmem:s10+$0xFFFFFFC0] =	vst v7;
	v6 =	vadd.f32 v9, v6;
	s20 =	sadd.s32 $0x400, s20  }
0x84d: {  	_ =	sdelay $0x1  }
0x84e: {  	v1 =	vadd.f32 v3, v1  }
0x84f: {  	[tilespmem:s10+$0xFFFFFFD0] =	vst v6;
	v2 =	vadd.f32 v4, v2  }
0x850: {  	[tilespmem:s10+$0xFFFFFFE0] =	vst v1;
	v0 =	vadd.f32 v0, v5  }
0x851: {  	[tilespmem:s10+$0xFFFFFFF0] =	vst v2  }
0x852: {  	[tilespmem:s10+$0xFFFFFF90] =	vst v0  }
0x853: {  	v1 =	vld [tilespmem:s17+$0x0]  }
0x854: {  	v2 =	vld [tilespmem:s23+$0x0]  }
0x855: {  	v0 =	vld [tilespmem:s23+$0xFFFFFF90]  }
0x856: {  	v3 =	vld [tilespmem:s17+$0xFFFFFFA0]  }
0x857: {  	v4 =	vld [tilespmem:s23+$0xFFFFFFA0]  }
0x858: {  	v5 =	vld [tilespmem:s17+$0xFFFFFFB0]  }
0x859: {  	v6 =	vld [tilespmem:s23+$0xFFFFFFB0]  }
0x85a: {  	v7 =	vld [tilespmem:s17+$0xFFFFFFC0]  }
0x85b: {  	v8 =	vld [tilespmem:s23+$0xFFFFFFC0]  }
0x85c: {  	v9 =	vld [tilespmem:s17+$0xFFFFFFD0]  }
0x85d: {  	v10 =	vld [tilespmem:s23+$0xFFFFFFD0];
	v2 =	vadd.f32 v2, v1  }
0x85e: {  	v4 =	vadd.f32 v4, v3;
	v1 =	vld [tilespmem:s17+$0xFFFFFFE0]  }
0x85f: {  	v5 =	vadd.f32 v6, v5;
	v3 =	vld [tilespmem:s23+$0xFFFFFFE0];
	[tilespmem:s12+$0x0] =	vst v2  }
0x860: {  	v6 =	vadd.f32 v8, v7;
	[tilespmem:s12+$0xFFFFFFA0] =	vst v4;
	v2 =	vld [tilespmem:s17+$0xFFFFFFF0]  }
0x861: {  	[tilespmem:s12+$0xFFFFFFB0] =	vst v5;
	v4 =	vld [tilespmem:s23+$0xFFFFFFF0]  }
0x862: {  	s3 =	simm.s32 $0x0;
	s10 =	simm.s32 $0x182F0;
	v5 =	vld [tilespmem:s17+$0xFFFFFF90];
	[tilespmem:s12+$0xFFFFFFC0] =	vst v6;
	v6 =	vadd.f32 v10, v9;
	s17 =	simm.s32 $0x8670  }
.LBB2_115:
0x863: {  	v7 =	vld [tilespmem:s17+$0x0];
	s23 =	sadd.s32 $0x400, s23  }
0x864: {  	s3 =	sadd.s32 $0x80, s3;
	v8 =	vld [tilespmem:s23+$0x0];
	[tilespmem:s12+$0xFFFFFFD0] =	vst v6;
	v1 =	vadd.f32 v3, v1  }
0x865: {  	p3 =	slt.u32 s3, $0x380;
	v3 =	vld [tilespmem:s23+$0xFFFFFF90]  }
0x866: {  	v6 =	vld [tilespmem:s17+$0xFFFFFFA0];
	[tilespmem:s12+$0xFFFFFFE0] =	vst v1;
	v1 =	vadd.f32 v4, v2  }
0x867: {  	v2 =	vld [tilespmem:s23+$0xFFFFFFA0];
	v9 =	vadd.f32 v0, v5  }
0x868: {  	v4 =	vld [tilespmem:s17+$0xFFFFFFB0];
	[tilespmem:s12+$0xFFFFFFF0] =	vst v1  }
0x869: {  	v1 =	vld [tilespmem:s23+$0xFFFFFFB0];
	v5 =	vadd.f32 v8, v7;
	[tilespmem:s12+$0xFFFFFF90] =	vst v9  }
0x86a: {  	s12 =	sadd.s32 $0x400, s12;
	v7 =	vld [tilespmem:s17+$0xFFFFFFC0];
	v0 =	vmov v3  }
0x86b: {  	s13 =	simm.s32 $0x22F0;
	s18 =	simm.s32 $0x82F0;
	v8 =	vld [tilespmem:s23+$0xFFFFFFC0];
	[tilespmem:s12+$0x0] =	vst v5  }
0x86c: {  	v2 =	vadd.f32 v2, v6;
	v6 =	vld [tilespmem:s17+$0xFFFFFFD0]  }
0x86d: {  	v9 =	vld [tilespmem:s23+$0xFFFFFFD0]  }
.Ltmp60:
0x86e: {  	[tilespmem:s12+$0xFFFFFFA0] =	vst v2;
	v2 =	vadd.f32 v1, v4;
	v1 =	vld [tilespmem:s17+$0xFFFFFFE0];
	(pc) =	sbr.rel @p3 .LBB2_115-.Ltmp60, $4  }
0x86f: {  	v3 =	vld [tilespmem:s23+$0xFFFFFFE0]  }
0x870: {  	[tilespmem:s12+$0xFFFFFFB0] =	vst v2;
	v7 =	vadd.f32 v8, v7;
	v2 =	vld [tilespmem:s17+$0xFFFFFFF0]  }
0x871: {  	v4 =	vld [tilespmem:s23+$0xFFFFFFF0]  }
0x872: {  	v5 =	vld [tilespmem:s17+$0xFFFFFF90];
	[tilespmem:s12+$0xFFFFFFC0] =	vst v7;
	v6 =	vadd.f32 v9, v6;
	s17 =	sadd.s32 $0x400, s17  }
0x873: {  	_ =	sdelay $0x1  }
0x874: {  	v1 =	vadd.f32 v3, v1  }
0x875: {  	[tilespmem:s12+$0xFFFFFFD0] =	vst v6;
	v2 =	vadd.f32 v4, v2  }
0x876: {  	[tilespmem:s12+$0xFFFFFFE0] =	vst v1;
	v0 =	vadd.f32 v0, v5  }
0x877: {  	[tilespmem:s12+$0xFFFFFFF0] =	vst v2  }
0x878: {  	[tilespmem:s12+$0xFFFFFF90] =	vst v0  }
0x879: {  	v1 =	vld [tilespmem:s18+$0x0]  }
0x87a: {  	v2 =	vld [tilespmem:s13+$0x0]  }
0x87b: {  	v0 =	vld [tilespmem:s13+$0xFFFFFF90]  }
0x87c: {  	v3 =	vld [tilespmem:s18+$0xFFFFFFA0]  }
0x87d: {  	v4 =	vld [tilespmem:s13+$0xFFFFFFA0]  }
0x87e: {  	v5 =	vld [tilespmem:s18+$0xFFFFFFB0]  }
0x87f: {  	v6 =	vld [tilespmem:s13+$0xFFFFFFB0]  }
0x880: {  	v7 =	vld [tilespmem:s18+$0xFFFFFFC0]  }
0x881: {  	v8 =	vld [tilespmem:s13+$0xFFFFFFC0]  }
0x882: {  	v9 =	vld [tilespmem:s18+$0xFFFFFFD0]  }
0x883: {  	v10 =	vld [tilespmem:s13+$0xFFFFFFD0];
	v2 =	vadd.f32 v2, v1  }
0x884: {  	v4 =	vadd.f32 v4, v3;
	v1 =	vld [tilespmem:s18+$0xFFFFFFE0]  }
0x885: {  	v5 =	vadd.f32 v6, v5;
	v3 =	vld [tilespmem:s13+$0xFFFFFFE0];
	[tilespmem:s10+$0x0] =	vst v2  }
0x886: {  	v6 =	vadd.f32 v8, v7;
	[tilespmem:s10+$0xFFFFFFA0] =	vst v4;
	v2 =	vld [tilespmem:s18+$0xFFFFFFF0]  }
0x887: {  	[tilespmem:s10+$0xFFFFFFB0] =	vst v5;
	v4 =	vld [tilespmem:s13+$0xFFFFFFF0]  }
0x888: {  	s3 =	simm.s32 $0x0;
	s20 =	simm.s32 $0x86F0;
	s12 =	simm.s32 $0x18370;
	v5 =	vld [tilespmem:s18+$0xFFFFFF90];
	[tilespmem:s10+$0xFFFFFFC0] =	vst v6;
	v6 =	vadd.f32 v10, v9  }
.LBB2_117:
0x889: {  	v7 =	vld [tilespmem:s20+$0x0];
	s13 =	sadd.s32 $0x400, s13  }
0x88a: {  	s3 =	sadd.s32 $0x80, s3;
	v8 =	vld [tilespmem:s13+$0x0];
	[tilespmem:s10+$0xFFFFFFD0] =	vst v6;
	v1 =	vadd.f32 v3, v1  }
0x88b: {  	p3 =	slt.u32 s3, $0x380;
	v3 =	vld [tilespmem:s13+$0xFFFFFF90]  }
0x88c: {  	v6 =	vld [tilespmem:s20+$0xFFFFFFA0];
	[tilespmem:s10+$0xFFFFFFE0] =	vst v1;
	v1 =	vadd.f32 v4, v2  }
0x88d: {  	v2 =	vld [tilespmem:s13+$0xFFFFFFA0];
	v9 =	vadd.f32 v0, v5  }
0x88e: {  	v4 =	vld [tilespmem:s20+$0xFFFFFFB0];
	[tilespmem:s10+$0xFFFFFFF0] =	vst v1  }
0x88f: {  	v1 =	vld [tilespmem:s13+$0xFFFFFFB0];
	v5 =	vadd.f32 v8, v7;
	[tilespmem:s10+$0xFFFFFF90] =	vst v9  }
0x890: {  	s17 =	simm.s32 $0x8370;
	s10 =	sadd.s32 $0x400, s10;
	v7 =	vld [tilespmem:s20+$0xFFFFFFC0];
	v0 =	vmov v3  }
0x891: {  	s23 =	simm.s32 $0x2370;
	v8 =	vld [tilespmem:s13+$0xFFFFFFC0];
	[tilespmem:s10+$0x0] =	vst v5  }
0x892: {  	v2 =	vadd.f32 v2, v6;
	v6 =	vld [tilespmem:s20+$0xFFFFFFD0]  }
0x893: {  	v9 =	vld [tilespmem:s13+$0xFFFFFFD0]  }
.Ltmp61:
0x894: {  	[tilespmem:s10+$0xFFFFFFA0] =	vst v2;
	v2 =	vadd.f32 v1, v4;
	v1 =	vld [tilespmem:s20+$0xFFFFFFE0];
	(pc) =	sbr.rel @p3 .LBB2_117-.Ltmp61, $4  }
0x895: {  	v3 =	vld [tilespmem:s13+$0xFFFFFFE0]  }
0x896: {  	[tilespmem:s10+$0xFFFFFFB0] =	vst v2;
	v7 =	vadd.f32 v8, v7;
	v2 =	vld [tilespmem:s20+$0xFFFFFFF0]  }
0x897: {  	v4 =	vld [tilespmem:s13+$0xFFFFFFF0]  }
0x898: {  	v5 =	vld [tilespmem:s20+$0xFFFFFF90];
	[tilespmem:s10+$0xFFFFFFC0] =	vst v7;
	v6 =	vadd.f32 v9, v6;
	s20 =	sadd.s32 $0x400, s20  }
0x899: {  	_ =	sdelay $0x1  }
0x89a: {  	v1 =	vadd.f32 v3, v1  }
0x89b: {  	[tilespmem:s10+$0xFFFFFFD0] =	vst v6;
	v2 =	vadd.f32 v4, v2  }
0x89c: {  	[tilespmem:s10+$0xFFFFFFE0] =	vst v1;
	v0 =	vadd.f32 v0, v5  }
0x89d: {  	[tilespmem:s10+$0xFFFFFFF0] =	vst v2  }
0x89e: {  	[tilespmem:s10+$0xFFFFFF90] =	vst v0  }
0x89f: {  	v1 =	vld [tilespmem:s17+$0x0]  }
0x8a0: {  	v2 =	vld [tilespmem:s23+$0x0]  }
0x8a1: {  	v0 =	vld [tilespmem:s23+$0xFFFFFF90]  }
0x8a2: {  	v3 =	vld [tilespmem:s17+$0xFFFFFFA0]  }
0x8a3: {  	v4 =	vld [tilespmem:s23+$0xFFFFFFA0]  }
0x8a4: {  	v5 =	vld [tilespmem:s17+$0xFFFFFFB0]  }
0x8a5: {  	v6 =	vld [tilespmem:s23+$0xFFFFFFB0]  }
0x8a6: {  	v7 =	vld [tilespmem:s17+$0xFFFFFFC0]  }
0x8a7: {  	v8 =	vld [tilespmem:s23+$0xFFFFFFC0]  }
0x8a8: {  	v9 =	vld [tilespmem:s17+$0xFFFFFFD0]  }
0x8a9: {  	v10 =	vld [tilespmem:s23+$0xFFFFFFD0];
	v2 =	vadd.f32 v2, v1  }
0x8aa: {  	v4 =	vadd.f32 v4, v3;
	v1 =	vld [tilespmem:s17+$0xFFFFFFE0]  }
0x8ab: {  	v5 =	vadd.f32 v6, v5;
	v3 =	vld [tilespmem:s23+$0xFFFFFFE0];
	[tilespmem:s12+$0x0] =	vst v2  }
0x8ac: {  	v6 =	vadd.f32 v8, v7;
	[tilespmem:s12+$0xFFFFFFA0] =	vst v4;
	v2 =	vld [tilespmem:s17+$0xFFFFFFF0]  }
0x8ad: {  	[tilespmem:s12+$0xFFFFFFB0] =	vst v5;
	v4 =	vld [tilespmem:s23+$0xFFFFFFF0]  }
0x8ae: {  	s3 =	simm.s32 $0x0;
	s10 =	simm.s32 $0x183F0;
	v5 =	vld [tilespmem:s17+$0xFFFFFF90];
	[tilespmem:s12+$0xFFFFFFC0] =	vst v6;
	v6 =	vadd.f32 v10, v9;
	s17 =	simm.s32 $0x8770  }
.LBB2_119:
0x8af: {  	v7 =	vld [tilespmem:s17+$0x0];
	s23 =	sadd.s32 $0x400, s23  }
0x8b0: {  	s3 =	sadd.s32 $0x80, s3;
	v8 =	vld [tilespmem:s23+$0x0];
	[tilespmem:s12+$0xFFFFFFD0] =	vst v6;
	v1 =	vadd.f32 v3, v1  }
0x8b1: {  	p3 =	slt.u32 s3, $0x380;
	v3 =	vld [tilespmem:s23+$0xFFFFFF90]  }
0x8b2: {  	v6 =	vld [tilespmem:s17+$0xFFFFFFA0];
	[tilespmem:s12+$0xFFFFFFE0] =	vst v1;
	v1 =	vadd.f32 v4, v2  }
0x8b3: {  	v2 =	vld [tilespmem:s23+$0xFFFFFFA0];
	v9 =	vadd.f32 v0, v5  }
0x8b4: {  	v4 =	vld [tilespmem:s17+$0xFFFFFFB0];
	[tilespmem:s12+$0xFFFFFFF0] =	vst v1  }
0x8b5: {  	v1 =	vld [tilespmem:s23+$0xFFFFFFB0];
	v5 =	vadd.f32 v8, v7;
	[tilespmem:s12+$0xFFFFFF90] =	vst v9  }
0x8b6: {  	s12 =	sadd.s32 $0x400, s12;
	v7 =	vld [tilespmem:s17+$0xFFFFFFC0];
	v0 =	vmov v3  }
0x8b7: {  	s13 =	simm.s32 $0x23F0;
	s18 =	simm.s32 $0x83F0;
	v8 =	vld [tilespmem:s23+$0xFFFFFFC0];
	[tilespmem:s12+$0x0] =	vst v5  }
0x8b8: {  	v2 =	vadd.f32 v2, v6;
	v6 =	vld [tilespmem:s17+$0xFFFFFFD0]  }
0x8b9: {  	v9 =	vld [tilespmem:s23+$0xFFFFFFD0]  }
.Ltmp62:
0x8ba: {  	[tilespmem:s12+$0xFFFFFFA0] =	vst v2;
	v2 =	vadd.f32 v1, v4;
	v1 =	vld [tilespmem:s17+$0xFFFFFFE0];
	(pc) =	sbr.rel @p3 .LBB2_119-.Ltmp62, $4  }
0x8bb: {  	v3 =	vld [tilespmem:s23+$0xFFFFFFE0]  }
0x8bc: {  	[tilespmem:s12+$0xFFFFFFB0] =	vst v2;
	v7 =	vadd.f32 v8, v7;
	v2 =	vld [tilespmem:s17+$0xFFFFFFF0]  }
0x8bd: {  	v4 =	vld [tilespmem:s23+$0xFFFFFFF0]  }
0x8be: {  	v5 =	vld [tilespmem:s17+$0xFFFFFF90];
	[tilespmem:s12+$0xFFFFFFC0] =	vst v7;
	v6 =	vadd.f32 v9, v6;
	s17 =	sadd.s32 $0x400, s17  }
0x8bf: {  	_ =	sdelay $0x1  }
0x8c0: {  	v1 =	vadd.f32 v3, v1  }
0x8c1: {  	[tilespmem:s12+$0xFFFFFFD0] =	vst v6;
	v2 =	vadd.f32 v4, v2  }
0x8c2: {  	[tilespmem:s12+$0xFFFFFFE0] =	vst v1;
	v0 =	vadd.f32 v0, v5  }
0x8c3: {  	[tilespmem:s12+$0xFFFFFFF0] =	vst v2  }
0x8c4: {  	[tilespmem:s12+$0xFFFFFF90] =	vst v0  }
0x8c5: {  	v1 =	vld [tilespmem:s18+$0x0]  }
0x8c6: {  	v2 =	vld [tilespmem:s13+$0x0]  }
0x8c7: {  	v0 =	vld [tilespmem:s13+$0xFFFFFF90]  }
0x8c8: {  	v3 =	vld [tilespmem:s18+$0xFFFFFFA0]  }
0x8c9: {  	v4 =	vld [tilespmem:s13+$0xFFFFFFA0]  }
0x8ca: {  	v5 =	vld [tilespmem:s18+$0xFFFFFFB0]  }
0x8cb: {  	v6 =	vld [tilespmem:s13+$0xFFFFFFB0]  }
0x8cc: {  	v7 =	vld [tilespmem:s18+$0xFFFFFFC0]  }
0x8cd: {  	v8 =	vld [tilespmem:s13+$0xFFFFFFC0]  }
0x8ce: {  	v9 =	vld [tilespmem:s18+$0xFFFFFFD0]  }
0x8cf: {  	v10 =	vld [tilespmem:s13+$0xFFFFFFD0];
	v2 =	vadd.f32 v2, v1  }
0x8d0: {  	v4 =	vadd.f32 v4, v3;
	v1 =	vld [tilespmem:s18+$0xFFFFFFE0]  }
0x8d1: {  	v5 =	vadd.f32 v6, v5;
	v3 =	vld [tilespmem:s13+$0xFFFFFFE0];
	[tilespmem:s10+$0x0] =	vst v2  }
0x8d2: {  	v6 =	vadd.f32 v8, v7;
	[tilespmem:s10+$0xFFFFFFA0] =	vst v4;
	v2 =	vld [tilespmem:s18+$0xFFFFFFF0]  }
0x8d3: {  	[tilespmem:s10+$0xFFFFFFB0] =	vst v5;
	v5 =	vld [tilespmem:s13+$0xFFFFFFF0]  }
0x8d4: {  	s3 =	simm.s32 $0x0;
	s12 =	simm.s32 $0x87F0;
	v4 =	vld [tilespmem:s18+$0xFFFFFF90];
	[tilespmem:s10+$0xFFFFFFC0] =	vst v6;
	v6 =	vadd.f32 v10, v9  }
.LBB2_121:
0x8d5: {  	v7 =	vld [tilespmem:s12+$0x0];
	s13 =	sadd.s32 $0x400, s13  }
0x8d6: {  	s3 =	sadd.s32 $0x80, s3;
	v8 =	vld [tilespmem:s13+$0x0];
	[tilespmem:s10+$0xFFFFFFD0] =	vst v6;
	v1 =	vadd.f32 v3, v1  }
0x8d7: {  	p3 =	slt.u32 s3, $0x380;
	v3 =	vld [tilespmem:s13+$0xFFFFFF90]  }
0x8d8: {  	v6 =	vld [tilespmem:s12+$0xFFFFFFA0];
	[tilespmem:s10+$0xFFFFFFE0] =	vst v1;
	v1 =	vadd.f32 v5, v2  }
0x8d9: {  	v2 =	vld [tilespmem:s13+$0xFFFFFFA0];
	v9 =	vadd.f32 v0, v4  }
0x8da: {  	v4 =	vld [tilespmem:s12+$0xFFFFFFB0];
	[tilespmem:s10+$0xFFFFFFF0] =	vst v1  }
0x8db: {  	v1 =	vld [tilespmem:s13+$0xFFFFFFB0];
	v5 =	vadd.f32 v8, v7;
	[tilespmem:s10+$0xFFFFFF90] =	vst v9  }
0x8dc: {  	s10 =	sadd.s32 $0x400, s10;
	v7 =	vld [tilespmem:s12+$0xFFFFFFC0];
	v0 =	vmov v3  }
0x8dd: {  	v8 =	vld [tilespmem:s13+$0xFFFFFFC0];
	[tilespmem:s10+$0x0] =	vst v5  }
0x8de: {  	v2 =	vadd.f32 v2, v6;
	v6 =	vld [tilespmem:s12+$0xFFFFFFD0]  }
0x8df: {  	v9 =	vld [tilespmem:s13+$0xFFFFFFD0]  }
.Ltmp63:
0x8e0: {  	[tilespmem:s10+$0xFFFFFFA0] =	vst v2;
	v2 =	vadd.f32 v1, v4;
	v1 =	vld [tilespmem:s12+$0xFFFFFFE0];
	(pc) =	sbr.rel @p3 .LBB2_121-.Ltmp63, $4  }
0x8e1: {  	v3 =	vld [tilespmem:s13+$0xFFFFFFE0]  }
0x8e2: {  	[tilespmem:s10+$0xFFFFFFB0] =	vst v2;
	v7 =	vadd.f32 v8, v7;
	v2 =	vld [tilespmem:s12+$0xFFFFFFF0]  }
0x8e3: {  	v5 =	vld [tilespmem:s13+$0xFFFFFFF0]  }
0x8e4: {  	v4 =	vld [tilespmem:s12+$0xFFFFFF90];
	[tilespmem:s10+$0xFFFFFFC0] =	vst v7;
	v6 =	vadd.f32 v9, v6;
	s12 =	sadd.s32 $0x400, s12  }
0x8e5: {  	_ =	sdelay $0x1  }
0x8e6: {  	v1 =	vadd.f32 v3, v1  }
.Ltmp64:
0x8e7: {  	[tilespmem:s10+$0xFFFFFFD0] =	vst v6;
	v2 =	vadd.f32 v5, v2;
	(pc) =	sbr.rel @p2 .LBB2_124-.Ltmp64, $4  }
0x8e8: {  	[tilespmem:s10+$0xFFFFFFE0] =	vst v1;
	v0 =	vadd.f32 v0, v4  }
0x8e9: {  	[tilespmem:s10+$0xFFFFFFF0] =	vst v2  }
0x8ea: {  	s3 =	sadd.s32 s4, s7;
	s25 =	simm.s32 $0x18000;
	[tilespmem:s10+$0xFFFFFF90] =	vst v0  }
0x8eb: {  	[hbm4b:s3+s5] =	stream.linear.scatter [tilespmem:s25], [sflag:$0xB], $0x2000, $0x38;
	[tilespmem:$0x1C000] =	vst v63  }
.Ltmp65:
0x8ec: {  	(pc) =	sbr.rel .LBB2_125-.Ltmp65, $4  }
0x8ed: {  	_ = 	snop  }
0x8ee: {  	_ =	swait.ge [sflag:s9], $0x2000  }
0x8ef: {  	[sflag:s9] =	ssyncset.done $0x0  }
0x8f0: {  	[sflag:s9] =	ssyncadd.s32 $0xFFFFE000  }
.LBB2_124:
0x8f1: {  	s3 =	sadd.s32 s16, s11  }
0x8f2: {  	s7 =	rddreg [dreg:$0x9];
	s3 =	sshll.u32 s3, $0xA  }
.Ltmp66:
0x8f3: {  	s25 =	simm.s32 $0x8000;
	s3 =	sadd.s32 s3, s7;
	(pc) =	sbr.rel @p0 .LBB2_126-.Ltmp66, $4  }
0x8f4: {  	[tilespmem:s25], [sflag:$0x3] =	stream.linear.gather [hbm4b:s3+s5], $0x2000, $0x38;
	[tilespmem:$0x1C000] =	vst v63  }
0x8f5: {  	_ =	swait.ge [sflag:s9], $0x2000  }
0x8f6: {  	[sflag:s9] =	ssyncset.done $0x0  }
0x8f7: {  	[sflag:s9] =	ssyncadd.s32 $0xFFFFE000  }
.LBB2_125:
0x8f8: {  	_ =	swait.ge [sflag:s30], $0x2000  }
0x8f9: {  	[sflag:s30] =	ssyncset.done $0x0  }
0x8fa: {  	[sflag:s30] =	ssyncadd.s32 $0xFFFFE000  }
.LBB2_126:
0x8fb: {  	s12 =	simm.s32 $0xA040  }
0x8fc: {  	s3 =	simm.s32 $0x2040;
	v1 =	vld [tilespmem:s12+$0x30]  }
0x8fd: {  	v2 =	vld [tilespmem:s3+$0x30]  }
0x8fe: {  	v0 =	vld [tilespmem:s3+$0xFFFFFFC0]  }
0x8ff: {  	v3 =	vld [tilespmem:s12+$0xFFFFFFD0]  }
0x900: {  	v4 =	vld [tilespmem:s3+$0xFFFFFFD0]  }
0x901: {  	v5 =	vld [tilespmem:s12+$0xFFFFFFE0]  }
0x902: {  	v6 =	vld [tilespmem:s3+$0xFFFFFFE0]  }
0x903: {  	v7 =	vld [tilespmem:s12+$0xFFFFFFF0]  }
0x904: {  	v8 =	vld [tilespmem:s3+$0xFFFFFFF0]  }
0x905: {  	v9 =	vld [tilespmem:s12+$0x0]  }
0x906: {  	v10 =	vld [tilespmem:s3+$0x0];
	v2 =	vadd.f32 v2, v1  }
0x907: {  	s10 =	simm.s32 $0x1A040;
	v4 =	vadd.f32 v4, v3;
	v1 =	vld [tilespmem:s12+$0x10]  }
0x908: {  	v5 =	vadd.f32 v6, v5;
	v3 =	vld [tilespmem:s3+$0x10];
	[tilespmem:s10+$0x30] =	vst v2  }
0x909: {  	v6 =	vadd.f32 v8, v7;
	[tilespmem:s10+$0xFFFFFFD0] =	vst v4;
	v2 =	vld [tilespmem:s12+$0x20]  }
0x90a: {  	[tilespmem:s10+$0xFFFFFFE0] =	vst v5;
	v4 =	vld [tilespmem:s3+$0x20]  }
0x90b: {  	s13 =	simm.s32 $0x0;
	s7 =	simm.s32 $0x1A0F0;
	s17 =	simm.s32 $0xA440;
	v5 =	vld [tilespmem:s12+$0xFFFFFFC0];
	[tilespmem:s10+$0xFFFFFFF0] =	vst v6;
	v6 =	vadd.f32 v10, v9  }
.LBB2_127:
0x90c: {  	v7 =	vld [tilespmem:s17+$0x30];
	s3 =	sadd.s32 $0x400, s3  }
0x90d: {  	s13 =	sadd.s32 $0x80, s13;
	v8 =	vld [tilespmem:s3+$0x30];
	[tilespmem:s10+$0x0] =	vst v6;
	v1 =	vadd.f32 v3, v1  }
0x90e: {  	p0 =	slt.u32 s13, $0x380;
	v3 =	vld [tilespmem:s3+$0xFFFFFFC0]  }
0x90f: {  	v6 =	vld [tilespmem:s17+$0xFFFFFFD0];
	[tilespmem:s10+$0x10] =	vst v1;
	v1 =	vadd.f32 v4, v2  }
0x910: {  	v2 =	vld [tilespmem:s3+$0xFFFFFFD0];
	v9 =	vadd.f32 v0, v5  }
0x911: {  	v4 =	vld [tilespmem:s17+$0xFFFFFFE0];
	[tilespmem:s10+$0x20] =	vst v1  }
0x912: {  	v1 =	vld [tilespmem:s3+$0xFFFFFFE0];
	v5 =	vadd.f32 v8, v7;
	[tilespmem:s10+$0xFFFFFFC0] =	vst v9  }
0x913: {  	s10 =	sadd.s32 $0x400, s10;
	v7 =	vld [tilespmem:s17+$0xFFFFFFF0];
	v0 =	vmov v3  }
0x914: {  	s12 =	simm.s32 $0x20F0;
	s18 =	simm.s32 $0xA0F0;
	v8 =	vld [tilespmem:s3+$0xFFFFFFF0];
	[tilespmem:s10+$0x30] =	vst v5  }
0x915: {  	v2 =	vadd.f32 v2, v6;
	v6 =	vld [tilespmem:s17+$0x0]  }
0x916: {  	v9 =	vld [tilespmem:s3+$0x0]  }
.Ltmp67:
0x917: {  	[tilespmem:s10+$0xFFFFFFD0] =	vst v2;
	v2 =	vadd.f32 v1, v4;
	v1 =	vld [tilespmem:s17+$0x10];
	(pc) =	sbr.rel @p0 .LBB2_127-.Ltmp67, $4  }
0x918: {  	v3 =	vld [tilespmem:s3+$0x10]  }
0x919: {  	[tilespmem:s10+$0xFFFFFFE0] =	vst v2;
	v7 =	vadd.f32 v8, v7;
	v2 =	vld [tilespmem:s17+$0x20]  }
0x91a: {  	v4 =	vld [tilespmem:s3+$0x20]  }
0x91b: {  	v5 =	vld [tilespmem:s17+$0xFFFFFFC0];
	[tilespmem:s10+$0xFFFFFFF0] =	vst v7;
	v6 =	vadd.f32 v9, v6;
	s17 =	sadd.s32 $0x400, s17  }
0x91c: {  	_ =	sdelay $0x1  }
0x91d: {  	v1 =	vadd.f32 v3, v1  }
0x91e: {  	[tilespmem:s10+$0x0] =	vst v6;
	v2 =	vadd.f32 v4, v2  }
0x91f: {  	[tilespmem:s10+$0x10] =	vst v1;
	v0 =	vadd.f32 v0, v5  }
0x920: {  	[tilespmem:s10+$0x20] =	vst v2  }
0x921: {  	[tilespmem:s10+$0xFFFFFFC0] =	vst v0  }
0x922: {  	v1 =	vld [tilespmem:s18+$0x0]  }
0x923: {  	v2 =	vld [tilespmem:s12+$0x0]  }
0x924: {  	v0 =	vld [tilespmem:s12+$0xFFFFFF90]  }
0x925: {  	v3 =	vld [tilespmem:s18+$0xFFFFFFA0]  }
0x926: {  	v4 =	vld [tilespmem:s12+$0xFFFFFFA0]  }
0x927: {  	v5 =	vld [tilespmem:s18+$0xFFFFFFB0]  }
0x928: {  	v6 =	vld [tilespmem:s12+$0xFFFFFFB0]  }
0x929: {  	v7 =	vld [tilespmem:s18+$0xFFFFFFC0]  }
0x92a: {  	v8 =	vld [tilespmem:s12+$0xFFFFFFC0]  }
0x92b: {  	v9 =	vld [tilespmem:s18+$0xFFFFFFD0]  }
0x92c: {  	v10 =	vld [tilespmem:s12+$0xFFFFFFD0];
	v2 =	vadd.f32 v2, v1  }
0x92d: {  	v4 =	vadd.f32 v4, v3;
	v1 =	vld [tilespmem:s18+$0xFFFFFFE0]  }
0x92e: {  	v5 =	vadd.f32 v6, v5;
	v3 =	vld [tilespmem:s12+$0xFFFFFFE0];
	[tilespmem:s7+$0x0] =	vst v2  }
0x92f: {  	v6 =	vadd.f32 v8, v7;
	[tilespmem:s7+$0xFFFFFFA0] =	vst v4;
	v2 =	vld [tilespmem:s18+$0xFFFFFFF0]  }
0x930: {  	[tilespmem:s7+$0xFFFFFFB0] =	vst v5;
	v4 =	vld [tilespmem:s12+$0xFFFFFFF0]  }
0x931: {  	s3 =	simm.s32 $0x0;
	s20 =	simm.s32 $0xA4F0;
	s10 =	simm.s32 $0x1A170;
	v5 =	vld [tilespmem:s18+$0xFFFFFF90];
	[tilespmem:s7+$0xFFFFFFC0] =	vst v6;
	v6 =	vadd.f32 v10, v9  }
.LBB2_129:
0x932: {  	v7 =	vld [tilespmem:s20+$0x0];
	s12 =	sadd.s32 $0x400, s12  }
0x933: {  	s3 =	sadd.s32 $0x80, s3;
	v8 =	vld [tilespmem:s12+$0x0];
	[tilespmem:s7+$0xFFFFFFD0] =	vst v6;
	v1 =	vadd.f32 v3, v1  }
0x934: {  	p0 =	slt.u32 s3, $0x380;
	v3 =	vld [tilespmem:s12+$0xFFFFFF90]  }
0x935: {  	v6 =	vld [tilespmem:s20+$0xFFFFFFA0];
	[tilespmem:s7+$0xFFFFFFE0] =	vst v1;
	v1 =	vadd.f32 v4, v2  }
0x936: {  	v2 =	vld [tilespmem:s12+$0xFFFFFFA0];
	v9 =	vadd.f32 v0, v5  }
0x937: {  	v4 =	vld [tilespmem:s20+$0xFFFFFFB0];
	[tilespmem:s7+$0xFFFFFFF0] =	vst v1  }
0x938: {  	v1 =	vld [tilespmem:s12+$0xFFFFFFB0];
	v5 =	vadd.f32 v8, v7;
	[tilespmem:s7+$0xFFFFFF90] =	vst v9  }
0x939: {  	s17 =	simm.s32 $0xA170;
	s7 =	sadd.s32 $0x400, s7;
	v7 =	vld [tilespmem:s20+$0xFFFFFFC0];
	v0 =	vmov v3  }
0x93a: {  	s13 =	simm.s32 $0x2170;
	v8 =	vld [tilespmem:s12+$0xFFFFFFC0];
	[tilespmem:s7+$0x0] =	vst v5  }
0x93b: {  	v2 =	vadd.f32 v2, v6;
	v6 =	vld [tilespmem:s20+$0xFFFFFFD0]  }
0x93c: {  	v9 =	vld [tilespmem:s12+$0xFFFFFFD0]  }
.Ltmp68:
0x93d: {  	[tilespmem:s7+$0xFFFFFFA0] =	vst v2;
	v2 =	vadd.f32 v1, v4;
	v1 =	vld [tilespmem:s20+$0xFFFFFFE0];
	(pc) =	sbr.rel @p0 .LBB2_129-.Ltmp68, $4  }
0x93e: {  	v3 =	vld [tilespmem:s12+$0xFFFFFFE0]  }
0x93f: {  	[tilespmem:s7+$0xFFFFFFB0] =	vst v2;
	v7 =	vadd.f32 v8, v7;
	v2 =	vld [tilespmem:s20+$0xFFFFFFF0]  }
0x940: {  	v4 =	vld [tilespmem:s12+$0xFFFFFFF0]  }
0x941: {  	v5 =	vld [tilespmem:s20+$0xFFFFFF90];
	[tilespmem:s7+$0xFFFFFFC0] =	vst v7;
	v6 =	vadd.f32 v9, v6;
	s20 =	sadd.s32 $0x400, s20  }
0x942: {  	_ =	sdelay $0x1  }
0x943: {  	v1 =	vadd.f32 v3, v1  }
0x944: {  	[tilespmem:s7+$0xFFFFFFD0] =	vst v6;
	v2 =	vadd.f32 v4, v2  }
0x945: {  	[tilespmem:s7+$0xFFFFFFE0] =	vst v1;
	v0 =	vadd.f32 v0, v5  }
0x946: {  	[tilespmem:s7+$0xFFFFFFF0] =	vst v2  }
0x947: {  	[tilespmem:s7+$0xFFFFFF90] =	vst v0  }
0x948: {  	v1 =	vld [tilespmem:s17+$0x0]  }
0x949: {  	v2 =	vld [tilespmem:s13+$0x0]  }
0x94a: {  	v0 =	vld [tilespmem:s13+$0xFFFFFF90]  }
0x94b: {  	v3 =	vld [tilespmem:s17+$0xFFFFFFA0]  }
0x94c: {  	v4 =	vld [tilespmem:s13+$0xFFFFFFA0]  }
0x94d: {  	v5 =	vld [tilespmem:s17+$0xFFFFFFB0]  }
0x94e: {  	v6 =	vld [tilespmem:s13+$0xFFFFFFB0]  }
0x94f: {  	v7 =	vld [tilespmem:s17+$0xFFFFFFC0]  }
0x950: {  	v8 =	vld [tilespmem:s13+$0xFFFFFFC0]  }
0x951: {  	v9 =	vld [tilespmem:s17+$0xFFFFFFD0]  }
0x952: {  	v10 =	vld [tilespmem:s13+$0xFFFFFFD0];
	v2 =	vadd.f32 v2, v1  }
0x953: {  	v4 =	vadd.f32 v4, v3;
	v1 =	vld [tilespmem:s17+$0xFFFFFFE0]  }
0x954: {  	v5 =	vadd.f32 v6, v5;
	v3 =	vld [tilespmem:s13+$0xFFFFFFE0];
	[tilespmem:s10+$0x0] =	vst v2  }
0x955: {  	v6 =	vadd.f32 v8, v7;
	[tilespmem:s10+$0xFFFFFFA0] =	vst v4;
	v2 =	vld [tilespmem:s17+$0xFFFFFFF0]  }
0x956: {  	[tilespmem:s10+$0xFFFFFFB0] =	vst v5;
	v4 =	vld [tilespmem:s13+$0xFFFFFFF0]  }
0x957: {  	s3 =	simm.s32 $0x0;
	s7 =	simm.s32 $0x1A1F0;
	v5 =	vld [tilespmem:s17+$0xFFFFFF90];
	[tilespmem:s10+$0xFFFFFFC0] =	vst v6;
	v6 =	vadd.f32 v10, v9;
	s17 =	simm.s32 $0xA570  }
.LBB2_131:
0x958: {  	v7 =	vld [tilespmem:s17+$0x0];
	s13 =	sadd.s32 $0x400, s13  }
0x959: {  	s3 =	sadd.s32 $0x80, s3;
	v8 =	vld [tilespmem:s13+$0x0];
	[tilespmem:s10+$0xFFFFFFD0] =	vst v6;
	v1 =	vadd.f32 v3, v1  }
0x95a: {  	p0 =	slt.u32 s3, $0x380;
	v3 =	vld [tilespmem:s13+$0xFFFFFF90]  }
0x95b: {  	v6 =	vld [tilespmem:s17+$0xFFFFFFA0];
	[tilespmem:s10+$0xFFFFFFE0] =	vst v1;
	v1 =	vadd.f32 v4, v2  }
0x95c: {  	v2 =	vld [tilespmem:s13+$0xFFFFFFA0];
	v9 =	vadd.f32 v0, v5  }
0x95d: {  	v4 =	vld [tilespmem:s17+$0xFFFFFFB0];
	[tilespmem:s10+$0xFFFFFFF0] =	vst v1  }
0x95e: {  	v1 =	vld [tilespmem:s13+$0xFFFFFFB0];
	v5 =	vadd.f32 v8, v7;
	[tilespmem:s10+$0xFFFFFF90] =	vst v9  }
0x95f: {  	s10 =	sadd.s32 $0x400, s10;
	v7 =	vld [tilespmem:s17+$0xFFFFFFC0];
	v0 =	vmov v3  }
0x960: {  	s12 =	simm.s32 $0x21F0;
	s18 =	simm.s32 $0xA1F0;
	v8 =	vld [tilespmem:s13+$0xFFFFFFC0];
	[tilespmem:s10+$0x0] =	vst v5  }
0x961: {  	v2 =	vadd.f32 v2, v6;
	v6 =	vld [tilespmem:s17+$0xFFFFFFD0]  }
0x962: {  	v9 =	vld [tilespmem:s13+$0xFFFFFFD0]  }
.Ltmp69:
0x963: {  	[tilespmem:s10+$0xFFFFFFA0] =	vst v2;
	v2 =	vadd.f32 v1, v4;
	v1 =	vld [tilespmem:s17+$0xFFFFFFE0];
	(pc) =	sbr.rel @p0 .LBB2_131-.Ltmp69, $4  }
0x964: {  	v3 =	vld [tilespmem:s13+$0xFFFFFFE0]  }
0x965: {  	[tilespmem:s10+$0xFFFFFFB0] =	vst v2;
	v7 =	vadd.f32 v8, v7;
	v2 =	vld [tilespmem:s17+$0xFFFFFFF0]  }
0x966: {  	v4 =	vld [tilespmem:s13+$0xFFFFFFF0]  }
0x967: {  	v5 =	vld [tilespmem:s17+$0xFFFFFF90];
	[tilespmem:s10+$0xFFFFFFC0] =	vst v7;
	v6 =	vadd.f32 v9, v6;
	s17 =	sadd.s32 $0x400, s17  }
0x968: {  	_ =	sdelay $0x1  }
0x969: {  	v1 =	vadd.f32 v3, v1  }
0x96a: {  	[tilespmem:s10+$0xFFFFFFD0] =	vst v6;
	v2 =	vadd.f32 v4, v2  }
0x96b: {  	[tilespmem:s10+$0xFFFFFFE0] =	vst v1;
	v0 =	vadd.f32 v0, v5  }
0x96c: {  	[tilespmem:s10+$0xFFFFFFF0] =	vst v2  }
0x96d: {  	[tilespmem:s10+$0xFFFFFF90] =	vst v0  }
0x96e: {  	v1 =	vld [tilespmem:s18+$0x0]  }
0x96f: {  	v2 =	vld [tilespmem:s12+$0x0]  }
0x970: {  	v0 =	vld [tilespmem:s12+$0xFFFFFF90]  }
0x971: {  	v3 =	vld [tilespmem:s18+$0xFFFFFFA0]  }
0x972: {  	v4 =	vld [tilespmem:s12+$0xFFFFFFA0]  }
0x973: {  	v5 =	vld [tilespmem:s18+$0xFFFFFFB0]  }
0x974: {  	v6 =	vld [tilespmem:s12+$0xFFFFFFB0]  }
0x975: {  	v7 =	vld [tilespmem:s18+$0xFFFFFFC0]  }
0x976: {  	v8 =	vld [tilespmem:s12+$0xFFFFFFC0]  }
0x977: {  	v9 =	vld [tilespmem:s18+$0xFFFFFFD0]  }
0x978: {  	v10 =	vld [tilespmem:s12+$0xFFFFFFD0];
	v2 =	vadd.f32 v2, v1  }
0x979: {  	v4 =	vadd.f32 v4, v3;
	v1 =	vld [tilespmem:s18+$0xFFFFFFE0]  }
0x97a: {  	v5 =	vadd.f32 v6, v5;
	v3 =	vld [tilespmem:s12+$0xFFFFFFE0];
	[tilespmem:s7+$0x0] =	vst v2  }
0x97b: {  	v6 =	vadd.f32 v8, v7;
	[tilespmem:s7+$0xFFFFFFA0] =	vst v4;
	v2 =	vld [tilespmem:s18+$0xFFFFFFF0]  }
0x97c: {  	[tilespmem:s7+$0xFFFFFFB0] =	vst v5;
	v4 =	vld [tilespmem:s12+$0xFFFFFFF0]  }
0x97d: {  	s3 =	simm.s32 $0x0;
	s20 =	simm.s32 $0xA5F0;
	s10 =	simm.s32 $0x1A270;
	v5 =	vld [tilespmem:s18+$0xFFFFFF90];
	[tilespmem:s7+$0xFFFFFFC0] =	vst v6;
	v6 =	vadd.f32 v10, v9  }
.LBB2_133:
0x97e: {  	v7 =	vld [tilespmem:s20+$0x0];
	s12 =	sadd.s32 $0x400, s12  }
0x97f: {  	s3 =	sadd.s32 $0x80, s3;
	v8 =	vld [tilespmem:s12+$0x0];
	[tilespmem:s7+$0xFFFFFFD0] =	vst v6;
	v1 =	vadd.f32 v3, v1  }
0x980: {  	p0 =	slt.u32 s3, $0x380;
	v3 =	vld [tilespmem:s12+$0xFFFFFF90]  }
0x981: {  	v6 =	vld [tilespmem:s20+$0xFFFFFFA0];
	[tilespmem:s7+$0xFFFFFFE0] =	vst v1;
	v1 =	vadd.f32 v4, v2  }
0x982: {  	v2 =	vld [tilespmem:s12+$0xFFFFFFA0];
	v9 =	vadd.f32 v0, v5  }
0x983: {  	v4 =	vld [tilespmem:s20+$0xFFFFFFB0];
	[tilespmem:s7+$0xFFFFFFF0] =	vst v1  }
0x984: {  	v1 =	vld [tilespmem:s12+$0xFFFFFFB0];
	v5 =	vadd.f32 v8, v7;
	[tilespmem:s7+$0xFFFFFF90] =	vst v9  }
0x985: {  	s17 =	simm.s32 $0xA270;
	s7 =	sadd.s32 $0x400, s7;
	v7 =	vld [tilespmem:s20+$0xFFFFFFC0];
	v0 =	vmov v3  }
0x986: {  	s13 =	simm.s32 $0x2270;
	v8 =	vld [tilespmem:s12+$0xFFFFFFC0];
	[tilespmem:s7+$0x0] =	vst v5  }
0x987: {  	v2 =	vadd.f32 v2, v6;
	v6 =	vld [tilespmem:s20+$0xFFFFFFD0]  }
0x988: {  	v9 =	vld [tilespmem:s12+$0xFFFFFFD0]  }
.Ltmp70:
0x989: {  	[tilespmem:s7+$0xFFFFFFA0] =	vst v2;
	v2 =	vadd.f32 v1, v4;
	v1 =	vld [tilespmem:s20+$0xFFFFFFE0];
	(pc) =	sbr.rel @p0 .LBB2_133-.Ltmp70, $4  }
0x98a: {  	v3 =	vld [tilespmem:s12+$0xFFFFFFE0]  }
0x98b: {  	[tilespmem:s7+$0xFFFFFFB0] =	vst v2;
	v7 =	vadd.f32 v8, v7;
	v2 =	vld [tilespmem:s20+$0xFFFFFFF0]  }
0x98c: {  	v4 =	vld [tilespmem:s12+$0xFFFFFFF0]  }
0x98d: {  	v5 =	vld [tilespmem:s20+$0xFFFFFF90];
	[tilespmem:s7+$0xFFFFFFC0] =	vst v7;
	v6 =	vadd.f32 v9, v6;
	s20 =	sadd.s32 $0x400, s20  }
0x98e: {  	_ =	sdelay $0x1  }
0x98f: {  	v1 =	vadd.f32 v3, v1  }
0x990: {  	[tilespmem:s7+$0xFFFFFFD0] =	vst v6;
	v2 =	vadd.f32 v4, v2  }
0x991: {  	[tilespmem:s7+$0xFFFFFFE0] =	vst v1;
	v0 =	vadd.f32 v0, v5  }
0x992: {  	[tilespmem:s7+$0xFFFFFFF0] =	vst v2  }
0x993: {  	[tilespmem:s7+$0xFFFFFF90] =	vst v0  }
0x994: {  	v1 =	vld [tilespmem:s17+$0x0]  }
0x995: {  	v2 =	vld [tilespmem:s13+$0x0]  }
0x996: {  	v0 =	vld [tilespmem:s13+$0xFFFFFF90]  }
0x997: {  	v3 =	vld [tilespmem:s17+$0xFFFFFFA0]  }
0x998: {  	v4 =	vld [tilespmem:s13+$0xFFFFFFA0]  }
0x999: {  	v5 =	vld [tilespmem:s17+$0xFFFFFFB0]  }
0x99a: {  	v6 =	vld [tilespmem:s13+$0xFFFFFFB0]  }
0x99b: {  	v7 =	vld [tilespmem:s17+$0xFFFFFFC0]  }
0x99c: {  	v8 =	vld [tilespmem:s13+$0xFFFFFFC0]  }
0x99d: {  	v9 =	vld [tilespmem:s17+$0xFFFFFFD0]  }
0x99e: {  	v10 =	vld [tilespmem:s13+$0xFFFFFFD0];
	v2 =	vadd.f32 v2, v1  }
0x99f: {  	v4 =	vadd.f32 v4, v3;
	v1 =	vld [tilespmem:s17+$0xFFFFFFE0]  }
0x9a0: {  	v5 =	vadd.f32 v6, v5;
	v3 =	vld [tilespmem:s13+$0xFFFFFFE0];
	[tilespmem:s10+$0x0] =	vst v2  }
0x9a1: {  	v6 =	vadd.f32 v8, v7;
	[tilespmem:s10+$0xFFFFFFA0] =	vst v4;
	v2 =	vld [tilespmem:s17+$0xFFFFFFF0]  }
0x9a2: {  	[tilespmem:s10+$0xFFFFFFB0] =	vst v5;
	v4 =	vld [tilespmem:s13+$0xFFFFFFF0]  }
0x9a3: {  	s3 =	simm.s32 $0x0;
	s7 =	simm.s32 $0x1A2F0;
	v5 =	vld [tilespmem:s17+$0xFFFFFF90];
	[tilespmem:s10+$0xFFFFFFC0] =	vst v6;
	v6 =	vadd.f32 v10, v9;
	s17 =	simm.s32 $0xA670  }
.LBB2_135:
0x9a4: {  	v7 =	vld [tilespmem:s17+$0x0];
	s13 =	sadd.s32 $0x400, s13  }
0x9a5: {  	s3 =	sadd.s32 $0x80, s3;
	v8 =	vld [tilespmem:s13+$0x0];
	[tilespmem:s10+$0xFFFFFFD0] =	vst v6;
	v1 =	vadd.f32 v3, v1  }
0x9a6: {  	p0 =	slt.u32 s3, $0x380;
	v3 =	vld [tilespmem:s13+$0xFFFFFF90]  }
0x9a7: {  	v6 =	vld [tilespmem:s17+$0xFFFFFFA0];
	[tilespmem:s10+$0xFFFFFFE0] =	vst v1;
	v1 =	vadd.f32 v4, v2  }
0x9a8: {  	v2 =	vld [tilespmem:s13+$0xFFFFFFA0];
	v9 =	vadd.f32 v0, v5  }
0x9a9: {  	v4 =	vld [tilespmem:s17+$0xFFFFFFB0];
	[tilespmem:s10+$0xFFFFFFF0] =	vst v1  }
0x9aa: {  	v1 =	vld [tilespmem:s13+$0xFFFFFFB0];
	v5 =	vadd.f32 v8, v7;
	[tilespmem:s10+$0xFFFFFF90] =	vst v9  }
0x9ab: {  	s10 =	sadd.s32 $0x400, s10;
	v7 =	vld [tilespmem:s17+$0xFFFFFFC0];
	v0 =	vmov v3  }
0x9ac: {  	s12 =	simm.s32 $0x22F0;
	s18 =	simm.s32 $0xA2F0;
	v8 =	vld [tilespmem:s13+$0xFFFFFFC0];
	[tilespmem:s10+$0x0] =	vst v5  }
0x9ad: {  	v2 =	vadd.f32 v2, v6;
	v6 =	vld [tilespmem:s17+$0xFFFFFFD0]  }
0x9ae: {  	v9 =	vld [tilespmem:s13+$0xFFFFFFD0]  }
.Ltmp71:
0x9af: {  	[tilespmem:s10+$0xFFFFFFA0] =	vst v2;
	v2 =	vadd.f32 v1, v4;
	v1 =	vld [tilespmem:s17+$0xFFFFFFE0];
	(pc) =	sbr.rel @p0 .LBB2_135-.Ltmp71, $4  }
0x9b0: {  	v3 =	vld [tilespmem:s13+$0xFFFFFFE0]  }
0x9b1: {  	[tilespmem:s10+$0xFFFFFFB0] =	vst v2;
	v7 =	vadd.f32 v8, v7;
	v2 =	vld [tilespmem:s17+$0xFFFFFFF0]  }
0x9b2: {  	v4 =	vld [tilespmem:s13+$0xFFFFFFF0]  }
0x9b3: {  	v5 =	vld [tilespmem:s17+$0xFFFFFF90];
	[tilespmem:s10+$0xFFFFFFC0] =	vst v7;
	v6 =	vadd.f32 v9, v6;
	s17 =	sadd.s32 $0x400, s17  }
0x9b4: {  	_ =	sdelay $0x1  }
0x9b5: {  	v1 =	vadd.f32 v3, v1  }
0x9b6: {  	[tilespmem:s10+$0xFFFFFFD0] =	vst v6;
	v2 =	vadd.f32 v4, v2  }
0x9b7: {  	[tilespmem:s10+$0xFFFFFFE0] =	vst v1;
	v0 =	vadd.f32 v0, v5  }
0x9b8: {  	[tilespmem:s10+$0xFFFFFFF0] =	vst v2  }
0x9b9: {  	[tilespmem:s10+$0xFFFFFF90] =	vst v0  }
0x9ba: {  	v1 =	vld [tilespmem:s18+$0x0]  }
0x9bb: {  	v2 =	vld [tilespmem:s12+$0x0]  }
0x9bc: {  	v0 =	vld [tilespmem:s12+$0xFFFFFF90]  }
0x9bd: {  	v3 =	vld [tilespmem:s18+$0xFFFFFFA0]  }
0x9be: {  	v4 =	vld [tilespmem:s12+$0xFFFFFFA0]  }
0x9bf: {  	v5 =	vld [tilespmem:s18+$0xFFFFFFB0]  }
0x9c0: {  	v6 =	vld [tilespmem:s12+$0xFFFFFFB0]  }
0x9c1: {  	v7 =	vld [tilespmem:s18+$0xFFFFFFC0]  }
0x9c2: {  	v8 =	vld [tilespmem:s12+$0xFFFFFFC0]  }
0x9c3: {  	v9 =	vld [tilespmem:s18+$0xFFFFFFD0]  }
0x9c4: {  	v10 =	vld [tilespmem:s12+$0xFFFFFFD0];
	v2 =	vadd.f32 v2, v1  }
0x9c5: {  	v4 =	vadd.f32 v4, v3;
	v1 =	vld [tilespmem:s18+$0xFFFFFFE0]  }
0x9c6: {  	v5 =	vadd.f32 v6, v5;
	v3 =	vld [tilespmem:s12+$0xFFFFFFE0];
	[tilespmem:s7+$0x0] =	vst v2  }
0x9c7: {  	v6 =	vadd.f32 v8, v7;
	[tilespmem:s7+$0xFFFFFFA0] =	vst v4;
	v2 =	vld [tilespmem:s18+$0xFFFFFFF0]  }
0x9c8: {  	[tilespmem:s7+$0xFFFFFFB0] =	vst v5;
	v4 =	vld [tilespmem:s12+$0xFFFFFFF0]  }
0x9c9: {  	s3 =	simm.s32 $0x0;
	s20 =	simm.s32 $0xA6F0;
	s10 =	simm.s32 $0x1A370;
	v5 =	vld [tilespmem:s18+$0xFFFFFF90];
	[tilespmem:s7+$0xFFFFFFC0] =	vst v6;
	v6 =	vadd.f32 v10, v9  }
.LBB2_137:
0x9ca: {  	v7 =	vld [tilespmem:s20+$0x0];
	s12 =	sadd.s32 $0x400, s12  }
0x9cb: {  	s3 =	sadd.s32 $0x80, s3;
	v8 =	vld [tilespmem:s12+$0x0];
	[tilespmem:s7+$0xFFFFFFD0] =	vst v6;
	v1 =	vadd.f32 v3, v1  }
0x9cc: {  	p0 =	slt.u32 s3, $0x380;
	v3 =	vld [tilespmem:s12+$0xFFFFFF90]  }
0x9cd: {  	v6 =	vld [tilespmem:s20+$0xFFFFFFA0];
	[tilespmem:s7+$0xFFFFFFE0] =	vst v1;
	v1 =	vadd.f32 v4, v2  }
0x9ce: {  	v2 =	vld [tilespmem:s12+$0xFFFFFFA0];
	v9 =	vadd.f32 v0, v5  }
0x9cf: {  	v4 =	vld [tilespmem:s20+$0xFFFFFFB0];
	[tilespmem:s7+$0xFFFFFFF0] =	vst v1  }
0x9d0: {  	v1 =	vld [tilespmem:s12+$0xFFFFFFB0];
	v5 =	vadd.f32 v8, v7;
	[tilespmem:s7+$0xFFFFFF90] =	vst v9  }
0x9d1: {  	s17 =	simm.s32 $0xA370;
	s7 =	sadd.s32 $0x400, s7;
	v7 =	vld [tilespmem:s20+$0xFFFFFFC0];
	v0 =	vmov v3  }
0x9d2: {  	s13 =	simm.s32 $0x2370;
	v8 =	vld [tilespmem:s12+$0xFFFFFFC0];
	[tilespmem:s7+$0x0] =	vst v5  }
0x9d3: {  	v2 =	vadd.f32 v2, v6;
	v6 =	vld [tilespmem:s20+$0xFFFFFFD0]  }
0x9d4: {  	v9 =	vld [tilespmem:s12+$0xFFFFFFD0]  }
.Ltmp72:
0x9d5: {  	[tilespmem:s7+$0xFFFFFFA0] =	vst v2;
	v2 =	vadd.f32 v1, v4;
	v1 =	vld [tilespmem:s20+$0xFFFFFFE0];
	(pc) =	sbr.rel @p0 .LBB2_137-.Ltmp72, $4  }
0x9d6: {  	v3 =	vld [tilespmem:s12+$0xFFFFFFE0]  }
0x9d7: {  	[tilespmem:s7+$0xFFFFFFB0] =	vst v2;
	v7 =	vadd.f32 v8, v7;
	v2 =	vld [tilespmem:s20+$0xFFFFFFF0]  }
0x9d8: {  	v4 =	vld [tilespmem:s12+$0xFFFFFFF0]  }
0x9d9: {  	v5 =	vld [tilespmem:s20+$0xFFFFFF90];
	[tilespmem:s7+$0xFFFFFFC0] =	vst v7;
	v6 =	vadd.f32 v9, v6;
	s20 =	sadd.s32 $0x400, s20  }
0x9da: {  	_ =	sdelay $0x1  }
0x9db: {  	v1 =	vadd.f32 v3, v1  }
0x9dc: {  	[tilespmem:s7+$0xFFFFFFD0] =	vst v6;
	v2 =	vadd.f32 v4, v2  }
0x9dd: {  	[tilespmem:s7+$0xFFFFFFE0] =	vst v1;
	v0 =	vadd.f32 v0, v5  }
0x9de: {  	[tilespmem:s7+$0xFFFFFFF0] =	vst v2  }
0x9df: {  	[tilespmem:s7+$0xFFFFFF90] =	vst v0  }
0x9e0: {  	v1 =	vld [tilespmem:s17+$0x0]  }
0x9e1: {  	v2 =	vld [tilespmem:s13+$0x0]  }
0x9e2: {  	v0 =	vld [tilespmem:s13+$0xFFFFFF90]  }
0x9e3: {  	v3 =	vld [tilespmem:s17+$0xFFFFFFA0]  }
0x9e4: {  	v4 =	vld [tilespmem:s13+$0xFFFFFFA0]  }
0x9e5: {  	v5 =	vld [tilespmem:s17+$0xFFFFFFB0]  }
0x9e6: {  	v6 =	vld [tilespmem:s13+$0xFFFFFFB0]  }
0x9e7: {  	v7 =	vld [tilespmem:s17+$0xFFFFFFC0]  }
0x9e8: {  	v8 =	vld [tilespmem:s13+$0xFFFFFFC0]  }
0x9e9: {  	v9 =	vld [tilespmem:s17+$0xFFFFFFD0]  }
0x9ea: {  	v10 =	vld [tilespmem:s13+$0xFFFFFFD0];
	v2 =	vadd.f32 v2, v1  }
0x9eb: {  	v4 =	vadd.f32 v4, v3;
	v1 =	vld [tilespmem:s17+$0xFFFFFFE0]  }
0x9ec: {  	v5 =	vadd.f32 v6, v5;
	v3 =	vld [tilespmem:s13+$0xFFFFFFE0];
	[tilespmem:s10+$0x0] =	vst v2  }
0x9ed: {  	v6 =	vadd.f32 v8, v7;
	[tilespmem:s10+$0xFFFFFFA0] =	vst v4;
	v2 =	vld [tilespmem:s17+$0xFFFFFFF0]  }
0x9ee: {  	[tilespmem:s10+$0xFFFFFFB0] =	vst v5;
	v4 =	vld [tilespmem:s13+$0xFFFFFFF0]  }
0x9ef: {  	s3 =	simm.s32 $0x0;
	s7 =	simm.s32 $0x1A3F0;
	v5 =	vld [tilespmem:s17+$0xFFFFFF90];
	[tilespmem:s10+$0xFFFFFFC0] =	vst v6;
	v6 =	vadd.f32 v10, v9;
	s17 =	simm.s32 $0xA770  }
.LBB2_139:
0x9f0: {  	v7 =	vld [tilespmem:s17+$0x0];
	s13 =	sadd.s32 $0x400, s13  }
0x9f1: {  	s3 =	sadd.s32 $0x80, s3;
	v8 =	vld [tilespmem:s13+$0x0];
	[tilespmem:s10+$0xFFFFFFD0] =	vst v6;
	v1 =	vadd.f32 v3, v1  }
0x9f2: {  	p0 =	slt.u32 s3, $0x380;
	v3 =	vld [tilespmem:s13+$0xFFFFFF90]  }
0x9f3: {  	v6 =	vld [tilespmem:s17+$0xFFFFFFA0];
	[tilespmem:s10+$0xFFFFFFE0] =	vst v1;
	v1 =	vadd.f32 v4, v2  }
0x9f4: {  	v2 =	vld [tilespmem:s13+$0xFFFFFFA0];
	v9 =	vadd.f32 v0, v5  }
0x9f5: {  	v4 =	vld [tilespmem:s17+$0xFFFFFFB0];
	[tilespmem:s10+$0xFFFFFFF0] =	vst v1  }
0x9f6: {  	v1 =	vld [tilespmem:s13+$0xFFFFFFB0];
	v5 =	vadd.f32 v8, v7;
	[tilespmem:s10+$0xFFFFFF90] =	vst v9  }
0x9f7: {  	s10 =	sadd.s32 $0x400, s10;
	v7 =	vld [tilespmem:s17+$0xFFFFFFC0];
	v0 =	vmov v3  }
0x9f8: {  	s12 =	simm.s32 $0x23F0;
	s18 =	simm.s32 $0xA3F0;
	v8 =	vld [tilespmem:s13+$0xFFFFFFC0];
	[tilespmem:s10+$0x0] =	vst v5  }
0x9f9: {  	v2 =	vadd.f32 v2, v6;
	v6 =	vld [tilespmem:s17+$0xFFFFFFD0]  }
0x9fa: {  	v9 =	vld [tilespmem:s13+$0xFFFFFFD0]  }
.Ltmp73:
0x9fb: {  	[tilespmem:s10+$0xFFFFFFA0] =	vst v2;
	v2 =	vadd.f32 v1, v4;
	v1 =	vld [tilespmem:s17+$0xFFFFFFE0];
	(pc) =	sbr.rel @p0 .LBB2_139-.Ltmp73, $4  }
0x9fc: {  	v3 =	vld [tilespmem:s13+$0xFFFFFFE0]  }
0x9fd: {  	[tilespmem:s10+$0xFFFFFFB0] =	vst v2;
	v7 =	vadd.f32 v8, v7;
	v2 =	vld [tilespmem:s17+$0xFFFFFFF0]  }
0x9fe: {  	v4 =	vld [tilespmem:s13+$0xFFFFFFF0]  }
0x9ff: {  	v5 =	vld [tilespmem:s17+$0xFFFFFF90];
	[tilespmem:s10+$0xFFFFFFC0] =	vst v7;
	v6 =	vadd.f32 v9, v6;
	s17 =	sadd.s32 $0x400, s17  }
0xa00: {  	_ =	sdelay $0x1  }
0xa01: {  	v1 =	vadd.f32 v3, v1  }
0xa02: {  	[tilespmem:s10+$0xFFFFFFD0] =	vst v6;
	v2 =	vadd.f32 v4, v2  }
0xa03: {  	[tilespmem:s10+$0xFFFFFFE0] =	vst v1;
	v0 =	vadd.f32 v0, v5  }
0xa04: {  	[tilespmem:s10+$0xFFFFFFF0] =	vst v2  }
0xa05: {  	[tilespmem:s10+$0xFFFFFF90] =	vst v0  }
0xa06: {  	v1 =	vld [tilespmem:s18+$0x0]  }
0xa07: {  	v2 =	vld [tilespmem:s12+$0x0]  }
0xa08: {  	v0 =	vld [tilespmem:s12+$0xFFFFFF90]  }
0xa09: {  	v3 =	vld [tilespmem:s18+$0xFFFFFFA0]  }
0xa0a: {  	v4 =	vld [tilespmem:s12+$0xFFFFFFA0]  }
0xa0b: {  	v5 =	vld [tilespmem:s18+$0xFFFFFFB0]  }
0xa0c: {  	v6 =	vld [tilespmem:s12+$0xFFFFFFB0]  }
0xa0d: {  	v7 =	vld [tilespmem:s18+$0xFFFFFFC0]  }
0xa0e: {  	v8 =	vld [tilespmem:s12+$0xFFFFFFC0]  }
0xa0f: {  	v9 =	vld [tilespmem:s18+$0xFFFFFFD0]  }
0xa10: {  	v10 =	vld [tilespmem:s12+$0xFFFFFFD0];
	v2 =	vadd.f32 v2, v1  }
0xa11: {  	v4 =	vadd.f32 v4, v3;
	v1 =	vld [tilespmem:s18+$0xFFFFFFE0]  }
0xa12: {  	v5 =	vadd.f32 v6, v5;
	v3 =	vld [tilespmem:s12+$0xFFFFFFE0];
	[tilespmem:s7+$0x0] =	vst v2  }
0xa13: {  	v6 =	vadd.f32 v8, v7;
	[tilespmem:s7+$0xFFFFFFA0] =	vst v4;
	v2 =	vld [tilespmem:s18+$0xFFFFFFF0]  }
0xa14: {  	[tilespmem:s7+$0xFFFFFFB0] =	vst v5;
	v5 =	vld [tilespmem:s12+$0xFFFFFFF0]  }
0xa15: {  	s3 =	simm.s32 $0x0;
	s10 =	simm.s32 $0xA7F0;
	v4 =	vld [tilespmem:s18+$0xFFFFFF90];
	[tilespmem:s7+$0xFFFFFFC0] =	vst v6;
	v6 =	vadd.f32 v10, v9  }
.LBB2_141:
0xa16: {  	v7 =	vld [tilespmem:s10+$0x0];
	s12 =	sadd.s32 $0x400, s12  }
0xa17: {  	s3 =	sadd.s32 $0x80, s3;
	v8 =	vld [tilespmem:s12+$0x0];
	[tilespmem:s7+$0xFFFFFFD0] =	vst v6;
	v1 =	vadd.f32 v3, v1  }
0xa18: {  	p0 =	slt.u32 s3, $0x380;
	v3 =	vld [tilespmem:s12+$0xFFFFFF90]  }
0xa19: {  	v6 =	vld [tilespmem:s10+$0xFFFFFFA0];
	[tilespmem:s7+$0xFFFFFFE0] =	vst v1;
	v1 =	vadd.f32 v5, v2  }
0xa1a: {  	v2 =	vld [tilespmem:s12+$0xFFFFFFA0];
	v9 =	vadd.f32 v0, v4  }
0xa1b: {  	v4 =	vld [tilespmem:s10+$0xFFFFFFB0];
	[tilespmem:s7+$0xFFFFFFF0] =	vst v1  }
0xa1c: {  	v1 =	vld [tilespmem:s12+$0xFFFFFFB0];
	v5 =	vadd.f32 v8, v7;
	[tilespmem:s7+$0xFFFFFF90] =	vst v9  }
0xa1d: {  	s7 =	sadd.s32 $0x400, s7;
	v7 =	vld [tilespmem:s10+$0xFFFFFFC0];
	v0 =	vmov v3  }
0xa1e: {  	v8 =	vld [tilespmem:s12+$0xFFFFFFC0];
	[tilespmem:s7+$0x0] =	vst v5  }
0xa1f: {  	v2 =	vadd.f32 v2, v6;
	v6 =	vld [tilespmem:s10+$0xFFFFFFD0]  }
0xa20: {  	v9 =	vld [tilespmem:s12+$0xFFFFFFD0]  }
.Ltmp74:
0xa21: {  	[tilespmem:s7+$0xFFFFFFA0] =	vst v2;
	v2 =	vadd.f32 v1, v4;
	v1 =	vld [tilespmem:s10+$0xFFFFFFE0];
	(pc) =	sbr.rel @p0 .LBB2_141-.Ltmp74, $4  }
0xa22: {  	v3 =	vld [tilespmem:s12+$0xFFFFFFE0]  }
0xa23: {  	[tilespmem:s7+$0xFFFFFFB0] =	vst v2;
	v7 =	vadd.f32 v8, v7;
	v2 =	vld [tilespmem:s10+$0xFFFFFFF0]  }
0xa24: {  	v5 =	vld [tilespmem:s12+$0xFFFFFFF0]  }
0xa25: {  	v4 =	vld [tilespmem:s10+$0xFFFFFF90];
	[tilespmem:s7+$0xFFFFFFC0] =	vst v7;
	v6 =	vadd.f32 v9, v6;
	s10 =	sadd.s32 $0x400, s10  }
0xa26: {  	_ =	sdelay $0x1  }
0xa27: {  	v1 =	vadd.f32 v3, v1  }
.Ltmp75:
0xa28: {  	[tilespmem:s7+$0xFFFFFFD0] =	vst v6;
	v2 =	vadd.f32 v5, v2;
	(pc) =	sbr.rel @p1 .LBB2_144-.Ltmp75, $4  }
0xa29: {  	[tilespmem:s7+$0xFFFFFFE0] =	vst v1;
	v0 =	vadd.f32 v0, v4  }
0xa2a: {  	[tilespmem:s7+$0xFFFFFFF0] =	vst v2  }
0xa2b: {  	s3 =	sadd.s32 s4, s15;
	s25 =	simm.s32 $0x1A000;
	[tilespmem:s7+$0xFFFFFF90] =	vst v0  }
0xa2c: {  	[hbm4b:s3+s5] =	stream.linear.scatter [tilespmem:s25], [sflag:$0xC], $0x2000, $0x38;
	[tilespmem:$0x1C000] =	vst v63  }
0xa2d: {  	s3 =	sadd.s32 s16, s11  }
0xa2e: {  	s7 =	rddreg [dreg:$0xa];
	s3 =	sshll.u32 s3, $0xA  }
0xa2f: {  	s3 =	sadd.s32 s3, s7  }
0xa30: {  	[tilespmem:s26], [sflag:$0x4] =	stream.linear.gather [hbm4b:s3+s5], $0x2000, $0x38;
	[tilespmem:$0x1C000] =	vst v63  }
.Ltmp76:
0xa31: {  	s23 =	rddreg [dreg:$0xf];
	(pc) =	sbr.rel .LBB2_2-.Ltmp76, $4  }
0xa32: {  	s3 =	sadd.s32 s8, s23  }
0xa33: {  	s24 =	rddreg [dreg:$0x1];
	s3 =	sshll.u32 s3, $0xA  }
0xa34: {  	s25 =	simm.s32 $0x2000;
	s0 =	sadd.s32 $0x1, s0;
	s3 =	sadd.s32 s24, s3  }
0xa35: {  	[tilespmem:s25], [sflag:$0xE] =	stream.linear.gather [hbm4b:s3+s5], $0x2000, $0x38;
	[tilespmem:$0x1C000] =	vst v63  }
.LBB2_145:
0xa36: {  	_ =	sfence.sel $0x180000  }
0xa37: {  	[bflag:$0x0] =	sbarrier.arrive $0xFFFF  }
0xa38: {  	_ =	strace $0x90000047  }
0xa39: {  	s0 =	stileid.u32;
	[bflag:$0x2] =	sbarrier.arrive $0xFFFF  }
0xa3a: {  	p0 =	sne.s32 s0, $0x0;
	s0 =	rddreg [dreg:$0x3]  }
0xa3b: {  	s0 =	sadd.s32 @!p0 $0x100000, s0  }
0xa3c: {  	[sflag:s0] =	ssyncadd.tile.s32 @!p0 $0x1;
	_ =	shalt  }
.Lfunc_end2:
_tile_overlayer_lowered:
.L_overlay_start_2:
0xa3d: {  	(tag) =	ssettag $0x2  }
0xa3e: {  	s0 =	rddreg [dreg:$0x0];
	s2 =	stileid.u32  }
0xa3f: {  	s1 =	rddreg [dreg:$0x1];
	p0 =	sne.s32 s2, $0x0  }
0xa40: {  	s3 =	rddreg [dreg:$0x2];
	[bflag:$0x3] =	sbarrier.arrive $0xFFFF;
	s2 =	simm.s32 @!p0 $0x1C0F  }
0xa41: {  	[timem:s3], [sflag:s2] =	dma.local @!p0 [hbm:s0], s1  }
0xa42: {  	s0 =	simm.s32 @!p0 $0xF  }
0xa43: {  	_ =	swait.ge @!p0 [sflag:s0], s1  }
0xa44: {  	s1 =	ssub.s32 @!p0 $0x0, s1;
	[sflag:s0] =	ssyncset.done @!p0 $0x0  }
0xa45: {  	[sflag:s0] =	ssyncadd.s32 @!p0 s1  }
0xa46: {  	[bflag:$0x3] =	sbarrier.arrive $0xFFFF  }
0xa47: {  	_ =	shalt  }

</sc_bundles>
